<compile_context>
chip_gen: v7x
topology: tpu7x:2x2x1
jax: 0.10.2.dev20260603
libtpu: 0.0.44.dev20260713+nightly
codegen_flags: <defaults>
</compile_context>

<pallas_src>
import functools

import jax
import jax.numpy as jnp
from jax import lax
from jax.experimental import pallas as pl
from jax.experimental.pallas import tpu as pltpu
from jax.experimental.pallas import tpu_sc as plsc

NW = 32
NTILE = 16
B = 128
GROUP = 8


@functools.lru_cache(maxsize=None)
def _make_sc_agg(npad: int, width: int, cpw: int, with_deg: bool):
    rows_per_tile = npad // NTILE
    groups = cpw // GROUP
    mesh = plsc.VectorSubcoreMesh(core_axis_name="c", subcore_axis_name="s")

    out_type = [jax.ShapeDtypeStruct((2, npad, width), jnp.float32)]
    scratch = [
        pltpu.VMEM((GROUP, B), jnp.int32),
        pltpu.VMEM((GROUP, B), jnp.int32),
        pltpu.VMEM((B, width), jnp.float32),
        pltpu.VMEM((B, width), jnp.float32),
        pltpu.VMEM_SHARED((npad, width), jnp.float32),
        pltpu.SemaphoreType.DMA,
        pltpu.SemaphoreType.DMA,
    ]
    if with_deg:
        out_type.append(
            jax.ShapeDtypeStruct((NW * npad,), jnp.float32))
        scratch.append(pltpu.VMEM((npad,), jnp.float32))

    @functools.partial(
        pl.kernel, out_type=tuple(out_type), mesh=mesh,
        scratch_types=scratch,
        compiler_params=pltpu.CompilerParams(needs_layout_passes=False))
    def sc_agg(table_hbm, src_hbm, dst_hbm, out_hbm, *rest):
        if with_deg:
            (deg_hbm, src_g, dst_g, rows0, rows1, acc_sh, sem0, sem1,
             deg_v) = rest
        else:
            src_g, dst_g, rows0, rows1, acc_sh, sem0, sem1 = rest
        c = lax.axis_index("c")
        s = lax.axis_index("s")
        w = s * 2 + c

        zvec = jnp.zeros((16,), jnp.float32)

        def zrow(i, carry):
            for k in range(width // 16):
                rows0[i, pl.ds(k * 16, 16)] = zvec
                rows1[i, pl.ds(k * 16, 16)] = zvec
            return carry

        lax.fori_loop(0, B, zrow, 0)

        base = s * rows_per_tile
        nfull = rows_per_tile // B
        rem = rows_per_tile % B
        for t in range(nfull):
            pltpu.sync_copy(rows0, acc_sh.at[pl.ds(base + t * B, B)])
        if rem:
            pltpu.sync_copy(rows0.at[pl.ds(0, rem)],
                            acc_sh.at[pl.ds(base + nfull * B, rem)])

        if with_deg:
            def zdrow(i, carry):
                deg_v[pl.ds(i * 16, 16)] = zvec
                return carry

            lax.fori_loop(0, npad // 16, zdrow, 0)

        plsc.subcore_barrier()

        ones16 = jnp.ones((16,), jnp.float32)
        bufs = (rows0, rows1)
        sems = (sem0, sem1)

        def group_body(g, carry):
            gbase = (w * groups + g) * GROUP
            pltpu.sync_copy(src_hbm.at[pl.ds(gbase, GROUP)], src_g)
            pltpu.sync_copy(dst_hbm.at[pl.ds(gbase, GROUP)], dst_g)
            handles = [pltpu.async_copy(
                table_hbm.at[src_g.at[0]], bufs[0], sems[0])]
            for k in range(GROUP):
                if k + 1 < GROUP:
                    handles.append(pltpu.async_copy(
                        table_hbm.at[src_g.at[k + 1]],
                        bufs[(k + 1) % 2], sems[(k + 1) % 2]))
                if with_deg:
                    for t in range(B // 16):
                        dvec = dst_g[k, pl.ds(t * 16, 16)]
                        plsc.addupdate_scatter(deg_v, [dvec], ones16)
                handles[k].wait()
                pltpu.sync_copy(bufs[k % 2], acc_sh.at[dst_g.at[k]], add=True)
            return carry

        lax.fori_loop(0, groups, group_body, 0)

        plsc.subcore_barrier()

        pltpu.sync_copy(acc_sh.at[pl.ds(base, rows_per_tile)],
                        out_hbm.at[c, pl.ds(base, rows_per_tile)])
        if with_deg:
            pltpu.sync_copy(deg_v, deg_hbm.at[pl.ds(w * npad, npad)])

    return sc_agg


def _tc_dense_body(n_real, acc_ref, x_ref, inv_ref, u_ref,
                   w1_ref, b1_ref, w2_ref, b2_ref, out_ref):
    n = x_ref.shape[0]
    d = w1_ref.shape[0]
    rows = n // 128
    agg = acc_ref[0] + acc_ref[1] + x_ref[...]
    inv2d = inv_ref[...]
    inv3 = inv2d[:, :, None]
    hn = (agg.reshape(rows, 128, d) * inv3).reshape(n, d)
    z = (jnp.dot(hn, w1_ref[...], preferred_element_type=jnp.float32)
         + b1_ref[...])
    h1 = jnp.maximum(z, 0.0)
    nrm = jnp.sqrt(jnp.sum(h1 * h1, axis=1, keepdims=True))
    h = h1 / jnp.maximum(nrm, 1e-12)
    coef = jnp.sum(u_ref[...], axis=0) + inv2d
    h3 = h.reshape(rows, 128, d)
    t3 = h3 * (coef * jnp.where(inv2d > 0.0, 1.0, 0.0))[:, :, None]
    s1 = jnp.sum(t3, axis=0)
    m = jnp.sum(s1, axis=0, keepdims=True) * (1.0 / n_real)
    out_ref[...] = (
        jnp.dot(m, w2_ref[...], preferred_element_type=jnp.float32)
        + b2_ref[...])


@functools.lru_cache(maxsize=None)
def _make_sc_deg_u(npad: int, cpw: int, n_real: int):
    groups = cpw // GROUP
    chunks_pad = cpw * NW
    dchunks = chunks_pad // NTILE
    dgroups = dchunks // GROUP
    degrows = npad // 128
    mesh = plsc.VectorSubcoreMesh(core_axis_name="c", subcore_axis_name="s")

    @functools.partial(
        pl.kernel,
        out_type=(
            jax.ShapeDtypeStruct((degrows, 128), jnp.float32),
            jax.ShapeDtypeStruct((NW, degrows, 128), jnp.float32),
        ),
        mesh=mesh,
        scratch_types=[
            pltpu.VMEM((GROUP, B), jnp.int32),
            pltpu.VMEM((GROUP, B), jnp.int32),
            pltpu.VMEM((degrows, 128), jnp.float32),
            pltpu.VMEM((degrows, 128), jnp.float32),
            pltpu.VMEM((degrows,), jnp.int32),
            pltpu.VMEM_SHARED((degrows, 128), jnp.float32),
        ],
        compiler_params=pltpu.CompilerParams(needs_layout_passes=False))
    def sc_deg_u(src_hbm, dst_hbm, inv_hbm, u_hbm, src_g, dst_g,
                 deg_v, u_v, idx_id, deg_sh):
        c = lax.axis_index("c")
        s = lax.axis_index("s")
        w = s * 2 + c

        zvec = jnp.zeros((16,), jnp.float32)
        ones16 = jnp.ones((16,), jnp.float32)

        def zrow(i, carry):
            for k in range(8):
                deg_v[i, pl.ds(k * 16, 16)] = zvec
                u_v[i, pl.ds(k * 16, 16)] = zvec
            return carry

        lax.fori_loop(0, degrows, zrow, 0)
        for t in range(degrows // 16):
            idx_id[pl.ds(t * 16, 16)] = lax.iota(jnp.int32, 16) + t * 16

        @pl.when(s == 0)
        def _():
            pltpu.sync_copy(u_v, deg_sh)

        plsc.subcore_barrier()

        def deg_group(g, carry):
            gbase = (s * dgroups + g) * GROUP
            pltpu.sync_copy(dst_hbm.at[pl.ds(gbase, GROUP)], dst_g)
            for k in range(GROUP):
                for t in range(B // 16):
                    dvec = dst_g[k, pl.ds(t * 16, 16)]
                    plsc.addupdate_scatter(
                        deg_v, [dvec >> 7, dvec & 127], ones16)
            return carry

        lax.fori_loop(0, dgroups, deg_group, 0)

        pltpu.sync_copy(deg_v, deg_sh.at[idx_id], add=True)
        plsc.subcore_barrier()
        pltpu.sync_copy(deg_sh, deg_v)

        def inv_row(i, carry):
            for k in range(8):
                vid = i * 128 + k * 16 + lax.iota(jnp.int32, 16)
                dv = deg_v[i, pl.ds(k * 16, 16)]
                deg_v[i, pl.ds(k * 16, 16)] = jnp.where(
                    vid < n_real, 1.0 / (dv + 1.0), 0.0)
            return carry

        lax.fori_loop(0, degrows, inv_row, 0)

        @pl.when(jnp.logical_and(c == 0, s == 0))
        def _():
            pltpu.sync_copy(deg_v, inv_hbm)

        def u_group(g, carry):
            gbase = (w * groups + g) * GROUP
            pltpu.sync_copy(src_hbm.at[pl.ds(gbase, GROUP)], src_g)
            pltpu.sync_copy(dst_hbm.at[pl.ds(gbase, GROUP)], dst_g)
            for k in range(GROUP):
                for t in range(B // 16):
                    svec = src_g[k, pl.ds(t * 16, 16)]
                    dvec = dst_g[k, pl.ds(t * 16, 16)]
                    w16 = plsc.load_gather(deg_v, [dvec >> 7, dvec & 127])
                    plsc.addupdate_scatter(
                        u_v, [svec >> 7, svec & 127], w16)
            return carry

        lax.fori_loop(0, groups, u_group, 0)

        pltpu.sync_copy(u_v, u_hbm.at[w])

    return sc_deg_u


def kernel(x, edge_index, W1, b1, W2, b2):
    n, d = x.shape
    e = edge_index.shape[1]
    npad = -(-(n + 1) // 2048) * 2048
    chunks = -(-e // B)
    cpw = -(-chunks // (NW * 8)) * 8
    chunks_pad = cpw * NW
    epad = chunks_pad * B

    src = edge_index[0]
    dst = edge_index[1]
    pad = epad - e
    fill = n + jnp.arange(pad, dtype=jnp.int32) % (npad - n)
    src_p = (jnp.concatenate([src, fill]).reshape(cpw, NW, B)
             .transpose(1, 0, 2).reshape(chunks_pad, B))
    dst_p = (jnp.concatenate([dst, fill]).reshape(cpw, NW, B)
             .transpose(1, 0, 2).reshape(chunks_pad, B))

    x_pad = jnp.concatenate([x, jnp.zeros((npad - n, d), jnp.float32)], axis=0)

    inv2d, u_part = _make_sc_deg_u(npad, cpw, n)(src_p, dst_p)
    (acc1,) = _make_sc_agg(npad, d, cpw, False)(x_pad, src_p, dst_p)

    out = pl.pallas_call(
        functools.partial(_tc_dense_body, float(n)),
        out_shape=jax.ShapeDtypeStruct((1, d), jnp.float32),
    )(acc1, x_pad, inv2d, u_part, W1, b1.reshape(1, d), W2,
      b2.reshape(1, d))

    return out

# --- scband reference (transcript-rebuilt; emitter-appended) ---
"""Pipeline reference for scband-gnn-sage-20993800143187 (READ-ONLY COPY).

The authoritative reference and input builder live on the scoring server;
editing this copy changes nothing except your own understanding.
"""

import jax, jax.numpy as jnp
import numpy as np

N = 10000
E = 320000
D_IN = 128
D_HID = 128
D_OUT = 128


def setup_inputs(seed: int = 0) -> dict:
    key = jax.random.key(seed)
    k1, k2, k3, k4 = jax.random.split(key, 4)
    x = jax.random.normal(k1, (N, D_IN), dtype=jnp.float32)
    edge_index = jax.random.randint(k2, (2, E), 0, N, dtype=jnp.int32)
    # SAGEConv(aggregator_type='gcn') has a single fc_neigh linear per layer
    W1 = jax.random.normal(k3, (D_IN, D_HID), dtype=jnp.float32) * (1.0 / np.sqrt(D_IN))
    b1 = jnp.zeros((D_HID,), dtype=jnp.float32)
    W2 = jax.random.normal(k4, (D_HID, D_OUT), dtype=jnp.float32) * (1.0 / np.sqrt(D_HID))
    b2 = jnp.zeros((D_OUT,), dtype=jnp.float32)
    return {"x": x, "edge_index": edge_index, "W1": W1, "b1": b1, "W2": W2, "b2": b2}


def _sage_gcn_layer(h, src, dst, deg_plus1, W, b):
    # DGL SAGEConv 'gcn' aggregator: (sum_{u in N(v)} h_u + h_v) / (in_deg(v) + 1), then fc_neigh
    n = h.shape[0]
    agg = jnp.zeros((n, h.shape[1]), dtype=h.dtype).at[dst].add(h[src])
    h_neigh = (agg + h) / deg_plus1
    return h_neigh @ W + b


def reference(x, edge_index, W1, b1, W2, b2):
    src = edge_index[0]
    dst = edge_index[1]
    n = x.shape[0]
    deg = jnp.zeros((n,), dtype=jnp.float32).at[dst].add(1.0)
    deg_plus1 = (deg + 1.0)[:, None]
    # layer 1
    h = _sage_gcn_layer(x, src, dst, deg_plus1, W1, b1)
    h = jax.nn.relu(h)
    # F.normalize(h): L2-normalize rows, eps=1e-12
    norm = jnp.linalg.norm(h, axis=1, keepdims=True)
    h = h / jnp.maximum(norm, 1e-12)
    # dropout is identity at inference
    # layer 2 (output layer, no activation)
    h = _sage_gcn_layer(h, src, dst, deg_plus1, W2, b2)
    # dgl.mean_nodes over single graph -> [1, out_dim]
    return jnp.mean(h, axis=0, keepdims=True)

if __name__ == "__main__":
    import jax
    _d = setup_inputs()
    print(jax.jit(kernel)(*tuple(_d.values())))

</pallas_src>

<mosaic_0001>
#map = affine_map<(d0, d1) -> (0, 0)>
#map1 = affine_map<(d0, d1) -> (0, 0, 0)>
module attributes {stable_mosaic.version = 14 : i64} {
  func.func @sc_agg(%arg0: i32, %arg1: i32, %arg2: memref<10240x128xf32, #tpu.memory_space<hbm>>, %arg3: memref<2560x128xi32, #tpu.memory_space<hbm>>, %arg4: memref<2560x128xi32, #tpu.memory_space<hbm>>, %arg5: memref<2x10240x128xf32, #tpu.memory_space<hbm>>, %arg6: memref<8x128xi32, #tpu.memory_space<vmem>>, %arg7: memref<8x128xi32, #tpu.memory_space<vmem>>, %arg8: memref<128x128xf32, #tpu.memory_space<vmem>>, %arg9: memref<128x128xf32, #tpu.memory_space<vmem>>, %arg10: memref<10240x128xf32, #tpu.memory_space<vmem_shared>>, %arg11: memref<!tpu.dma_semaphore, #tpu.memory_space<semaphore_mem>>, %arg12: memref<!tpu.dma_semaphore, #tpu.memory_space<semaphore_mem>>) attributes {dimension_semantics = [#tpu.dimension_semantics<core_parallel>, #tpu.dimension_semantics<subcore_parallel>], iteration_bounds = array<i64: 2, 16>, scalar_prefetch = 0 : i64, scratch_operands = 7 : i64, tpu.core_type = #tpu.core_type<sc_vector_subcore>, window_params = [{transform_indices = #map}, {transform_indices = #map}, {transform_indices = #map}, {transform_indices = #map1}]} {
    %mul3A = arith.constant 2 : i32
    %mul3A_0 = arith.muli %arg1, %mul3A : i32
    %add3A = arith.addi %mul3A_0, %arg0 : i32
    %broadcast_in_dim3A = arith.constant 0.000000e+00 : f32
    %broadcast_in_dim3A_1 = vector.broadcast %broadcast_in_dim3A : f32 to vector<16xf32>
    %scan3A = arith.constant 0 : i32
    %scan3A_2 = arith.constant 0 : i32
    %scan3A_3 = arith.constant 128 : i32
    %scan3A_4 = arith.addi %scan3A_2, %scan3A_3 : i32
    %scan3A_5 = arith.constant 1 : i32
    scf.for %scan3A_28 = %scan3A_2 to %scan3A_4 step %scan3A_5  : i32 {
      %swap3A = arith.index_cast %scan3A_28 : i32 to index
      %swap3A_29 = arith.constant 0 : index
      %swap3A_30 = tpu.vector_load %arg8[%swap3A, %swap3A_29] {strides = array<i32>} : memref<128x128xf32, #tpu.memory_space<vmem>>, vector<16xf32>,
      tpu.vector_store %arg8[%swap3A, %swap3A_29], %broadcast_in_dim3A_1 {strides = array<i32>} : memref<128x128xf32, #tpu.memory_space<vmem>>, vector<16xf32>,
      %swap3A_31 = arith.index_cast %scan3A_28 : i32 to index
      %swap3A_32 = arith.constant 0 : index
      %swap3A_33 = tpu.vector_load %arg9[%swap3A_31, %swap3A_32] {strides = array<i32>} : memref<128x128xf32, #tpu.memory_space<vmem>>, vector<16xf32>,
      tpu.vector_store %arg9[%swap3A_31, %swap3A_32], %broadcast_in_dim3A_1 {strides = array<i32>} : memref<128x128xf32, #tpu.memory_space<vmem>>, vector<16xf32>,
      %swap3A_34 = arith.index_cast %scan3A_28 : i32 to index
      %swap3A_35 = arith.constant 16 : index
      %swap3A_36 = tpu.vector_load %arg8[%swap3A_34, %swap3A_35] {strides = array<i32>} : memref<128x128xf32, #tpu.memory_space<vmem>>, vector<16xf32>,
      tpu.vector_store %arg8[%swap3A_34, %swap3A_35], %broadcast_in_dim3A_1 {strides = array<i32>} : memref<128x128xf32, #tpu.memory_space<vmem>>, vector<16xf32>,
      %swap3A_37 = arith.index_cast %scan3A_28 : i32 to index
      %swap3A_38 = arith.constant 16 : index
      %swap3A_39 = tpu.vector_load %arg9[%swap3A_37, %swap3A_38] {strides = array<i32>} : memref<128x128xf32, #tpu.memory_space<vmem>>, vector<16xf32>,
      tpu.vector_store %arg9[%swap3A_37, %swap3A_38], %broadcast_in_dim3A_1 {strides = array<i32>} : memref<128x128xf32, #tpu.memory_space<vmem>>, vector<16xf32>,
      %swap3A_40 = arith.index_cast %scan3A_28 : i32 to index
      %swap3A_41 = arith.constant 32 : index
      %swap3A_42 = tpu.vector_load %arg8[%swap3A_40, %swap3A_41] {strides = array<i32>} : memref<128x128xf32, #tpu.memory_space<vmem>>, vector<16xf32>,
      tpu.vector_store %arg8[%swap3A_40, %swap3A_41], %broadcast_in_dim3A_1 {strides = array<i32>} : memref<128x128xf32, #tpu.memory_space<vmem>>, vector<16xf32>,
      %swap3A_43 = arith.index_cast %scan3A_28 : i32 to index
      %swap3A_44 = arith.constant 32 : index
      %swap3A_45 = tpu.vector_load %arg9[%swap3A_43, %swap3A_44] {strides = array<i32>} : memref<128x128xf32, #tpu.memory_space<vmem>>, vector<16xf32>,
      tpu.vector_store %arg9[%swap3A_43, %swap3A_44], %broadcast_in_dim3A_1 {strides = array<i32>} : memref<128x128xf32, #tpu.memory_space<vmem>>, vector<16xf32>,
      %swap3A_46 = arith.index_cast %scan3A_28 : i32 to index
      %swap3A_47 = arith.constant 48 : index
      %swap3A_48 = tpu.vector_load %arg8[%swap3A_46, %swap3A_47] {strides = array<i32>} : memref<128x128xf32, #tpu.memory_space<vmem>>, vector<16xf32>,
      tpu.vector_store %arg8[%swap3A_46, %swap3A_47], %broadcast_in_dim3A_1 {strides = array<i32>} : memref<128x128xf32, #tpu.memory_space<vmem>>, vector<16xf32>,
      %swap3A_49 = arith.index_cast %scan3A_28 : i32 to index
      %swap3A_50 = arith.constant 48 : index
      %swap3A_51 = tpu.vector_load %arg9[%swap3A_49, %swap3A_50] {strides = array<i32>} : memref<128x128xf32, #tpu.memory_space<vmem>>, vector<16xf32>,
      tpu.vector_store %arg9[%swap3A_49, %swap3A_50], %broadcast_in_dim3A_1 {strides = array<i32>} : memref<128x128xf32, #tpu.memory_space<vmem>>, vector<16xf32>,
      %swap3A_52 = arith.index_cast %scan3A_28 : i32 to index
      %swap3A_53 = arith.constant 64 : index
      %swap3A_54 = tpu.vector_load %arg8[%swap3A_52, %swap3A_53] {strides = array<i32>} : memref<128x128xf32, #tpu.memory_space<vmem>>, vector<16xf32>,
      tpu.vector_store %arg8[%swap3A_52, %swap3A_53], %broadcast_in_dim3A_1 {strides = array<i32>} : memref<128x128xf32, #tpu.memory_space<vmem>>, vector<16xf32>,
      %swap3A_55 = arith.index_cast %scan3A_28 : i32 to index
      %swap3A_56 = arith.constant 64 : index
      %swap3A_57 = tpu.vector_load %arg9[%swap3A_55, %swap3A_56] {strides = array<i32>} : memref<128x128xf32, #tpu.memory_space<vmem>>, vector<16xf32>,
      tpu.vector_store %arg9[%swap3A_55, %swap3A_56], %broadcast_in_dim3A_1 {strides = array<i32>} : memref<128x128xf32, #tpu.memory_space<vmem>>, vector<16xf32>,
      %swap3A_58 = arith.index_cast %scan3A_28 : i32 to index
      %swap3A_59 = arith.constant 80 : index
      %swap3A_60 = tpu.vector_load %arg8[%swap3A_58, %swap3A_59] {strides = array<i32>} : memref<128x128xf32, #tpu.memory_space<vmem>>, vector<16xf32>,
      tpu.vector_store %arg8[%swap3A_58, %swap3A_59], %broadcast_in_dim3A_1 {strides = array<i32>} : memref<128x128xf32, #tpu.memory_space<vmem>>, vector<16xf32>,
      %swap3A_61 = arith.index_cast %scan3A_28 : i32 to index
      %swap3A_62 = arith.constant 80 : index
      %swap3A_63 = tpu.vector_load %arg9[%swap3A_61, %swap3A_62] {strides = array<i32>} : memref<128x128xf32, #tpu.memory_space<vmem>>, vector<16xf32>,
      tpu.vector_store %arg9[%swap3A_61, %swap3A_62], %broadcast_in_dim3A_1 {strides = array<i32>} : memref<128x128xf32, #tpu.memory_space<vmem>>, vector<16xf32>,
      %swap3A_64 = arith.index_cast %scan3A_28 : i32 to index
      %swap3A_65 = arith.constant 96 : index
      %swap3A_66 = tpu.vector_load %arg8[%swap3A_64, %swap3A_65] {strides = array<i32>} : memref<128x128xf32, #tpu.memory_space<vmem>>, vector<16xf32>,
      tpu.vector_store %arg8[%swap3A_64, %swap3A_65], %broadcast_in_dim3A_1 {strides = array<i32>} : memref<128x128xf32, #tpu.memory_space<vmem>>, vector<16xf32>,
      %swap3A_67 = arith.index_cast %scan3A_28 : i32 to index
      %swap3A_68 = arith.constant 96 : index
      %swap3A_69 = tpu.vector_load %arg9[%swap3A_67, %swap3A_68] {strides = array<i32>} : memref<128x128xf32, #tpu.memory_space<vmem>>, vector<16xf32>,
      tpu.vector_store %arg9[%swap3A_67, %swap3A_68], %broadcast_in_dim3A_1 {strides = array<i32>} : memref<128x128xf32, #tpu.memory_space<vmem>>, vector<16xf32>,
      %swap3A_70 = arith.index_cast %scan3A_28 : i32 to index
      %swap3A_71 = arith.constant 112 : index
      %swap3A_72 = tpu.vector_load %arg8[%swap3A_70, %swap3A_71] {strides = array<i32>} : memref<128x128xf32, #tpu.memory_space<vmem>>, vector<16xf32>,
      tpu.vector_store %arg8[%swap3A_70, %swap3A_71], %broadcast_in_dim3A_1 {strides = array<i32>} : memref<128x128xf32, #tpu.memory_space<vmem>>, vector<16xf32>,
      %swap3A_73 = arith.index_cast %scan3A_28 : i32 to index
      %swap3A_74 = arith.constant 112 : index
      %swap3A_75 = tpu.vector_load %arg9[%swap3A_73, %swap3A_74] {strides = array<i32>} : memref<128x128xf32, #tpu.memory_space<vmem>>, vector<16xf32>,
      tpu.vector_store %arg9[%swap3A_73, %swap3A_74], %broadcast_in_dim3A_1 {strides = array<i32>} : memref<128x128xf32, #tpu.memory_space<vmem>>, vector<16xf32>,
    }
    %scan3A_6 = arith.constant 128 : i32
    %mul3A_7 = arith.constant 640 : i32
    %mul3A_8 = arith.muli %arg1, %mul3A_7 : i32
    %add3A_9 = arith.constant 0 : i32
    %add3A_10 = arith.addi %mul3A_8, %add3A_9 : i32
    "tpu.region"() ({
      %run_scoped3A = tpu.sem_alloc : memref<!tpu.dma_semaphore, #tpu.memory_space<semaphore_mem>>
      %dma_start3A = arith.constant 0 : i32
      %dma_start3A_28 = tpu.memref_slice %arg10[%add3A_10, %dma_start3A] : memref<10240x128xf32, #tpu.memory_space<vmem_shared>> -> memref<128x128xf32, #tpu.memory_space<vmem_shared>>
      %dma_start3A_29 = arith.constant 0 : i32
      %dma_start3A_30 = tpu.memref_slice %arg10[%add3A_10, %dma_start3A_29] : memref<10240x128xf32, #tpu.memory_space<vmem_shared>> -> memref<128x128xf32, #tpu.memory_space<vmem_shared>>
      tpu.enqueue_dma source(%arg8 : memref<128x128xf32, #tpu.memory_space<vmem>>) target(%dma_start3A_30 : memref<128x128xf32, #tpu.memory_space<vmem_shared>>) target_semaphore(%run_scoped3A : memref<!tpu.dma_semaphore, #tpu.memory_space<semaphore_mem>>)
      %dma_wait3A = arith.constant 0 : i32
      %dma_wait3A_31 = tpu.memref_slice %arg10[%add3A_10, %dma_wait3A] : memref<10240x128xf32, #tpu.memory_space<vmem_shared>> -> memref<128x128xf32, #tpu.memory_space<vmem_shared>>
      %dma_wait3A_32 = arith.constant 0 : i32
      %dma_wait3A_33 = tpu.memref_slice %arg10[%add3A_10, %dma_wait3A_32] : memref<10240x128xf32, #tpu.memory_space<vmem_shared>> -> memref<128x128xf32, #tpu.memory_space<vmem_shared>>
      tpu.wait_dma2 semaphore(%run_scoped3A : memref<!tpu.dma_semaphore, #tpu.memory_space<semaphore_mem>>) src(%arg8 : memref<128x128xf32, #tpu.memory_space<vmem>>) dst(%dma_wait3A_33 : memref<128x128xf32, #tpu.memory_space<vmem_shared>>)
      tpu.yield
    }) : () -> ()
    %add3A_11 = arith.constant 128 : i32
    %add3A_12 = arith.addi %mul3A_8, %add3A_11 : i32
    "tpu.region"() ({
      %run_scoped3A = tpu.sem_alloc : memref<!tpu.dma_semaphore, #tpu.memory_space<semaphore_mem>>
      %dma_start3A = arith.constant 0 : i32
      %dma_start3A_28 = tpu.memref_slice %arg10[%add3A_12, %dma_start3A] : memref<10240x128xf32, #tpu.memory_space<vmem_shared>> -> memref<128x128xf32, #tpu.memory_space<vmem_shared>>
      %dma_start3A_29 = arith.constant 0 : i32
      %dma_start3A_30 = tpu.memref_slice %arg10[%add3A_12, %dma_start3A_29] : memref<10240x128xf32, #tpu.memory_space<vmem_shared>> -> memref<128x128xf32, #tpu.memory_space<vmem_shared>>
      tpu.enqueue_dma source(%arg8 : memref<128x128xf32, #tpu.memory_space<vmem>>) target(%dma_start3A_30 : memref<128x128xf32, #tpu.memory_space<vmem_shared>>) target_semaphore(%run_scoped3A : memref<!tpu.dma_semaphore, #tpu.memory_space<semaphore_mem>>)
      %dma_wait3A = arith.constant 0 : i32
      %dma_wait3A_31 = tpu.memref_slice %arg10[%add3A_12, %dma_wait3A] : memref<10240x128xf32, #tpu.memory_space<vmem_shared>> -> memref<128x128xf32, #tpu.memory_space<vmem_shared>>
      %dma_wait3A_32 = arith.constant 0 : i32
      %dma_wait3A_33 = tpu.memref_slice %arg10[%add3A_12, %dma_wait3A_32] : memref<10240x128xf32, #tpu.memory_space<vmem_shared>> -> memref<128x128xf32, #tpu.memory_space<vmem_shared>>
      tpu.wait_dma2 semaphore(%run_scoped3A : memref<!tpu.dma_semaphore, #tpu.memory_space<semaphore_mem>>) src(%arg8 : memref<128x128xf32, #tpu.memory_space<vmem>>) dst(%dma_wait3A_33 : memref<128x128xf32, #tpu.memory_space<vmem_shared>>)
      tpu.yield
    }) : () -> ()
    %add3A_13 = arith.constant 256 : i32
    %add3A_14 = arith.addi %mul3A_8, %add3A_13 : i32
    "tpu.region"() ({
      %run_scoped3A = tpu.sem_alloc : memref<!tpu.dma_semaphore, #tpu.memory_space<semaphore_mem>>
      %dma_start3A = arith.constant 0 : i32
      %dma_start3A_28 = tpu.memref_slice %arg10[%add3A_14, %dma_start3A] : memref<10240x128xf32, #tpu.memory_space<vmem_shared>> -> memref<128x128xf32, #tpu.memory_space<vmem_shared>>
      %dma_start3A_29 = arith.constant 0 : i32
      %dma_start3A_30 = tpu.memref_slice %arg10[%add3A_14, %dma_start3A_29] : memref<10240x128xf32, #tpu.memory_space<vmem_shared>> -> memref<128x128xf32, #tpu.memory_space<vmem_shared>>
      tpu.enqueue_dma source(%arg8 : memref<128x128xf32, #tpu.memory_space<vmem>>) target(%dma_start3A_30 : memref<128x128xf32, #tpu.memory_space<vmem_shared>>) target_semaphore(%run_scoped3A : memref<!tpu.dma_semaphore, #tpu.memory_space<semaphore_mem>>)
      %dma_wait3A = arith.constant 0 : i32
      %dma_wait3A_31 = tpu.memref_slice %arg10[%add3A_14, %dma_wait3A] : memref<10240x128xf32, #tpu.memory_space<vmem_shared>> -> memref<128x128xf32, #tpu.memory_space<vmem_shared>>
      %dma_wait3A_32 = arith.constant 0 : i32
      %dma_wait3A_33 = tpu.memref_slice %arg10[%add3A_14, %dma_wait3A_32] : memref<10240x128xf32, #tpu.memory_space<vmem_shared>> -> memref<128x128xf32, #tpu.memory_space<vmem_shared>>
      tpu.wait_dma2 semaphore(%run_scoped3A : memref<!tpu.dma_semaphore, #tpu.memory_space<semaphore_mem>>) src(%arg8 : memref<128x128xf32, #tpu.memory_space<vmem>>) dst(%dma_wait3A_33 : memref<128x128xf32, #tpu.memory_space<vmem_shared>>)
      tpu.yield
    }) : () -> ()
    %add3A_15 = arith.constant 384 : i32
    %add3A_16 = arith.addi %mul3A_8, %add3A_15 : i32
    "tpu.region"() ({
      %run_scoped3A = tpu.sem_alloc : memref<!tpu.dma_semaphore, #tpu.memory_space<semaphore_mem>>
      %dma_start3A = arith.constant 0 : i32
      %dma_start3A_28 = tpu.memref_slice %arg10[%add3A_16, %dma_start3A] : memref<10240x128xf32, #tpu.memory_space<vmem_shared>> -> memref<128x128xf32, #tpu.memory_space<vmem_shared>>
      %dma_start3A_29 = arith.constant 0 : i32
      %dma_start3A_30 = tpu.memref_slice %arg10[%add3A_16, %dma_start3A_29] : memref<10240x128xf32, #tpu.memory_space<vmem_shared>> -> memref<128x128xf32, #tpu.memory_space<vmem_shared>>
      tpu.enqueue_dma source(%arg8 : memref<128x128xf32, #tpu.memory_space<vmem>>) target(%dma_start3A_30 : memref<128x128xf32, #tpu.memory_space<vmem_shared>>) target_semaphore(%run_scoped3A : memref<!tpu.dma_semaphore, #tpu.memory_space<semaphore_mem>>)
      %dma_wait3A = arith.constant 0 : i32
      %dma_wait3A_31 = tpu.memref_slice %arg10[%add3A_16, %dma_wait3A] : memref<10240x128xf32, #tpu.memory_space<vmem_shared>> -> memref<128x128xf32, #tpu.memory_space<vmem_shared>>
      %dma_wait3A_32 = arith.constant 0 : i32
      %dma_wait3A_33 = tpu.memref_slice %arg10[%add3A_16, %dma_wait3A_32] : memref<10240x128xf32, #tpu.memory_space<vmem_shared>> -> memref<128x128xf32, #tpu.memory_space<vmem_shared>>
      tpu.wait_dma2 semaphore(%run_scoped3A : memref<!tpu.dma_semaphore, #tpu.memory_space<semaphore_mem>>) src(%arg8 : memref<128x128xf32, #tpu.memory_space<vmem>>) dst(%dma_wait3A_33 : memref<128x128xf32, #tpu.memory_space<vmem_shared>>)
      tpu.yield
    }) : () -> ()
    %add3A_17 = arith.constant 512 : i32
    %add3A_18 = arith.addi %mul3A_8, %add3A_17 : i32
    "tpu.region"() ({
      %run_scoped3A = tpu.sem_alloc : memref<!tpu.dma_semaphore, #tpu.memory_space<semaphore_mem>>
      %dma_start3A = arith.constant 0 : i32
      %dma_start3A_28 = tpu.memref_slice %arg10[%add3A_18, %dma_start3A] : memref<10240x128xf32, #tpu.memory_space<vmem_shared>> -> memref<128x128xf32, #tpu.memory_space<vmem_shared>>
      %dma_start3A_29 = arith.constant 0 : i32
      %dma_start3A_30 = tpu.memref_slice %arg10[%add3A_18, %dma_start3A_29] : memref<10240x128xf32, #tpu.memory_space<vmem_shared>> -> memref<128x128xf32, #tpu.memory_space<vmem_shared>>
      tpu.enqueue_dma source(%arg8 : memref<128x128xf32, #tpu.memory_space<vmem>>) target(%dma_start3A_30 : memref<128x128xf32, #tpu.memory_space<vmem_shared>>) target_semaphore(%run_scoped3A : memref<!tpu.dma_semaphore, #tpu.memory_space<semaphore_mem>>)
      %dma_wait3A = arith.constant 0 : i32
      %dma_wait3A_31 = tpu.memref_slice %arg10[%add3A_18, %dma_wait3A] : memref<10240x128xf32, #tpu.memory_space<vmem_shared>> -> memref<128x128xf32, #tpu.memory_space<vmem_shared>>
      %dma_wait3A_32 = arith.constant 0 : i32
      %dma_wait3A_33 = tpu.memref_slice %arg10[%add3A_18, %dma_wait3A_32] : memref<10240x128xf32, #tpu.memory_space<vmem_shared>> -> memref<128x128xf32, #tpu.memory_space<vmem_shared>>
      tpu.wait_dma2 semaphore(%run_scoped3A : memref<!tpu.dma_semaphore, #tpu.memory_space<semaphore_mem>>) src(%arg8 : memref<128x128xf32, #tpu.memory_space<vmem>>) dst(%dma_wait3A_33 : memref<128x128xf32, #tpu.memory_space<vmem_shared>>)
      tpu.yield
    }) : () -> ()
    %barrier3A = arith.constant 0 : index
    tpu.barrier barrier_id(%barrier3A)
    %broadcast_in_dim3A_19 = arith.constant 1.000000e+00 : f32
    %broadcast_in_dim3A_20 = vector.broadcast %broadcast_in_dim3A_19 : f32 to vector<16xf32>
    %scan3A_21 = arith.constant 0 : i32
    %scan3A_22 = arith.constant 0 : i32
    %scan3A_23 = arith.constant 10 : i32
    %scan3A_24 = arith.addi %scan3A_22, %scan3A_23 : i32
    %scan3A_25 = arith.constant 1 : i32
    scf.for %scan3A_28 = %scan3A_22 to %scan3A_24 step %scan3A_25  : i32 {
      %mul3A_29 = arith.constant 10 : i32
      %mul3A_30 = arith.muli %add3A, %mul3A_29 : i32
      %add3A_31 = arith.addi %mul3A_30, %scan3A_28 : i32
      %mul3A_32 = arith.constant 8 : i32
      %mul3A_33 = arith.muli %add3A_31, %mul3A_32 : i32
      "tpu.region"() ({
        %run_scoped3A_151 = tpu.sem_alloc : memref<!tpu.dma_semaphore, #tpu.memory_space<semaphore_mem>>
        %dma_start3A_152 = arith.constant 0 : i32
        %dma_start3A_153 = tpu.memref_slice %arg3[%mul3A_33, %dma_start3A_152] : memref<2560x128xi32, #tpu.memory_space<hbm>> -> memref<8x128xi32, #tpu.memory_space<hbm>>
        %dma_start3A_154 = arith.constant 0 : i32
        %dma_start3A_155 = tpu.memref_slice %arg3[%mul3A_33, %dma_start3A_154] : memref<2560x128xi32, #tpu.memory_space<hbm>> -> memref<8x128xi32, #tpu.memory_space<hbm>>
        tpu.enqueue_dma source(%dma_start3A_155 : memref<8x128xi32, #tpu.memory_space<hbm>>) target(%arg6 : memref<8x128xi32, #tpu.memory_space<vmem>>) target_semaphore(%run_scoped3A_151 : memref<!tpu.dma_semaphore, #tpu.memory_space<semaphore_mem>>)
        %dma_wait3A_156 = arith.constant 0 : i32
        %dma_wait3A_157 = tpu.memref_slice %arg3[%mul3A_33, %dma_wait3A_156] : memref<2560x128xi32, #tpu.memory_space<hbm>> -> memref<8x128xi32, #tpu.memory_space<hbm>>
        %dma_wait3A_158 = arith.constant 0 : i32
        %dma_wait3A_159 = tpu.memref_slice %arg3[%mul3A_33, %dma_wait3A_158] : memref<2560x128xi32, #tpu.memory_space<hbm>> -> memref<8x128xi32, #tpu.memory_space<hbm>>
        tpu.wait_dma2 semaphore(%run_scoped3A_151 : memref<!tpu.dma_semaphore, #tpu.memory_space<semaphore_mem>>) src(%dma_wait3A_159 : memref<8x128xi32, #tpu.memory_space<hbm>>) dst(%arg6 : memref<8x128xi32, #tpu.memory_space<vmem>>)
        tpu.yield
      }) : () -> ()
      "tpu.region"() ({
        %run_scoped3A_151 = tpu.sem_alloc : memref<!tpu.dma_semaphore, #tpu.memory_space<semaphore_mem>>
        %dma_start3A_152 = arith.constant 0 : i32
        %dma_start3A_153 = tpu.memref_slice %arg4[%mul3A_33, %dma_start3A_152] : memref<2560x128xi32, #tpu.memory_space<hbm>> -> memref<8x128xi32, #tpu.memory_space<hbm>>
        %dma_start3A_154 = arith.constant 0 : i32
        %dma_start3A_155 = tpu.memref_slice %arg4[%mul3A_33, %dma_start3A_154] : memref<2560x128xi32, #tpu.memory_space<hbm>> -> memref<8x128xi32, #tpu.memory_space<hbm>>
        tpu.enqueue_dma source(%dma_start3A_155 : memref<8x128xi32, #tpu.memory_space<hbm>>) target(%arg7 : memref<8x128xi32, #tpu.memory_space<vmem>>) target_semaphore(%run_scoped3A_151 : memref<!tpu.dma_semaphore, #tpu.memory_space<semaphore_mem>>)
        %dma_wait3A_156 = arith.constant 0 : i32
        %dma_wait3A_157 = tpu.memref_slice %arg4[%mul3A_33, %dma_wait3A_156] : memref<2560x128xi32, #tpu.memory_space<hbm>> -> memref<8x128xi32, #tpu.memory_space<hbm>>
        %dma_wait3A_158 = arith.constant 0 : i32
        %dma_wait3A_159 = tpu.memref_slice %arg4[%mul3A_33, %dma_wait3A_158] : memref<2560x128xi32, #tpu.memory_space<hbm>> -> memref<8x128xi32, #tpu.memory_space<hbm>>
        tpu.wait_dma2 semaphore(%run_scoped3A_151 : memref<!tpu.dma_semaphore, #tpu.memory_space<semaphore_mem>>) src(%dma_wait3A_159 : memref<8x128xi32, #tpu.memory_space<hbm>>) dst(%arg7 : memref<8x128xi32, #tpu.memory_space<vmem>>)
        tpu.yield
      }) : () -> ()
      %dma_start3A = arith.constant 0 : i32
      %dma_start3A_34 = arith.constant 0 : i32
      %dma_start3A_35 = tpu.memref_slice %arg6[%dma_start3A, %dma_start3A_34] : memref<8x128xi32, #tpu.memory_space<vmem>> -> memref<1x128xi32, #tpu.memory_space<vmem>>
      %dma_start3A_36 = tpu.memref_squeeze %dma_start3A_35 : memref<1x128xi32, #tpu.memory_space<vmem>> -> memref<128xi32, #tpu.memory_space<vmem>>
      %dma_start3A_37 = arith.constant 0 : i32
      %dma_start3A_38 = arith.constant 0 : i32
      %dma_start3A_39 = tpu.memref_slice %arg2[%dma_start3A_37, %dma_start3A_38] : memref<10240x128xf32, #tpu.memory_space<hbm>> -> memref<10240x128xf32, #tpu.memory_space<hbm>>
      tpu.enqueue_indirect_dma source(%dma_start3A_39 : memref<10240x128xf32, #tpu.memory_space<hbm>>) target(%arg8 : memref<128x128xf32, #tpu.memory_space<vmem>>) offsets(%dma_start3A_36 : memref<128xi32, #tpu.memory_space<vmem>>) semaphore(%arg11 : memref<!tpu.dma_semaphore, #tpu.memory_space<semaphore_mem>>)
      %dma_start3A_40 = arith.constant 1 : i32
      %dma_start3A_41 = arith.constant 0 : i32
      %dma_start3A_42 = tpu.memref_slice %arg6[%dma_start3A_40, %dma_start3A_41] : memref<8x128xi32, #tpu.memory_space<vmem>> -> memref<1x128xi32, #tpu.memory_space<vmem>>
      %dma_start3A_43 = tpu.memref_squeeze %dma_start3A_42 : memref<1x128xi32, #tpu.memory_space<vmem>> -> memref<128xi32, #tpu.memory_space<vmem>>
      %dma_start3A_44 = arith.constant 0 : i32
      %dma_start3A_45 = arith.constant 0 : i32
      %dma_start3A_46 = tpu.memref_slice %arg2[%dma_start3A_44, %dma_start3A_45] : memref<10240x128xf32, #tpu.memory_space<hbm>> -> memref<10240x128xf32, #tpu.memory_space<hbm>>
      tpu.enqueue_indirect_dma source(%dma_start3A_46 : memref<10240x128xf32, #tpu.memory_space<hbm>>) target(%arg9 : memref<128x128xf32, #tpu.memory_space<vmem>>) offsets(%dma_start3A_43 : memref<128xi32, #tpu.memory_space<vmem>>) semaphore(%arg12 : memref<!tpu.dma_semaphore, #tpu.memory_space<semaphore_mem>>)
      %dma_wait3A = arith.constant 0 : i32
      %dma_wait3A_47 = arith.constant 0 : i32
      %dma_wait3A_48 = tpu.memref_slice %arg6[%dma_wait3A, %dma_wait3A_47] : memref<8x128xi32, #tpu.memory_space<vmem>> -> memref<1x128xi32, #tpu.memory_space<vmem>>
      %dma_wait3A_49 = tpu.memref_squeeze %dma_wait3A_48 : memref<1x128xi32, #tpu.memory_space<vmem>> -> memref<128xi32, #tpu.memory_space<vmem>>
      %dma_wait3A_50 = arith.constant 0 : i32
      %dma_wait3A_51 = arith.constant 0 : i32
      %dma_wait3A_52 = tpu.memref_slice %arg2[%dma_wait3A_50, %dma_wait3A_51] : memref<10240x128xf32, #tpu.memory_space<hbm>> -> memref<10240x128xf32, #tpu.memory_space<hbm>>
      tpu.wait_indirect_dma semaphore(%arg11 : memref<!tpu.dma_semaphore, #tpu.memory_space<semaphore_mem>>) src(%dma_wait3A_52 : memref<10240x128xf32, #tpu.memory_space<hbm>>) dst(%arg8 : memref<128x128xf32, #tpu.memory_space<vmem>>)
      %run_scoped3A = arith.constant 0 : i32
      "tpu.region"() ({
        %run_scoped3A_151 = tpu.sem_alloc : memref<!tpu.dma_semaphore, #tpu.memory_space<semaphore_mem>>
        %dma_start3A_152 = arith.constant 0 : i32
        %dma_start3A_153 = tpu.memref_slice %arg7[%run_scoped3A, %dma_start3A_152] : memref<8x128xi32, #tpu.memory_space<vmem>> -> memref<1x128xi32, #tpu.memory_space<vmem>>
        %dma_start3A_154 = tpu.memref_squeeze %dma_start3A_153 : memref<1x128xi32, #tpu.memory_space<vmem>> -> memref<128xi32, #tpu.memory_space<vmem>>
        %dma_start3A_155 = arith.constant 0 : i32
        %dma_start3A_156 = arith.constant 0 : i32
        %dma_start3A_157 = tpu.memref_slice %arg10[%dma_start3A_155, %dma_start3A_156] : memref<10240x128xf32, #tpu.memory_space<vmem_shared>> -> memref<10240x128xf32, #tpu.memory_space<vmem_shared>>
        tpu.enqueue_indirect_dma source(%arg8 : memref<128x128xf32, #tpu.memory_space<vmem>>) target(%dma_start3A_157 : memref<10240x128xf32, #tpu.memory_space<vmem_shared>>) offsets(%dma_start3A_154 : memref<128xi32, #tpu.memory_space<vmem>>) semaphore(%run_scoped3A_151 : memref<!tpu.dma_semaphore, #tpu.memory_space<semaphore_mem>>) {add = true}
        %dma_wait3A_158 = arith.constant 0 : i32
        %dma_wait3A_159 = tpu.memref_slice %arg7[%run_scoped3A, %dma_wait3A_158] : memref<8x128xi32, #tpu.memory_space<vmem>> -> memref<1x128xi32, #tpu.memory_space<vmem>>
        %dma_wait3A_160 = tpu.memref_squeeze %dma_wait3A_159 : memref<1x128xi32, #tpu.memory_space<vmem>> -> memref<128xi32, #tpu.memory_space<vmem>>
        %dma_wait3A_161 = arith.constant 0 : i32
        %dma_wait3A_162 = arith.constant 0 : i32
        %dma_wait3A_163 = tpu.memref_slice %arg10[%dma_wait3A_161, %dma_wait3A_162] : memref<10240x128xf32, #tpu.memory_space<vmem_shared>> -> memref<10240x128xf32, #tpu.memory_space<vmem_shared>>
        tpu.wait_indirect_dma semaphore(%run_scoped3A_151 : memref<!tpu.dma_semaphore, #tpu.memory_space<semaphore_mem>>) src(%arg8 : memref<128x128xf32, #tpu.memory_space<vmem>>) dst(%dma_wait3A_163 : memref<10240x128xf32, #tpu.memory_space<vmem_shared>>)
        tpu.yield
      }) : () -> ()
      %dma_start3A_53 = arith.constant 2 : i32
      %dma_start3A_54 = arith.constant 0 : i32
      %dma_start3A_55 = tpu.memref_slice %arg6[%dma_start3A_53, %dma_start3A_54] : memref<8x128xi32, #tpu.memory_space<vmem>> -> memref<1x128xi32, #tpu.memory_space<vmem>>
      %dma_start3A_56 = tpu.memref_squeeze %dma_start3A_55 : memref<1x128xi32, #tpu.memory_space<vmem>> -> memref<128xi32, #tpu.memory_space<vmem>>
      %dma_start3A_57 = arith.constant 0 : i32
      %dma_start3A_58 = arith.constant 0 : i32
      %dma_start3A_59 = tpu.memref_slice %arg2[%dma_start3A_57, %dma_start3A_58] : memref<10240x128xf32, #tpu.memory_space<hbm>> -> memref<10240x128xf32, #tpu.memory_space<hbm>>
      tpu.enqueue_indirect_dma source(%dma_start3A_59 : memref<10240x128xf32, #tpu.memory_space<hbm>>) target(%arg8 : memref<128x128xf32, #tpu.memory_space<vmem>>) offsets(%dma_start3A_56 : memref<128xi32, #tpu.memory_space<vmem>>) semaphore(%arg11 : memref<!tpu.dma_semaphore, #tpu.memory_space<semaphore_mem>>)
      %dma_wait3A_60 = arith.constant 1 : i32
      %dma_wait3A_61 = arith.constant 0 : i32
      %dma_wait3A_62 = tpu.memref_slice %arg6[%dma_wait3A_60, %dma_wait3A_61] : memref<8x128xi32, #tpu.memory_space<vmem>> -> memref<1x128xi32, #tpu.memory_space<vmem>>
      %dma_wait3A_63 = tpu.memref_squeeze %dma_wait3A_62 : memref<1x128xi32, #tpu.memory_space<vmem>> -> memref<128xi32, #tpu.memory_space<vmem>>
      %dma_wait3A_64 = arith.constant 0 : i32
      %dma_wait3A_65 = arith.constant 0 : i32
      %dma_wait3A_66 = tpu.memref_slice %arg2[%dma_wait3A_64, %dma_wait3A_65] : memref<10240x128xf32, #tpu.memory_space<hbm>> -> memref<10240x128xf32, #tpu.memory_space<hbm>>
      tpu.wait_indirect_dma semaphore(%arg12 : memref<!tpu.dma_semaphore, #tpu.memory_space<semaphore_mem>>) src(%dma_wait3A_66 : memref<10240x128xf32, #tpu.memory_space<hbm>>) dst(%arg9 : memref<128x128xf32, #tpu.memory_space<vmem>>)
      %run_scoped3A_67 = arith.constant 1 : i32
      "tpu.region"() ({
        %run_scoped3A_151 = tpu.sem_alloc : memref<!tpu.dma_semaphore, #tpu.memory_space<semaphore_mem>>
        %dma_start3A_152 = arith.constant 0 : i32
        %dma_start3A_153 = tpu.memref_slice %arg7[%run_scoped3A_67, %dma_start3A_152] : memref<8x128xi32, #tpu.memory_space<vmem>> -> memref<1x128xi32, #tpu.memory_space<vmem>>
        %dma_start3A_154 = tpu.memref_squeeze %dma_start3A_153 : memref<1x128xi32, #tpu.memory_space<vmem>> -> memref<128xi32, #tpu.memory_space<vmem>>
        %dma_start3A_155 = arith.constant 0 : i32
        %dma_start3A_156 = arith.constant 0 : i32
        %dma_start3A_157 = tpu.memref_slice %arg10[%dma_start3A_155, %dma_start3A_156] : memref<10240x128xf32, #tpu.memory_space<vmem_shared>> -> memref<10240x128xf32, #tpu.memory_space<vmem_shared>>
        tpu.enqueue_indirect_dma source(%arg9 : memref<128x128xf32, #tpu.memory_space<vmem>>) target(%dma_start3A_157 : memref<10240x128xf32, #tpu.memory_space<vmem_shared>>) offsets(%dma_start3A_154 : memref<128xi32, #tpu.memory_space<vmem>>) semaphore(%run_scoped3A_151 : memref<!tpu.dma_semaphore, #tpu.memory_space<semaphore_mem>>) {add = true}
        %dma_wait3A_158 = arith.constant 0 : i32
        %dma_wait3A_159 = tpu.memref_slice %arg7[%run_scoped3A_67, %dma_wait3A_158] : memref<8x128xi32, #tpu.memory_space<vmem>> -> memref<1x128xi32, #tpu.memory_space<vmem>>
        %dma_wait3A_160 = tpu.memref_squeeze %dma_wait3A_159 : memref<1x128xi32, #tpu.memory_space<vmem>> -> memref<128xi32, #tpu.memory_space<vmem>>
        %dma_wait3A_161 = arith.constant 0 : i32
        %dma_wait3A_162 = arith.constant 0 : i32
        %dma_wait3A_163 = tpu.memref_slice %arg10[%dma_wait3A_161, %dma_wait3A_162] : memref<10240x128xf32, #tpu.memory_space<vmem_shared>> -> memref<10240x128xf32, #tpu.memory_space<vmem_shared>>
        tpu.wait_indirect_dma semaphore(%run_scoped3A_151 : memref<!tpu.dma_semaphore, #tpu.memory_space<semaphore_mem>>) src(%arg9 : memref<128x128xf32, #tpu.memory_space<vmem>>) dst(%dma_wait3A_163 : memref<10240x128xf32, #tpu.memory_space<vmem_shared>>)
        tpu.yield
      }) : () -> ()
      %dma_start3A_68 = arith.constant 3 : i32
      %dma_start3A_69 = arith.constant 0 : i32
      %dma_start3A_70 = tpu.memref_slice %arg6[%dma_start3A_68, %dma_start3A_69] : memref<8x128xi32, #tpu.memory_space<vmem>> -> memref<1x128xi32, #tpu.memory_space<vmem>>
      %dma_start3A_71 = tpu.memref_squeeze %dma_start3A_70 : memref<1x128xi32, #tpu.memory_space<vmem>> -> memref<128xi32, #tpu.memory_space<vmem>>
      %dma_start3A_72 = arith.constant 0 : i32
      %dma_start3A_73 = arith.constant 0 : i32
      %dma_start3A_74 = tpu.memref_slice %arg2[%dma_start3A_72, %dma_start3A_73] : memref<10240x128xf32, #tpu.memory_space<hbm>> -> memref<10240x128xf32, #tpu.memory_space<hbm>>
      tpu.enqueue_indirect_dma source(%dma_start3A_74 : memref<10240x128xf32, #tpu.memory_space<hbm>>) target(%arg9 : memref<128x128xf32, #tpu.memory_space<vmem>>) offsets(%dma_start3A_71 : memref<128xi32, #tpu.memory_space<vmem>>) semaphore(%arg12 : memref<!tpu.dma_semaphore, #tpu.memory_space<semaphore_mem>>)
      %dma_wait3A_75 = arith.constant 2 : i32
      %dma_wait3A_76 = arith.constant 0 : i32
      %dma_wait3A_77 = tpu.memref_slice %arg6[%dma_wait3A_75, %dma_wait3A_76] : memref<8x128xi32, #tpu.memory_space<vmem>> -> memref<1x128xi32, #tpu.memory_space<vmem>>
      %dma_wait3A_78 = tpu.memref_squeeze %dma_wait3A_77 : memref<1x128xi32, #tpu.memory_space<vmem>> -> memref<128xi32, #tpu.memory_space<vmem>>
      %dma_wait3A_79 = arith.constant 0 : i32
      %dma_wait3A_80 = arith.constant 0 : i32
      %dma_wait3A_81 = tpu.memref_slice %arg2[%dma_wait3A_79, %dma_wait3A_80] : memref<10240x128xf32, #tpu.memory_space<hbm>> -> memref<10240x128xf32, #tpu.memory_space<hbm>>
      tpu.wait_indirect_dma semaphore(%arg11 : memref<!tpu.dma_semaphore, #tpu.memory_space<semaphore_mem>>) src(%dma_wait3A_81 : memref<10240x128xf32, #tpu.memory_space<hbm>>) dst(%arg8 : memref<128x128xf32, #tpu.memory_space<vmem>>)
      %run_scoped3A_82 = arith.constant 2 : i32
      "tpu.region"() ({
        %run_scoped3A_151 = tpu.sem_alloc : memref<!tpu.dma_semaphore, #tpu.memory_space<semaphore_mem>>
        %dma_start3A_152 = arith.constant 0 : i32
        %dma_start3A_153 = tpu.memref_slice %arg7[%run_scoped3A_82, %dma_start3A_152] : memref<8x128xi32, #tpu.memory_space<vmem>> -> memref<1x128xi32, #tpu.memory_space<vmem>>
        %dma_start3A_154 = tpu.memref_squeeze %dma_start3A_153 : memref<1x128xi32, #tpu.memory_space<vmem>> -> memref<128xi32, #tpu.memory_space<vmem>>
        %dma_start3A_155 = arith.constant 0 : i32
        %dma_start3A_156 = arith.constant 0 : i32
        %dma_start3A_157 = tpu.memref_slice %arg10[%dma_start3A_155, %dma_start3A_156] : memref<10240x128xf32, #tpu.memory_space<vmem_shared>> -> memref<10240x128xf32, #tpu.memory_space<vmem_shared>>
        tpu.enqueue_indirect_dma source(%arg8 : memref<128x128xf32, #tpu.memory_space<vmem>>) target(%dma_start3A_157 : memref<10240x128xf32, #tpu.memory_space<vmem_shared>>) offsets(%dma_start3A_154 : memref<128xi32, #tpu.memory_space<vmem>>) semaphore(%run_scoped3A_151 : memref<!tpu.dma_semaphore, #tpu.memory_space<semaphore_mem>>) {add = true}
        %dma_wait3A_158 = arith.constant 0 : i32
        %dma_wait3A_159 = tpu.memref_slice %arg7[%run_scoped3A_82, %dma_wait3A_158] : memref<8x128xi32, #tpu.memory_space<vmem>> -> memref<1x128xi32, #tpu.memory_space<vmem>>
        %dma_wait3A_160 = tpu.memref_squeeze %dma_wait3A_159 : memref<1x128xi32, #tpu.memory_space<vmem>> -> memref<128xi32, #tpu.memory_space<vmem>>
        %dma_wait3A_161 = arith.constant 0 : i32
        %dma_wait3A_162 = arith.constant 0 : i32
        %dma_wait3A_163 = tpu.memref_slice %arg10[%dma_wait3A_161, %dma_wait3A_162] : memref<10240x128xf32, #tpu.memory_space<vmem_shared>> -> memref<10240x128xf32, #tpu.memory_space<vmem_shared>>
        tpu.wait_indirect_dma semaphore(%run_scoped3A_151 : memref<!tpu.dma_semaphore, #tpu.memory_space<semaphore_mem>>) src(%arg8 : memref<128x128xf32, #tpu.memory_space<vmem>>) dst(%dma_wait3A_163 : memref<10240x128xf32, #tpu.memory_space<vmem_shared>>)
        tpu.yield
      }) : () -> ()
      %dma_start3A_83 = arith.constant 4 : i32
      %dma_start3A_84 = arith.constant 0 : i32
      %dma_start3A_85 = tpu.memref_slice %arg6[%dma_start3A_83, %dma_start3A_84] : memref<8x128xi32, #tpu.memory_space<vmem>> -> memref<1x128xi32, #tpu.memory_space<vmem>>
      %dma_start3A_86 = tpu.memref_squeeze %dma_start3A_85 : memref<1x128xi32, #tpu.memory_space<vmem>> -> memref<128xi32, #tpu.memory_space<vmem>>
      %dma_start3A_87 = arith.constant 0 : i32
      %dma_start3A_88 = arith.constant 0 : i32
      %dma_start3A_89 = tpu.memref_slice %arg2[%dma_start3A_87, %dma_start3A_88] : memref<10240x128xf32, #tpu.memory_space<hbm>> -> memref<10240x128xf32, #tpu.memory_space<hbm>>
      tpu.enqueue_indirect_dma source(%dma_start3A_89 : memref<10240x128xf32, #tpu.memory_space<hbm>>) target(%arg8 : memref<128x128xf32, #tpu.memory_space<vmem>>) offsets(%dma_start3A_86 : memref<128xi32, #tpu.memory_space<vmem>>) semaphore(%arg11 : memref<!tpu.dma_semaphore, #tpu.memory_space<semaphore_mem>>)
      %dma_wait3A_90 = arith.constant 3 : i32
      %dma_wait3A_91 = arith.constant 0 : i32
      %dma_wait3A_92 = tpu.memref_slice %arg6[%dma_wait3A_90, %dma_wait3A_91] : memref<8x128xi32, #tpu.memory_space<vmem>> -> memref<1x128xi32, #tpu.memory_space<vmem>>
      %dma_wait3A_93 = tpu.memref_squeeze %dma_wait3A_92 : memref<1x128xi32, #tpu.memory_space<vmem>> -> memref<128xi32, #tpu.memory_space<vmem>>
      %dma_wait3A_94 = arith.constant 0 : i32
      %dma_wait3A_95 = arith.constant 0 : i32
      %dma_wait3A_96 = tpu.memref_slice %arg2[%dma_wait3A_94, %dma_wait3A_95] : memref<10240x128xf32, #tpu.memory_space<hbm>> -> memref<10240x128xf32, #tpu.memory_space<hbm>>
      tpu.wait_indirect_dma semaphore(%arg12 : memref<!tpu.dma_semaphore, #tpu.memory_space<semaphore_mem>>) src(%dma_wait3A_96 : memref<10240x128xf32, #tpu.memory_space<hbm>>) dst(%arg9 : memref<128x128xf32, #tpu.memory_space<vmem>>)
      %run_scoped3A_97 = arith.constant 3 : i32
      "tpu.region"() ({
        %run_scoped3A_151 = tpu.sem_alloc : memref<!tpu.dma_semaphore, #tpu.memory_space<semaphore_mem>>
        %dma_start3A_152 = arith.constant 0 : i32
        %dma_start3A_153 = tpu.memref_slice %arg7[%run_scoped3A_97, %dma_start3A_152] : memref<8x128xi32, #tpu.memory_space<vmem>> -> memref<1x128xi32, #tpu.memory_space<vmem>>
        %dma_start3A_154 = tpu.memref_squeeze %dma_start3A_153 : memref<1x128xi32, #tpu.memory_space<vmem>> -> memref<128xi32, #tpu.memory_space<vmem>>
        %dma_start3A_155 = arith.constant 0 : i32
        %dma_start3A_156 = arith.constant 0 : i32
        %dma_start3A_157 = tpu.memref_slice %arg10[%dma_start3A_155, %dma_start3A_156] : memref<10240x128xf32, #tpu.memory_space<vmem_shared>> -> memref<10240x128xf32, #tpu.memory_space<vmem_shared>>
        tpu.enqueue_indirect_dma source(%arg9 : memref<128x128xf32, #tpu.memory_space<vmem>>) target(%dma_start3A_157 : memref<10240x128xf32, #tpu.memory_space<vmem_shared>>) offsets(%dma_start3A_154 : memref<128xi32, #tpu.memory_space<vmem>>) semaphore(%run_scoped3A_151 : memref<!tpu.dma_semaphore, #tpu.memory_space<semaphore_mem>>) {add = true}
        %dma_wait3A_158 = arith.constant 0 : i32
        %dma_wait3A_159 = tpu.memref_slice %arg7[%run_scoped3A_97, %dma_wait3A_158] : memref<8x128xi32, #tpu.memory_space<vmem>> -> memref<1x128xi32, #tpu.memory_space<vmem>>
        %dma_wait3A_160 = tpu.memref_squeeze %dma_wait3A_159 : memref<1x128xi32, #tpu.memory_space<vmem>> -> memref<128xi32, #tpu.memory_space<vmem>>
        %dma_wait3A_161 = arith.constant 0 : i32
        %dma_wait3A_162 = arith.constant 0 : i32
        %dma_wait3A_163 = tpu.memref_slice %arg10[%dma_wait3A_161, %dma_wait3A_162] : memref<10240x128xf32, #tpu.memory_space<vmem_shared>> -> memref<10240x128xf32, #tpu.memory_space<vmem_shared>>
        tpu.wait_indirect_dma semaphore(%run_scoped3A_151 : memref<!tpu.dma_semaphore, #tpu.memory_space<semaphore_mem>>) src(%arg9 : memref<128x128xf32, #tpu.memory_space<vmem>>) dst(%dma_wait3A_163 : memref<10240x128xf32, #tpu.memory_space<vmem_shared>>)
        tpu.yield
      }) : () -> ()
      %dma_start3A_98 = arith.constant 5 : i32
      %dma_start3A_99 = arith.constant 0 : i32
      %dma_start3A_100 = tpu.memref_slice %arg6[%dma_start3A_98, %dma_start3A_99] : memref<8x128xi32, #tpu.memory_space<vmem>> -> memref<1x128xi32, #tpu.memory_space<vmem>>
      %dma_start3A_101 = tpu.memref_squeeze %dma_start3A_100 : memref<1x128xi32, #tpu.memory_space<vmem>> -> memref<128xi32, #tpu.memory_space<vmem>>
      %dma_start3A_102 = arith.constant 0 : i32
      %dma_start3A_103 = arith.constant 0 : i32
      %dma_start3A_104 = tpu.memref_slice %arg2[%dma_start3A_102, %dma_start3A_103] : memref<10240x128xf32, #tpu.memory_space<hbm>> -> memref<10240x128xf32, #tpu.memory_space<hbm>>
      tpu.enqueue_indirect_dma source(%dma_start3A_104 : memref<10240x128xf32, #tpu.memory_space<hbm>>) target(%arg9 : memref<128x128xf32, #tpu.memory_space<vmem>>) offsets(%dma_start3A_101 : memref<128xi32, #tpu.memory_space<vmem>>) semaphore(%arg12 : memref<!tpu.dma_semaphore, #tpu.memory_space<semaphore_mem>>)
      %dma_wait3A_105 = arith.constant 4 : i32
      %dma_wait3A_106 = arith.constant 0 : i32
      %dma_wait3A_107 = tpu.memref_slice %arg6[%dma_wait3A_105, %dma_wait3A_106] : memref<8x128xi32, #tpu.memory_space<vmem>> -> memref<1x128xi32, #tpu.memory_space<vmem>>
      %dma_wait3A_108 = tpu.memref_squeeze %dma_wait3A_107 : memref<1x128xi32, #tpu.memory_space<vmem>> -> memref<128xi32, #tpu.memory_space<vmem>>
      %dma_wait3A_109 = arith.constant 0 : i32
      %dma_wait3A_110 = arith.constant 0 : i32
      %dma_wait3A_111 = tpu.memref_slice %arg2[%dma_wait3A_109, %dma_wait3A_110] : memref<10240x128xf32, #tpu.memory_space<hbm>> -> memref<10240x128xf32, #tpu.memory_space<hbm>>
      tpu.wait_indirect_dma semaphore(%arg11 : memref<!tpu.dma_semaphore, #tpu.memory_space<semaphore_mem>>) src(%dma_wait3A_111 : memref<10240x128xf32, #tpu.memory_space<hbm>>) dst(%arg8 : memref<128x128xf32, #tpu.memory_space<vmem>>)
      %run_scoped3A_112 = arith.constant 4 : i32
      "tpu.region"() ({
        %run_scoped3A_151 = tpu.sem_alloc : memref<!tpu.dma_semaphore, #tpu.memory_space<semaphore_mem>>
        %dma_start3A_152 = arith.constant 0 : i32
        %dma_start3A_153 = tpu.memref_slice %arg7[%run_scoped3A_112, %dma_start3A_152] : memref<8x128xi32, #tpu.memory_space<vmem>> -> memref<1x128xi32, #tpu.memory_space<vmem>>
        %dma_start3A_154 = tpu.memref_squeeze %dma_start3A_153 : memref<1x128xi32, #tpu.memory_space<vmem>> -> memref<128xi32, #tpu.memory_space<vmem>>
        %dma_start3A_155 = arith.constant 0 : i32
        %dma_start3A_156 = arith.constant 0 : i32
        %dma_start3A_157 = tpu.memref_slice %arg10[%dma_start3A_155, %dma_start3A_156] : memref<10240x128xf32, #tpu.memory_space<vmem_shared>> -> memref<10240x128xf32, #tpu.memory_space<vmem_shared>>
        tpu.enqueue_indirect_dma source(%arg8 : memref<128x128xf32, #tpu.memory_space<vmem>>) target(%dma_start3A_157 : memref<10240x128xf32, #tpu.memory_space<vmem_shared>>) offsets(%dma_start3A_154 : memref<128xi32, #tpu.memory_space<vmem>>) semaphore(%run_scoped3A_151 : memref<!tpu.dma_semaphore, #tpu.memory_space<semaphore_mem>>) {add = true}
        %dma_wait3A_158 = arith.constant 0 : i32
        %dma_wait3A_159 = tpu.memref_slice %arg7[%run_scoped3A_112, %dma_wait3A_158] : memref<8x128xi32, #tpu.memory_space<vmem>> -> memref<1x128xi32, #tpu.memory_space<vmem>>
        %dma_wait3A_160 = tpu.memref_squeeze %dma_wait3A_159 : memref<1x128xi32, #tpu.memory_space<vmem>> -> memref<128xi32, #tpu.memory_space<vmem>>
        %dma_wait3A_161 = arith.constant 0 : i32
        %dma_wait3A_162 = arith.constant 0 : i32
        %dma_wait3A_163 = tpu.memref_slice %arg10[%dma_wait3A_161, %dma_wait3A_162] : memref<10240x128xf32, #tpu.memory_space<vmem_shared>> -> memref<10240x128xf32, #tpu.memory_space<vmem_shared>>
        tpu.wait_indirect_dma semaphore(%run_scoped3A_151 : memref<!tpu.dma_semaphore, #tpu.memory_space<semaphore_mem>>) src(%arg8 : memref<128x128xf32, #tpu.memory_space<vmem>>) dst(%dma_wait3A_163 : memref<10240x128xf32, #tpu.memory_space<vmem_shared>>)
        tpu.yield
      }) : () -> ()
      %dma_start3A_113 = arith.constant 6 : i32
      %dma_start3A_114 = arith.constant 0 : i32
      %dma_start3A_115 = tpu.memref_slice %arg6[%dma_start3A_113, %dma_start3A_114] : memref<8x128xi32, #tpu.memory_space<vmem>> -> memref<1x128xi32, #tpu.memory_space<vmem>>
      %dma_start3A_116 = tpu.memref_squeeze %dma_start3A_115 : memref<1x128xi32, #tpu.memory_space<vmem>> -> memref<128xi32, #tpu.memory_space<vmem>>
      %dma_start3A_117 = arith.constant 0 : i32
      %dma_start3A_118 = arith.constant 0 : i32
      %dma_start3A_119 = tpu.memref_slice %arg2[%dma_start3A_117, %dma_start3A_118] : memref<10240x128xf32, #tpu.memory_space<hbm>> -> memref<10240x128xf32, #tpu.memory_space<hbm>>
      tpu.enqueue_indirect_dma source(%dma_start3A_119 : memref<10240x128xf32, #tpu.memory_space<hbm>>) target(%arg8 : memref<128x128xf32, #tpu.memory_space<vmem>>) offsets(%dma_start3A_116 : memref<128xi32, #tpu.memory_space<vmem>>) semaphore(%arg11 : memref<!tpu.dma_semaphore, #tpu.memory_space<semaphore_mem>>)
      %dma_wait3A_120 = arith.constant 5 : i32
      %dma_wait3A_121 = arith.constant 0 : i32
      %dma_wait3A_122 = tpu.memref_slice %arg6[%dma_wait3A_120, %dma_wait3A_121] : memref<8x128xi32, #tpu.memory_space<vmem>> -> memref<1x128xi32, #tpu.memory_space<vmem>>
      %dma_wait3A_123 = tpu.memref_squeeze %dma_wait3A_122 : memref<1x128xi32, #tpu.memory_space<vmem>> -> memref<128xi32, #tpu.memory_space<vmem>>
      %dma_wait3A_124 = arith.constant 0 : i32
      %dma_wait3A_125 = arith.constant 0 : i32
      %dma_wait3A_126 = tpu.memref_slice %arg2[%dma_wait3A_124, %dma_wait3A_125] : memref<10240x128xf32, #tpu.memory_space<hbm>> -> memref<10240x128xf32, #tpu.memory_space<hbm>>
      tpu.wait_indirect_dma semaphore(%arg12 : memref<!tpu.dma_semaphore, #tpu.memory_space<semaphore_mem>>) src(%dma_wait3A_126 : memref<10240x128xf32, #tpu.memory_space<hbm>>) dst(%arg9 : memref<128x128xf32, #tpu.memory_space<vmem>>)
      %run_scoped3A_127 = arith.constant 5 : i32
      "tpu.region"() ({
        %run_scoped3A_151 = tpu.sem_alloc : memref<!tpu.dma_semaphore, #tpu.memory_space<semaphore_mem>>
        %dma_start3A_152 = arith.constant 0 : i32
        %dma_start3A_153 = tpu.memref_slice %arg7[%run_scoped3A_127, %dma_start3A_152] : memref<8x128xi32, #tpu.memory_space<vmem>> -> memref<1x128xi32, #tpu.memory_space<vmem>>
        %dma_start3A_154 = tpu.memref_squeeze %dma_start3A_153 : memref<1x128xi32, #tpu.memory_space<vmem>> -> memref<128xi32, #tpu.memory_space<vmem>>
        %dma_start3A_155 = arith.constant 0 : i32
        %dma_start3A_156 = arith.constant 0 : i32
        %dma_start3A_157 = tpu.memref_slice %arg10[%dma_start3A_155, %dma_start3A_156] : memref<10240x128xf32, #tpu.memory_space<vmem_shared>> -> memref<10240x128xf32, #tpu.memory_space<vmem_shared>>
        tpu.enqueue_indirect_dma source(%arg9 : memref<128x128xf32, #tpu.memory_space<vmem>>) target(%dma_start3A_157 : memref<10240x128xf32, #tpu.memory_space<vmem_shared>>) offsets(%dma_start3A_154 : memref<128xi32, #tpu.memory_space<vmem>>) semaphore(%run_scoped3A_151 : memref<!tpu.dma_semaphore, #tpu.memory_space<semaphore_mem>>) {add = true}
        %dma_wait3A_158 = arith.constant 0 : i32
        %dma_wait3A_159 = tpu.memref_slice %arg7[%run_scoped3A_127, %dma_wait3A_158] : memref<8x128xi32, #tpu.memory_space<vmem>> -> memref<1x128xi32, #tpu.memory_space<vmem>>
        %dma_wait3A_160 = tpu.memref_squeeze %dma_wait3A_159 : memref<1x128xi32, #tpu.memory_space<vmem>> -> memref<128xi32, #tpu.memory_space<vmem>>
        %dma_wait3A_161 = arith.constant 0 : i32
        %dma_wait3A_162 = arith.constant 0 : i32
        %dma_wait3A_163 = tpu.memref_slice %arg10[%dma_wait3A_161, %dma_wait3A_162] : memref<10240x128xf32, #tpu.memory_space<vmem_shared>> -> memref<10240x128xf32, #tpu.memory_space<vmem_shared>>
        tpu.wait_indirect_dma semaphore(%run_scoped3A_151 : memref<!tpu.dma_semaphore, #tpu.memory_space<semaphore_mem>>) src(%arg9 : memref<128x128xf32, #tpu.memory_space<vmem>>) dst(%dma_wait3A_163 : memref<10240x128xf32, #tpu.memory_space<vmem_shared>>)
        tpu.yield
      }) : () -> ()
      %dma_start3A_128 = arith.constant 7 : i32
      %dma_start3A_129 = arith.constant 0 : i32
      %dma_start3A_130 = tpu.memref_slice %arg6[%dma_start3A_128, %dma_start3A_129] : memref<8x128xi32, #tpu.memory_space<vmem>> -> memref<1x128xi32, #tpu.memory_space<vmem>>
      %dma_start3A_131 = tpu.memref_squeeze %dma_start3A_130 : memref<1x128xi32, #tpu.memory_space<vmem>> -> memref<128xi32, #tpu.memory_space<vmem>>
      %dma_start3A_132 = arith.constant 0 : i32
      %dma_start3A_133 = arith.constant 0 : i32
      %dma_start3A_134 = tpu.memref_slice %arg2[%dma_start3A_132, %dma_start3A_133] : memref<10240x128xf32, #tpu.memory_space<hbm>> -> memref<10240x128xf32, #tpu.memory_space<hbm>>
      tpu.enqueue_indirect_dma source(%dma_start3A_134 : memref<10240x128xf32, #tpu.memory_space<hbm>>) target(%arg9 : memref<128x128xf32, #tpu.memory_space<vmem>>) offsets(%dma_start3A_131 : memref<128xi32, #tpu.memory_space<vmem>>) semaphore(%arg12 : memref<!tpu.dma_semaphore, #tpu.memory_space<semaphore_mem>>)
      %dma_wait3A_135 = arith.constant 6 : i32
      %dma_wait3A_136 = arith.constant 0 : i32
      %dma_wait3A_137 = tpu.memref_slice %arg6[%dma_wait3A_135, %dma_wait3A_136] : memref<8x128xi32, #tpu.memory_space<vmem>> -> memref<1x128xi32, #tpu.memory_space<vmem>>
      %dma_wait3A_138 = tpu.memref_squeeze %dma_wait3A_137 : memref<1x128xi32, #tpu.memory_space<vmem>> -> memref<128xi32, #tpu.memory_space<vmem>>
      %dma_wait3A_139 = arith.constant 0 : i32
      %dma_wait3A_140 = arith.constant 0 : i32
      %dma_wait3A_141 = tpu.memref_slice %arg2[%dma_wait3A_139, %dma_wait3A_140] : memref<10240x128xf32, #tpu.memory_space<hbm>> -> memref<10240x128xf32, #tpu.memory_space<hbm>>
      tpu.wait_indirect_dma semaphore(%arg11 : memref<!tpu.dma_semaphore, #tpu.memory_space<semaphore_mem>>) src(%dma_wait3A_141 : memref<10240x128xf32, #tpu.memory_space<hbm>>) dst(%arg8 : memref<128x128xf32, #tpu.memory_space<vmem>>)
      %run_scoped3A_142 = arith.constant 6 : i32
      "tpu.region"() ({
        %run_scoped3A_151 = tpu.sem_alloc : memref<!tpu.dma_semaphore, #tpu.memory_space<semaphore_mem>>
        %dma_start3A_152 = arith.constant 0 : i32
        %dma_start3A_153 = tpu.memref_slice %arg7[%run_scoped3A_142, %dma_start3A_152] : memref<8x128xi32, #tpu.memory_space<vmem>> -> memref<1x128xi32, #tpu.memory_space<vmem>>
        %dma_start3A_154 = tpu.memref_squeeze %dma_start3A_153 : memref<1x128xi32, #tpu.memory_space<vmem>> -> memref<128xi32, #tpu.memory_space<vmem>>
        %dma_start3A_155 = arith.constant 0 : i32
        %dma_start3A_156 = arith.constant 0 : i32
        %dma_start3A_157 = tpu.memref_slice %arg10[%dma_start3A_155, %dma_start3A_156] : memref<10240x128xf32, #tpu.memory_space<vmem_shared>> -> memref<10240x128xf32, #tpu.memory_space<vmem_shared>>
        tpu.enqueue_indirect_dma source(%arg8 : memref<128x128xf32, #tpu.memory_space<vmem>>) target(%dma_start3A_157 : memref<10240x128xf32, #tpu.memory_space<vmem_shared>>) offsets(%dma_start3A_154 : memref<128xi32, #tpu.memory_space<vmem>>) semaphore(%run_scoped3A_151 : memref<!tpu.dma_semaphore, #tpu.memory_space<semaphore_mem>>) {add = true}
        %dma_wait3A_158 = arith.constant 0 : i32
        %dma_wait3A_159 = tpu.memref_slice %arg7[%run_scoped3A_142, %dma_wait3A_158] : memref<8x128xi32, #tpu.memory_space<vmem>> -> memref<1x128xi32, #tpu.memory_space<vmem>>
        %dma_wait3A_160 = tpu.memref_squeeze %dma_wait3A_159 : memref<1x128xi32, #tpu.memory_space<vmem>> -> memref<128xi32, #tpu.memory_space<vmem>>
        %dma_wait3A_161 = arith.constant 0 : i32
        %dma_wait3A_162 = arith.constant 0 : i32
        %dma_wait3A_163 = tpu.memref_slice %arg10[%dma_wait3A_161, %dma_wait3A_162] : memref<10240x128xf32, #tpu.memory_space<vmem_shared>> -> memref<10240x128xf32, #tpu.memory_space<vmem_shared>>
        tpu.wait_indirect_dma semaphore(%run_scoped3A_151 : memref<!tpu.dma_semaphore, #tpu.memory_space<semaphore_mem>>) src(%arg8 : memref<128x128xf32, #tpu.memory_space<vmem>>) dst(%dma_wait3A_163 : memref<10240x128xf32, #tpu.memory_space<vmem_shared>>)
        tpu.yield
      }) : () -> ()
      %dma_wait3A_143 = arith.constant 7 : i32
      %dma_wait3A_144 = arith.constant 0 : i32
      %dma_wait3A_145 = tpu.memref_slice %arg6[%dma_wait3A_143, %dma_wait3A_144] : memref<8x128xi32, #tpu.memory_space<vmem>> -> memref<1x128xi32, #tpu.memory_space<vmem>>
      %dma_wait3A_146 = tpu.memref_squeeze %dma_wait3A_145 : memref<1x128xi32, #tpu.memory_space<vmem>> -> memref<128xi32, #tpu.memory_space<vmem>>
      %dma_wait3A_147 = arith.constant 0 : i32
      %dma_wait3A_148 = arith.constant 0 : i32
      %dma_wait3A_149 = tpu.memref_slice %arg2[%dma_wait3A_147, %dma_wait3A_148] : memref<10240x128xf32, #tpu.memory_space<hbm>> -> memref<10240x128xf32, #tpu.memory_space<hbm>>
      tpu.wait_indirect_dma semaphore(%arg12 : memref<!tpu.dma_semaphore, #tpu.memory_space<semaphore_mem>>) src(%dma_wait3A_149 : memref<10240x128xf32, #tpu.memory_space<hbm>>) dst(%arg9 : memref<128x128xf32, #tpu.memory_space<vmem>>)
      %run_scoped3A_150 = arith.constant 7 : i32
      "tpu.region"() ({
        %run_scoped3A_151 = tpu.sem_alloc : memref<!tpu.dma_semaphore, #tpu.memory_space<semaphore_mem>>
        %dma_start3A_152 = arith.constant 0 : i32
        %dma_start3A_153 = tpu.memref_slice %arg7[%run_scoped3A_150, %dma_start3A_152] : memref<8x128xi32, #tpu.memory_space<vmem>> -> memref<1x128xi32, #tpu.memory_space<vmem>>
        %dma_start3A_154 = tpu.memref_squeeze %dma_start3A_153 : memref<1x128xi32, #tpu.memory_space<vmem>> -> memref<128xi32, #tpu.memory_space<vmem>>
        %dma_start3A_155 = arith.constant 0 : i32
        %dma_start3A_156 = arith.constant 0 : i32
        %dma_start3A_157 = tpu.memref_slice %arg10[%dma_start3A_155, %dma_start3A_156] : memref<10240x128xf32, #tpu.memory_space<vmem_shared>> -> memref<10240x128xf32, #tpu.memory_space<vmem_shared>>
        tpu.enqueue_indirect_dma source(%arg9 : memref<128x128xf32, #tpu.memory_space<vmem>>) target(%dma_start3A_157 : memref<10240x128xf32, #tpu.memory_space<vmem_shared>>) offsets(%dma_start3A_154 : memref<128xi32, #tpu.memory_space<vmem>>) semaphore(%run_scoped3A_151 : memref<!tpu.dma_semaphore, #tpu.memory_space<semaphore_mem>>) {add = true}
        %dma_wait3A_158 = arith.constant 0 : i32
        %dma_wait3A_159 = tpu.memref_slice %arg7[%run_scoped3A_150, %dma_wait3A_158] : memref<8x128xi32, #tpu.memory_space<vmem>> -> memref<1x128xi32, #tpu.memory_space<vmem>>
        %dma_wait3A_160 = tpu.memref_squeeze %dma_wait3A_159 : memref<1x128xi32, #tpu.memory_space<vmem>> -> memref<128xi32, #tpu.memory_space<vmem>>
        %dma_wait3A_161 = arith.constant 0 : i32
        %dma_wait3A_162 = arith.constant 0 : i32
        %dma_wait3A_163 = tpu.memref_slice %arg10[%dma_wait3A_161, %dma_wait3A_162] : memref<10240x128xf32, #tpu.memory_space<vmem_shared>> -> memref<10240x128xf32, #tpu.memory_space<vmem_shared>>
        tpu.wait_indirect_dma semaphore(%run_scoped3A_151 : memref<!tpu.dma_semaphore, #tpu.memory_space<semaphore_mem>>) src(%arg9 : memref<128x128xf32, #tpu.memory_space<vmem>>) dst(%dma_wait3A_163 : memref<10240x128xf32, #tpu.memory_space<vmem_shared>>)
        tpu.yield
      }) : () -> ()
    }
    %scan3A_26 = arith.constant 10 : i32
    %barrier3A_27 = arith.constant 0 : index
    tpu.barrier barrier_id(%barrier3A_27)
    "tpu.region"() ({
      %run_scoped3A = tpu.sem_alloc : memref<!tpu.dma_semaphore, #tpu.memory_space<semaphore_mem>>
      %dma_start3A = arith.constant 0 : i32
      %dma_start3A_28 = tpu.memref_slice %arg5[%arg0, %mul3A_8, %dma_start3A] : memref<2x10240x128xf32, #tpu.memory_space<hbm>> -> memref<1x640x128xf32, #tpu.memory_space<hbm>>
      %dma_start3A_29 = tpu.memref_squeeze %dma_start3A_28 : memref<1x640x128xf32, #tpu.memory_space<hbm>> -> memref<640x128xf32, #tpu.memory_space<hbm>>
      %dma_start3A_30 = arith.constant 0 : i32
      %dma_start3A_31 = tpu.memref_slice %arg10[%mul3A_8, %dma_start3A_30] : memref<10240x128xf32, #tpu.memory_space<vmem_shared>> -> memref<640x128xf32, #tpu.memory_space<vmem_shared>>
      tpu.enqueue_dma source(%dma_start3A_31 : memref<640x128xf32, #tpu.memory_space<vmem_shared>>) target(%dma_start3A_29 : memref<640x128xf32, #tpu.memory_space<hbm>>) target_semaphore(%run_scoped3A : memref<!tpu.dma_semaphore, #tpu.memory_space<semaphore_mem>>)
      %dma_wait3A = arith.constant 0 : i32
      %dma_wait3A_32 = tpu.memref_slice %arg5[%arg0, %mul3A_8, %dma_wait3A] : memref<2x10240x128xf32, #tpu.memory_space<hbm>> -> memref<1x640x128xf32, #tpu.memory_space<hbm>>
      %dma_wait3A_33 = tpu.memref_squeeze %dma_wait3A_32 : memref<1x640x128xf32, #tpu.memory_space<hbm>> -> memref<640x128xf32, #tpu.memory_space<hbm>>
      %dma_wait3A_34 = arith.constant 0 : i32
      %dma_wait3A_35 = tpu.memref_slice %arg10[%mul3A_8, %dma_wait3A_34] : memref<10240x128xf32, #tpu.memory_space<vmem_shared>> -> memref<640x128xf32, #tpu.memory_space<vmem_shared>>
      tpu.wait_dma2 semaphore(%run_scoped3A : memref<!tpu.dma_semaphore, #tpu.memory_space<semaphore_mem>>) src(%dma_wait3A_35 : memref<640x128xf32, #tpu.memory_space<vmem_shared>>) dst(%dma_wait3A_33 : memref<640x128xf32, #tpu.memory_space<hbm>>)
      tpu.yield
    }) : () -> ()
    return
  }
}

#map = affine_map<(d0, d1) -> (0, 0)>
#map1 = affine_map<(d0, d1) -> (0, 0, 0)>
module attributes {stable_mosaic.version = 14 : i64} {
  func.func @sc_deg_u(%arg0: i32, %arg1: i32, %arg2: memref<2560x128xi32, #tpu.memory_space<hbm>>, %arg3: memref<2560x128xi32, #tpu.memory_space<hbm>>, %arg4: memref<80x128xf32, #tpu.memory_space<hbm>>, %arg5: memref<32x80x128xf32, #tpu.memory_space<hbm>>, %arg6: memref<8x128xi32, #tpu.memory_space<vmem>>, %arg7: memref<8x128xi32, #tpu.memory_space<vmem>>, %arg8: memref<80x128xf32, #tpu.memory_space<vmem>>, %arg9: memref<80x128xf32, #tpu.memory_space<vmem>>, %arg10: memref<80xi32, #tpu.memory_space<vmem>>, %arg11: memref<80x128xf32, #tpu.memory_space<vmem_shared>>) attributes {dimension_semantics = [#tpu.dimension_semantics<core_parallel>, #tpu.dimension_semantics<subcore_parallel>], iteration_bounds = array<i64: 2, 16>, scalar_prefetch = 0 : i64, scratch_operands = 6 : i64, tpu.core_type = #tpu.core_type<sc_vector_subcore>, window_params = [{transform_indices = #map}, {transform_indices = #map}, {transform_indices = #map}, {transform_indices = #map1}]} {
    %mul3A = arith.constant 2 : i32
    %mul3A_0 = arith.muli %arg1, %mul3A : i32
    %add3A = arith.addi %mul3A_0, %arg0 : i32
    %broadcast_in_dim3A = arith.constant 0.000000e+00 : f32
    %broadcast_in_dim3A_1 = vector.broadcast %broadcast_in_dim3A : f32 to vector<16xf32>
    %broadcast_in_dim3A_2 = arith.constant 1.000000e+00 : f32
    %broadcast_in_dim3A_3 = vector.broadcast %broadcast_in_dim3A_2 : f32 to vector<16xf32>
    %scan3A = arith.constant 0 : i32
    %scan3A_4 = arith.constant 0 : i32
    %scan3A_5 = arith.constant 80 : i32
    %scan3A_6 = arith.addi %scan3A_4, %scan3A_5 : i32
    %scan3A_7 = arith.constant 1 : i32
    scf.for %scan3A_65 = %scan3A_4 to %scan3A_6 step %scan3A_7  : i32 {
      %swap3A_66 = arith.index_cast %scan3A_65 : i32 to index
      %swap3A_67 = arith.constant 0 : index
      %swap3A_68 = tpu.vector_load %arg8[%swap3A_66, %swap3A_67] {strides = array<i32>} : memref<80x128xf32, #tpu.memory_space<vmem>>, vector<16xf32>,
      tpu.vector_store %arg8[%swap3A_66, %swap3A_67], %broadcast_in_dim3A_1 {strides = array<i32>} : memref<80x128xf32, #tpu.memory_space<vmem>>, vector<16xf32>,
      %swap3A_69 = arith.index_cast %scan3A_65 : i32 to index
      %swap3A_70 = arith.constant 0 : index
      %swap3A_71 = tpu.vector_load %arg9[%swap3A_69, %swap3A_70] {strides = array<i32>} : memref<80x128xf32, #tpu.memory_space<vmem>>, vector<16xf32>,
      tpu.vector_store %arg9[%swap3A_69, %swap3A_70], %broadcast_in_dim3A_1 {strides = array<i32>} : memref<80x128xf32, #tpu.memory_space<vmem>>, vector<16xf32>,
      %swap3A_72 = arith.index_cast %scan3A_65 : i32 to index
      %swap3A_73 = arith.constant 16 : index
      %swap3A_74 = tpu.vector_load %arg8[%swap3A_72, %swap3A_73] {strides = array<i32>} : memref<80x128xf32, #tpu.memory_space<vmem>>, vector<16xf32>,
      tpu.vector_store %arg8[%swap3A_72, %swap3A_73], %broadcast_in_dim3A_1 {strides = array<i32>} : memref<80x128xf32, #tpu.memory_space<vmem>>, vector<16xf32>,
      %swap3A_75 = arith.index_cast %scan3A_65 : i32 to index
      %swap3A_76 = arith.constant 16 : index
      %swap3A_77 = tpu.vector_load %arg9[%swap3A_75, %swap3A_76] {strides = array<i32>} : memref<80x128xf32, #tpu.memory_space<vmem>>, vector<16xf32>,
      tpu.vector_store %arg9[%swap3A_75, %swap3A_76], %broadcast_in_dim3A_1 {strides = array<i32>} : memref<80x128xf32, #tpu.memory_space<vmem>>, vector<16xf32>,
      %swap3A_78 = arith.index_cast %scan3A_65 : i32 to index
      %swap3A_79 = arith.constant 32 : index
      %swap3A_80 = tpu.vector_load %arg8[%swap3A_78, %swap3A_79] {strides = array<i32>} : memref<80x128xf32, #tpu.memory_space<vmem>>, vector<16xf32>,
      tpu.vector_store %arg8[%swap3A_78, %swap3A_79], %broadcast_in_dim3A_1 {strides = array<i32>} : memref<80x128xf32, #tpu.memory_space<vmem>>, vector<16xf32>,
      %swap3A_81 = arith.index_cast %scan3A_65 : i32 to index
      %swap3A_82 = arith.constant 32 : index
      %swap3A_83 = tpu.vector_load %arg9[%swap3A_81, %swap3A_82] {strides = array<i32>} : memref<80x128xf32, #tpu.memory_space<vmem>>, vector<16xf32>,
      tpu.vector_store %arg9[%swap3A_81, %swap3A_82], %broadcast_in_dim3A_1 {strides = array<i32>} : memref<80x128xf32, #tpu.memory_space<vmem>>, vector<16xf32>,
      %swap3A_84 = arith.index_cast %scan3A_65 : i32 to index
      %swap3A_85 = arith.constant 48 : index
      %swap3A_86 = tpu.vector_load %arg8[%swap3A_84, %swap3A_85] {strides = array<i32>} : memref<80x128xf32, #tpu.memory_space<vmem>>, vector<16xf32>,
      tpu.vector_store %arg8[%swap3A_84, %swap3A_85], %broadcast_in_dim3A_1 {strides = array<i32>} : memref<80x128xf32, #tpu.memory_space<vmem>>, vector<16xf32>,
      %swap3A_87 = arith.index_cast %scan3A_65 : i32 to index
      %swap3A_88 = arith.constant 48 : index
      %swap3A_89 = tpu.vector_load %arg9[%swap3A_87, %swap3A_88] {strides = array<i32>} : memref<80x128xf32, #tpu.memory_space<vmem>>, vector<16xf32>,
      tpu.vector_store %arg9[%swap3A_87, %swap3A_88], %broadcast_in_dim3A_1 {strides = array<i32>} : memref<80x128xf32, #tpu.memory_space<vmem>>, vector<16xf32>,
      %swap3A_90 = arith.index_cast %scan3A_65 : i32 to index
      %swap3A_91 = arith.constant 64 : index
      %swap3A_92 = tpu.vector_load %arg8[%swap3A_90, %swap3A_91] {strides = array<i32>} : memref<80x128xf32, #tpu.memory_space<vmem>>, vector<16xf32>,
      tpu.vector_store %arg8[%swap3A_90, %swap3A_91], %broadcast_in_dim3A_1 {strides = array<i32>} : memref<80x128xf32, #tpu.memory_space<vmem>>, vector<16xf32>,
      %swap3A_93 = arith.index_cast %scan3A_65 : i32 to index
      %swap3A_94 = arith.constant 64 : index
      %swap3A_95 = tpu.vector_load %arg9[%swap3A_93, %swap3A_94] {strides = array<i32>} : memref<80x128xf32, #tpu.memory_space<vmem>>, vector<16xf32>,
      tpu.vector_store %arg9[%swap3A_93, %swap3A_94], %broadcast_in_dim3A_1 {strides = array<i32>} : memref<80x128xf32, #tpu.memory_space<vmem>>, vector<16xf32>,
      %swap3A_96 = arith.index_cast %scan3A_65 : i32 to index
      %swap3A_97 = arith.constant 80 : index
      %swap3A_98 = tpu.vector_load %arg8[%swap3A_96, %swap3A_97] {strides = array<i32>} : memref<80x128xf32, #tpu.memory_space<vmem>>, vector<16xf32>,
      tpu.vector_store %arg8[%swap3A_96, %swap3A_97], %broadcast_in_dim3A_1 {strides = array<i32>} : memref<80x128xf32, #tpu.memory_space<vmem>>, vector<16xf32>,
      %swap3A_99 = arith.index_cast %scan3A_65 : i32 to index
      %swap3A_100 = arith.constant 80 : index
      %swap3A_101 = tpu.vector_load %arg9[%swap3A_99, %swap3A_100] {strides = array<i32>} : memref<80x128xf32, #tpu.memory_space<vmem>>, vector<16xf32>,
      tpu.vector_store %arg9[%swap3A_99, %swap3A_100], %broadcast_in_dim3A_1 {strides = array<i32>} : memref<80x128xf32, #tpu.memory_space<vmem>>, vector<16xf32>,
      %swap3A_102 = arith.index_cast %scan3A_65 : i32 to index
      %swap3A_103 = arith.constant 96 : index
      %swap3A_104 = tpu.vector_load %arg8[%swap3A_102, %swap3A_103] {strides = array<i32>} : memref<80x128xf32, #tpu.memory_space<vmem>>, vector<16xf32>,
      tpu.vector_store %arg8[%swap3A_102, %swap3A_103], %broadcast_in_dim3A_1 {strides = array<i32>} : memref<80x128xf32, #tpu.memory_space<vmem>>, vector<16xf32>,
      %swap3A_105 = arith.index_cast %scan3A_65 : i32 to index
      %swap3A_106 = arith.constant 96 : index
      %swap3A_107 = tpu.vector_load %arg9[%swap3A_105, %swap3A_106] {strides = array<i32>} : memref<80x128xf32, #tpu.memory_space<vmem>>, vector<16xf32>,
      tpu.vector_store %arg9[%swap3A_105, %swap3A_106], %broadcast_in_dim3A_1 {strides = array<i32>} : memref<80x128xf32, #tpu.memory_space<vmem>>, vector<16xf32>,
      %swap3A_108 = arith.index_cast %scan3A_65 : i32 to index
      %swap3A_109 = arith.constant 112 : index
      %swap3A_110 = tpu.vector_load %arg8[%swap3A_108, %swap3A_109] {strides = array<i32>} : memref<80x128xf32, #tpu.memory_space<vmem>>, vector<16xf32>,
      tpu.vector_store %arg8[%swap3A_108, %swap3A_109], %broadcast_in_dim3A_1 {strides = array<i32>} : memref<80x128xf32, #tpu.memory_space<vmem>>, vector<16xf32>,
      %swap3A_111 = arith.index_cast %scan3A_65 : i32 to index
      %swap3A_112 = arith.constant 112 : index
      %swap3A_113 = tpu.vector_load %arg9[%swap3A_111, %swap3A_112] {strides = array<i32>} : memref<80x128xf32, #tpu.memory_space<vmem>>, vector<16xf32>,
      tpu.vector_store %arg9[%swap3A_111, %swap3A_112], %broadcast_in_dim3A_1 {strides = array<i32>} : memref<80x128xf32, #tpu.memory_space<vmem>>, vector<16xf32>,
    }
    %scan3A_8 = arith.constant 80 : i32
    %iota3A = tpu.iota {dimensions = array<i32: 0>} : vector<16xi32>
    %add3A_9 = arith.constant 0 : i32
    %add3A_10 = vector.broadcast %add3A_9 : i32 to vector<16xi32>
    %add3A_11 = arith.addi %iota3A, %add3A_10 : vector<16xi32>
    %swap3A = arith.constant 0 : index
    %swap3A_12 = tpu.vector_load %arg10[%swap3A] {strides = array<i32>} : memref<80xi32, #tpu.memory_space<vmem>>, vector<16xi32>,
    tpu.vector_store %arg10[%swap3A], %add3A_11 {strides = array<i32>} : memref<80xi32, #tpu.memory_space<vmem>>, vector<16xi32>,
    %iota3A_13 = tpu.iota {dimensions = array<i32: 0>} : vector<16xi32>
    %add3A_14 = arith.constant 16 : i32
    %add3A_15 = vector.broadcast %add3A_14 : i32 to vector<16xi32>
    %add3A_16 = arith.addi %iota3A_13, %add3A_15 : vector<16xi32>
    %swap3A_17 = arith.constant 16 : index
    %swap3A_18 = tpu.vector_load %arg10[%swap3A_17] {strides = array<i32>} : memref<80xi32, #tpu.memory_space<vmem>>, vector<16xi32>,
    tpu.vector_store %arg10[%swap3A_17], %add3A_16 {strides = array<i32>} : memref<80xi32, #tpu.memory_space<vmem>>, vector<16xi32>,
    %iota3A_19 = tpu.iota {dimensions = array<i32: 0>} : vector<16xi32>
    %add3A_20 = arith.constant 32 : i32
    %add3A_21 = vector.broadcast %add3A_20 : i32 to vector<16xi32>
    %add3A_22 = arith.addi %iota3A_19, %add3A_21 : vector<16xi32>
    %swap3A_23 = arith.constant 32 : index
    %swap3A_24 = tpu.vector_load %arg10[%swap3A_23] {strides = array<i32>} : memref<80xi32, #tpu.memory_space<vmem>>, vector<16xi32>,
    tpu.vector_store %arg10[%swap3A_23], %add3A_22 {strides = array<i32>} : memref<80xi32, #tpu.memory_space<vmem>>, vector<16xi32>,
    %iota3A_25 = tpu.iota {dimensions = array<i32: 0>} : vector<16xi32>
    %add3A_26 = arith.constant 48 : i32
    %add3A_27 = vector.broadcast %add3A_26 : i32 to vector<16xi32>
    %add3A_28 = arith.addi %iota3A_25, %add3A_27 : vector<16xi32>
    %swap3A_29 = arith.constant 48 : index
    %swap3A_30 = tpu.vector_load %arg10[%swap3A_29] {strides = array<i32>} : memref<80xi32, #tpu.memory_space<vmem>>, vector<16xi32>,
    tpu.vector_store %arg10[%swap3A_29], %add3A_28 {strides = array<i32>} : memref<80xi32, #tpu.memory_space<vmem>>, vector<16xi32>,
    %iota3A_31 = tpu.iota {dimensions = array<i32: 0>} : vector<16xi32>
    %add3A_32 = arith.constant 64 : i32
    %add3A_33 = vector.broadcast %add3A_32 : i32 to vector<16xi32>
    %add3A_34 = arith.addi %iota3A_31, %add3A_33 : vector<16xi32>
    %swap3A_35 = arith.constant 64 : index
    %swap3A_36 = tpu.vector_load %arg10[%swap3A_35] {strides = array<i32>} : memref<80xi32, #tpu.memory_space<vmem>>, vector<16xi32>,
    tpu.vector_store %arg10[%swap3A_35], %add3A_34 {strides = array<i32>} : memref<80xi32, #tpu.memory_space<vmem>>, vector<16xi32>,
    %eq3A = arith.constant 0 : i32
    %eq3A_37 = arith.cmpi eq, %arg1, %eq3A : i32
    %convert_element_type3A = arith.extui %eq3A_37 : i1 to i32
    %cond3A = arith.constant 0 : i32
    %cond3A_38 = arith.cmpi ne, %convert_element_type3A, %cond3A : i32
    scf.if %cond3A_38 {
      "tpu.region"() ({
        %run_scoped3A = tpu.sem_alloc : memref<!tpu.dma_semaphore, #tpu.memory_space<semaphore_mem>>
        tpu.enqueue_dma source(%arg9 : memref<80x128xf32, #tpu.memory_space<vmem>>) target(%arg11 : memref<80x128xf32, #tpu.memory_space<vmem_shared>>) target_semaphore(%run_scoped3A : memref<!tpu.dma_semaphore, #tpu.memory_space<semaphore_mem>>)
        tpu.wait_dma2 semaphore(%run_scoped3A : memref<!tpu.dma_semaphore, #tpu.memory_space<semaphore_mem>>) src(%arg9 : memref<80x128xf32, #tpu.memory_space<vmem>>) dst(%arg11 : memref<80x128xf32, #tpu.memory_space<vmem_shared>>)
        tpu.yield
      }) : () -> ()
    } else {
    }
    %barrier3A = arith.constant 0 : index
    tpu.barrier barrier_id(%barrier3A)
    %scan3A_39 = arith.constant 0 : i32
    %scan3A_40 = arith.constant 0 : i32
    %scan3A_41 = arith.constant 20 : i32
    %scan3A_42 = arith.addi %scan3A_40, %scan3A_41 : i32
    %scan3A_43 = arith.constant 1 : i32
    scf.for %scan3A_65 = %scan3A_40 to %scan3A_42 step %scan3A_43  : i32 {
      %mul3A_66 = arith.constant 20 : i32
      %mul3A_67 = arith.muli %arg1, %mul3A_66 : i32
      %add3A_68 = arith.addi %mul3A_67, %scan3A_65 : i32
      %mul3A_69 = arith.constant 8 : i32
      %mul3A_70 = arith.muli %add3A_68, %mul3A_69 : i32
      "tpu.region"() ({
        %run_scoped3A = tpu.sem_alloc : memref<!tpu.dma_semaphore, #tpu.memory_space<semaphore_mem>>
        %dma_start3A = arith.constant 0 : i32
        %dma_start3A_709 = tpu.memref_slice %arg3[%mul3A_70, %dma_start3A] : memref<2560x128xi32, #tpu.memory_space<hbm>> -> memref<8x128xi32, #tpu.memory_space<hbm>>
        %dma_start3A_710 = arith.constant 0 : i32
        %dma_start3A_711 = tpu.memref_slice %arg3[%mul3A_70, %dma_start3A_710] : memref<2560x128xi32, #tpu.memory_space<hbm>> -> memref<8x128xi32, #tpu.memory_space<hbm>>
        tpu.enqueue_dma source(%dma_start3A_711 : memref<8x128xi32, #tpu.memory_space<hbm>>) target(%arg7 : memref<8x128xi32, #tpu.memory_space<vmem>>) target_semaphore(%run_scoped3A : memref<!tpu.dma_semaphore, #tpu.memory_space<semaphore_mem>>)
        %dma_wait3A = arith.constant 0 : i32
        %dma_wait3A_712 = tpu.memref_slice %arg3[%mul3A_70, %dma_wait3A] : memref<2560x128xi32, #tpu.memory_space<hbm>> -> memref<8x128xi32, #tpu.memory_space<hbm>>
        %dma_wait3A_713 = arith.constant 0 : i32
        %dma_wait3A_714 = tpu.memref_slice %arg3[%mul3A_70, %dma_wait3A_713] : memref<2560x128xi32, #tpu.memory_space<hbm>> -> memref<8x128xi32, #tpu.memory_space<hbm>>
        tpu.wait_dma2 semaphore(%run_scoped3A : memref<!tpu.dma_semaphore, #tpu.memory_space<semaphore_mem>>) src(%dma_wait3A_714 : memref<8x128xi32, #tpu.memory_space<hbm>>) dst(%arg7 : memref<8x128xi32, #tpu.memory_space<vmem>>)
        tpu.yield
      }) : () -> ()
      %get3A = arith.constant 0 : i32
      %get3A_71 = arith.index_cast %get3A : i32 to index
      %get3A_72 = arith.constant 0 : index
      %get3A_73 = tpu.vector_load %arg7[%get3A_71, %get3A_72] {strides = array<i32>} : memref<8x128xi32, #tpu.memory_space<vmem>>, vector<16xi32>,
      %shift_right_arithmetic3A = arith.constant 7 : i32
      %shift_right_arithmetic3A_74 = vector.broadcast %shift_right_arithmetic3A : i32 to vector<16xi32>
      %shift_right_arithmetic3A_75 = arith.shrsi %get3A_73, %shift_right_arithmetic3A_74 : vector<16xi32>
      %and3A_76 = arith.constant 127 : i32
      %and3A_77 = vector.broadcast %and3A_76 : i32 to vector<16xi32>
      %and3A_78 = arith.andi %get3A_73, %and3A_77 : vector<16xi32>
      tpu.vector_store_idx %arg8[%shift_right_arithmetic3A_75, %and3A_78], %broadcast_in_dim3A_3 {add = true} : memref<80x128xf32, #tpu.memory_space<vmem>>[vector<16xi32>, vector<16xi32>], vector<16xf32>,
      %get3A_79 = arith.constant 0 : i32
      %get3A_80 = arith.index_cast %get3A_79 : i32 to index
      %get3A_81 = arith.constant 16 : index
      %get3A_82 = tpu.vector_load %arg7[%get3A_80, %get3A_81] {strides = array<i32>} : memref<8x128xi32, #tpu.memory_space<vmem>>, vector<16xi32>,
      %shift_right_arithmetic3A_83 = arith.constant 7 : i32
      %shift_right_arithmetic3A_84 = vector.broadcast %shift_right_arithmetic3A_83 : i32 to vector<16xi32>
      %shift_right_arithmetic3A_85 = arith.shrsi %get3A_82, %shift_right_arithmetic3A_84 : vector<16xi32>
      %and3A_86 = arith.constant 127 : i32
      %and3A_87 = vector.broadcast %and3A_86 : i32 to vector<16xi32>
      %and3A_88 = arith.andi %get3A_82, %and3A_87 : vector<16xi32>
      tpu.vector_store_idx %arg8[%shift_right_arithmetic3A_85, %and3A_88], %broadcast_in_dim3A_3 {add = true} : memref<80x128xf32, #tpu.memory_space<vmem>>[vector<16xi32>, vector<16xi32>], vector<16xf32>,
      %get3A_89 = arith.constant 0 : i32
      %get3A_90 = arith.index_cast %get3A_89 : i32 to index
      %get3A_91 = arith.constant 32 : index
      %get3A_92 = tpu.vector_load %arg7[%get3A_90, %get3A_91] {strides = array<i32>} : memref<8x128xi32, #tpu.memory_space<vmem>>, vector<16xi32>,
      %shift_right_arithmetic3A_93 = arith.constant 7 : i32
      %shift_right_arithmetic3A_94 = vector.broadcast %shift_right_arithmetic3A_93 : i32 to vector<16xi32>
      %shift_right_arithmetic3A_95 = arith.shrsi %get3A_92, %shift_right_arithmetic3A_94 : vector<16xi32>
      %and3A_96 = arith.constant 127 : i32
      %and3A_97 = vector.broadcast %and3A_96 : i32 to vector<16xi32>
      %and3A_98 = arith.andi %get3A_92, %and3A_97 : vector<16xi32>
      tpu.vector_store_idx %arg8[%shift_right_arithmetic3A_95, %and3A_98], %broadcast_in_dim3A_3 {add = true} : memref<80x128xf32, #tpu.memory_space<vmem>>[vector<16xi32>, vector<16xi32>], vector<16xf32>,
      %get3A_99 = arith.constant 0 : i32
      %get3A_100 = arith.index_cast %get3A_99 : i32 to index
      %get3A_101 = arith.constant 48 : index
      %get3A_102 = tpu.vector_load %arg7[%get3A_100, %get3A_101] {strides = array<i32>} : memref<8x128xi32, #tpu.memory_space<vmem>>, vector<16xi32>,
      %shift_right_arithmetic3A_103 = arith.constant 7 : i32
      %shift_right_arithmetic3A_104 = vector.broadcast %shift_right_arithmetic3A_103 : i32 to vector<16xi32>
      %shift_right_arithmetic3A_105 = arith.shrsi %get3A_102, %shift_right_arithmetic3A_104 : vector<16xi32>
      %and3A_106 = arith.constant 127 : i32
      %and3A_107 = vector.broadcast %and3A_106 : i32 to vector<16xi32>
      %and3A_108 = arith.andi %get3A_102, %and3A_107 : vector<16xi32>
      tpu.vector_store_idx %arg8[%shift_right_arithmetic3A_105, %and3A_108], %broadcast_in_dim3A_3 {add = true} : memref<80x128xf32, #tpu.memory_space<vmem>>[vector<16xi32>, vector<16xi32>], vector<16xf32>,
      %get3A_109 = arith.constant 0 : i32
      %get3A_110 = arith.index_cast %get3A_109 : i32 to index
      %get3A_111 = arith.constant 64 : index
      %get3A_112 = tpu.vector_load %arg7[%get3A_110, %get3A_111] {strides = array<i32>} : memref<8x128xi32, #tpu.memory_space<vmem>>, vector<16xi32>,
      %shift_right_arithmetic3A_113 = arith.constant 7 : i32
      %shift_right_arithmetic3A_114 = vector.broadcast %shift_right_arithmetic3A_113 : i32 to vector<16xi32>
      %shift_right_arithmetic3A_115 = arith.shrsi %get3A_112, %shift_right_arithmetic3A_114 : vector<16xi32>
      %and3A_116 = arith.constant 127 : i32
      %and3A_117 = vector.broadcast %and3A_116 : i32 to vector<16xi32>
      %and3A_118 = arith.andi %get3A_112, %and3A_117 : vector<16xi32>
      tpu.vector_store_idx %arg8[%shift_right_arithmetic3A_115, %and3A_118], %broadcast_in_dim3A_3 {add = true} : memref<80x128xf32, #tpu.memory_space<vmem>>[vector<16xi32>, vector<16xi32>], vector<16xf32>,
      %get3A_119 = arith.constant 0 : i32
      %get3A_120 = arith.index_cast %get3A_119 : i32 to index
      %get3A_121 = arith.constant 80 : index
      %get3A_122 = tpu.vector_load %arg7[%get3A_120, %get3A_121] {strides = array<i32>} : memref<8x128xi32, #tpu.memory_space<vmem>>, vector<16xi32>,
      %shift_right_arithmetic3A_123 = arith.constant 7 : i32
      %shift_right_arithmetic3A_124 = vector.broadcast %shift_right_arithmetic3A_123 : i32 to vector<16xi32>
      %shift_right_arithmetic3A_125 = arith.shrsi %get3A_122, %shift_right_arithmetic3A_124 : vector<16xi32>
      %and3A_126 = arith.constant 127 : i32
      %and3A_127 = vector.broadcast %and3A_126 : i32 to vector<16xi32>
      %and3A_128 = arith.andi %get3A_122, %and3A_127 : vector<16xi32>
      tpu.vector_store_idx %arg8[%shift_right_arithmetic3A_125, %and3A_128], %broadcast_in_dim3A_3 {add = true} : memref<80x128xf32, #tpu.memory_space<vmem>>[vector<16xi32>, vector<16xi32>], vector<16xf32>,
      %get3A_129 = arith.constant 0 : i32
      %get3A_130 = arith.index_cast %get3A_129 : i32 to index
      %get3A_131 = arith.constant 96 : index
      %get3A_132 = tpu.vector_load %arg7[%get3A_130, %get3A_131] {strides = array<i32>} : memref<8x128xi32, #tpu.memory_space<vmem>>, vector<16xi32>,
      %shift_right_arithmetic3A_133 = arith.constant 7 : i32
      %shift_right_arithmetic3A_134 = vector.broadcast %shift_right_arithmetic3A_133 : i32 to vector<16xi32>
      %shift_right_arithmetic3A_135 = arith.shrsi %get3A_132, %shift_right_arithmetic3A_134 : vector<16xi32>
      %and3A_136 = arith.constant 127 : i32
      %and3A_137 = vector.broadcast %and3A_136 : i32 to vector<16xi32>
      %and3A_138 = arith.andi %get3A_132, %and3A_137 : vector<16xi32>
      tpu.vector_store_idx %arg8[%shift_right_arithmetic3A_135, %and3A_138], %broadcast_in_dim3A_3 {add = true} : memref<80x128xf32, #tpu.memory_space<vmem>>[vector<16xi32>, vector<16xi32>], vector<16xf32>,
      %get3A_139 = arith.constant 0 : i32
      %get3A_140 = arith.index_cast %get3A_139 : i32 to index
      %get3A_141 = arith.constant 112 : index
      %get3A_142 = tpu.vector_load %arg7[%get3A_140, %get3A_141] {strides = array<i32>} : memref<8x128xi32, #tpu.memory_space<vmem>>, vector<16xi32>,
      %shift_right_arithmetic3A_143 = arith.constant 7 : i32
      %shift_right_arithmetic3A_144 = vector.broadcast %shift_right_arithmetic3A_143 : i32 to vector<16xi32>
      %shift_right_arithmetic3A_145 = arith.shrsi %get3A_142, %shift_right_arithmetic3A_144 : vector<16xi32>
      %and3A_146 = arith.constant 127 : i32
      %and3A_147 = vector.broadcast %and3A_146 : i32 to vector<16xi32>
      %and3A_148 = arith.andi %get3A_142, %and3A_147 : vector<16xi32>
      tpu.vector_store_idx %arg8[%shift_right_arithmetic3A_145, %and3A_148], %broadcast_in_dim3A_3 {add = true} : memref<80x128xf32, #tpu.memory_space<vmem>>[vector<16xi32>, vector<16xi32>], vector<16xf32>,
      %get3A_149 = arith.constant 1 : i32
      %get3A_150 = arith.index_cast %get3A_149 : i32 to index
      %get3A_151 = arith.constant 0 : index
      %get3A_152 = tpu.vector_load %arg7[%get3A_150, %get3A_151] {strides = array<i32>} : memref<8x128xi32, #tpu.memory_space<vmem>>, vector<16xi32>,
      %shift_right_arithmetic3A_153 = arith.constant 7 : i32
      %shift_right_arithmetic3A_154 = vector.broadcast %shift_right_arithmetic3A_153 : i32 to vector<16xi32>
      %shift_right_arithmetic3A_155 = arith.shrsi %get3A_152, %shift_right_arithmetic3A_154 : vector<16xi32>
      %and3A_156 = arith.constant 127 : i32
      %and3A_157 = vector.broadcast %and3A_156 : i32 to vector<16xi32>
      %and3A_158 = arith.andi %get3A_152, %and3A_157 : vector<16xi32>
      tpu.vector_store_idx %arg8[%shift_right_arithmetic3A_155, %and3A_158], %broadcast_in_dim3A_3 {add = true} : memref<80x128xf32, #tpu.memory_space<vmem>>[vector<16xi32>, vector<16xi32>], vector<16xf32>,
      %get3A_159 = arith.constant 1 : i32
      %get3A_160 = arith.index_cast %get3A_159 : i32 to index
      %get3A_161 = arith.constant 16 : index
      %get3A_162 = tpu.vector_load %arg7[%get3A_160, %get3A_161] {strides = array<i32>} : memref<8x128xi32, #tpu.memory_space<vmem>>, vector<16xi32>,
      %shift_right_arithmetic3A_163 = arith.constant 7 : i32
      %shift_right_arithmetic3A_164 = vector.broadcast %shift_right_arithmetic3A_163 : i32 to vector<16xi32>
      %shift_right_arithmetic3A_165 = arith.shrsi %get3A_162, %shift_right_arithmetic3A_164 : vector<16xi32>
      %and3A_166 = arith.constant 127 : i32
      %and3A_167 = vector.broadcast %and3A_166 : i32 to vector<16xi32>
      %and3A_168 = arith.andi %get3A_162, %and3A_167 : vector<16xi32>
      tpu.vector_store_idx %arg8[%shift_right_arithmetic3A_165, %and3A_168], %broadcast_in_dim3A_3 {add = true} : memref<80x128xf32, #tpu.memory_space<vmem>>[vector<16xi32>, vector<16xi32>], vector<16xf32>,
      %get3A_169 = arith.constant 1 : i32
      %get3A_170 = arith.index_cast %get3A_169 : i32 to index
      %get3A_171 = arith.constant 32 : index
      %get3A_172 = tpu.vector_load %arg7[%get3A_170, %get3A_171] {strides = array<i32>} : memref<8x128xi32, #tpu.memory_space<vmem>>, vector<16xi32>,
      %shift_right_arithmetic3A_173 = arith.constant 7 : i32
      %shift_right_arithmetic3A_174 = vector.broadcast %shift_right_arithmetic3A_173 : i32 to vector<16xi32>
      %shift_right_arithmetic3A_175 = arith.shrsi %get3A_172, %shift_right_arithmetic3A_174 : vector<16xi32>
      %and3A_176 = arith.constant 127 : i32
      %and3A_177 = vector.broadcast %and3A_176 : i32 to vector<16xi32>
      %and3A_178 = arith.andi %get3A_172, %and3A_177 : vector<16xi32>
      tpu.vector_store_idx %arg8[%shift_right_arithmetic3A_175, %and3A_178], %broadcast_in_dim3A_3 {add = true} : memref<80x128xf32, #tpu.memory_space<vmem>>[vector<16xi32>, vector<16xi32>], vector<16xf32>,
      %get3A_179 = arith.constant 1 : i32
      %get3A_180 = arith.index_cast %get3A_179 : i32 to index
      %get3A_181 = arith.constant 48 : index
      %get3A_182 = tpu.vector_load %arg7[%get3A_180, %get3A_181] {strides = array<i32>} : memref<8x128xi32, #tpu.memory_space<vmem>>, vector<16xi32>,
      %shift_right_arithmetic3A_183 = arith.constant 7 : i32
      %shift_right_arithmetic3A_184 = vector.broadcast %shift_right_arithmetic3A_183 : i32 to vector<16xi32>
      %shift_right_arithmetic3A_185 = arith.shrsi %get3A_182, %shift_right_arithmetic3A_184 : vector<16xi32>
      %and3A_186 = arith.constant 127 : i32
      %and3A_187 = vector.broadcast %and3A_186 : i32 to vector<16xi32>
      %and3A_188 = arith.andi %get3A_182, %and3A_187 : vector<16xi32>
      tpu.vector_store_idx %arg8[%shift_right_arithmetic3A_185, %and3A_188], %broadcast_in_dim3A_3 {add = true} : memref<80x128xf32, #tpu.memory_space<vmem>>[vector<16xi32>, vector<16xi32>], vector<16xf32>,
      %get3A_189 = arith.constant 1 : i32
      %get3A_190 = arith.index_cast %get3A_189 : i32 to index
      %get3A_191 = arith.constant 64 : index
      %get3A_192 = tpu.vector_load %arg7[%get3A_190, %get3A_191] {strides = array<i32>} : memref<8x128xi32, #tpu.memory_space<vmem>>, vector<16xi32>,
      %shift_right_arithmetic3A_193 = arith.constant 7 : i32
      %shift_right_arithmetic3A_194 = vector.broadcast %shift_right_arithmetic3A_193 : i32 to vector<16xi32>
      %shift_right_arithmetic3A_195 = arith.shrsi %get3A_192, %shift_right_arithmetic3A_194 : vector<16xi32>
      %and3A_196 = arith.constant 127 : i32
      %and3A_197 = vector.broadcast %and3A_196 : i32 to vector<16xi32>
      %and3A_198 = arith.andi %get3A_192, %and3A_197 : vector<16xi32>
      tpu.vector_store_idx %arg8[%shift_right_arithmetic3A_195, %and3A_198], %broadcast_in_dim3A_3 {add = true} : memref<80x128xf32, #tpu.memory_space<vmem>>[vector<16xi32>, vector<16xi32>], vector<16xf32>,
      %get3A_199 = arith.constant 1 : i32
      %get3A_200 = arith.index_cast %get3A_199 : i32 to index
      %get3A_201 = arith.constant 80 : index
      %get3A_202 = tpu.vector_load %arg7[%get3A_200, %get3A_201] {strides = array<i32>} : memref<8x128xi32, #tpu.memory_space<vmem>>, vector<16xi32>,
      %shift_right_arithmetic3A_203 = arith.constant 7 : i32
      %shift_right_arithmetic3A_204 = vector.broadcast %shift_right_arithmetic3A_203 : i32 to vector<16xi32>
      %shift_right_arithmetic3A_205 = arith.shrsi %get3A_202, %shift_right_arithmetic3A_204 : vector<16xi32>
      %and3A_206 = arith.constant 127 : i32
      %and3A_207 = vector.broadcast %and3A_206 : i32 to vector<16xi32>
      %and3A_208 = arith.andi %get3A_202, %and3A_207 : vector<16xi32>
      tpu.vector_store_idx %arg8[%shift_right_arithmetic3A_205, %and3A_208], %broadcast_in_dim3A_3 {add = true} : memref<80x128xf32, #tpu.memory_space<vmem>>[vector<16xi32>, vector<16xi32>], vector<16xf32>,
      %get3A_209 = arith.constant 1 : i32
      %get3A_210 = arith.index_cast %get3A_209 : i32 to index
      %get3A_211 = arith.constant 96 : index
      %get3A_212 = tpu.vector_load %arg7[%get3A_210, %get3A_211] {strides = array<i32>} : memref<8x128xi32, #tpu.memory_space<vmem>>, vector<16xi32>,
      %shift_right_arithmetic3A_213 = arith.constant 7 : i32
      %shift_right_arithmetic3A_214 = vector.broadcast %shift_right_arithmetic3A_213 : i32 to vector<16xi32>
      %shift_right_arithmetic3A_215 = arith.shrsi %get3A_212, %shift_right_arithmetic3A_214 : vector<16xi32>
      %and3A_216 = arith.constant 127 : i32
      %and3A_217 = vector.broadcast %and3A_216 : i32 to vector<16xi32>
      %and3A_218 = arith.andi %get3A_212, %and3A_217 : vector<16xi32>
      tpu.vector_store_idx %arg8[%shift_right_arithmetic3A_215, %and3A_218], %broadcast_in_dim3A_3 {add = true} : memref<80x128xf32, #tpu.memory_space<vmem>>[vector<16xi32>, vector<16xi32>], vector<16xf32>,
      %get3A_219 = arith.constant 1 : i32
      %get3A_220 = arith.index_cast %get3A_219 : i32 to index
      %get3A_221 = arith.constant 112 : index
      %get3A_222 = tpu.vector_load %arg7[%get3A_220, %get3A_221] {strides = array<i32>} : memref<8x128xi32, #tpu.memory_space<vmem>>, vector<16xi32>,
      %shift_right_arithmetic3A_223 = arith.constant 7 : i32
      %shift_right_arithmetic3A_224 = vector.broadcast %shift_right_arithmetic3A_223 : i32 to vector<16xi32>
      %shift_right_arithmetic3A_225 = arith.shrsi %get3A_222, %shift_right_arithmetic3A_224 : vector<16xi32>
      %and3A_226 = arith.constant 127 : i32
      %and3A_227 = vector.broadcast %and3A_226 : i32 to vector<16xi32>
      %and3A_228 = arith.andi %get3A_222, %and3A_227 : vector<16xi32>
      tpu.vector_store_idx %arg8[%shift_right_arithmetic3A_225, %and3A_228], %broadcast_in_dim3A_3 {add = true} : memref<80x128xf32, #tpu.memory_space<vmem>>[vector<16xi32>, vector<16xi32>], vector<16xf32>,
      %get3A_229 = arith.constant 2 : i32
      %get3A_230 = arith.index_cast %get3A_229 : i32 to index
      %get3A_231 = arith.constant 0 : index
      %get3A_232 = tpu.vector_load %arg7[%get3A_230, %get3A_231] {strides = array<i32>} : memref<8x128xi32, #tpu.memory_space<vmem>>, vector<16xi32>,
      %shift_right_arithmetic3A_233 = arith.constant 7 : i32
      %shift_right_arithmetic3A_234 = vector.broadcast %shift_right_arithmetic3A_233 : i32 to vector<16xi32>
      %shift_right_arithmetic3A_235 = arith.shrsi %get3A_232, %shift_right_arithmetic3A_234 : vector<16xi32>
      %and3A_236 = arith.constant 127 : i32
      %and3A_237 = vector.broadcast %and3A_236 : i32 to vector<16xi32>
      %and3A_238 = arith.andi %get3A_232, %and3A_237 : vector<16xi32>
      tpu.vector_store_idx %arg8[%shift_right_arithmetic3A_235, %and3A_238], %broadcast_in_dim3A_3 {add = true} : memref<80x128xf32, #tpu.memory_space<vmem>>[vector<16xi32>, vector<16xi32>], vector<16xf32>,
      %get3A_239 = arith.constant 2 : i32
      %get3A_240 = arith.index_cast %get3A_239 : i32 to index
      %get3A_241 = arith.constant 16 : index
      %get3A_242 = tpu.vector_load %arg7[%get3A_240, %get3A_241] {strides = array<i32>} : memref<8x128xi32, #tpu.memory_space<vmem>>, vector<16xi32>,
      %shift_right_arithmetic3A_243 = arith.constant 7 : i32
      %shift_right_arithmetic3A_244 = vector.broadcast %shift_right_arithmetic3A_243 : i32 to vector<16xi32>
      %shift_right_arithmetic3A_245 = arith.shrsi %get3A_242, %shift_right_arithmetic3A_244 : vector<16xi32>
      %and3A_246 = arith.constant 127 : i32
      %and3A_247 = vector.broadcast %and3A_246 : i32 to vector<16xi32>
      %and3A_248 = arith.andi %get3A_242, %and3A_247 : vector<16xi32>
      tpu.vector_store_idx %arg8[%shift_right_arithmetic3A_245, %and3A_248], %broadcast_in_dim3A_3 {add = true} : memref<80x128xf32, #tpu.memory_space<vmem>>[vector<16xi32>, vector<16xi32>], vector<16xf32>,
      %get3A_249 = arith.constant 2 : i32
      %get3A_250 = arith.index_cast %get3A_249 : i32 to index
      %get3A_251 = arith.constant 32 : index
      %get3A_252 = tpu.vector_load %arg7[%get3A_250, %get3A_251] {strides = array<i32>} : memref<8x128xi32, #tpu.memory_space<vmem>>, vector<16xi32>,
      %shift_right_arithmetic3A_253 = arith.constant 7 : i32
      %shift_right_arithmetic3A_254 = vector.broadcast %shift_right_arithmetic3A_253 : i32 to vector<16xi32>
      %shift_right_arithmetic3A_255 = arith.shrsi %get3A_252, %shift_right_arithmetic3A_254 : vector<16xi32>
      %and3A_256 = arith.constant 127 : i32
      %and3A_257 = vector.broadcast %and3A_256 : i32 to vector<16xi32>
      %and3A_258 = arith.andi %get3A_252, %and3A_257 : vector<16xi32>
      tpu.vector_store_idx %arg8[%shift_right_arithmetic3A_255, %and3A_258], %broadcast_in_dim3A_3 {add = true} : memref<80x128xf32, #tpu.memory_space<vmem>>[vector<16xi32>, vector<16xi32>], vector<16xf32>,
      %get3A_259 = arith.constant 2 : i32
      %get3A_260 = arith.index_cast %get3A_259 : i32 to index
      %get3A_261 = arith.constant 48 : index
      %get3A_262 = tpu.vector_load %arg7[%get3A_260, %get3A_261] {strides = array<i32>} : memref<8x128xi32, #tpu.memory_space<vmem>>, vector<16xi32>,
      %shift_right_arithmetic3A_263 = arith.constant 7 : i32
      %shift_right_arithmetic3A_264 = vector.broadcast %shift_right_arithmetic3A_263 : i32 to vector<16xi32>
      %shift_right_arithmetic3A_265 = arith.shrsi %get3A_262, %shift_right_arithmetic3A_264 : vector<16xi32>
      %and3A_266 = arith.constant 127 : i32
      %and3A_267 = vector.broadcast %and3A_266 : i32 to vector<16xi32>
      %and3A_268 = arith.andi %get3A_262, %and3A_267 : vector<16xi32>
      tpu.vector_store_idx %arg8[%shift_right_arithmetic3A_265, %and3A_268], %broadcast_in_dim3A_3 {add = true} : memref<80x128xf32, #tpu.memory_space<vmem>>[vector<16xi32>, vector<16xi32>], vector<16xf32>,
      %get3A_269 = arith.constant 2 : i32
      %get3A_270 = arith.index_cast %get3A_269 : i32 to index
      %get3A_271 = arith.constant 64 : index
      %get3A_272 = tpu.vector_load %arg7[%get3A_270, %get3A_271] {strides = array<i32>} : memref<8x128xi32, #tpu.memory_space<vmem>>, vector<16xi32>,
      %shift_right_arithmetic3A_273 = arith.constant 7 : i32
      %shift_right_arithmetic3A_274 = vector.broadcast %shift_right_arithmetic3A_273 : i32 to vector<16xi32>
      %shift_right_arithmetic3A_275 = arith.shrsi %get3A_272, %shift_right_arithmetic3A_274 : vector<16xi32>
      %and3A_276 = arith.constant 127 : i32
      %and3A_277 = vector.broadcast %and3A_276 : i32 to vector<16xi32>
      %and3A_278 = arith.andi %get3A_272, %and3A_277 : vector<16xi32>
      tpu.vector_store_idx %arg8[%shift_right_arithmetic3A_275, %and3A_278], %broadcast_in_dim3A_3 {add = true} : memref<80x128xf32, #tpu.memory_space<vmem>>[vector<16xi32>, vector<16xi32>], vector<16xf32>,
      %get3A_279 = arith.constant 2 : i32
      %get3A_280 = arith.index_cast %get3A_279 : i32 to index
      %get3A_281 = arith.constant 80 : index
      %get3A_282 = tpu.vector_load %arg7[%get3A_280, %get3A_281] {strides = array<i32>} : memref<8x128xi32, #tpu.memory_space<vmem>>, vector<16xi32>,
      %shift_right_arithmetic3A_283 = arith.constant 7 : i32
      %shift_right_arithmetic3A_284 = vector.broadcast %shift_right_arithmetic3A_283 : i32 to vector<16xi32>
      %shift_right_arithmetic3A_285 = arith.shrsi %get3A_282, %shift_right_arithmetic3A_284 : vector<16xi32>
      %and3A_286 = arith.constant 127 : i32
      %and3A_287 = vector.broadcast %and3A_286 : i32 to vector<16xi32>
      %and3A_288 = arith.andi %get3A_282, %and3A_287 : vector<16xi32>
      tpu.vector_store_idx %arg8[%shift_right_arithmetic3A_285, %and3A_288], %broadcast_in_dim3A_3 {add = true} : memref<80x128xf32, #tpu.memory_space<vmem>>[vector<16xi32>, vector<16xi32>], vector<16xf32>,
      %get3A_289 = arith.constant 2 : i32
      %get3A_290 = arith.index_cast %get3A_289 : i32 to index
      %get3A_291 = arith.constant 96 : index
      %get3A_292 = tpu.vector_load %arg7[%get3A_290, %get3A_291] {strides = array<i32>} : memref<8x128xi32, #tpu.memory_space<vmem>>, vector<16xi32>,
      %shift_right_arithmetic3A_293 = arith.constant 7 : i32
      %shift_right_arithmetic3A_294 = vector.broadcast %shift_right_arithmetic3A_293 : i32 to vector<16xi32>
      %shift_right_arithmetic3A_295 = arith.shrsi %get3A_292, %shift_right_arithmetic3A_294 : vector<16xi32>
      %and3A_296 = arith.constant 127 : i32
      %and3A_297 = vector.broadcast %and3A_296 : i32 to vector<16xi32>
      %and3A_298 = arith.andi %get3A_292, %and3A_297 : vector<16xi32>
      tpu.vector_store_idx %arg8[%shift_right_arithmetic3A_295, %and3A_298], %broadcast_in_dim3A_3 {add = true} : memref<80x128xf32, #tpu.memory_space<vmem>>[vector<16xi32>, vector<16xi32>], vector<16xf32>,
      %get3A_299 = arith.constant 2 : i32
      %get3A_300 = arith.index_cast %get3A_299 : i32 to index
      %get3A_301 = arith.constant 112 : index
      %get3A_302 = tpu.vector_load %arg7[%get3A_300, %get3A_301] {strides = array<i32>} : memref<8x128xi32, #tpu.memory_space<vmem>>, vector<16xi32>,
      %shift_right_arithmetic3A_303 = arith.constant 7 : i32
      %shift_right_arithmetic3A_304 = vector.broadcast %shift_right_arithmetic3A_303 : i32 to vector<16xi32>
      %shift_right_arithmetic3A_305 = arith.shrsi %get3A_302, %shift_right_arithmetic3A_304 : vector<16xi32>
      %and3A_306 = arith.constant 127 : i32
      %and3A_307 = vector.broadcast %and3A_306 : i32 to vector<16xi32>
      %and3A_308 = arith.andi %get3A_302, %and3A_307 : vector<16xi32>
      tpu.vector_store_idx %arg8[%shift_right_arithmetic3A_305, %and3A_308], %broadcast_in_dim3A_3 {add = true} : memref<80x128xf32, #tpu.memory_space<vmem>>[vector<16xi32>, vector<16xi32>], vector<16xf32>,
      %get3A_309 = arith.constant 3 : i32
      %get3A_310 = arith.index_cast %get3A_309 : i32 to index
      %get3A_311 = arith.constant 0 : index
      %get3A_312 = tpu.vector_load %arg7[%get3A_310, %get3A_311] {strides = array<i32>} : memref<8x128xi32, #tpu.memory_space<vmem>>, vector<16xi32>,
      %shift_right_arithmetic3A_313 = arith.constant 7 : i32
      %shift_right_arithmetic3A_314 = vector.broadcast %shift_right_arithmetic3A_313 : i32 to vector<16xi32>
      %shift_right_arithmetic3A_315 = arith.shrsi %get3A_312, %shift_right_arithmetic3A_314 : vector<16xi32>
      %and3A_316 = arith.constant 127 : i32
      %and3A_317 = vector.broadcast %and3A_316 : i32 to vector<16xi32>
      %and3A_318 = arith.andi %get3A_312, %and3A_317 : vector<16xi32>
      tpu.vector_store_idx %arg8[%shift_right_arithmetic3A_315, %and3A_318], %broadcast_in_dim3A_3 {add = true} : memref<80x128xf32, #tpu.memory_space<vmem>>[vector<16xi32>, vector<16xi32>], vector<16xf32>,
      %get3A_319 = arith.constant 3 : i32
      %get3A_320 = arith.index_cast %get3A_319 : i32 to index
      %get3A_321 = arith.constant 16 : index
      %get3A_322 = tpu.vector_load %arg7[%get3A_320, %get3A_321] {strides = array<i32>} : memref<8x128xi32, #tpu.memory_space<vmem>>, vector<16xi32>,
      %shift_right_arithmetic3A_323 = arith.constant 7 : i32
      %shift_right_arithmetic3A_324 = vector.broadcast %shift_right_arithmetic3A_323 : i32 to vector<16xi32>
      %shift_right_arithmetic3A_325 = arith.shrsi %get3A_322, %shift_right_arithmetic3A_324 : vector<16xi32>
      %and3A_326 = arith.constant 127 : i32
      %and3A_327 = vector.broadcast %and3A_326 : i32 to vector<16xi32>
      %and3A_328 = arith.andi %get3A_322, %and3A_327 : vector<16xi32>
      tpu.vector_store_idx %arg8[%shift_right_arithmetic3A_325, %and3A_328], %broadcast_in_dim3A_3 {add = true} : memref<80x128xf32, #tpu.memory_space<vmem>>[vector<16xi32>, vector<16xi32>], vector<16xf32>,
      %get3A_329 = arith.constant 3 : i32
      %get3A_330 = arith.index_cast %get3A_329 : i32 to index
      %get3A_331 = arith.constant 32 : index
      %get3A_332 = tpu.vector_load %arg7[%get3A_330, %get3A_331] {strides = array<i32>} : memref<8x128xi32, #tpu.memory_space<vmem>>, vector<16xi32>,
      %shift_right_arithmetic3A_333 = arith.constant 7 : i32
      %shift_right_arithmetic3A_334 = vector.broadcast %shift_right_arithmetic3A_333 : i32 to vector<16xi32>
      %shift_right_arithmetic3A_335 = arith.shrsi %get3A_332, %shift_right_arithmetic3A_334 : vector<16xi32>
      %and3A_336 = arith.constant 127 : i32
      %and3A_337 = vector.broadcast %and3A_336 : i32 to vector<16xi32>
      %and3A_338 = arith.andi %get3A_332, %and3A_337 : vector<16xi32>
      tpu.vector_store_idx %arg8[%shift_right_arithmetic3A_335, %and3A_338], %broadcast_in_dim3A_3 {add = true} : memref<80x128xf32, #tpu.memory_space<vmem>>[vector<16xi32>, vector<16xi32>], vector<16xf32>,
      %get3A_339 = arith.constant 3 : i32
      %get3A_340 = arith.index_cast %get3A_339 : i32 to index
      %get3A_341 = arith.constant 48 : index
      %get3A_342 = tpu.vector_load %arg7[%get3A_340, %get3A_341] {strides = array<i32>} : memref<8x128xi32, #tpu.memory_space<vmem>>, vector<16xi32>,
      %shift_right_arithmetic3A_343 = arith.constant 7 : i32
      %shift_right_arithmetic3A_344 = vector.broadcast %shift_right_arithmetic3A_343 : i32 to vector<16xi32>
      %shift_right_arithmetic3A_345 = arith.shrsi %get3A_342, %shift_right_arithmetic3A_344 : vector<16xi32>
      %and3A_346 = arith.constant 127 : i32
      %and3A_347 = vector.broadcast %and3A_346 : i32 to vector<16xi32>
      %and3A_348 = arith.andi %get3A_342, %and3A_347 : vector<16xi32>
      tpu.vector_store_idx %arg8[%shift_right_arithmetic3A_345, %and3A_348], %broadcast_in_dim3A_3 {add = true} : memref<80x128xf32, #tpu.memory_space<vmem>>[vector<16xi32>, vector<16xi32>], vector<16xf32>,
      %get3A_349 = arith.constant 3 : i32
      %get3A_350 = arith.index_cast %get3A_349 : i32 to index
      %get3A_351 = arith.constant 64 : index
      %get3A_352 = tpu.vector_load %arg7[%get3A_350, %get3A_351] {strides = array<i32>} : memref<8x128xi32, #tpu.memory_space<vmem>>, vector<16xi32>,
      %shift_right_arithmetic3A_353 = arith.constant 7 : i32
      %shift_right_arithmetic3A_354 = vector.broadcast %shift_right_arithmetic3A_353 : i32 to vector<16xi32>
      %shift_right_arithmetic3A_355 = arith.shrsi %get3A_352, %shift_right_arithmetic3A_354 : vector<16xi32>
      %and3A_356 = arith.constant 127 : i32
      %and3A_357 = vector.broadcast %and3A_356 : i32 to vector<16xi32>
      %and3A_358 = arith.andi %get3A_352, %and3A_357 : vector<16xi32>
      tpu.vector_store_idx %arg8[%shift_right_arithmetic3A_355, %and3A_358], %broadcast_in_dim3A_3 {add = true} : memref<80x128xf32, #tpu.memory_space<vmem>>[vector<16xi32>, vector<16xi32>], vector<16xf32>,
      %get3A_359 = arith.constant 3 : i32
      %get3A_360 = arith.index_cast %get3A_359 : i32 to index
      %get3A_361 = arith.constant 80 : index
      %get3A_362 = tpu.vector_load %arg7[%get3A_360, %get3A_361] {strides = array<i32>} : memref<8x128xi32, #tpu.memory_space<vmem>>, vector<16xi32>,
      %shift_right_arithmetic3A_363 = arith.constant 7 : i32
      %shift_right_arithmetic3A_364 = vector.broadcast %shift_right_arithmetic3A_363 : i32 to vector<16xi32>
      %shift_right_arithmetic3A_365 = arith.shrsi %get3A_362, %shift_right_arithmetic3A_364 : vector<16xi32>
      %and3A_366 = arith.constant 127 : i32
      %and3A_367 = vector.broadcast %and3A_366 : i32 to vector<16xi32>
      %and3A_368 = arith.andi %get3A_362, %and3A_367 : vector<16xi32>
      tpu.vector_store_idx %arg8[%shift_right_arithmetic3A_365, %and3A_368], %broadcast_in_dim3A_3 {add = true} : memref<80x128xf32, #tpu.memory_space<vmem>>[vector<16xi32>, vector<16xi32>], vector<16xf32>,
      %get3A_369 = arith.constant 3 : i32
      %get3A_370 = arith.index_cast %get3A_369 : i32 to index
      %get3A_371 = arith.constant 96 : index
      %get3A_372 = tpu.vector_load %arg7[%get3A_370, %get3A_371] {strides = array<i32>} : memref<8x128xi32, #tpu.memory_space<vmem>>, vector<16xi32>,
      %shift_right_arithmetic3A_373 = arith.constant 7 : i32
      %shift_right_arithmetic3A_374 = vector.broadcast %shift_right_arithmetic3A_373 : i32 to vector<16xi32>
      %shift_right_arithmetic3A_375 = arith.shrsi %get3A_372, %shift_right_arithmetic3A_374 : vector<16xi32>
      %and3A_376 = arith.constant 127 : i32
      %and3A_377 = vector.broadcast %and3A_376 : i32 to vector<16xi32>
      %and3A_378 = arith.andi %get3A_372, %and3A_377 : vector<16xi32>
      tpu.vector_store_idx %arg8[%shift_right_arithmetic3A_375, %and3A_378], %broadcast_in_dim3A_3 {add = true} : memref<80x128xf32, #tpu.memory_space<vmem>>[vector<16xi32>, vector<16xi32>], vector<16xf32>,
      %get3A_379 = arith.constant 3 : i32
      %get3A_380 = arith.index_cast %get3A_379 : i32 to index
      %get3A_381 = arith.constant 112 : index
      %get3A_382 = tpu.vector_load %arg7[%get3A_380, %get3A_381] {strides = array<i32>} : memref<8x128xi32, #tpu.memory_space<vmem>>, vector<16xi32>,
      %shift_right_arithmetic3A_383 = arith.constant 7 : i32
      %shift_right_arithmetic3A_384 = vector.broadcast %shift_right_arithmetic3A_383 : i32 to vector<16xi32>
      %shift_right_arithmetic3A_385 = arith.shrsi %get3A_382, %shift_right_arithmetic3A_384 : vector<16xi32>
      %and3A_386 = arith.constant 127 : i32
      %and3A_387 = vector.broadcast %and3A_386 : i32 to vector<16xi32>
      %and3A_388 = arith.andi %get3A_382, %and3A_387 : vector<16xi32>
      tpu.vector_store_idx %arg8[%shift_right_arithmetic3A_385, %and3A_388], %broadcast_in_dim3A_3 {add = true} : memref<80x128xf32, #tpu.memory_space<vmem>>[vector<16xi32>, vector<16xi32>], vector<16xf32>,
      %get3A_389 = arith.constant 4 : i32
      %get3A_390 = arith.index_cast %get3A_389 : i32 to index
      %get3A_391 = arith.constant 0 : index
      %get3A_392 = tpu.vector_load %arg7[%get3A_390, %get3A_391] {strides = array<i32>} : memref<8x128xi32, #tpu.memory_space<vmem>>, vector<16xi32>,
      %shift_right_arithmetic3A_393 = arith.constant 7 : i32
      %shift_right_arithmetic3A_394 = vector.broadcast %shift_right_arithmetic3A_393 : i32 to vector<16xi32>
      %shift_right_arithmetic3A_395 = arith.shrsi %get3A_392, %shift_right_arithmetic3A_394 : vector<16xi32>
      %and3A_396 = arith.constant 127 : i32
      %and3A_397 = vector.broadcast %and3A_396 : i32 to vector<16xi32>
      %and3A_398 = arith.andi %get3A_392, %and3A_397 : vector<16xi32>
      tpu.vector_store_idx %arg8[%shift_right_arithmetic3A_395, %and3A_398], %broadcast_in_dim3A_3 {add = true} : memref<80x128xf32, #tpu.memory_space<vmem>>[vector<16xi32>, vector<16xi32>], vector<16xf32>,
      %get3A_399 = arith.constant 4 : i32
      %get3A_400 = arith.index_cast %get3A_399 : i32 to index
      %get3A_401 = arith.constant 16 : index
      %get3A_402 = tpu.vector_load %arg7[%get3A_400, %get3A_401] {strides = array<i32>} : memref<8x128xi32, #tpu.memory_space<vmem>>, vector<16xi32>,
      %shift_right_arithmetic3A_403 = arith.constant 7 : i32
      %shift_right_arithmetic3A_404 = vector.broadcast %shift_right_arithmetic3A_403 : i32 to vector<16xi32>
      %shift_right_arithmetic3A_405 = arith.shrsi %get3A_402, %shift_right_arithmetic3A_404 : vector<16xi32>
      %and3A_406 = arith.constant 127 : i32
      %and3A_407 = vector.broadcast %and3A_406 : i32 to vector<16xi32>
      %and3A_408 = arith.andi %get3A_402, %and3A_407 : vector<16xi32>
      tpu.vector_store_idx %arg8[%shift_right_arithmetic3A_405, %and3A_408], %broadcast_in_dim3A_3 {add = true} : memref<80x128xf32, #tpu.memory_space<vmem>>[vector<16xi32>, vector<16xi32>], vector<16xf32>,
      %get3A_409 = arith.constant 4 : i32
      %get3A_410 = arith.index_cast %get3A_409 : i32 to index
      %get3A_411 = arith.constant 32 : index
      %get3A_412 = tpu.vector_load %arg7[%get3A_410, %get3A_411] {strides = array<i32>} : memref<8x128xi32, #tpu.memory_space<vmem>>, vector<16xi32>,
      %shift_right_arithmetic3A_413 = arith.constant 7 : i32
      %shift_right_arithmetic3A_414 = vector.broadcast %shift_right_arithmetic3A_413 : i32 to vector<16xi32>
      %shift_right_arithmetic3A_415 = arith.shrsi %get3A_412, %shift_right_arithmetic3A_414 : vector<16xi32>
      %and3A_416 = arith.constant 127 : i32
      %and3A_417 = vector.broadcast %and3A_416 : i32 to vector<16xi32>
      %and3A_418 = arith.andi %get3A_412, %and3A_417 : vector<16xi32>
      tpu.vector_store_idx %arg8[%shift_right_arithmetic3A_415, %and3A_418], %broadcast_in_dim3A_3 {add = true} : memref<80x128xf32, #tpu.memory_space<vmem>>[vector<16xi32>, vector<16xi32>], vector<16xf32>,
      %get3A_419 = arith.constant 4 : i32
      %get3A_420 = arith.index_cast %get3A_419 : i32 to index
      %get3A_421 = arith.constant 48 : index
      %get3A_422 = tpu.vector_load %arg7[%get3A_420, %get3A_421] {strides = array<i32>} : memref<8x128xi32, #tpu.memory_space<vmem>>, vector<16xi32>,
      %shift_right_arithmetic3A_423 = arith.constant 7 : i32
      %shift_right_arithmetic3A_424 = vector.broadcast %shift_right_arithmetic3A_423 : i32 to vector<16xi32>
      %shift_right_arithmetic3A_425 = arith.shrsi %get3A_422, %shift_right_arithmetic3A_424 : vector<16xi32>
      %and3A_426 = arith.constant 127 : i32
      %and3A_427 = vector.broadcast %and3A_426 : i32 to vector<16xi32>
      %and3A_428 = arith.andi %get3A_422, %and3A_427 : vector<16xi32>
      tpu.vector_store_idx %arg8[%shift_right_arithmetic3A_425, %and3A_428], %broadcast_in_dim3A_3 {add = true} : memref<80x128xf32, #tpu.memory_space<vmem>>[vector<16xi32>, vector<16xi32>], vector<16xf32>,
      %get3A_429 = arith.constant 4 : i32
      %get3A_430 = arith.index_cast %get3A_429 : i32 to index
      %get3A_431 = arith.constant 64 : index
      %get3A_432 = tpu.vector_load %arg7[%get3A_430, %get3A_431] {strides = array<i32>} : memref<8x128xi32, #tpu.memory_space<vmem>>, vector<16xi32>,
      %shift_right_arithmetic3A_433 = arith.constant 7 : i32
      %shift_right_arithmetic3A_434 = vector.broadcast %shift_right_arithmetic3A_433 : i32 to vector<16xi32>
      %shift_right_arithmetic3A_435 = arith.shrsi %get3A_432, %shift_right_arithmetic3A_434 : vector<16xi32>
      %and3A_436 = arith.constant 127 : i32
      %and3A_437 = vector.broadcast %and3A_436 : i32 to vector<16xi32>
      %and3A_438 = arith.andi %get3A_432, %and3A_437 : vector<16xi32>
      tpu.vector_store_idx %arg8[%shift_right_arithmetic3A_435, %and3A_438], %broadcast_in_dim3A_3 {add = true} : memref<80x128xf32, #tpu.memory_space<vmem>>[vector<16xi32>, vector<16xi32>], vector<16xf32>,
      %get3A_439 = arith.constant 4 : i32
      %get3A_440 = arith.index_cast %get3A_439 : i32 to index
      %get3A_441 = arith.constant 80 : index
      %get3A_442 = tpu.vector_load %arg7[%get3A_440, %get3A_441] {strides = array<i32>} : memref<8x128xi32, #tpu.memory_space<vmem>>, vector<16xi32>,
      %shift_right_arithmetic3A_443 = arith.constant 7 : i32
      %shift_right_arithmetic3A_444 = vector.broadcast %shift_right_arithmetic3A_443 : i32 to vector<16xi32>
      %shift_right_arithmetic3A_445 = arith.shrsi %get3A_442, %shift_right_arithmetic3A_444 : vector<16xi32>
      %and3A_446 = arith.constant 127 : i32
      %and3A_447 = vector.broadcast %and3A_446 : i32 to vector<16xi32>
      %and3A_448 = arith.andi %get3A_442, %and3A_447 : vector<16xi32>
      tpu.vector_store_idx %arg8[%shift_right_arithmetic3A_445, %and3A_448], %broadcast_in_dim3A_3 {add = true} : memref<80x128xf32, #tpu.memory_space<vmem>>[vector<16xi32>, vector<16xi32>], vector<16xf32>,
      %get3A_449 = arith.constant 4 : i32
      %get3A_450 = arith.index_cast %get3A_449 : i32 to index
      %get3A_451 = arith.constant 96 : index
      %get3A_452 = tpu.vector_load %arg7[%get3A_450, %get3A_451] {strides = array<i32>} : memref<8x128xi32, #tpu.memory_space<vmem>>, vector<16xi32>,
      %shift_right_arithmetic3A_453 = arith.constant 7 : i32
      %shift_right_arithmetic3A_454 = vector.broadcast %shift_right_arithmetic3A_453 : i32 to vector<16xi32>
      %shift_right_arithmetic3A_455 = arith.shrsi %get3A_452, %shift_right_arithmetic3A_454 : vector<16xi32>
      %and3A_456 = arith.constant 127 : i32
      %and3A_457 = vector.broadcast %and3A_456 : i32 to vector<16xi32>
      %and3A_458 = arith.andi %get3A_452, %and3A_457 : vector<16xi32>
      tpu.vector_store_idx %arg8[%shift_right_arithmetic3A_455, %and3A_458], %broadcast_in_dim3A_3 {add = true} : memref<80x128xf32, #tpu.memory_space<vmem>>[vector<16xi32>, vector<16xi32>], vector<16xf32>,
      %get3A_459 = arith.constant 4 : i32
      %get3A_460 = arith.index_cast %get3A_459 : i32 to index
      %get3A_461 = arith.constant 112 : index
      %get3A_462 = tpu.vector_load %arg7[%get3A_460, %get3A_461] {strides = array<i32>} : memref<8x128xi32, #tpu.memory_space<vmem>>, vector<16xi32>,
      %shift_right_arithmetic3A_463 = arith.constant 7 : i32
      %shift_right_arithmetic3A_464 = vector.broadcast %shift_right_arithmetic3A_463 : i32 to vector<16xi32>
      %shift_right_arithmetic3A_465 = arith.shrsi %get3A_462, %shift_right_arithmetic3A_464 : vector<16xi32>
      %and3A_466 = arith.constant 127 : i32
      %and3A_467 = vector.broadcast %and3A_466 : i32 to vector<16xi32>
      %and3A_468 = arith.andi %get3A_462, %and3A_467 : vector<16xi32>
      tpu.vector_store_idx %arg8[%shift_right_arithmetic3A_465, %and3A_468], %broadcast_in_dim3A_3 {add = true} : memref<80x128xf32, #tpu.memory_space<vmem>>[vector<16xi32>, vector<16xi32>], vector<16xf32>,
      %get3A_469 = arith.constant 5 : i32
      %get3A_470 = arith.index_cast %get3A_469 : i32 to index
      %get3A_471 = arith.constant 0 : index
      %get3A_472 = tpu.vector_load %arg7[%get3A_470, %get3A_471] {strides = array<i32>} : memref<8x128xi32, #tpu.memory_space<vmem>>, vector<16xi32>,
      %shift_right_arithmetic3A_473 = arith.constant 7 : i32
      %shift_right_arithmetic3A_474 = vector.broadcast %shift_right_arithmetic3A_473 : i32 to vector<16xi32>
      %shift_right_arithmetic3A_475 = arith.shrsi %get3A_472, %shift_right_arithmetic3A_474 : vector<16xi32>
      %and3A_476 = arith.constant 127 : i32
      %and3A_477 = vector.broadcast %and3A_476 : i32 to vector<16xi32>
      %and3A_478 = arith.andi %get3A_472, %and3A_477 : vector<16xi32>
      tpu.vector_store_idx %arg8[%shift_right_arithmetic3A_475, %and3A_478], %broadcast_in_dim3A_3 {add = true} : memref<80x128xf32, #tpu.memory_space<vmem>>[vector<16xi32>, vector<16xi32>], vector<16xf32>,
      %get3A_479 = arith.constant 5 : i32
      %get3A_480 = arith.index_cast %get3A_479 : i32 to index
      %get3A_481 = arith.constant 16 : index
      %get3A_482 = tpu.vector_load %arg7[%get3A_480, %get3A_481] {strides = array<i32>} : memref<8x128xi32, #tpu.memory_space<vmem>>, vector<16xi32>,
      %shift_right_arithmetic3A_483 = arith.constant 7 : i32
      %shift_right_arithmetic3A_484 = vector.broadcast %shift_right_arithmetic3A_483 : i32 to vector<16xi32>
      %shift_right_arithmetic3A_485 = arith.shrsi %get3A_482, %shift_right_arithmetic3A_484 : vector<16xi32>
      %and3A_486 = arith.constant 127 : i32
      %and3A_487 = vector.broadcast %and3A_486 : i32 to vector<16xi32>
      %and3A_488 = arith.andi %get3A_482, %and3A_487 : vector<16xi32>
      tpu.vector_store_idx %arg8[%shift_right_arithmetic3A_485, %and3A_488], %broadcast_in_dim3A_3 {add = true} : memref<80x128xf32, #tpu.memory_space<vmem>>[vector<16xi32>, vector<16xi32>], vector<16xf32>,
      %get3A_489 = arith.constant 5 : i32
      %get3A_490 = arith.index_cast %get3A_489 : i32 to index
      %get3A_491 = arith.constant 32 : index
      %get3A_492 = tpu.vector_load %arg7[%get3A_490, %get3A_491] {strides = array<i32>} : memref<8x128xi32, #tpu.memory_space<vmem>>, vector<16xi32>,
      %shift_right_arithmetic3A_493 = arith.constant 7 : i32
      %shift_right_arithmetic3A_494 = vector.broadcast %shift_right_arithmetic3A_493 : i32 to vector<16xi32>
      %shift_right_arithmetic3A_495 = arith.shrsi %get3A_492, %shift_right_arithmetic3A_494 : vector<16xi32>
      %and3A_496 = arith.constant 127 : i32
      %and3A_497 = vector.broadcast %and3A_496 : i32 to vector<16xi32>
      %and3A_498 = arith.andi %get3A_492, %and3A_497 : vector<16xi32>
      tpu.vector_store_idx %arg8[%shift_right_arithmetic3A_495, %and3A_498], %broadcast_in_dim3A_3 {add = true} : memref<80x128xf32, #tpu.memory_space<vmem>>[vector<16xi32>, vector<16xi32>], vector<16xf32>,
      %get3A_499 = arith.constant 5 : i32
      %get3A_500 = arith.index_cast %get3A_499 : i32 to index
      %get3A_501 = arith.constant 48 : index
      %get3A_502 = tpu.vector_load %arg7[%get3A_500, %get3A_501] {strides = array<i32>} : memref<8x128xi32, #tpu.memory_space<vmem>>, vector<16xi32>,
      %shift_right_arithmetic3A_503 = arith.constant 7 : i32
      %shift_right_arithmetic3A_504 = vector.broadcast %shift_right_arithmetic3A_503 : i32 to vector<16xi32>
      %shift_right_arithmetic3A_505 = arith.shrsi %get3A_502, %shift_right_arithmetic3A_504 : vector<16xi32>
      %and3A_506 = arith.constant 127 : i32
      %and3A_507 = vector.broadcast %and3A_506 : i32 to vector<16xi32>
      %and3A_508 = arith.andi %get3A_502, %and3A_507 : vector<16xi32>
      tpu.vector_store_idx %arg8[%shift_right_arithmetic3A_505, %and3A_508], %broadcast_in_dim3A_3 {add = true} : memref<80x128xf32, #tpu.memory_space<vmem>>[vector<16xi32>, vector<16xi32>], vector<16xf32>,
      %get3A_509 = arith.constant 5 : i32
      %get3A_510 = arith.index_cast %get3A_509 : i32 to index
      %get3A_511 = arith.constant 64 : index
      %get3A_512 = tpu.vector_load %arg7[%get3A_510, %get3A_511] {strides = array<i32>} : memref<8x128xi32, #tpu.memory_space<vmem>>, vector<16xi32>,
      %shift_right_arithmetic3A_513 = arith.constant 7 : i32
      %shift_right_arithmetic3A_514 = vector.broadcast %shift_right_arithmetic3A_513 : i32 to vector<16xi32>
      %shift_right_arithmetic3A_515 = arith.shrsi %get3A_512, %shift_right_arithmetic3A_514 : vector<16xi32>
      %and3A_516 = arith.constant 127 : i32
      %and3A_517 = vector.broadcast %and3A_516 : i32 to vector<16xi32>
      %and3A_518 = arith.andi %get3A_512, %and3A_517 : vector<16xi32>
      tpu.vector_store_idx %arg8[%shift_right_arithmetic3A_515, %and3A_518], %broadcast_in_dim3A_3 {add = true} : memref<80x128xf32, #tpu.memory_space<vmem>>[vector<16xi32>, vector<16xi32>], vector<16xf32>,
      %get3A_519 = arith.constant 5 : i32
      %get3A_520 = arith.index_cast %get3A_519 : i32 to index
      %get3A_521 = arith.constant 80 : index
      %get3A_522 = tpu.vector_load %arg7[%get3A_520, %get3A_521] {strides = array<i32>} : memref<8x128xi32, #tpu.memory_space<vmem>>, vector<16xi32>,
      %shift_right_arithmetic3A_523 = arith.constant 7 : i32
      %shift_right_arithmetic3A_524 = vector.broadcast %shift_right_arithmetic3A_523 : i32 to vector<16xi32>
      %shift_right_arithmetic3A_525 = arith.shrsi %get3A_522, %shift_right_arithmetic3A_524 : vector<16xi32>
      %and3A_526 = arith.constant 127 : i32
      %and3A_527 = vector.broadcast %and3A_526 : i32 to vector<16xi32>
      %and3A_528 = arith.andi %get3A_522, %and3A_527 : vector<16xi32>
      tpu.vector_store_idx %arg8[%shift_right_arithmetic3A_525, %and3A_528], %broadcast_in_dim3A_3 {add = true} : memref<80x128xf32, #tpu.memory_space<vmem>>[vector<16xi32>, vector<16xi32>], vector<16xf32>,
      %get3A_529 = arith.constant 5 : i32
      %get3A_530 = arith.index_cast %get3A_529 : i32 to index
      %get3A_531 = arith.constant 96 : index
      %get3A_532 = tpu.vector_load %arg7[%get3A_530, %get3A_531] {strides = array<i32>} : memref<8x128xi32, #tpu.memory_space<vmem>>, vector<16xi32>,
      %shift_right_arithmetic3A_533 = arith.constant 7 : i32
      %shift_right_arithmetic3A_534 = vector.broadcast %shift_right_arithmetic3A_533 : i32 to vector<16xi32>
      %shift_right_arithmetic3A_535 = arith.shrsi %get3A_532, %shift_right_arithmetic3A_534 : vector<16xi32>
      %and3A_536 = arith.constant 127 : i32
      %and3A_537 = vector.broadcast %and3A_536 : i32 to vector<16xi32>
      %and3A_538 = arith.andi %get3A_532, %and3A_537 : vector<16xi32>
      tpu.vector_store_idx %arg8[%shift_right_arithmetic3A_535, %and3A_538], %broadcast_in_dim3A_3 {add = true} : memref<80x128xf32, #tpu.memory_space<vmem>>[vector<16xi32>, vector<16xi32>], vector<16xf32>,
      %get3A_539 = arith.constant 5 : i32
      %get3A_540 = arith.index_cast %get3A_539 : i32 to index
      %get3A_541 = arith.constant 112 : index
      %get3A_542 = tpu.vector_load %arg7[%get3A_540, %get3A_541] {strides = array<i32>} : memref<8x128xi32, #tpu.memory_space<vmem>>, vector<16xi32>,
      %shift_right_arithmetic3A_543 = arith.constant 7 : i32
      %shift_right_arithmetic3A_544 = vector.broadcast %shift_right_arithmetic3A_543 : i32 to vector<16xi32>
      %shift_right_arithmetic3A_545 = arith.shrsi %get3A_542, %shift_right_arithmetic3A_544 : vector<16xi32>
      %and3A_546 = arith.constant 127 : i32
      %and3A_547 = vector.broadcast %and3A_546 : i32 to vector<16xi32>
      %and3A_548 = arith.andi %get3A_542, %and3A_547 : vector<16xi32>
      tpu.vector_store_idx %arg8[%shift_right_arithmetic3A_545, %and3A_548], %broadcast_in_dim3A_3 {add = true} : memref<80x128xf32, #tpu.memory_space<vmem>>[vector<16xi32>, vector<16xi32>], vector<16xf32>,
      %get3A_549 = arith.constant 6 : i32
      %get3A_550 = arith.index_cast %get3A_549 : i32 to index
      %get3A_551 = arith.constant 0 : index
      %get3A_552 = tpu.vector_load %arg7[%get3A_550, %get3A_551] {strides = array<i32>} : memref<8x128xi32, #tpu.memory_space<vmem>>, vector<16xi32>,
      %shift_right_arithmetic3A_553 = arith.constant 7 : i32
      %shift_right_arithmetic3A_554 = vector.broadcast %shift_right_arithmetic3A_553 : i32 to vector<16xi32>
      %shift_right_arithmetic3A_555 = arith.shrsi %get3A_552, %shift_right_arithmetic3A_554 : vector<16xi32>
      %and3A_556 = arith.constant 127 : i32
      %and3A_557 = vector.broadcast %and3A_556 : i32 to vector<16xi32>
      %and3A_558 = arith.andi %get3A_552, %and3A_557 : vector<16xi32>
      tpu.vector_store_idx %arg8[%shift_right_arithmetic3A_555, %and3A_558], %broadcast_in_dim3A_3 {add = true} : memref<80x128xf32, #tpu.memory_space<vmem>>[vector<16xi32>, vector<16xi32>], vector<16xf32>,
      %get3A_559 = arith.constant 6 : i32
      %get3A_560 = arith.index_cast %get3A_559 : i32 to index
      %get3A_561 = arith.constant 16 : index
      %get3A_562 = tpu.vector_load %arg7[%get3A_560, %get3A_561] {strides = array<i32>} : memref<8x128xi32, #tpu.memory_space<vmem>>, vector<16xi32>,
      %shift_right_arithmetic3A_563 = arith.constant 7 : i32
      %shift_right_arithmetic3A_564 = vector.broadcast %shift_right_arithmetic3A_563 : i32 to vector<16xi32>
      %shift_right_arithmetic3A_565 = arith.shrsi %get3A_562, %shift_right_arithmetic3A_564 : vector<16xi32>
      %and3A_566 = arith.constant 127 : i32
      %and3A_567 = vector.broadcast %and3A_566 : i32 to vector<16xi32>
      %and3A_568 = arith.andi %get3A_562, %and3A_567 : vector<16xi32>
      tpu.vector_store_idx %arg8[%shift_right_arithmetic3A_565, %and3A_568], %broadcast_in_dim3A_3 {add = true} : memref<80x128xf32, #tpu.memory_space<vmem>>[vector<16xi32>, vector<16xi32>], vector<16xf32>,
      %get3A_569 = arith.constant 6 : i32
      %get3A_570 = arith.index_cast %get3A_569 : i32 to index
      %get3A_571 = arith.constant 32 : index
      %get3A_572 = tpu.vector_load %arg7[%get3A_570, %get3A_571] {strides = array<i32>} : memref<8x128xi32, #tpu.memory_space<vmem>>, vector<16xi32>,
      %shift_right_arithmetic3A_573 = arith.constant 7 : i32
      %shift_right_arithmetic3A_574 = vector.broadcast %shift_right_arithmetic3A_573 : i32 to vector<16xi32>
      %shift_right_arithmetic3A_575 = arith.shrsi %get3A_572, %shift_right_arithmetic3A_574 : vector<16xi32>
      %and3A_576 = arith.constant 127 : i32
      %and3A_577 = vector.broadcast %and3A_576 : i32 to vector<16xi32>
      %and3A_578 = arith.andi %get3A_572, %and3A_577 : vector<16xi32>
      tpu.vector_store_idx %arg8[%shift_right_arithmetic3A_575, %and3A_578], %broadcast_in_dim3A_3 {add = true} : memref<80x128xf32, #tpu.memory_space<vmem>>[vector<16xi32>, vector<16xi32>], vector<16xf32>,
      %get3A_579 = arith.constant 6 : i32
      %get3A_580 = arith.index_cast %get3A_579 : i32 to index
      %get3A_581 = arith.constant 48 : index
      %get3A_582 = tpu.vector_load %arg7[%get3A_580, %get3A_581] {strides = array<i32>} : memref<8x128xi32, #tpu.memory_space<vmem>>, vector<16xi32>,
      %shift_right_arithmetic3A_583 = arith.constant 7 : i32
      %shift_right_arithmetic3A_584 = vector.broadcast %shift_right_arithmetic3A_583 : i32 to vector<16xi32>
      %shift_right_arithmetic3A_585 = arith.shrsi %get3A_582, %shift_right_arithmetic3A_584 : vector<16xi32>
      %and3A_586 = arith.constant 127 : i32
      %and3A_587 = vector.broadcast %and3A_586 : i32 to vector<16xi32>
      %and3A_588 = arith.andi %get3A_582, %and3A_587 : vector<16xi32>
      tpu.vector_store_idx %arg8[%shift_right_arithmetic3A_585, %and3A_588], %broadcast_in_dim3A_3 {add = true} : memref<80x128xf32, #tpu.memory_space<vmem>>[vector<16xi32>, vector<16xi32>], vector<16xf32>,
      %get3A_589 = arith.constant 6 : i32
      %get3A_590 = arith.index_cast %get3A_589 : i32 to index
      %get3A_591 = arith.constant 64 : index
      %get3A_592 = tpu.vector_load %arg7[%get3A_590, %get3A_591] {strides = array<i32>} : memref<8x128xi32, #tpu.memory_space<vmem>>, vector<16xi32>,
      %shift_right_arithmetic3A_593 = arith.constant 7 : i32
      %shift_right_arithmetic3A_594 = vector.broadcast %shift_right_arithmetic3A_593 : i32 to vector<16xi32>
      %shift_right_arithmetic3A_595 = arith.shrsi %get3A_592, %shift_right_arithmetic3A_594 : vector<16xi32>
      %and3A_596 = arith.constant 127 : i32
      %and3A_597 = vector.broadcast %and3A_596 : i32 to vector<16xi32>
      %and3A_598 = arith.andi %get3A_592, %and3A_597 : vector<16xi32>
      tpu.vector_store_idx %arg8[%shift_right_arithmetic3A_595, %and3A_598], %broadcast_in_dim3A_3 {add = true} : memref<80x128xf32, #tpu.memory_space<vmem>>[vector<16xi32>, vector<16xi32>], vector<16xf32>,
      %get3A_599 = arith.constant 6 : i32
      %get3A_600 = arith.index_cast %get3A_599 : i32 to index
      %get3A_601 = arith.constant 80 : index
      %get3A_602 = tpu.vector_load %arg7[%get3A_600, %get3A_601] {strides = array<i32>} : memref<8x128xi32, #tpu.memory_space<vmem>>, vector<16xi32>,
      %shift_right_arithmetic3A_603 = arith.constant 7 : i32
      %shift_right_arithmetic3A_604 = vector.broadcast %shift_right_arithmetic3A_603 : i32 to vector<16xi32>
      %shift_right_arithmetic3A_605 = arith.shrsi %get3A_602, %shift_right_arithmetic3A_604 : vector<16xi32>
      %and3A_606 = arith.constant 127 : i32
      %and3A_607 = vector.broadcast %and3A_606 : i32 to vector<16xi32>
      %and3A_608 = arith.andi %get3A_602, %and3A_607 : vector<16xi32>
      tpu.vector_store_idx %arg8[%shift_right_arithmetic3A_605, %and3A_608], %broadcast_in_dim3A_3 {add = true} : memref<80x128xf32, #tpu.memory_space<vmem>>[vector<16xi32>, vector<16xi32>], vector<16xf32>,
      %get3A_609 = arith.constant 6 : i32
      %get3A_610 = arith.index_cast %get3A_609 : i32 to index
      %get3A_611 = arith.constant 96 : index
      %get3A_612 = tpu.vector_load %arg7[%get3A_610, %get3A_611] {strides = array<i32>} : memref<8x128xi32, #tpu.memory_space<vmem>>, vector<16xi32>,
      %shift_right_arithmetic3A_613 = arith.constant 7 : i32
      %shift_right_arithmetic3A_614 = vector.broadcast %shift_right_arithmetic3A_613 : i32 to vector<16xi32>
      %shift_right_arithmetic3A_615 = arith.shrsi %get3A_612, %shift_right_arithmetic3A_614 : vector<16xi32>
      %and3A_616 = arith.constant 127 : i32
      %and3A_617 = vector.broadcast %and3A_616 : i32 to vector<16xi32>
      %and3A_618 = arith.andi %get3A_612, %and3A_617 : vector<16xi32>
      tpu.vector_store_idx %arg8[%shift_right_arithmetic3A_615, %and3A_618], %broadcast_in_dim3A_3 {add = true} : memref<80x128xf32, #tpu.memory_space<vmem>>[vector<16xi32>, vector<16xi32>], vector<16xf32>,
      %get3A_619 = arith.constant 6 : i32
      %get3A_620 = arith.index_cast %get3A_619 : i32 to index
      %get3A_621 = arith.constant 112 : index
      %get3A_622 = tpu.vector_load %arg7[%get3A_620, %get3A_621] {strides = array<i32>} : memref<8x128xi32, #tpu.memory_space<vmem>>, vector<16xi32>,
      %shift_right_arithmetic3A_623 = arith.constant 7 : i32
      %shift_right_arithmetic3A_624 = vector.broadcast %shift_right_arithmetic3A_623 : i32 to vector<16xi32>
      %shift_right_arithmetic3A_625 = arith.shrsi %get3A_622, %shift_right_arithmetic3A_624 : vector<16xi32>
      %and3A_626 = arith.constant 127 : i32
      %and3A_627 = vector.broadcast %and3A_626 : i32 to vector<16xi32>
      %and3A_628 = arith.andi %get3A_622, %and3A_627 : vector<16xi32>
      tpu.vector_store_idx %arg8[%shift_right_arithmetic3A_625, %and3A_628], %broadcast_in_dim3A_3 {add = true} : memref<80x128xf32, #tpu.memory_space<vmem>>[vector<16xi32>, vector<16xi32>], vector<16xf32>,
      %get3A_629 = arith.constant 7 : i32
      %get3A_630 = arith.index_cast %get3A_629 : i32 to index
      %get3A_631 = arith.constant 0 : index
      %get3A_632 = tpu.vector_load %arg7[%get3A_630, %get3A_631] {strides = array<i32>} : memref<8x128xi32, #tpu.memory_space<vmem>>, vector<16xi32>,
      %shift_right_arithmetic3A_633 = arith.constant 7 : i32
      %shift_right_arithmetic3A_634 = vector.broadcast %shift_right_arithmetic3A_633 : i32 to vector<16xi32>
      %shift_right_arithmetic3A_635 = arith.shrsi %get3A_632, %shift_right_arithmetic3A_634 : vector<16xi32>
      %and3A_636 = arith.constant 127 : i32
      %and3A_637 = vector.broadcast %and3A_636 : i32 to vector<16xi32>
      %and3A_638 = arith.andi %get3A_632, %and3A_637 : vector<16xi32>
      tpu.vector_store_idx %arg8[%shift_right_arithmetic3A_635, %and3A_638], %broadcast_in_dim3A_3 {add = true} : memref<80x128xf32, #tpu.memory_space<vmem>>[vector<16xi32>, vector<16xi32>], vector<16xf32>,
      %get3A_639 = arith.constant 7 : i32
      %get3A_640 = arith.index_cast %get3A_639 : i32 to index
      %get3A_641 = arith.constant 16 : index
      %get3A_642 = tpu.vector_load %arg7[%get3A_640, %get3A_641] {strides = array<i32>} : memref<8x128xi32, #tpu.memory_space<vmem>>, vector<16xi32>,
      %shift_right_arithmetic3A_643 = arith.constant 7 : i32
      %shift_right_arithmetic3A_644 = vector.broadcast %shift_right_arithmetic3A_643 : i32 to vector<16xi32>
      %shift_right_arithmetic3A_645 = arith.shrsi %get3A_642, %shift_right_arithmetic3A_644 : vector<16xi32>
      %and3A_646 = arith.constant 127 : i32
      %and3A_647 = vector.broadcast %and3A_646 : i32 to vector<16xi32>
      %and3A_648 = arith.andi %get3A_642, %and3A_647 : vector<16xi32>
      tpu.vector_store_idx %arg8[%shift_right_arithmetic3A_645, %and3A_648], %broadcast_in_dim3A_3 {add = true} : memref<80x128xf32, #tpu.memory_space<vmem>>[vector<16xi32>, vector<16xi32>], vector<16xf32>,
      %get3A_649 = arith.constant 7 : i32
      %get3A_650 = arith.index_cast %get3A_649 : i32 to index
      %get3A_651 = arith.constant 32 : index
      %get3A_652 = tpu.vector_load %arg7[%get3A_650, %get3A_651] {strides = array<i32>} : memref<8x128xi32, #tpu.memory_space<vmem>>, vector<16xi32>,
      %shift_right_arithmetic3A_653 = arith.constant 7 : i32
      %shift_right_arithmetic3A_654 = vector.broadcast %shift_right_arithmetic3A_653 : i32 to vector<16xi32>
      %shift_right_arithmetic3A_655 = arith.shrsi %get3A_652, %shift_right_arithmetic3A_654 : vector<16xi32>
      %and3A_656 = arith.constant 127 : i32
      %and3A_657 = vector.broadcast %and3A_656 : i32 to vector<16xi32>
      %and3A_658 = arith.andi %get3A_652, %and3A_657 : vector<16xi32>
      tpu.vector_store_idx %arg8[%shift_right_arithmetic3A_655, %and3A_658], %broadcast_in_dim3A_3 {add = true} : memref<80x128xf32, #tpu.memory_space<vmem>>[vector<16xi32>, vector<16xi32>], vector<16xf32>,
      %get3A_659 = arith.constant 7 : i32
      %get3A_660 = arith.index_cast %get3A_659 : i32 to index
      %get3A_661 = arith.constant 48 : index
      %get3A_662 = tpu.vector_load %arg7[%get3A_660, %get3A_661] {strides = array<i32>} : memref<8x128xi32, #tpu.memory_space<vmem>>, vector<16xi32>,
      %shift_right_arithmetic3A_663 = arith.constant 7 : i32
      %shift_right_arithmetic3A_664 = vector.broadcast %shift_right_arithmetic3A_663 : i32 to vector<16xi32>
      %shift_right_arithmetic3A_665 = arith.shrsi %get3A_662, %shift_right_arithmetic3A_664 : vector<16xi32>
      %and3A_666 = arith.constant 127 : i32
      %and3A_667 = vector.broadcast %and3A_666 : i32 to vector<16xi32>
      %and3A_668 = arith.andi %get3A_662, %and3A_667 : vector<16xi32>
      tpu.vector_store_idx %arg8[%shift_right_arithmetic3A_665, %and3A_668], %broadcast_in_dim3A_3 {add = true} : memref<80x128xf32, #tpu.memory_space<vmem>>[vector<16xi32>, vector<16xi32>], vector<16xf32>,
      %get3A_669 = arith.constant 7 : i32
      %get3A_670 = arith.index_cast %get3A_669 : i32 to index
      %get3A_671 = arith.constant 64 : index
      %get3A_672 = tpu.vector_load %arg7[%get3A_670, %get3A_671] {strides = array<i32>} : memref<8x128xi32, #tpu.memory_space<vmem>>, vector<16xi32>,
      %shift_right_arithmetic3A_673 = arith.constant 7 : i32
      %shift_right_arithmetic3A_674 = vector.broadcast %shift_right_arithmetic3A_673 : i32 to vector<16xi32>
      %shift_right_arithmetic3A_675 = arith.shrsi %get3A_672, %shift_right_arithmetic3A_674 : vector<16xi32>
      %and3A_676 = arith.constant 127 : i32
      %and3A_677 = vector.broadcast %and3A_676 : i32 to vector<16xi32>
      %and3A_678 = arith.andi %get3A_672, %and3A_677 : vector<16xi32>
      tpu.vector_store_idx %arg8[%shift_right_arithmetic3A_675, %and3A_678], %broadcast_in_dim3A_3 {add = true} : memref<80x128xf32, #tpu.memory_space<vmem>>[vector<16xi32>, vector<16xi32>], vector<16xf32>,
      %get3A_679 = arith.constant 7 : i32
      %get3A_680 = arith.index_cast %get3A_679 : i32 to index
      %get3A_681 = arith.constant 80 : index
      %get3A_682 = tpu.vector_load %arg7[%get3A_680, %get3A_681] {strides = array<i32>} : memref<8x128xi32, #tpu.memory_space<vmem>>, vector<16xi32>,
      %shift_right_arithmetic3A_683 = arith.constant 7 : i32
      %shift_right_arithmetic3A_684 = vector.broadcast %shift_right_arithmetic3A_683 : i32 to vector<16xi32>
      %shift_right_arithmetic3A_685 = arith.shrsi %get3A_682, %shift_right_arithmetic3A_684 : vector<16xi32>
      %and3A_686 = arith.constant 127 : i32
      %and3A_687 = vector.broadcast %and3A_686 : i32 to vector<16xi32>
      %and3A_688 = arith.andi %get3A_682, %and3A_687 : vector<16xi32>
      tpu.vector_store_idx %arg8[%shift_right_arithmetic3A_685, %and3A_688], %broadcast_in_dim3A_3 {add = true} : memref<80x128xf32, #tpu.memory_space<vmem>>[vector<16xi32>, vector<16xi32>], vector<16xf32>,
      %get3A_689 = arith.constant 7 : i32
      %get3A_690 = arith.index_cast %get3A_689 : i32 to index
      %get3A_691 = arith.constant 96 : index
      %get3A_692 = tpu.vector_load %arg7[%get3A_690, %get3A_691] {strides = array<i32>} : memref<8x128xi32, #tpu.memory_space<vmem>>, vector<16xi32>,
      %shift_right_arithmetic3A_693 = arith.constant 7 : i32
      %shift_right_arithmetic3A_694 = vector.broadcast %shift_right_arithmetic3A_693 : i32 to vector<16xi32>
      %shift_right_arithmetic3A_695 = arith.shrsi %get3A_692, %shift_right_arithmetic3A_694 : vector<16xi32>
      %and3A_696 = arith.constant 127 : i32
      %and3A_697 = vector.broadcast %and3A_696 : i32 to vector<16xi32>
      %and3A_698 = arith.andi %get3A_692, %and3A_697 : vector<16xi32>
      tpu.vector_store_idx %arg8[%shift_right_arithmetic3A_695, %and3A_698], %broadcast_in_dim3A_3 {add = true} : memref<80x128xf32, #tpu.memory_space<vmem>>[vector<16xi32>, vector<16xi32>], vector<16xf32>,
      %get3A_699 = arith.constant 7 : i32
      %get3A_700 = arith.index_cast %get3A_699 : i32 to index
      %get3A_701 = arith.constant 112 : index
      %get3A_702 = tpu.vector_load %arg7[%get3A_700, %get3A_701] {strides = array<i32>} : memref<8x128xi32, #tpu.memory_space<vmem>>, vector<16xi32>,
      %shift_right_arithmetic3A_703 = arith.constant 7 : i32
      %shift_right_arithmetic3A_704 = vector.broadcast %shift_right_arithmetic3A_703 : i32 to vector<16xi32>
      %shift_right_arithmetic3A_705 = arith.shrsi %get3A_702, %shift_right_arithmetic3A_704 : vector<16xi32>
      %and3A_706 = arith.constant 127 : i32
      %and3A_707 = vector.broadcast %and3A_706 : i32 to vector<16xi32>
      %and3A_708 = arith.andi %get3A_702, %and3A_707 : vector<16xi32>
      tpu.vector_store_idx %arg8[%shift_right_arithmetic3A_705, %and3A_708], %broadcast_in_dim3A_3 {add = true} : memref<80x128xf32, #tpu.memory_space<vmem>>[vector<16xi32>, vector<16xi32>], vector<16xf32>,
    }
    %scan3A_44 = arith.constant 20 : i32
    "tpu.region"() ({
      %run_scoped3A = tpu.sem_alloc : memref<!tpu.dma_semaphore, #tpu.memory_space<semaphore_mem>>
      %dma_start3A = arith.constant 0 : i32
      %dma_start3A_65 = arith.constant 0 : i32
      %dma_start3A_66 = tpu.memref_slice %arg11[%dma_start3A, %dma_start3A_65] : memref<80x128xf32, #tpu.memory_space<vmem_shared>> -> memref<80x128xf32, #tpu.memory_space<vmem_shared>>
      tpu.enqueue_indirect_dma source(%arg8 : memref<80x128xf32, #tpu.memory_space<vmem>>) target(%dma_start3A_66 : memref<80x128xf32, #tpu.memory_space<vmem_shared>>) offsets(%arg10 : memref<80xi32, #tpu.memory_space<vmem>>) semaphore(%run_scoped3A : memref<!tpu.dma_semaphore, #tpu.memory_space<semaphore_mem>>) {add = true}
      %dma_wait3A = arith.constant 0 : i32
      %dma_wait3A_67 = arith.constant 0 : i32
      %dma_wait3A_68 = tpu.memref_slice %arg11[%dma_wait3A, %dma_wait3A_67] : memref<80x128xf32, #tpu.memory_space<vmem_shared>> -> memref<80x128xf32, #tpu.memory_space<vmem_shared>>
      tpu.wait_indirect_dma semaphore(%run_scoped3A : memref<!tpu.dma_semaphore, #tpu.memory_space<semaphore_mem>>) src(%arg8 : memref<80x128xf32, #tpu.memory_space<vmem>>) dst(%dma_wait3A_68 : memref<80x128xf32, #tpu.memory_space<vmem_shared>>)
      tpu.yield
    }) : () -> ()
    %barrier3A_45 = arith.constant 0 : index
    tpu.barrier barrier_id(%barrier3A_45)
    "tpu.region"() ({
      %run_scoped3A = tpu.sem_alloc : memref<!tpu.dma_semaphore, #tpu.memory_space<semaphore_mem>>
      tpu.enqueue_dma source(%arg11 : memref<80x128xf32, #tpu.memory_space<vmem_shared>>) target(%arg8 : memref<80x128xf32, #tpu.memory_space<vmem>>) target_semaphore(%run_scoped3A : memref<!tpu.dma_semaphore, #tpu.memory_space<semaphore_mem>>)
      tpu.wait_dma2 semaphore(%run_scoped3A : memref<!tpu.dma_semaphore, #tpu.memory_space<semaphore_mem>>) src(%arg11 : memref<80x128xf32, #tpu.memory_space<vmem_shared>>) dst(%arg8 : memref<80x128xf32, #tpu.memory_space<vmem>>)
      tpu.yield
    }) : () -> ()
    %scan3A_46 = arith.constant 0 : i32
    %scan3A_47 = arith.constant 0 : i32
    %scan3A_48 = arith.constant 80 : i32
    %scan3A_49 = arith.addi %scan3A_47, %scan3A_48 : i32
    %scan3A_50 = arith.constant 1 : i32
    scf.for %scan3A_65 = %scan3A_47 to %scan3A_49 step %scan3A_50  : i32 {
      %mul3A_66 = arith.constant 128 : i32
      %mul3A_67 = arith.muli %scan3A_65, %mul3A_66 : i32
      %add3A_68 = arith.constant 0 : i32
      %add3A_69 = arith.addi %mul3A_67, %add3A_68 : i32
      %iota3A_70 = tpu.iota {dimensions = array<i32: 0>} : vector<16xi32>
      %add3A_71 = vector.broadcast %add3A_69 : i32 to vector<16xi32>
      %add3A_72 = arith.addi %add3A_71, %iota3A_70 : vector<16xi32>
      %get3A = arith.index_cast %scan3A_65 : i32 to index
      %get3A_73 = arith.constant 0 : index
      %get3A_74 = tpu.vector_load %arg8[%get3A, %get3A_73] {strides = array<i32>} : memref<80x128xf32, #tpu.memory_space<vmem>>, vector<16xf32>,
      %lt3A = arith.constant 10000 : i32
      %lt3A_75 = vector.broadcast %lt3A : i32 to vector<16xi32>
      %lt3A_76 = arith.cmpi slt, %add3A_72, %lt3A_75 : vector<16xi32>
      %add3A_77 = arith.constant 1.000000e+00 : f32
      %add3A_78 = vector.broadcast %add3A_77 : f32 to vector<16xf32>
      %add3A_79 = arith.addf %get3A_74, %add3A_78 : vector<16xf32>
      %div3A = arith.constant 1.000000e+00 : f32
      %div3A_80 = vector.broadcast %div3A : f32 to vector<16xf32>
      %div3A_81 = arith.divf %div3A_80, %add3A_79 : vector<16xf32>
      %jit3A = arith.constant 0.000000e+00 : f32
      %broadcast_in_dim3A_82 = vector.broadcast %jit3A : f32 to vector<16xf32>
      %select_n3A = arith.select %lt3A_76, %div3A_81, %broadcast_in_dim3A_82 : vector<16xi1>, vector<16xf32>
      %swap3A_83 = arith.index_cast %scan3A_65 : i32 to index
      %swap3A_84 = arith.constant 0 : index
      %swap3A_85 = tpu.vector_load %arg8[%swap3A_83, %swap3A_84] {strides = array<i32>} : memref<80x128xf32, #tpu.memory_space<vmem>>, vector<16xf32>,
      tpu.vector_store %arg8[%swap3A_83, %swap3A_84], %select_n3A {strides = array<i32>} : memref<80x128xf32, #tpu.memory_space<vmem>>, vector<16xf32>,
      %mul3A_86 = arith.constant 128 : i32
      %mul3A_87 = arith.muli %scan3A_65, %mul3A_86 : i32
      %add3A_88 = arith.constant 16 : i32
      %add3A_89 = arith.addi %mul3A_87, %add3A_88 : i32
      %iota3A_90 = tpu.iota {dimensions = array<i32: 0>} : vector<16xi32>
      %add3A_91 = vector.broadcast %add3A_89 : i32 to vector<16xi32>
      %add3A_92 = arith.addi %add3A_91, %iota3A_90 : vector<16xi32>
      %get3A_93 = arith.index_cast %scan3A_65 : i32 to index
      %get3A_94 = arith.constant 16 : index
      %get3A_95 = tpu.vector_load %arg8[%get3A_93, %get3A_94] {strides = array<i32>} : memref<80x128xf32, #tpu.memory_space<vmem>>, vector<16xf32>,
      %lt3A_96 = arith.constant 10000 : i32
      %lt3A_97 = vector.broadcast %lt3A_96 : i32 to vector<16xi32>
      %lt3A_98 = arith.cmpi slt, %add3A_92, %lt3A_97 : vector<16xi32>
      %add3A_99 = arith.constant 1.000000e+00 : f32
      %add3A_100 = vector.broadcast %add3A_99 : f32 to vector<16xf32>
      %add3A_101 = arith.addf %get3A_95, %add3A_100 : vector<16xf32>
      %div3A_102 = arith.constant 1.000000e+00 : f32
      %div3A_103 = vector.broadcast %div3A_102 : f32 to vector<16xf32>
      %div3A_104 = arith.divf %div3A_103, %add3A_101 : vector<16xf32>
      %jit3A_105 = arith.constant 0.000000e+00 : f32
      %broadcast_in_dim3A_106 = vector.broadcast %jit3A_105 : f32 to vector<16xf32>
      %select_n3A_107 = arith.select %lt3A_98, %div3A_104, %broadcast_in_dim3A_106 : vector<16xi1>, vector<16xf32>
      %swap3A_108 = arith.index_cast %scan3A_65 : i32 to index
      %swap3A_109 = arith.constant 16 : index
      %swap3A_110 = tpu.vector_load %arg8[%swap3A_108, %swap3A_109] {strides = array<i32>} : memref<80x128xf32, #tpu.memory_space<vmem>>, vector<16xf32>,
      tpu.vector_store %arg8[%swap3A_108, %swap3A_109], %select_n3A_107 {strides = array<i32>} : memref<80x128xf32, #tpu.memory_space<vmem>>, vector<16xf32>,
      %mul3A_111 = arith.constant 128 : i32
      %mul3A_112 = arith.muli %scan3A_65, %mul3A_111 : i32
      %add3A_113 = arith.constant 32 : i32
      %add3A_114 = arith.addi %mul3A_112, %add3A_113 : i32
      %iota3A_115 = tpu.iota {dimensions = array<i32: 0>} : vector<16xi32>
      %add3A_116 = vector.broadcast %add3A_114 : i32 to vector<16xi32>
      %add3A_117 = arith.addi %add3A_116, %iota3A_115 : vector<16xi32>
      %get3A_118 = arith.index_cast %scan3A_65 : i32 to index
      %get3A_119 = arith.constant 32 : index
      %get3A_120 = tpu.vector_load %arg8[%get3A_118, %get3A_119] {strides = array<i32>} : memref<80x128xf32, #tpu.memory_space<vmem>>, vector<16xf32>,
      %lt3A_121 = arith.constant 10000 : i32
      %lt3A_122 = vector.broadcast %lt3A_121 : i32 to vector<16xi32>
      %lt3A_123 = arith.cmpi slt, %add3A_117, %lt3A_122 : vector<16xi32>
      %add3A_124 = arith.constant 1.000000e+00 : f32
      %add3A_125 = vector.broadcast %add3A_124 : f32 to vector<16xf32>
      %add3A_126 = arith.addf %get3A_120, %add3A_125 : vector<16xf32>
      %div3A_127 = arith.constant 1.000000e+00 : f32
      %div3A_128 = vector.broadcast %div3A_127 : f32 to vector<16xf32>
      %div3A_129 = arith.divf %div3A_128, %add3A_126 : vector<16xf32>
      %jit3A_130 = arith.constant 0.000000e+00 : f32
      %broadcast_in_dim3A_131 = vector.broadcast %jit3A_130 : f32 to vector<16xf32>
      %select_n3A_132 = arith.select %lt3A_123, %div3A_129, %broadcast_in_dim3A_131 : vector<16xi1>, vector<16xf32>
      %swap3A_133 = arith.index_cast %scan3A_65 : i32 to index
      %swap3A_134 = arith.constant 32 : index
      %swap3A_135 = tpu.vector_load %arg8[%swap3A_133, %swap3A_134] {strides = array<i32>} : memref<80x128xf32, #tpu.memory_space<vmem>>, vector<16xf32>,
      tpu.vector_store %arg8[%swap3A_133, %swap3A_134], %select_n3A_132 {strides = array<i32>} : memref<80x128xf32, #tpu.memory_space<vmem>>, vector<16xf32>,
      %mul3A_136 = arith.constant 128 : i32
      %mul3A_137 = arith.muli %scan3A_65, %mul3A_136 : i32
      %add3A_138 = arith.constant 48 : i32
      %add3A_139 = arith.addi %mul3A_137, %add3A_138 : i32
      %iota3A_140 = tpu.iota {dimensions = array<i32: 0>} : vector<16xi32>
      %add3A_141 = vector.broadcast %add3A_139 : i32 to vector<16xi32>
      %add3A_142 = arith.addi %add3A_141, %iota3A_140 : vector<16xi32>
      %get3A_143 = arith.index_cast %scan3A_65 : i32 to index
      %get3A_144 = arith.constant 48 : index
      %get3A_145 = tpu.vector_load %arg8[%get3A_143, %get3A_144] {strides = array<i32>} : memref<80x128xf32, #tpu.memory_space<vmem>>, vector<16xf32>,
      %lt3A_146 = arith.constant 10000 : i32
      %lt3A_147 = vector.broadcast %lt3A_146 : i32 to vector<16xi32>
      %lt3A_148 = arith.cmpi slt, %add3A_142, %lt3A_147 : vector<16xi32>
      %add3A_149 = arith.constant 1.000000e+00 : f32
      %add3A_150 = vector.broadcast %add3A_149 : f32 to vector<16xf32>
      %add3A_151 = arith.addf %get3A_145, %add3A_150 : vector<16xf32>
      %div3A_152 = arith.constant 1.000000e+00 : f32
      %div3A_153 = vector.broadcast %div3A_152 : f32 to vector<16xf32>
      %div3A_154 = arith.divf %div3A_153, %add3A_151 : vector<16xf32>
      %jit3A_155 = arith.constant 0.000000e+00 : f32
      %broadcast_in_dim3A_156 = vector.broadcast %jit3A_155 : f32 to vector<16xf32>
      %select_n3A_157 = arith.select %lt3A_148, %div3A_154, %broadcast_in_dim3A_156 : vector<16xi1>, vector<16xf32>
      %swap3A_158 = arith.index_cast %scan3A_65 : i32 to index
      %swap3A_159 = arith.constant 48 : index
      %swap3A_160 = tpu.vector_load %arg8[%swap3A_158, %swap3A_159] {strides = array<i32>} : memref<80x128xf32, #tpu.memory_space<vmem>>, vector<16xf32>,
      tpu.vector_store %arg8[%swap3A_158, %swap3A_159], %select_n3A_157 {strides = array<i32>} : memref<80x128xf32, #tpu.memory_space<vmem>>, vector<16xf32>,
      %mul3A_161 = arith.constant 128 : i32
      %mul3A_162 = arith.muli %scan3A_65, %mul3A_161 : i32
      %add3A_163 = arith.constant 64 : i32
      %add3A_164 = arith.addi %mul3A_162, %add3A_163 : i32
      %iota3A_165 = tpu.iota {dimensions = array<i32: 0>} : vector<16xi32>
      %add3A_166 = vector.broadcast %add3A_164 : i32 to vector<16xi32>
      %add3A_167 = arith.addi %add3A_166, %iota3A_165 : vector<16xi32>
      %get3A_168 = arith.index_cast %scan3A_65 : i32 to index
      %get3A_169 = arith.constant 64 : index
      %get3A_170 = tpu.vector_load %arg8[%get3A_168, %get3A_169] {strides = array<i32>} : memref<80x128xf32, #tpu.memory_space<vmem>>, vector<16xf32>,
      %lt3A_171 = arith.constant 10000 : i32
      %lt3A_172 = vector.broadcast %lt3A_171 : i32 to vector<16xi32>
      %lt3A_173 = arith.cmpi slt, %add3A_167, %lt3A_172 : vector<16xi32>
      %add3A_174 = arith.constant 1.000000e+00 : f32
      %add3A_175 = vector.broadcast %add3A_174 : f32 to vector<16xf32>
      %add3A_176 = arith.addf %get3A_170, %add3A_175 : vector<16xf32>
      %div3A_177 = arith.constant 1.000000e+00 : f32
      %div3A_178 = vector.broadcast %div3A_177 : f32 to vector<16xf32>
      %div3A_179 = arith.divf %div3A_178, %add3A_176 : vector<16xf32>
      %jit3A_180 = arith.constant 0.000000e+00 : f32
      %broadcast_in_dim3A_181 = vector.broadcast %jit3A_180 : f32 to vector<16xf32>
      %select_n3A_182 = arith.select %lt3A_173, %div3A_179, %broadcast_in_dim3A_181 : vector<16xi1>, vector<16xf32>
      %swap3A_183 = arith.index_cast %scan3A_65 : i32 to index
      %swap3A_184 = arith.constant 64 : index
      %swap3A_185 = tpu.vector_load %arg8[%swap3A_183, %swap3A_184] {strides = array<i32>} : memref<80x128xf32, #tpu.memory_space<vmem>>, vector<16xf32>,
      tpu.vector_store %arg8[%swap3A_183, %swap3A_184], %select_n3A_182 {strides = array<i32>} : memref<80x128xf32, #tpu.memory_space<vmem>>, vector<16xf32>,
      %mul3A_186 = arith.constant 128 : i32
      %mul3A_187 = arith.muli %scan3A_65, %mul3A_186 : i32
      %add3A_188 = arith.constant 80 : i32
      %add3A_189 = arith.addi %mul3A_187, %add3A_188 : i32
      %iota3A_190 = tpu.iota {dimensions = array<i32: 0>} : vector<16xi32>
      %add3A_191 = vector.broadcast %add3A_189 : i32 to vector<16xi32>
      %add3A_192 = arith.addi %add3A_191, %iota3A_190 : vector<16xi32>
      %get3A_193 = arith.index_cast %scan3A_65 : i32 to index
      %get3A_194 = arith.constant 80 : index
      %get3A_195 = tpu.vector_load %arg8[%get3A_193, %get3A_194] {strides = array<i32>} : memref<80x128xf32, #tpu.memory_space<vmem>>, vector<16xf32>,
      %lt3A_196 = arith.constant 10000 : i32
      %lt3A_197 = vector.broadcast %lt3A_196 : i32 to vector<16xi32>
      %lt3A_198 = arith.cmpi slt, %add3A_192, %lt3A_197 : vector<16xi32>
      %add3A_199 = arith.constant 1.000000e+00 : f32
      %add3A_200 = vector.broadcast %add3A_199 : f32 to vector<16xf32>
      %add3A_201 = arith.addf %get3A_195, %add3A_200 : vector<16xf32>
      %div3A_202 = arith.constant 1.000000e+00 : f32
      %div3A_203 = vector.broadcast %div3A_202 : f32 to vector<16xf32>
      %div3A_204 = arith.divf %div3A_203, %add3A_201 : vector<16xf32>
      %jit3A_205 = arith.constant 0.000000e+00 : f32
      %broadcast_in_dim3A_206 = vector.broadcast %jit3A_205 : f32 to vector<16xf32>
      %select_n3A_207 = arith.select %lt3A_198, %div3A_204, %broadcast_in_dim3A_206 : vector<16xi1>, vector<16xf32>
      %swap3A_208 = arith.index_cast %scan3A_65 : i32 to index
      %swap3A_209 = arith.constant 80 : index
      %swap3A_210 = tpu.vector_load %arg8[%swap3A_208, %swap3A_209] {strides = array<i32>} : memref<80x128xf32, #tpu.memory_space<vmem>>, vector<16xf32>,
      tpu.vector_store %arg8[%swap3A_208, %swap3A_209], %select_n3A_207 {strides = array<i32>} : memref<80x128xf32, #tpu.memory_space<vmem>>, vector<16xf32>,
      %mul3A_211 = arith.constant 128 : i32
      %mul3A_212 = arith.muli %scan3A_65, %mul3A_211 : i32
      %add3A_213 = arith.constant 96 : i32
      %add3A_214 = arith.addi %mul3A_212, %add3A_213 : i32
      %iota3A_215 = tpu.iota {dimensions = array<i32: 0>} : vector<16xi32>
      %add3A_216 = vector.broadcast %add3A_214 : i32 to vector<16xi32>
      %add3A_217 = arith.addi %add3A_216, %iota3A_215 : vector<16xi32>
      %get3A_218 = arith.index_cast %scan3A_65 : i32 to index
      %get3A_219 = arith.constant 96 : index
      %get3A_220 = tpu.vector_load %arg8[%get3A_218, %get3A_219] {strides = array<i32>} : memref<80x128xf32, #tpu.memory_space<vmem>>, vector<16xf32>,
      %lt3A_221 = arith.constant 10000 : i32
      %lt3A_222 = vector.broadcast %lt3A_221 : i32 to vector<16xi32>
      %lt3A_223 = arith.cmpi slt, %add3A_217, %lt3A_222 : vector<16xi32>
      %add3A_224 = arith.constant 1.000000e+00 : f32
      %add3A_225 = vector.broadcast %add3A_224 : f32 to vector<16xf32>
      %add3A_226 = arith.addf %get3A_220, %add3A_225 : vector<16xf32>
      %div3A_227 = arith.constant 1.000000e+00 : f32
      %div3A_228 = vector.broadcast %div3A_227 : f32 to vector<16xf32>
      %div3A_229 = arith.divf %div3A_228, %add3A_226 : vector<16xf32>
      %jit3A_230 = arith.constant 0.000000e+00 : f32
      %broadcast_in_dim3A_231 = vector.broadcast %jit3A_230 : f32 to vector<16xf32>
      %select_n3A_232 = arith.select %lt3A_223, %div3A_229, %broadcast_in_dim3A_231 : vector<16xi1>, vector<16xf32>
      %swap3A_233 = arith.index_cast %scan3A_65 : i32 to index
      %swap3A_234 = arith.constant 96 : index
      %swap3A_235 = tpu.vector_load %arg8[%swap3A_233, %swap3A_234] {strides = array<i32>} : memref<80x128xf32, #tpu.memory_space<vmem>>, vector<16xf32>,
      tpu.vector_store %arg8[%swap3A_233, %swap3A_234], %select_n3A_232 {strides = array<i32>} : memref<80x128xf32, #tpu.memory_space<vmem>>, vector<16xf32>,
      %mul3A_236 = arith.constant 128 : i32
      %mul3A_237 = arith.muli %scan3A_65, %mul3A_236 : i32
      %add3A_238 = arith.constant 112 : i32
      %add3A_239 = arith.addi %mul3A_237, %add3A_238 : i32
      %iota3A_240 = tpu.iota {dimensions = array<i32: 0>} : vector<16xi32>
      %add3A_241 = vector.broadcast %add3A_239 : i32 to vector<16xi32>
      %add3A_242 = arith.addi %add3A_241, %iota3A_240 : vector<16xi32>
      %get3A_243 = arith.index_cast %scan3A_65 : i32 to index
      %get3A_244 = arith.constant 112 : index
      %get3A_245 = tpu.vector_load %arg8[%get3A_243, %get3A_244] {strides = array<i32>} : memref<80x128xf32, #tpu.memory_space<vmem>>, vector<16xf32>,
      %lt3A_246 = arith.constant 10000 : i32
      %lt3A_247 = vector.broadcast %lt3A_246 : i32 to vector<16xi32>
      %lt3A_248 = arith.cmpi slt, %add3A_242, %lt3A_247 : vector<16xi32>
      %add3A_249 = arith.constant 1.000000e+00 : f32
      %add3A_250 = vector.broadcast %add3A_249 : f32 to vector<16xf32>
      %add3A_251 = arith.addf %get3A_245, %add3A_250 : vector<16xf32>
      %div3A_252 = arith.constant 1.000000e+00 : f32
      %div3A_253 = vector.broadcast %div3A_252 : f32 to vector<16xf32>
      %div3A_254 = arith.divf %div3A_253, %add3A_251 : vector<16xf32>
      %jit3A_255 = arith.constant 0.000000e+00 : f32
      %broadcast_in_dim3A_256 = vector.broadcast %jit3A_255 : f32 to vector<16xf32>
      %select_n3A_257 = arith.select %lt3A_248, %div3A_254, %broadcast_in_dim3A_256 : vector<16xi1>, vector<16xf32>
      %swap3A_258 = arith.index_cast %scan3A_65 : i32 to index
      %swap3A_259 = arith.constant 112 : index
      %swap3A_260 = tpu.vector_load %arg8[%swap3A_258, %swap3A_259] {strides = array<i32>} : memref<80x128xf32, #tpu.memory_space<vmem>>, vector<16xf32>,
      tpu.vector_store %arg8[%swap3A_258, %swap3A_259], %select_n3A_257 {strides = array<i32>} : memref<80x128xf32, #tpu.memory_space<vmem>>, vector<16xf32>,
    }
    %scan3A_51 = arith.constant 80 : i32
    %eq3A_52 = arith.constant 0 : i32
    %eq3A_53 = arith.cmpi eq, %arg0, %eq3A_52 : i32
    %eq3A_54 = arith.constant 0 : i32
    %eq3A_55 = arith.cmpi eq, %arg1, %eq3A_54 : i32
    %and3A = arith.andi %eq3A_53, %eq3A_55 : i1
    %convert_element_type3A_56 = arith.extui %and3A : i1 to i32
    %cond3A_57 = arith.constant 0 : i32
    %cond3A_58 = arith.cmpi ne, %convert_element_type3A_56, %cond3A_57 : i32
    scf.if %cond3A_58 {
      "tpu.region"() ({
        %run_scoped3A = tpu.sem_alloc : memref<!tpu.dma_semaphore, #tpu.memory_space<semaphore_mem>>
        tpu.enqueue_dma source(%arg8 : memref<80x128xf32, #tpu.memory_space<vmem>>) target(%arg4 : memref<80x128xf32, #tpu.memory_space<hbm>>) target_semaphore(%run_scoped3A : memref<!tpu.dma_semaphore, #tpu.memory_space<semaphore_mem>>)
        tpu.wait_dma2 semaphore(%run_scoped3A : memref<!tpu.dma_semaphore, #tpu.memory_space<semaphore_mem>>) src(%arg8 : memref<80x128xf32, #tpu.memory_space<vmem>>) dst(%arg4 : memref<80x128xf32, #tpu.memory_space<hbm>>)
        tpu.yield
      }) : () -> ()
    } else {
    }
    %scan3A_59 = arith.constant 0 : i32
    %scan3A_60 = arith.constant 0 : i32
    %scan3A_61 = arith.constant 10 : i32
    %scan3A_62 = arith.addi %scan3A_60, %scan3A_61 : i32
    %scan3A_63 = arith.constant 1 : i32
    scf.for %scan3A_65 = %scan3A_60 to %scan3A_62 step %scan3A_63  : i32 {
      %mul3A_66 = arith.constant 10 : i32
      %mul3A_67 = arith.muli %add3A, %mul3A_66 : i32
      %add3A_68 = arith.addi %mul3A_67, %scan3A_65 : i32
      %mul3A_69 = arith.constant 8 : i32
      %mul3A_70 = arith.muli %add3A_68, %mul3A_69 : i32
      "tpu.region"() ({
        %run_scoped3A = tpu.sem_alloc : memref<!tpu.dma_semaphore, #tpu.memory_space<semaphore_mem>>
        %dma_start3A = arith.constant 0 : i32
        %dma_start3A_1412 = tpu.memref_slice %arg2[%mul3A_70, %dma_start3A] : memref<2560x128xi32, #tpu.memory_space<hbm>> -> memref<8x128xi32, #tpu.memory_space<hbm>>
        %dma_start3A_1413 = arith.constant 0 : i32
        %dma_start3A_1414 = tpu.memref_slice %arg2[%mul3A_70, %dma_start3A_1413] : memref<2560x128xi32, #tpu.memory_space<hbm>> -> memref<8x128xi32, #tpu.memory_space<hbm>>
        tpu.enqueue_dma source(%dma_start3A_1414 : memref<8x128xi32, #tpu.memory_space<hbm>>) target(%arg6 : memref<8x128xi32, #tpu.memory_space<vmem>>) target_semaphore(%run_scoped3A : memref<!tpu.dma_semaphore, #tpu.memory_space<semaphore_mem>>)
        %dma_wait3A = arith.constant 0 : i32
        %dma_wait3A_1415 = tpu.memref_slice %arg2[%mul3A_70, %dma_wait3A] : memref<2560x128xi32, #tpu.memory_space<hbm>> -> memref<8x128xi32, #tpu.memory_space<hbm>>
        %dma_wait3A_1416 = arith.constant 0 : i32
        %dma_wait3A_1417 = tpu.memref_slice %arg2[%mul3A_70, %dma_wait3A_1416] : memref<2560x128xi32, #tpu.memory_space<hbm>> -> memref<8x128xi32, #tpu.memory_space<hbm>>
        tpu.wait_dma2 semaphore(%run_scoped3A : memref<!tpu.dma_semaphore, #tpu.memory_space<semaphore_mem>>) src(%dma_wait3A_1417 : memref<8x128xi32, #tpu.memory_space<hbm>>) dst(%arg6 : memref<8x128xi32, #tpu.memory_space<vmem>>)
        tpu.yield
      }) : () -> ()
      "tpu.region"() ({
        %run_scoped3A = tpu.sem_alloc : memref<!tpu.dma_semaphore, #tpu.memory_space<semaphore_mem>>
        %dma_start3A = arith.constant 0 : i32
        %dma_start3A_1412 = tpu.memref_slice %arg3[%mul3A_70, %dma_start3A] : memref<2560x128xi32, #tpu.memory_space<hbm>> -> memref<8x128xi32, #tpu.memory_space<hbm>>
        %dma_start3A_1413 = arith.constant 0 : i32
        %dma_start3A_1414 = tpu.memref_slice %arg3[%mul3A_70, %dma_start3A_1413] : memref<2560x128xi32, #tpu.memory_space<hbm>> -> memref<8x128xi32, #tpu.memory_space<hbm>>
        tpu.enqueue_dma source(%dma_start3A_1414 : memref<8x128xi32, #tpu.memory_space<hbm>>) target(%arg7 : memref<8x128xi32, #tpu.memory_space<vmem>>) target_semaphore(%run_scoped3A : memref<!tpu.dma_semaphore, #tpu.memory_space<semaphore_mem>>)
        %dma_wait3A = arith.constant 0 : i32
        %dma_wait3A_1415 = tpu.memref_slice %arg3[%mul3A_70, %dma_wait3A] : memref<2560x128xi32, #tpu.memory_space<hbm>> -> memref<8x128xi32, #tpu.memory_space<hbm>>
        %dma_wait3A_1416 = arith.constant 0 : i32
        %dma_wait3A_1417 = tpu.memref_slice %arg3[%mul3A_70, %dma_wait3A_1416] : memref<2560x128xi32, #tpu.memory_space<hbm>> -> memref<8x128xi32, #tpu.memory_space<hbm>>
        tpu.wait_dma2 semaphore(%run_scoped3A : memref<!tpu.dma_semaphore, #tpu.memory_space<semaphore_mem>>) src(%dma_wait3A_1417 : memref<8x128xi32, #tpu.memory_space<hbm>>) dst(%arg7 : memref<8x128xi32, #tpu.memory_space<vmem>>)
        tpu.yield
      }) : () -> ()
      %get3A = arith.constant 0 : i32
      %get3A_71 = arith.index_cast %get3A : i32 to index
      %get3A_72 = arith.constant 0 : index
      %get3A_73 = tpu.vector_load %arg6[%get3A_71, %get3A_72] {strides = array<i32>} : memref<8x128xi32, #tpu.memory_space<vmem>>, vector<16xi32>,
      %get3A_74 = arith.constant 0 : i32
      %get3A_75 = arith.index_cast %get3A_74 : i32 to index
      %get3A_76 = arith.constant 0 : index
      %get3A_77 = tpu.vector_load %arg7[%get3A_75, %get3A_76] {strides = array<i32>} : memref<8x128xi32, #tpu.memory_space<vmem>>, vector<16xi32>,
      %shift_right_arithmetic3A = arith.constant 7 : i32
      %shift_right_arithmetic3A_78 = vector.broadcast %shift_right_arithmetic3A : i32 to vector<16xi32>
      %shift_right_arithmetic3A_79 = arith.shrsi %get3A_77, %shift_right_arithmetic3A_78 : vector<16xi32>
      %and3A_80 = arith.constant 127 : i32
      %and3A_81 = vector.broadcast %and3A_80 : i32 to vector<16xi32>
      %and3A_82 = arith.andi %get3A_77, %and3A_81 : vector<16xi32>
      %gather3A = tpu.vector_load_idx %arg8[%shift_right_arithmetic3A_79, %and3A_82] : memref<80x128xf32, #tpu.memory_space<vmem>>[vector<16xi32>, vector<16xi32>], vector<16xf32>,
      %shift_right_arithmetic3A_83 = arith.constant 7 : i32
      %shift_right_arithmetic3A_84 = vector.broadcast %shift_right_arithmetic3A_83 : i32 to vector<16xi32>
      %shift_right_arithmetic3A_85 = arith.shrsi %get3A_73, %shift_right_arithmetic3A_84 : vector<16xi32>
      %and3A_86 = arith.constant 127 : i32
      %and3A_87 = vector.broadcast %and3A_86 : i32 to vector<16xi32>
      %and3A_88 = arith.andi %get3A_73, %and3A_87 : vector<16xi32>
      tpu.vector_store_idx %arg9[%shift_right_arithmetic3A_85, %and3A_88], %gather3A {add = true} : memref<80x128xf32, #tpu.memory_space<vmem>>[vector<16xi32>, vector<16xi32>], vector<16xf32>,
      %get3A_89 = arith.constant 0 : i32
      %get3A_90 = arith.index_cast %get3A_89 : i32 to index
      %get3A_91 = arith.constant 16 : index
      %get3A_92 = tpu.vector_load %arg6[%get3A_90, %get3A_91] {strides = array<i32>} : memref<8x128xi32, #tpu.memory_space<vmem>>, vector<16xi32>,
      %get3A_93 = arith.constant 0 : i32
      %get3A_94 = arith.index_cast %get3A_93 : i32 to index
      %get3A_95 = arith.constant 16 : index
      %get3A_96 = tpu.vector_load %arg7[%get3A_94, %get3A_95] {strides = array<i32>} : memref<8x128xi32, #tpu.memory_space<vmem>>, vector<16xi32>,
      %shift_right_arithmetic3A_97 = arith.constant 7 : i32
      %shift_right_arithmetic3A_98 = vector.broadcast %shift_right_arithmetic3A_97 : i32 to vector<16xi32>
      %shift_right_arithmetic3A_99 = arith.shrsi %get3A_96, %shift_right_arithmetic3A_98 : vector<16xi32>
      %and3A_100 = arith.constant 127 : i32
      %and3A_101 = vector.broadcast %and3A_100 : i32 to vector<16xi32>
      %and3A_102 = arith.andi %get3A_96, %and3A_101 : vector<16xi32>
      %gather3A_103 = tpu.vector_load_idx %arg8[%shift_right_arithmetic3A_99, %and3A_102] : memref<80x128xf32, #tpu.memory_space<vmem>>[vector<16xi32>, vector<16xi32>], vector<16xf32>,
      %shift_right_arithmetic3A_104 = arith.constant 7 : i32
      %shift_right_arithmetic3A_105 = vector.broadcast %shift_right_arithmetic3A_104 : i32 to vector<16xi32>
      %shift_right_arithmetic3A_106 = arith.shrsi %get3A_92, %shift_right_arithmetic3A_105 : vector<16xi32>
      %and3A_107 = arith.constant 127 : i32
      %and3A_108 = vector.broadcast %and3A_107 : i32 to vector<16xi32>
      %and3A_109 = arith.andi %get3A_92, %and3A_108 : vector<16xi32>
      tpu.vector_store_idx %arg9[%shift_right_arithmetic3A_106, %and3A_109], %gather3A_103 {add = true} : memref<80x128xf32, #tpu.memory_space<vmem>>[vector<16xi32>, vector<16xi32>], vector<16xf32>,
      %get3A_110 = arith.constant 0 : i32
      %get3A_111 = arith.index_cast %get3A_110 : i32 to index
      %get3A_112 = arith.constant 32 : index
      %get3A_113 = tpu.vector_load %arg6[%get3A_111, %get3A_112] {strides = array<i32>} : memref<8x128xi32, #tpu.memory_space<vmem>>, vector<16xi32>,
      %get3A_114 = arith.constant 0 : i32
      %get3A_115 = arith.index_cast %get3A_114 : i32 to index
      %get3A_116 = arith.constant 32 : index
      %get3A_117 = tpu.vector_load %arg7[%get3A_115, %get3A_116] {strides = array<i32>} : memref<8x128xi32, #tpu.memory_space<vmem>>, vector<16xi32>,
      %shift_right_arithmetic3A_118 = arith.constant 7 : i32
      %shift_right_arithmetic3A_119 = vector.broadcast %shift_right_arithmetic3A_118 : i32 to vector<16xi32>
      %shift_right_arithmetic3A_120 = arith.shrsi %get3A_117, %shift_right_arithmetic3A_119 : vector<16xi32>
      %and3A_121 = arith.constant 127 : i32
      %and3A_122 = vector.broadcast %and3A_121 : i32 to vector<16xi32>
      %and3A_123 = arith.andi %get3A_117, %and3A_122 : vector<16xi32>
      %gather3A_124 = tpu.vector_load_idx %arg8[%shift_right_arithmetic3A_120, %and3A_123] : memref<80x128xf32, #tpu.memory_space<vmem>>[vector<16xi32>, vector<16xi32>], vector<16xf32>,
      %shift_right_arithmetic3A_125 = arith.constant 7 : i32
      %shift_right_arithmetic3A_126 = vector.broadcast %shift_right_arithmetic3A_125 : i32 to vector<16xi32>
      %shift_right_arithmetic3A_127 = arith.shrsi %get3A_113, %shift_right_arithmetic3A_126 : vector<16xi32>
      %and3A_128 = arith.constant 127 : i32
      %and3A_129 = vector.broadcast %and3A_128 : i32 to vector<16xi32>
      %and3A_130 = arith.andi %get3A_113, %and3A_129 : vector<16xi32>
      tpu.vector_store_idx %arg9[%shift_right_arithmetic3A_127, %and3A_130], %gather3A_124 {add = true} : memref<80x128xf32, #tpu.memory_space<vmem>>[vector<16xi32>, vector<16xi32>], vector<16xf32>,
      %get3A_131 = arith.constant 0 : i32
      %get3A_132 = arith.index_cast %get3A_131 : i32 to index
      %get3A_133 = arith.constant 48 : index
      %get3A_134 = tpu.vector_load %arg6[%get3A_132, %get3A_133] {strides = array<i32>} : memref<8x128xi32, #tpu.memory_space<vmem>>, vector<16xi32>,
      %get3A_135 = arith.constant 0 : i32
      %get3A_136 = arith.index_cast %get3A_135 : i32 to index
      %get3A_137 = arith.constant 48 : index
      %get3A_138 = tpu.vector_load %arg7[%get3A_136, %get3A_137] {strides = array<i32>} : memref<8x128xi32, #tpu.memory_space<vmem>>, vector<16xi32>,
      %shift_right_arithmetic3A_139 = arith.constant 7 : i32
      %shift_right_arithmetic3A_140 = vector.broadcast %shift_right_arithmetic3A_139 : i32 to vector<16xi32>
      %shift_right_arithmetic3A_141 = arith.shrsi %get3A_138, %shift_right_arithmetic3A_140 : vector<16xi32>
      %and3A_142 = arith.constant 127 : i32
      %and3A_143 = vector.broadcast %and3A_142 : i32 to vector<16xi32>
      %and3A_144 = arith.andi %get3A_138, %and3A_143 : vector<16xi32>
      %gather3A_145 = tpu.vector_load_idx %arg8[%shift_right_arithmetic3A_141, %and3A_144] : memref<80x128xf32, #tpu.memory_space<vmem>>[vector<16xi32>, vector<16xi32>], vector<16xf32>,
      %shift_right_arithmetic3A_146 = arith.constant 7 : i32
      %shift_right_arithmetic3A_147 = vector.broadcast %shift_right_arithmetic3A_146 : i32 to vector<16xi32>
      %shift_right_arithmetic3A_148 = arith.shrsi %get3A_134, %shift_right_arithmetic3A_147 : vector<16xi32>
      %and3A_149 = arith.constant 127 : i32
      %and3A_150 = vector.broadcast %and3A_149 : i32 to vector<16xi32>
      %and3A_151 = arith.andi %get3A_134, %and3A_150 : vector<16xi32>
      tpu.vector_store_idx %arg9[%shift_right_arithmetic3A_148, %and3A_151], %gather3A_145 {add = true} : memref<80x128xf32, #tpu.memory_space<vmem>>[vector<16xi32>, vector<16xi32>], vector<16xf32>,
      %get3A_152 = arith.constant 0 : i32
      %get3A_153 = arith.index_cast %get3A_152 : i32 to index
      %get3A_154 = arith.constant 64 : index
      %get3A_155 = tpu.vector_load %arg6[%get3A_153, %get3A_154] {strides = array<i32>} : memref<8x128xi32, #tpu.memory_space<vmem>>, vector<16xi32>,
      %get3A_156 = arith.constant 0 : i32
      %get3A_157 = arith.index_cast %get3A_156 : i32 to index
      %get3A_158 = arith.constant 64 : index
      %get3A_159 = tpu.vector_load %arg7[%get3A_157, %get3A_158] {strides = array<i32>} : memref<8x128xi32, #tpu.memory_space<vmem>>, vector<16xi32>,
      %shift_right_arithmetic3A_160 = arith.constant 7 : i32
      %shift_right_arithmetic3A_161 = vector.broadcast %shift_right_arithmetic3A_160 : i32 to vector<16xi32>
      %shift_right_arithmetic3A_162 = arith.shrsi %get3A_159, %shift_right_arithmetic3A_161 : vector<16xi32>
      %and3A_163 = arith.constant 127 : i32
      %and3A_164 = vector.broadcast %and3A_163 : i32 to vector<16xi32>
      %and3A_165 = arith.andi %get3A_159, %and3A_164 : vector<16xi32>
      %gather3A_166 = tpu.vector_load_idx %arg8[%shift_right_arithmetic3A_162, %and3A_165] : memref<80x128xf32, #tpu.memory_space<vmem>>[vector<16xi32>, vector<16xi32>], vector<16xf32>,
      %shift_right_arithmetic3A_167 = arith.constant 7 : i32
      %shift_right_arithmetic3A_168 = vector.broadcast %shift_right_arithmetic3A_167 : i32 to vector<16xi32>
      %shift_right_arithmetic3A_169 = arith.shrsi %get3A_155, %shift_right_arithmetic3A_168 : vector<16xi32>
      %and3A_170 = arith.constant 127 : i32
      %and3A_171 = vector.broadcast %and3A_170 : i32 to vector<16xi32>
      %and3A_172 = arith.andi %get3A_155, %and3A_171 : vector<16xi32>
      tpu.vector_store_idx %arg9[%shift_right_arithmetic3A_169, %and3A_172], %gather3A_166 {add = true} : memref<80x128xf32, #tpu.memory_space<vmem>>[vector<16xi32>, vector<16xi32>], vector<16xf32>,
      %get3A_173 = arith.constant 0 : i32
      %get3A_174 = arith.index_cast %get3A_173 : i32 to index
      %get3A_175 = arith.constant 80 : index
      %get3A_176 = tpu.vector_load %arg6[%get3A_174, %get3A_175] {strides = array<i32>} : memref<8x128xi32, #tpu.memory_space<vmem>>, vector<16xi32>,
      %get3A_177 = arith.constant 0 : i32
      %get3A_178 = arith.index_cast %get3A_177 : i32 to index
      %get3A_179 = arith.constant 80 : index
      %get3A_180 = tpu.vector_load %arg7[%get3A_178, %get3A_179] {strides = array<i32>} : memref<8x128xi32, #tpu.memory_space<vmem>>, vector<16xi32>,
      %shift_right_arithmetic3A_181 = arith.constant 7 : i32
      %shift_right_arithmetic3A_182 = vector.broadcast %shift_right_arithmetic3A_181 : i32 to vector<16xi32>
      %shift_right_arithmetic3A_183 = arith.shrsi %get3A_180, %shift_right_arithmetic3A_182 : vector<16xi32>
      %and3A_184 = arith.constant 127 : i32
      %and3A_185 = vector.broadcast %and3A_184 : i32 to vector<16xi32>
      %and3A_186 = arith.andi %get3A_180, %and3A_185 : vector<16xi32>
      %gather3A_187 = tpu.vector_load_idx %arg8[%shift_right_arithmetic3A_183, %and3A_186] : memref<80x128xf32, #tpu.memory_space<vmem>>[vector<16xi32>, vector<16xi32>], vector<16xf32>,
      %shift_right_arithmetic3A_188 = arith.constant 7 : i32
      %shift_right_arithmetic3A_189 = vector.broadcast %shift_right_arithmetic3A_188 : i32 to vector<16xi32>
      %shift_right_arithmetic3A_190 = arith.shrsi %get3A_176, %shift_right_arithmetic3A_189 : vector<16xi32>
      %and3A_191 = arith.constant 127 : i32
      %and3A_192 = vector.broadcast %and3A_191 : i32 to vector<16xi32>
      %and3A_193 = arith.andi %get3A_176, %and3A_192 : vector<16xi32>
      tpu.vector_store_idx %arg9[%shift_right_arithmetic3A_190, %and3A_193], %gather3A_187 {add = true} : memref<80x128xf32, #tpu.memory_space<vmem>>[vector<16xi32>, vector<16xi32>], vector<16xf32>,
      %get3A_194 = arith.constant 0 : i32
      %get3A_195 = arith.index_cast %get3A_194 : i32 to index
      %get3A_196 = arith.constant 96 : index
      %get3A_197 = tpu.vector_load %arg6[%get3A_195, %get3A_196] {strides = array<i32>} : memref<8x128xi32, #tpu.memory_space<vmem>>, vector<16xi32>,
      %get3A_198 = arith.constant 0 : i32
      %get3A_199 = arith.index_cast %get3A_198 : i32 to index
      %get3A_200 = arith.constant 96 : index
      %get3A_201 = tpu.vector_load %arg7[%get3A_199, %get3A_200] {strides = array<i32>} : memref<8x128xi32, #tpu.memory_space<vmem>>, vector<16xi32>,
      %shift_right_arithmetic3A_202 = arith.constant 7 : i32
      %shift_right_arithmetic3A_203 = vector.broadcast %shift_right_arithmetic3A_202 : i32 to vector<16xi32>
      %shift_right_arithmetic3A_204 = arith.shrsi %get3A_201, %shift_right_arithmetic3A_203 : vector<16xi32>
      %and3A_205 = arith.constant 127 : i32
      %and3A_206 = vector.broadcast %and3A_205 : i32 to vector<16xi32>
      %and3A_207 = arith.andi %get3A_201, %and3A_206 : vector<16xi32>
      %gather3A_208 = tpu.vector_load_idx %arg8[%shift_right_arithmetic3A_204, %and3A_207] : memref<80x128xf32, #tpu.memory_space<vmem>>[vector<16xi32>, vector<16xi32>], vector<16xf32>,
      %shift_right_arithmetic3A_209 = arith.constant 7 : i32
      %shift_right_arithmetic3A_210 = vector.broadcast %shift_right_arithmetic3A_209 : i32 to vector<16xi32>
      %shift_right_arithmetic3A_211 = arith.shrsi %get3A_197, %shift_right_arithmetic3A_210 : vector<16xi32>
      %and3A_212 = arith.constant 127 : i32
      %and3A_213 = vector.broadcast %and3A_212 : i32 to vector<16xi32>
      %and3A_214 = arith.andi %get3A_197, %and3A_213 : vector<16xi32>
      tpu.vector_store_idx %arg9[%shift_right_arithmetic3A_211, %and3A_214], %gather3A_208 {add = true} : memref<80x128xf32, #tpu.memory_space<vmem>>[vector<16xi32>, vector<16xi32>], vector<16xf32>,
      %get3A_215 = arith.constant 0 : i32
      %get3A_216 = arith.index_cast %get3A_215 : i32 to index
      %get3A_217 = arith.constant 112 : index
      %get3A_218 = tpu.vector_load %arg6[%get3A_216, %get3A_217] {strides = array<i32>} : memref<8x128xi32, #tpu.memory_space<vmem>>, vector<16xi32>,
      %get3A_219 = arith.constant 0 : i32
      %get3A_220 = arith.index_cast %get3A_219 : i32 to index
      %get3A_221 = arith.constant 112 : index
      %get3A_222 = tpu.vector_load %arg7[%get3A_220, %get3A_221] {strides = array<i32>} : memref<8x128xi32, #tpu.memory_space<vmem>>, vector<16xi32>,
      %shift_right_arithmetic3A_223 = arith.constant 7 : i32
      %shift_right_arithmetic3A_224 = vector.broadcast %shift_right_arithmetic3A_223 : i32 to vector<16xi32>
      %shift_right_arithmetic3A_225 = arith.shrsi %get3A_222, %shift_right_arithmetic3A_224 : vector<16xi32>
      %and3A_226 = arith.constant 127 : i32
      %and3A_227 = vector.broadcast %and3A_226 : i32 to vector<16xi32>
      %and3A_228 = arith.andi %get3A_222, %and3A_227 : vector<16xi32>
      %gather3A_229 = tpu.vector_load_idx %arg8[%shift_right_arithmetic3A_225, %and3A_228] : memref<80x128xf32, #tpu.memory_space<vmem>>[vector<16xi32>, vector<16xi32>], vector<16xf32>,
      %shift_right_arithmetic3A_230 = arith.constant 7 : i32
      %shift_right_arithmetic3A_231 = vector.broadcast %shift_right_arithmetic3A_230 : i32 to vector<16xi32>
      %shift_right_arithmetic3A_232 = arith.shrsi %get3A_218, %shift_right_arithmetic3A_231 : vector<16xi32>
      %and3A_233 = arith.constant 127 : i32
      %and3A_234 = vector.broadcast %and3A_233 : i32 to vector<16xi32>
      %and3A_235 = arith.andi %get3A_218, %and3A_234 : vector<16xi32>
      tpu.vector_store_idx %arg9[%shift_right_arithmetic3A_232, %and3A_235], %gather3A_229 {add = true} : memref<80x128xf32, #tpu.memory_space<vmem>>[vector<16xi32>, vector<16xi32>], vector<16xf32>,
      %get3A_236 = arith.constant 1 : i32
      %get3A_237 = arith.index_cast %get3A_236 : i32 to index
      %get3A_238 = arith.constant 0 : index
      %get3A_239 = tpu.vector_load %arg6[%get3A_237, %get3A_238] {strides = array<i32>} : memref<8x128xi32, #tpu.memory_space<vmem>>, vector<16xi32>,
      %get3A_240 = arith.constant 1 : i32
      %get3A_241 = arith.index_cast %get3A_240 : i32 to index
      %get3A_242 = arith.constant 0 : index
      %get3A_243 = tpu.vector_load %arg7[%get3A_241, %get3A_242] {strides = array<i32>} : memref<8x128xi32, #tpu.memory_space<vmem>>, vector<16xi32>,
      %shift_right_arithmetic3A_244 = arith.constant 7 : i32
      %shift_right_arithmetic3A_245 = vector.broadcast %shift_right_arithmetic3A_244 : i32 to vector<16xi32>
      %shift_right_arithmetic3A_246 = arith.shrsi %get3A_243, %shift_right_arithmetic3A_245 : vector<16xi32>
      %and3A_247 = arith.constant 127 : i32
      %and3A_248 = vector.broadcast %and3A_247 : i32 to vector<16xi32>
      %and3A_249 = arith.andi %get3A_243, %and3A_248 : vector<16xi32>
      %gather3A_250 = tpu.vector_load_idx %arg8[%shift_right_arithmetic3A_246, %and3A_249] : memref<80x128xf32, #tpu.memory_space<vmem>>[vector<16xi32>, vector<16xi32>], vector<16xf32>,
      %shift_right_arithmetic3A_251 = arith.constant 7 : i32
      %shift_right_arithmetic3A_252 = vector.broadcast %shift_right_arithmetic3A_251 : i32 to vector<16xi32>
      %shift_right_arithmetic3A_253 = arith.shrsi %get3A_239, %shift_right_arithmetic3A_252 : vector<16xi32>
      %and3A_254 = arith.constant 127 : i32
      %and3A_255 = vector.broadcast %and3A_254 : i32 to vector<16xi32>
      %and3A_256 = arith.andi %get3A_239, %and3A_255 : vector<16xi32>
      tpu.vector_store_idx %arg9[%shift_right_arithmetic3A_253, %and3A_256], %gather3A_250 {add = true} : memref<80x128xf32, #tpu.memory_space<vmem>>[vector<16xi32>, vector<16xi32>], vector<16xf32>,
      %get3A_257 = arith.constant 1 : i32
      %get3A_258 = arith.index_cast %get3A_257 : i32 to index
      %get3A_259 = arith.constant 16 : index
      %get3A_260 = tpu.vector_load %arg6[%get3A_258, %get3A_259] {strides = array<i32>} : memref<8x128xi32, #tpu.memory_space<vmem>>, vector<16xi32>,
      %get3A_261 = arith.constant 1 : i32
      %get3A_262 = arith.index_cast %get3A_261 : i32 to index
      %get3A_263 = arith.constant 16 : index
      %get3A_264 = tpu.vector_load %arg7[%get3A_262, %get3A_263] {strides = array<i32>} : memref<8x128xi32, #tpu.memory_space<vmem>>, vector<16xi32>,
      %shift_right_arithmetic3A_265 = arith.constant 7 : i32
      %shift_right_arithmetic3A_266 = vector.broadcast %shift_right_arithmetic3A_265 : i32 to vector<16xi32>
      %shift_right_arithmetic3A_267 = arith.shrsi %get3A_264, %shift_right_arithmetic3A_266 : vector<16xi32>
      %and3A_268 = arith.constant 127 : i32
      %and3A_269 = vector.broadcast %and3A_268 : i32 to vector<16xi32>
      %and3A_270 = arith.andi %get3A_264, %and3A_269 : vector<16xi32>
      %gather3A_271 = tpu.vector_load_idx %arg8[%shift_right_arithmetic3A_267, %and3A_270] : memref<80x128xf32, #tpu.memory_space<vmem>>[vector<16xi32>, vector<16xi32>], vector<16xf32>,
      %shift_right_arithmetic3A_272 = arith.constant 7 : i32
      %shift_right_arithmetic3A_273 = vector.broadcast %shift_right_arithmetic3A_272 : i32 to vector<16xi32>
      %shift_right_arithmetic3A_274 = arith.shrsi %get3A_260, %shift_right_arithmetic3A_273 : vector<16xi32>
      %and3A_275 = arith.constant 127 : i32
      %and3A_276 = vector.broadcast %and3A_275 : i32 to vector<16xi32>
      %and3A_277 = arith.andi %get3A_260, %and3A_276 : vector<16xi32>
      tpu.vector_store_idx %arg9[%shift_right_arithmetic3A_274, %and3A_277], %gather3A_271 {add = true} : memref<80x128xf32, #tpu.memory_space<vmem>>[vector<16xi32>, vector<16xi32>], vector<16xf32>,
      %get3A_278 = arith.constant 1 : i32
      %get3A_279 = arith.index_cast %get3A_278 : i32 to index
      %get3A_280 = arith.constant 32 : index
      %get3A_281 = tpu.vector_load %arg6[%get3A_279, %get3A_280] {strides = array<i32>} : memref<8x128xi32, #tpu.memory_space<vmem>>, vector<16xi32>,
      %get3A_282 = arith.constant 1 : i32
      %get3A_283 = arith.index_cast %get3A_282 : i32 to index
      %get3A_284 = arith.constant 32 : index
      %get3A_285 = tpu.vector_load %arg7[%get3A_283, %get3A_284] {strides = array<i32>} : memref<8x128xi32, #tpu.memory_space<vmem>>, vector<16xi32>,
      %shift_right_arithmetic3A_286 = arith.constant 7 : i32
      %shift_right_arithmetic3A_287 = vector.broadcast %shift_right_arithmetic3A_286 : i32 to vector<16xi32>
      %shift_right_arithmetic3A_288 = arith.shrsi %get3A_285, %shift_right_arithmetic3A_287 : vector<16xi32>
      %and3A_289 = arith.constant 127 : i32
      %and3A_290 = vector.broadcast %and3A_289 : i32 to vector<16xi32>
      %and3A_291 = arith.andi %get3A_285, %and3A_290 : vector<16xi32>
      %gather3A_292 = tpu.vector_load_idx %arg8[%shift_right_arithmetic3A_288, %and3A_291] : memref<80x128xf32, #tpu.memory_space<vmem>>[vector<16xi32>, vector<16xi32>], vector<16xf32>,
      %shift_right_arithmetic3A_293 = arith.constant 7 : i32
      %shift_right_arithmetic3A_294 = vector.broadcast %shift_right_arithmetic3A_293 : i32 to vector<16xi32>
      %shift_right_arithmetic3A_295 = arith.shrsi %get3A_281, %shift_right_arithmetic3A_294 : vector<16xi32>
      %and3A_296 = arith.constant 127 : i32
      %and3A_297 = vector.broadcast %and3A_296 : i32 to vector<16xi32>
      %and3A_298 = arith.andi %get3A_281, %and3A_297 : vector<16xi32>
      tpu.vector_store_idx %arg9[%shift_right_arithmetic3A_295, %and3A_298], %gather3A_292 {add = true} : memref<80x128xf32, #tpu.memory_space<vmem>>[vector<16xi32>, vector<16xi32>], vector<16xf32>,
      %get3A_299 = arith.constant 1 : i32
      %get3A_300 = arith.index_cast %get3A_299 : i32 to index
      %get3A_301 = arith.constant 48 : index
      %get3A_302 = tpu.vector_load %arg6[%get3A_300, %get3A_301] {strides = array<i32>} : memref<8x128xi32, #tpu.memory_space<vmem>>, vector<16xi32>,
      %get3A_303 = arith.constant 1 : i32
      %get3A_304 = arith.index_cast %get3A_303 : i32 to index
      %get3A_305 = arith.constant 48 : index
      %get3A_306 = tpu.vector_load %arg7[%get3A_304, %get3A_305] {strides = array<i32>} : memref<8x128xi32, #tpu.memory_space<vmem>>, vector<16xi32>,
      %shift_right_arithmetic3A_307 = arith.constant 7 : i32
      %shift_right_arithmetic3A_308 = vector.broadcast %shift_right_arithmetic3A_307 : i32 to vector<16xi32>
      %shift_right_arithmetic3A_309 = arith.shrsi %get3A_306, %shift_right_arithmetic3A_308 : vector<16xi32>
      %and3A_310 = arith.constant 127 : i32
      %and3A_311 = vector.broadcast %and3A_310 : i32 to vector<16xi32>
      %and3A_312 = arith.andi %get3A_306, %and3A_311 : vector<16xi32>
      %gather3A_313 = tpu.vector_load_idx %arg8[%shift_right_arithmetic3A_309, %and3A_312] : memref<80x128xf32, #tpu.memory_space<vmem>>[vector<16xi32>, vector<16xi32>], vector<16xf32>,
      %shift_right_arithmetic3A_314 = arith.constant 7 : i32
      %shift_right_arithmetic3A_315 = vector.broadcast %shift_right_arithmetic3A_314 : i32 to vector<16xi32>
      %shift_right_arithmetic3A_316 = arith.shrsi %get3A_302, %shift_right_arithmetic3A_315 : vector<16xi32>
      %and3A_317 = arith.constant 127 : i32
      %and3A_318 = vector.broadcast %and3A_317 : i32 to vector<16xi32>
      %and3A_319 = arith.andi %get3A_302, %and3A_318 : vector<16xi32>
      tpu.vector_store_idx %arg9[%shift_right_arithmetic3A_316, %and3A_319], %gather3A_313 {add = true} : memref<80x128xf32, #tpu.memory_space<vmem>>[vector<16xi32>, vector<16xi32>], vector<16xf32>,
      %get3A_320 = arith.constant 1 : i32
      %get3A_321 = arith.index_cast %get3A_320 : i32 to index
      %get3A_322 = arith.constant 64 : index
      %get3A_323 = tpu.vector_load %arg6[%get3A_321, %get3A_322] {strides = array<i32>} : memref<8x128xi32, #tpu.memory_space<vmem>>, vector<16xi32>,
      %get3A_324 = arith.constant 1 : i32
      %get3A_325 = arith.index_cast %get3A_324 : i32 to index
      %get3A_326 = arith.constant 64 : index
      %get3A_327 = tpu.vector_load %arg7[%get3A_325, %get3A_326] {strides = array<i32>} : memref<8x128xi32, #tpu.memory_space<vmem>>, vector<16xi32>,
      %shift_right_arithmetic3A_328 = arith.constant 7 : i32
      %shift_right_arithmetic3A_329 = vector.broadcast %shift_right_arithmetic3A_328 : i32 to vector<16xi32>
      %shift_right_arithmetic3A_330 = arith.shrsi %get3A_327, %shift_right_arithmetic3A_329 : vector<16xi32>
      %and3A_331 = arith.constant 127 : i32
      %and3A_332 = vector.broadcast %and3A_331 : i32 to vector<16xi32>
      %and3A_333 = arith.andi %get3A_327, %and3A_332 : vector<16xi32>
      %gather3A_334 = tpu.vector_load_idx %arg8[%shift_right_arithmetic3A_330, %and3A_333] : memref<80x128xf32, #tpu.memory_space<vmem>>[vector<16xi32>, vector<16xi32>], vector<16xf32>,
      %shift_right_arithmetic3A_335 = arith.constant 7 : i32
      %shift_right_arithmetic3A_336 = vector.broadcast %shift_right_arithmetic3A_335 : i32 to vector<16xi32>
      %shift_right_arithmetic3A_337 = arith.shrsi %get3A_323, %shift_right_arithmetic3A_336 : vector<16xi32>
      %and3A_338 = arith.constant 127 : i32
      %and3A_339 = vector.broadcast %and3A_338 : i32 to vector<16xi32>
      %and3A_340 = arith.andi %get3A_323, %and3A_339 : vector<16xi32>
      tpu.vector_store_idx %arg9[%shift_right_arithmetic3A_337, %and3A_340], %gather3A_334 {add = true} : memref<80x128xf32, #tpu.memory_space<vmem>>[vector<16xi32>, vector<16xi32>], vector<16xf32>,
      %get3A_341 = arith.constant 1 : i32
      %get3A_342 = arith.index_cast %get3A_341 : i32 to index
      %get3A_343 = arith.constant 80 : index
      %get3A_344 = tpu.vector_load %arg6[%get3A_342, %get3A_343] {strides = array<i32>} : memref<8x128xi32, #tpu.memory_space<vmem>>, vector<16xi32>,
      %get3A_345 = arith.constant 1 : i32
      %get3A_346 = arith.index_cast %get3A_345 : i32 to index
      %get3A_347 = arith.constant 80 : index
      %get3A_348 = tpu.vector_load %arg7[%get3A_346, %get3A_347] {strides = array<i32>} : memref<8x128xi32, #tpu.memory_space<vmem>>, vector<16xi32>,
      %shift_right_arithmetic3A_349 = arith.constant 7 : i32
      %shift_right_arithmetic3A_350 = vector.broadcast %shift_right_arithmetic3A_349 : i32 to vector<16xi32>
      %shift_right_arithmetic3A_351 = arith.shrsi %get3A_348, %shift_right_arithmetic3A_350 : vector<16xi32>
      %and3A_352 = arith.constant 127 : i32
      %and3A_353 = vector.broadcast %and3A_352 : i32 to vector<16xi32>
      %and3A_354 = arith.andi %get3A_348, %and3A_353 : vector<16xi32>
      %gather3A_355 = tpu.vector_load_idx %arg8[%shift_right_arithmetic3A_351, %and3A_354] : memref<80x128xf32, #tpu.memory_space<vmem>>[vector<16xi32>, vector<16xi32>], vector<16xf32>,
      %shift_right_arithmetic3A_356 = arith.constant 7 : i32
      %shift_right_arithmetic3A_357 = vector.broadcast %shift_right_arithmetic3A_356 : i32 to vector<16xi32>
      %shift_right_arithmetic3A_358 = arith.shrsi %get3A_344, %shift_right_arithmetic3A_357 : vector<16xi32>
      %and3A_359 = arith.constant 127 : i32
      %and3A_360 = vector.broadcast %and3A_359 : i32 to vector<16xi32>
      %and3A_361 = arith.andi %get3A_344, %and3A_360 : vector<16xi32>
      tpu.vector_store_idx %arg9[%shift_right_arithmetic3A_358, %and3A_361], %gather3A_355 {add = true} : memref<80x128xf32, #tpu.memory_space<vmem>>[vector<16xi32>, vector<16xi32>], vector<16xf32>,
      %get3A_362 = arith.constant 1 : i32
      %get3A_363 = arith.index_cast %get3A_362 : i32 to index
      %get3A_364 = arith.constant 96 : index
      %get3A_365 = tpu.vector_load %arg6[%get3A_363, %get3A_364] {strides = array<i32>} : memref<8x128xi32, #tpu.memory_space<vmem>>, vector<16xi32>,
      %get3A_366 = arith.constant 1 : i32
      %get3A_367 = arith.index_cast %get3A_366 : i32 to index
      %get3A_368 = arith.constant 96 : index
      %get3A_369 = tpu.vector_load %arg7[%get3A_367, %get3A_368] {strides = array<i32>} : memref<8x128xi32, #tpu.memory_space<vmem>>, vector<16xi32>,
      %shift_right_arithmetic3A_370 = arith.constant 7 : i32
      %shift_right_arithmetic3A_371 = vector.broadcast %shift_right_arithmetic3A_370 : i32 to vector<16xi32>
      %shift_right_arithmetic3A_372 = arith.shrsi %get3A_369, %shift_right_arithmetic3A_371 : vector<16xi32>
      %and3A_373 = arith.constant 127 : i32
      %and3A_374 = vector.broadcast %and3A_373 : i32 to vector<16xi32>
      %and3A_375 = arith.andi %get3A_369, %and3A_374 : vector<16xi32>
      %gather3A_376 = tpu.vector_load_idx %arg8[%shift_right_arithmetic3A_372, %and3A_375] : memref<80x128xf32, #tpu.memory_space<vmem>>[vector<16xi32>, vector<16xi32>], vector<16xf32>,
      %shift_right_arithmetic3A_377 = arith.constant 7 : i32
      %shift_right_arithmetic3A_378 = vector.broadcast %shift_right_arithmetic3A_377 : i32 to vector<16xi32>
      %shift_right_arithmetic3A_379 = arith.shrsi %get3A_365, %shift_right_arithmetic3A_378 : vector<16xi32>
      %and3A_380 = arith.constant 127 : i32
      %and3A_381 = vector.broadcast %and3A_380 : i32 to vector<16xi32>
      %and3A_382 = arith.andi %get3A_365, %and3A_381 : vector<16xi32>
      tpu.vector_store_idx %arg9[%shift_right_arithmetic3A_379, %and3A_382], %gather3A_376 {add = true} : memref<80x128xf32, #tpu.memory_space<vmem>>[vector<16xi32>, vector<16xi32>], vector<16xf32>,
      %get3A_383 = arith.constant 1 : i32
      %get3A_384 = arith.index_cast %get3A_383 : i32 to index
      %get3A_385 = arith.constant 112 : index
      %get3A_386 = tpu.vector_load %arg6[%get3A_384, %get3A_385] {strides = array<i32>} : memref<8x128xi32, #tpu.memory_space<vmem>>, vector<16xi32>,
      %get3A_387 = arith.constant 1 : i32
      %get3A_388 = arith.index_cast %get3A_387 : i32 to index
      %get3A_389 = arith.constant 112 : index
      %get3A_390 = tpu.vector_load %arg7[%get3A_388, %get3A_389] {strides = array<i32>} : memref<8x128xi32, #tpu.memory_space<vmem>>, vector<16xi32>,
      %shift_right_arithmetic3A_391 = arith.constant 7 : i32
      %shift_right_arithmetic3A_392 = vector.broadcast %shift_right_arithmetic3A_391 : i32 to vector<16xi32>
      %shift_right_arithmetic3A_393 = arith.shrsi %get3A_390, %shift_right_arithmetic3A_392 : vector<16xi32>
      %and3A_394 = arith.constant 127 : i32
      %and3A_395 = vector.broadcast %and3A_394 : i32 to vector<16xi32>
      %and3A_396 = arith.andi %get3A_390, %and3A_395 : vector<16xi32>
      %gather3A_397 = tpu.vector_load_idx %arg8[%shift_right_arithmetic3A_393, %and3A_396] : memref<80x128xf32, #tpu.memory_space<vmem>>[vector<16xi32>, vector<16xi32>], vector<16xf32>,
      %shift_right_arithmetic3A_398 = arith.constant 7 : i32
      %shift_right_arithmetic3A_399 = vector.broadcast %shift_right_arithmetic3A_398 : i32 to vector<16xi32>
      %shift_right_arithmetic3A_400 = arith.shrsi %get3A_386, %shift_right_arithmetic3A_399 : vector<16xi32>
      %and3A_401 = arith.constant 127 : i32
      %and3A_402 = vector.broadcast %and3A_401 : i32 to vector<16xi32>
      %and3A_403 = arith.andi %get3A_386, %and3A_402 : vector<16xi32>
      tpu.vector_store_idx %arg9[%shift_right_arithmetic3A_400, %and3A_403], %gather3A_397 {add = true} : memref<80x128xf32, #tpu.memory_space<vmem>>[vector<16xi32>, vector<16xi32>], vector<16xf32>,
      %get3A_404 = arith.constant 2 : i32
      %get3A_405 = arith.index_cast %get3A_404 : i32 to index
      %get3A_406 = arith.constant 0 : index
      %get3A_407 = tpu.vector_load %arg6[%get3A_405, %get3A_406] {strides = array<i32>} : memref<8x128xi32, #tpu.memory_space<vmem>>, vector<16xi32>,
      %get3A_408 = arith.constant 2 : i32
      %get3A_409 = arith.index_cast %get3A_408 : i32 to index
      %get3A_410 = arith.constant 0 : index
      %get3A_411 = tpu.vector_load %arg7[%get3A_409, %get3A_410] {strides = array<i32>} : memref<8x128xi32, #tpu.memory_space<vmem>>, vector<16xi32>,
      %shift_right_arithmetic3A_412 = arith.constant 7 : i32
      %shift_right_arithmetic3A_413 = vector.broadcast %shift_right_arithmetic3A_412 : i32 to vector<16xi32>
      %shift_right_arithmetic3A_414 = arith.shrsi %get3A_411, %shift_right_arithmetic3A_413 : vector<16xi32>
      %and3A_415 = arith.constant 127 : i32
      %and3A_416 = vector.broadcast %and3A_415 : i32 to vector<16xi32>
      %and3A_417 = arith.andi %get3A_411, %and3A_416 : vector<16xi32>
      %gather3A_418 = tpu.vector_load_idx %arg8[%shift_right_arithmetic3A_414, %and3A_417] : memref<80x128xf32, #tpu.memory_space<vmem>>[vector<16xi32>, vector<16xi32>], vector<16xf32>,
      %shift_right_arithmetic3A_419 = arith.constant 7 : i32
      %shift_right_arithmetic3A_420 = vector.broadcast %shift_right_arithmetic3A_419 : i32 to vector<16xi32>
      %shift_right_arithmetic3A_421 = arith.shrsi %get3A_407, %shift_right_arithmetic3A_420 : vector<16xi32>
      %and3A_422 = arith.constant 127 : i32
      %and3A_423 = vector.broadcast %and3A_422 : i32 to vector<16xi32>
      %and3A_424 = arith.andi %get3A_407, %and3A_423 : vector<16xi32>
      tpu.vector_store_idx %arg9[%shift_right_arithmetic3A_421, %and3A_424], %gather3A_418 {add = true} : memref<80x128xf32, #tpu.memory_space<vmem>>[vector<16xi32>, vector<16xi32>], vector<16xf32>,
      %get3A_425 = arith.constant 2 : i32
      %get3A_426 = arith.index_cast %get3A_425 : i32 to index
      %get3A_427 = arith.constant 16 : index
      %get3A_428 = tpu.vector_load %arg6[%get3A_426, %get3A_427] {strides = array<i32>} : memref<8x128xi32, #tpu.memory_space<vmem>>, vector<16xi32>,
      %get3A_429 = arith.constant 2 : i32
      %get3A_430 = arith.index_cast %get3A_429 : i32 to index
      %get3A_431 = arith.constant 16 : index
      %get3A_432 = tpu.vector_load %arg7[%get3A_430, %get3A_431] {strides = array<i32>} : memref<8x128xi32, #tpu.memory_space<vmem>>, vector<16xi32>,
      %shift_right_arithmetic3A_433 = arith.constant 7 : i32
      %shift_right_arithmetic3A_434 = vector.broadcast %shift_right_arithmetic3A_433 : i32 to vector<16xi32>
      %shift_right_arithmetic3A_435 = arith.shrsi %get3A_432, %shift_right_arithmetic3A_434 : vector<16xi32>
      %and3A_436 = arith.constant 127 : i32
      %and3A_437 = vector.broadcast %and3A_436 : i32 to vector<16xi32>
      %and3A_438 = arith.andi %get3A_432, %and3A_437 : vector<16xi32>
      %gather3A_439 = tpu.vector_load_idx %arg8[%shift_right_arithmetic3A_435, %and3A_438] : memref<80x128xf32, #tpu.memory_space<vmem>>[vector<16xi32>, vector<16xi32>], vector<16xf32>,
      %shift_right_arithmetic3A_440 = arith.constant 7 : i32
      %shift_right_arithmetic3A_441 = vector.broadcast %shift_right_arithmetic3A_440 : i32 to vector<16xi32>
      %shift_right_arithmetic3A_442 = arith.shrsi %get3A_428, %shift_right_arithmetic3A_441 : vector<16xi32>
      %and3A_443 = arith.constant 127 : i32
      %and3A_444 = vector.broadcast %and3A_443 : i32 to vector<16xi32>
      %and3A_445 = arith.andi %get3A_428, %and3A_444 : vector<16xi32>
      tpu.vector_store_idx %arg9[%shift_right_arithmetic3A_442, %and3A_445], %gather3A_439 {add = true} : memref<80x128xf32, #tpu.memory_space<vmem>>[vector<16xi32>, vector<16xi32>], vector<16xf32>,
      %get3A_446 = arith.constant 2 : i32
      %get3A_447 = arith.index_cast %get3A_446 : i32 to index
      %get3A_448 = arith.constant 32 : index
      %get3A_449 = tpu.vector_load %arg6[%get3A_447, %get3A_448] {strides = array<i32>} : memref<8x128xi32, #tpu.memory_space<vmem>>, vector<16xi32>,
      %get3A_450 = arith.constant 2 : i32
      %get3A_451 = arith.index_cast %get3A_450 : i32 to index
      %get3A_452 = arith.constant 32 : index
      %get3A_453 = tpu.vector_load %arg7[%get3A_451, %get3A_452] {strides = array<i32>} : memref<8x128xi32, #tpu.memory_space<vmem>>, vector<16xi32>,
      %shift_right_arithmetic3A_454 = arith.constant 7 : i32
      %shift_right_arithmetic3A_455 = vector.broadcast %shift_right_arithmetic3A_454 : i32 to vector<16xi32>
      %shift_right_arithmetic3A_456 = arith.shrsi %get3A_453, %shift_right_arithmetic3A_455 : vector<16xi32>
      %and3A_457 = arith.constant 127 : i32
      %and3A_458 = vector.broadcast %and3A_457 : i32 to vector<16xi32>
      %and3A_459 = arith.andi %get3A_453, %and3A_458 : vector<16xi32>
      %gather3A_460 = tpu.vector_load_idx %arg8[%shift_right_arithmetic3A_456, %and3A_459] : memref<80x128xf32, #tpu.memory_space<vmem>>[vector<16xi32>, vector<16xi32>], vector<16xf32>,
      %shift_right_arithmetic3A_461 = arith.constant 7 : i32
      %shift_right_arithmetic3A_462 = vector.broadcast %shift_right_arithmetic3A_461 : i32 to vector<16xi32>
      %shift_right_arithmetic3A_463 = arith.shrsi %get3A_449, %shift_right_arithmetic3A_462 : vector<16xi32>
      %and3A_464 = arith.constant 127 : i32
      %and3A_465 = vector.broadcast %and3A_464 : i32 to vector<16xi32>
      %and3A_466 = arith.andi %get3A_449, %and3A_465 : vector<16xi32>
      tpu.vector_store_idx %arg9[%shift_right_arithmetic3A_463, %and3A_466], %gather3A_460 {add = true} : memref<80x128xf32, #tpu.memory_space<vmem>>[vector<16xi32>, vector<16xi32>], vector<16xf32>,
      %get3A_467 = arith.constant 2 : i32
      %get3A_468 = arith.index_cast %get3A_467 : i32 to index
      %get3A_469 = arith.constant 48 : index
      %get3A_470 = tpu.vector_load %arg6[%get3A_468, %get3A_469] {strides = array<i32>} : memref<8x128xi32, #tpu.memory_space<vmem>>, vector<16xi32>,
      %get3A_471 = arith.constant 2 : i32
      %get3A_472 = arith.index_cast %get3A_471 : i32 to index
      %get3A_473 = arith.constant 48 : index
      %get3A_474 = tpu.vector_load %arg7[%get3A_472, %get3A_473] {strides = array<i32>} : memref<8x128xi32, #tpu.memory_space<vmem>>, vector<16xi32>,
      %shift_right_arithmetic3A_475 = arith.constant 7 : i32
      %shift_right_arithmetic3A_476 = vector.broadcast %shift_right_arithmetic3A_475 : i32 to vector<16xi32>
      %shift_right_arithmetic3A_477 = arith.shrsi %get3A_474, %shift_right_arithmetic3A_476 : vector<16xi32>
      %and3A_478 = arith.constant 127 : i32
      %and3A_479 = vector.broadcast %and3A_478 : i32 to vector<16xi32>
      %and3A_480 = arith.andi %get3A_474, %and3A_479 : vector<16xi32>
      %gather3A_481 = tpu.vector_load_idx %arg8[%shift_right_arithmetic3A_477, %and3A_480] : memref<80x128xf32, #tpu.memory_space<vmem>>[vector<16xi32>, vector<16xi32>], vector<16xf32>,
      %shift_right_arithmetic3A_482 = arith.constant 7 : i32
      %shift_right_arithmetic3A_483 = vector.broadcast %shift_right_arithmetic3A_482 : i32 to vector<16xi32>
      %shift_right_arithmetic3A_484 = arith.shrsi %get3A_470, %shift_right_arithmetic3A_483 : vector<16xi32>
      %and3A_485 = arith.constant 127 : i32
      %and3A_486 = vector.broadcast %and3A_485 : i32 to vector<16xi32>
      %and3A_487 = arith.andi %get3A_470, %and3A_486 : vector<16xi32>
      tpu.vector_store_idx %arg9[%shift_right_arithmetic3A_484, %and3A_487], %gather3A_481 {add = true} : memref<80x128xf32, #tpu.memory_space<vmem>>[vector<16xi32>, vector<16xi32>], vector<16xf32>,
      %get3A_488 = arith.constant 2 : i32
      %get3A_489 = arith.index_cast %get3A_488 : i32 to index
      %get3A_490 = arith.constant 64 : index
      %get3A_491 = tpu.vector_load %arg6[%get3A_489, %get3A_490] {strides = array<i32>} : memref<8x128xi32, #tpu.memory_space<vmem>>, vector<16xi32>,
      %get3A_492 = arith.constant 2 : i32
      %get3A_493 = arith.index_cast %get3A_492 : i32 to index
      %get3A_494 = arith.constant 64 : index
      %get3A_495 = tpu.vector_load %arg7[%get3A_493, %get3A_494] {strides = array<i32>} : memref<8x128xi32, #tpu.memory_space<vmem>>, vector<16xi32>,
      %shift_right_arithmetic3A_496 = arith.constant 7 : i32
      %shift_right_arithmetic3A_497 = vector.broadcast %shift_right_arithmetic3A_496 : i32 to vector<16xi32>
      %shift_right_arithmetic3A_498 = arith.shrsi %get3A_495, %shift_right_arithmetic3A_497 : vector<16xi32>
      %and3A_499 = arith.constant 127 : i32
      %and3A_500 = vector.broadcast %and3A_499 : i32 to vector<16xi32>
      %and3A_501 = arith.andi %get3A_495, %and3A_500 : vector<16xi32>
      %gather3A_502 = tpu.vector_load_idx %arg8[%shift_right_arithmetic3A_498, %and3A_501] : memref<80x128xf32, #tpu.memory_space<vmem>>[vector<16xi32>, vector<16xi32>], vector<16xf32>,
      %shift_right_arithmetic3A_503 = arith.constant 7 : i32
      %shift_right_arithmetic3A_504 = vector.broadcast %shift_right_arithmetic3A_503 : i32 to vector<16xi32>
      %shift_right_arithmetic3A_505 = arith.shrsi %get3A_491, %shift_right_arithmetic3A_504 : vector<16xi32>
      %and3A_506 = arith.constant 127 : i32
      %and3A_507 = vector.broadcast %and3A_506 : i32 to vector<16xi32>
      %and3A_508 = arith.andi %get3A_491, %and3A_507 : vector<16xi32>
      tpu.vector_store_idx %arg9[%shift_right_arithmetic3A_505, %and3A_508], %gather3A_502 {add = true} : memref<80x128xf32, #tpu.memory_space<vmem>>[vector<16xi32>, vector<16xi32>], vector<16xf32>,
      %get3A_509 = arith.constant 2 : i32
      %get3A_510 = arith.index_cast %get3A_509 : i32 to index
      %get3A_511 = arith.constant 80 : index
      %get3A_512 = tpu.vector_load %arg6[%get3A_510, %get3A_511] {strides = array<i32>} : memref<8x128xi32, #tpu.memory_space<vmem>>, vector<16xi32>,
      %get3A_513 = arith.constant 2 : i32
      %get3A_514 = arith.index_cast %get3A_513 : i32 to index
      %get3A_515 = arith.constant 80 : index
      %get3A_516 = tpu.vector_load %arg7[%get3A_514, %get3A_515] {strides = array<i32>} : memref<8x128xi32, #tpu.memory_space<vmem>>, vector<16xi32>,
      %shift_right_arithmetic3A_517 = arith.constant 7 : i32
      %shift_right_arithmetic3A_518 = vector.broadcast %shift_right_arithmetic3A_517 : i32 to vector<16xi32>
      %shift_right_arithmetic3A_519 = arith.shrsi %get3A_516, %shift_right_arithmetic3A_518 : vector<16xi32>
      %and3A_520 = arith.constant 127 : i32
      %and3A_521 = vector.broadcast %and3A_520 : i32 to vector<16xi32>
      %and3A_522 = arith.andi %get3A_516, %and3A_521 : vector<16xi32>
      %gather3A_523 = tpu.vector_load_idx %arg8[%shift_right_arithmetic3A_519, %and3A_522] : memref<80x128xf32, #tpu.memory_space<vmem>>[vector<16xi32>, vector<16xi32>], vector<16xf32>,
      %shift_right_arithmetic3A_524 = arith.constant 7 : i32
      %shift_right_arithmetic3A_525 = vector.broadcast %shift_right_arithmetic3A_524 : i32 to vector<16xi32>
      %shift_right_arithmetic3A_526 = arith.shrsi %get3A_512, %shift_right_arithmetic3A_525 : vector<16xi32>
      %and3A_527 = arith.constant 127 : i32
      %and3A_528 = vector.broadcast %and3A_527 : i32 to vector<16xi32>
      %and3A_529 = arith.andi %get3A_512, %and3A_528 : vector<16xi32>
      tpu.vector_store_idx %arg9[%shift_right_arithmetic3A_526, %and3A_529], %gather3A_523 {add = true} : memref<80x128xf32, #tpu.memory_space<vmem>>[vector<16xi32>, vector<16xi32>], vector<16xf32>,
      %get3A_530 = arith.constant 2 : i32
      %get3A_531 = arith.index_cast %get3A_530 : i32 to index
      %get3A_532 = arith.constant 96 : index
      %get3A_533 = tpu.vector_load %arg6[%get3A_531, %get3A_532] {strides = array<i32>} : memref<8x128xi32, #tpu.memory_space<vmem>>, vector<16xi32>,
      %get3A_534 = arith.constant 2 : i32
      %get3A_535 = arith.index_cast %get3A_534 : i32 to index
      %get3A_536 = arith.constant 96 : index
      %get3A_537 = tpu.vector_load %arg7[%get3A_535, %get3A_536] {strides = array<i32>} : memref<8x128xi32, #tpu.memory_space<vmem>>, vector<16xi32>,
      %shift_right_arithmetic3A_538 = arith.constant 7 : i32
      %shift_right_arithmetic3A_539 = vector.broadcast %shift_right_arithmetic3A_538 : i32 to vector<16xi32>
      %shift_right_arithmetic3A_540 = arith.shrsi %get3A_537, %shift_right_arithmetic3A_539 : vector<16xi32>
      %and3A_541 = arith.constant 127 : i32
      %and3A_542 = vector.broadcast %and3A_541 : i32 to vector<16xi32>
      %and3A_543 = arith.andi %get3A_537, %and3A_542 : vector<16xi32>
      %gather3A_544 = tpu.vector_load_idx %arg8[%shift_right_arithmetic3A_540, %and3A_543] : memref<80x128xf32, #tpu.memory_space<vmem>>[vector<16xi32>, vector<16xi32>], vector<16xf32>,
      %shift_right_arithmetic3A_545 = arith.constant 7 : i32
      %shift_right_arithmetic3A_546 = vector.broadcast %shift_right_arithmetic3A_545 : i32 to vector<16xi32>
      %shift_right_arithmetic3A_547 = arith.shrsi %get3A_533, %shift_right_arithmetic3A_546 : vector<16xi32>
      %and3A_548 = arith.constant 127 : i32
      %and3A_549 = vector.broadcast %and3A_548 : i32 to vector<16xi32>
      %and3A_550 = arith.andi %get3A_533, %and3A_549 : vector<16xi32>
      tpu.vector_store_idx %arg9[%shift_right_arithmetic3A_547, %and3A_550], %gather3A_544 {add = true} : memref<80x128xf32, #tpu.memory_space<vmem>>[vector<16xi32>, vector<16xi32>], vector<16xf32>,
      %get3A_551 = arith.constant 2 : i32
      %get3A_552 = arith.index_cast %get3A_551 : i32 to index
      %get3A_553 = arith.constant 112 : index
      %get3A_554 = tpu.vector_load %arg6[%get3A_552, %get3A_553] {strides = array<i32>} : memref<8x128xi32, #tpu.memory_space<vmem>>, vector<16xi32>,
      %get3A_555 = arith.constant 2 : i32
      %get3A_556 = arith.index_cast %get3A_555 : i32 to index
      %get3A_557 = arith.constant 112 : index
      %get3A_558 = tpu.vector_load %arg7[%get3A_556, %get3A_557] {strides = array<i32>} : memref<8x128xi32, #tpu.memory_space<vmem>>, vector<16xi32>,
      %shift_right_arithmetic3A_559 = arith.constant 7 : i32
      %shift_right_arithmetic3A_560 = vector.broadcast %shift_right_arithmetic3A_559 : i32 to vector<16xi32>
      %shift_right_arithmetic3A_561 = arith.shrsi %get3A_558, %shift_right_arithmetic3A_560 : vector<16xi32>
      %and3A_562 = arith.constant 127 : i32
      %and3A_563 = vector.broadcast %and3A_562 : i32 to vector<16xi32>
      %and3A_564 = arith.andi %get3A_558, %and3A_563 : vector<16xi32>
      %gather3A_565 = tpu.vector_load_idx %arg8[%shift_right_arithmetic3A_561, %and3A_564] : memref<80x128xf32, #tpu.memory_space<vmem>>[vector<16xi32>, vector<16xi32>], vector<16xf32>,
      %shift_right_arithmetic3A_566 = arith.constant 7 : i32
      %shift_right_arithmetic3A_567 = vector.broadcast %shift_right_arithmetic3A_566 : i32 to vector<16xi32>
      %shift_right_arithmetic3A_568 = arith.shrsi %get3A_554, %shift_right_arithmetic3A_567 : vector<16xi32>
      %and3A_569 = arith.constant 127 : i32
      %and3A_570 = vector.broadcast %and3A_569 : i32 to vector<16xi32>
      %and3A_571 = arith.andi %get3A_554, %and3A_570 : vector<16xi32>
      tpu.vector_store_idx %arg9[%shift_right_arithmetic3A_568, %and3A_571], %gather3A_565 {add = true} : memref<80x128xf32, #tpu.memory_space<vmem>>[vector<16xi32>, vector<16xi32>], vector<16xf32>,
      %get3A_572 = arith.constant 3 : i32
      %get3A_573 = arith.index_cast %get3A_572 : i32 to index
      %get3A_574 = arith.constant 0 : index
      %get3A_575 = tpu.vector_load %arg6[%get3A_573, %get3A_574] {strides = array<i32>} : memref<8x128xi32, #tpu.memory_space<vmem>>, vector<16xi32>,
      %get3A_576 = arith.constant 3 : i32
      %get3A_577 = arith.index_cast %get3A_576 : i32 to index
      %get3A_578 = arith.constant 0 : index
      %get3A_579 = tpu.vector_load %arg7[%get3A_577, %get3A_578] {strides = array<i32>} : memref<8x128xi32, #tpu.memory_space<vmem>>, vector<16xi32>,
      %shift_right_arithmetic3A_580 = arith.constant 7 : i32
      %shift_right_arithmetic3A_581 = vector.broadcast %shift_right_arithmetic3A_580 : i32 to vector<16xi32>
      %shift_right_arithmetic3A_582 = arith.shrsi %get3A_579, %shift_right_arithmetic3A_581 : vector<16xi32>
      %and3A_583 = arith.constant 127 : i32
      %and3A_584 = vector.broadcast %and3A_583 : i32 to vector<16xi32>
      %and3A_585 = arith.andi %get3A_579, %and3A_584 : vector<16xi32>
      %gather3A_586 = tpu.vector_load_idx %arg8[%shift_right_arithmetic3A_582, %and3A_585] : memref<80x128xf32, #tpu.memory_space<vmem>>[vector<16xi32>, vector<16xi32>], vector<16xf32>,
      %shift_right_arithmetic3A_587 = arith.constant 7 : i32
      %shift_right_arithmetic3A_588 = vector.broadcast %shift_right_arithmetic3A_587 : i32 to vector<16xi32>
      %shift_right_arithmetic3A_589 = arith.shrsi %get3A_575, %shift_right_arithmetic3A_588 : vector<16xi32>
      %and3A_590 = arith.constant 127 : i32
      %and3A_591 = vector.broadcast %and3A_590 : i32 to vector<16xi32>
      %and3A_592 = arith.andi %get3A_575, %and3A_591 : vector<16xi32>
      tpu.vector_store_idx %arg9[%shift_right_arithmetic3A_589, %and3A_592], %gather3A_586 {add = true} : memref<80x128xf32, #tpu.memory_space<vmem>>[vector<16xi32>, vector<16xi32>], vector<16xf32>,
      %get3A_593 = arith.constant 3 : i32
      %get3A_594 = arith.index_cast %get3A_593 : i32 to index
      %get3A_595 = arith.constant 16 : index
      %get3A_596 = tpu.vector_load %arg6[%get3A_594, %get3A_595] {strides = array<i32>} : memref<8x128xi32, #tpu.memory_space<vmem>>, vector<16xi32>,
      %get3A_597 = arith.constant 3 : i32
      %get3A_598 = arith.index_cast %get3A_597 : i32 to index
      %get3A_599 = arith.constant 16 : index
      %get3A_600 = tpu.vector_load %arg7[%get3A_598, %get3A_599] {strides = array<i32>} : memref<8x128xi32, #tpu.memory_space<vmem>>, vector<16xi32>,
      %shift_right_arithmetic3A_601 = arith.constant 7 : i32
      %shift_right_arithmetic3A_602 = vector.broadcast %shift_right_arithmetic3A_601 : i32 to vector<16xi32>
      %shift_right_arithmetic3A_603 = arith.shrsi %get3A_600, %shift_right_arithmetic3A_602 : vector<16xi32>
      %and3A_604 = arith.constant 127 : i32
      %and3A_605 = vector.broadcast %and3A_604 : i32 to vector<16xi32>
      %and3A_606 = arith.andi %get3A_600, %and3A_605 : vector<16xi32>
      %gather3A_607 = tpu.vector_load_idx %arg8[%shift_right_arithmetic3A_603, %and3A_606] : memref<80x128xf32, #tpu.memory_space<vmem>>[vector<16xi32>, vector<16xi32>], vector<16xf32>,
      %shift_right_arithmetic3A_608 = arith.constant 7 : i32
      %shift_right_arithmetic3A_609 = vector.broadcast %shift_right_arithmetic3A_608 : i32 to vector<16xi32>
      %shift_right_arithmetic3A_610 = arith.shrsi %get3A_596, %shift_right_arithmetic3A_609 : vector<16xi32>
      %and3A_611 = arith.constant 127 : i32
      %and3A_612 = vector.broadcast %and3A_611 : i32 to vector<16xi32>
      %and3A_613 = arith.andi %get3A_596, %and3A_612 : vector<16xi32>
      tpu.vector_store_idx %arg9[%shift_right_arithmetic3A_610, %and3A_613], %gather3A_607 {add = true} : memref<80x128xf32, #tpu.memory_space<vmem>>[vector<16xi32>, vector<16xi32>], vector<16xf32>,
      %get3A_614 = arith.constant 3 : i32
      %get3A_615 = arith.index_cast %get3A_614 : i32 to index
      %get3A_616 = arith.constant 32 : index
      %get3A_617 = tpu.vector_load %arg6[%get3A_615, %get3A_616] {strides = array<i32>} : memref<8x128xi32, #tpu.memory_space<vmem>>, vector<16xi32>,
      %get3A_618 = arith.constant 3 : i32
      %get3A_619 = arith.index_cast %get3A_618 : i32 to index
      %get3A_620 = arith.constant 32 : index
      %get3A_621 = tpu.vector_load %arg7[%get3A_619, %get3A_620] {strides = array<i32>} : memref<8x128xi32, #tpu.memory_space<vmem>>, vector<16xi32>,
      %shift_right_arithmetic3A_622 = arith.constant 7 : i32
      %shift_right_arithmetic3A_623 = vector.broadcast %shift_right_arithmetic3A_622 : i32 to vector<16xi32>
      %shift_right_arithmetic3A_624 = arith.shrsi %get3A_621, %shift_right_arithmetic3A_623 : vector<16xi32>
      %and3A_625 = arith.constant 127 : i32
      %and3A_626 = vector.broadcast %and3A_625 : i32 to vector<16xi32>
      %and3A_627 = arith.andi %get3A_621, %and3A_626 : vector<16xi32>
      %gather3A_628 = tpu.vector_load_idx %arg8[%shift_right_arithmetic3A_624, %and3A_627] : memref<80x128xf32, #tpu.memory_space<vmem>>[vector<16xi32>, vector<16xi32>], vector<16xf32>,
      %shift_right_arithmetic3A_629 = arith.constant 7 : i32
      %shift_right_arithmetic3A_630 = vector.broadcast %shift_right_arithmetic3A_629 : i32 to vector<16xi32>
      %shift_right_arithmetic3A_631 = arith.shrsi %get3A_617, %shift_right_arithmetic3A_630 : vector<16xi32>
      %and3A_632 = arith.constant 127 : i32
      %and3A_633 = vector.broadcast %and3A_632 : i32 to vector<16xi32>
      %and3A_634 = arith.andi %get3A_617, %and3A_633 : vector<16xi32>
      tpu.vector_store_idx %arg9[%shift_right_arithmetic3A_631, %and3A_634], %gather3A_628 {add = true} : memref<80x128xf32, #tpu.memory_space<vmem>>[vector<16xi32>, vector<16xi32>], vector<16xf32>,
      %get3A_635 = arith.constant 3 : i32
      %get3A_636 = arith.index_cast %get3A_635 : i32 to index
      %get3A_637 = arith.constant 48 : index
      %get3A_638 = tpu.vector_load %arg6[%get3A_636, %get3A_637] {strides = array<i32>} : memref<8x128xi32, #tpu.memory_space<vmem>>, vector<16xi32>,
      %get3A_639 = arith.constant 3 : i32
      %get3A_640 = arith.index_cast %get3A_639 : i32 to index
      %get3A_641 = arith.constant 48 : index
      %get3A_642 = tpu.vector_load %arg7[%get3A_640, %get3A_641] {strides = array<i32>} : memref<8x128xi32, #tpu.memory_space<vmem>>, vector<16xi32>,
      %shift_right_arithmetic3A_643 = arith.constant 7 : i32
      %shift_right_arithmetic3A_644 = vector.broadcast %shift_right_arithmetic3A_643 : i32 to vector<16xi32>
      %shift_right_arithmetic3A_645 = arith.shrsi %get3A_642, %shift_right_arithmetic3A_644 : vector<16xi32>
      %and3A_646 = arith.constant 127 : i32
      %and3A_647 = vector.broadcast %and3A_646 : i32 to vector<16xi32>
      %and3A_648 = arith.andi %get3A_642, %and3A_647 : vector<16xi32>
      %gather3A_649 = tpu.vector_load_idx %arg8[%shift_right_arithmetic3A_645, %and3A_648] : memref<80x128xf32, #tpu.memory_space<vmem>>[vector<16xi32>, vector<16xi32>], vector<16xf32>,
      %shift_right_arithmetic3A_650 = arith.constant 7 : i32
      %shift_right_arithmetic3A_651 = vector.broadcast %shift_right_arithmetic3A_650 : i32 to vector<16xi32>
      %shift_right_arithmetic3A_652 = arith.shrsi %get3A_638, %shift_right_arithmetic3A_651 : vector<16xi32>
      %and3A_653 = arith.constant 127 : i32
      %and3A_654 = vector.broadcast %and3A_653 : i32 to vector<16xi32>
      %and3A_655 = arith.andi %get3A_638, %and3A_654 : vector<16xi32>
      tpu.vector_store_idx %arg9[%shift_right_arithmetic3A_652, %and3A_655], %gather3A_649 {add = true} : memref<80x128xf32, #tpu.memory_space<vmem>>[vector<16xi32>, vector<16xi32>], vector<16xf32>,
      %get3A_656 = arith.constant 3 : i32
      %get3A_657 = arith.index_cast %get3A_656 : i32 to index
      %get3A_658 = arith.constant 64 : index
      %get3A_659 = tpu.vector_load %arg6[%get3A_657, %get3A_658] {strides = array<i32>} : memref<8x128xi32, #tpu.memory_space<vmem>>, vector<16xi32>,
      %get3A_660 = arith.constant 3 : i32
      %get3A_661 = arith.index_cast %get3A_660 : i32 to index
      %get3A_662 = arith.constant 64 : index
      %get3A_663 = tpu.vector_load %arg7[%get3A_661, %get3A_662] {strides = array<i32>} : memref<8x128xi32, #tpu.memory_space<vmem>>, vector<16xi32>,
      %shift_right_arithmetic3A_664 = arith.constant 7 : i32
      %shift_right_arithmetic3A_665 = vector.broadcast %shift_right_arithmetic3A_664 : i32 to vector<16xi32>
      %shift_right_arithmetic3A_666 = arith.shrsi %get3A_663, %shift_right_arithmetic3A_665 : vector<16xi32>
      %and3A_667 = arith.constant 127 : i32
      %and3A_668 = vector.broadcast %and3A_667 : i32 to vector<16xi32>
      %and3A_669 = arith.andi %get3A_663, %and3A_668 : vector<16xi32>
      %gather3A_670 = tpu.vector_load_idx %arg8[%shift_right_arithmetic3A_666, %and3A_669] : memref<80x128xf32, #tpu.memory_space<vmem>>[vector<16xi32>, vector<16xi32>], vector<16xf32>,
      %shift_right_arithmetic3A_671 = arith.constant 7 : i32
      %shift_right_arithmetic3A_672 = vector.broadcast %shift_right_arithmetic3A_671 : i32 to vector<16xi32>
      %shift_right_arithmetic3A_673 = arith.shrsi %get3A_659, %shift_right_arithmetic3A_672 : vector<16xi32>
      %and3A_674 = arith.constant 127 : i32
      %and3A_675 = vector.broadcast %and3A_674 : i32 to vector<16xi32>
      %and3A_676 = arith.andi %get3A_659, %and3A_675 : vector<16xi32>
      tpu.vector_store_idx %arg9[%shift_right_arithmetic3A_673, %and3A_676], %gather3A_670 {add = true} : memref<80x128xf32, #tpu.memory_space<vmem>>[vector<16xi32>, vector<16xi32>], vector<16xf32>,
      %get3A_677 = arith.constant 3 : i32
      %get3A_678 = arith.index_cast %get3A_677 : i32 to index
      %get3A_679 = arith.constant 80 : index
      %get3A_680 = tpu.vector_load %arg6[%get3A_678, %get3A_679] {strides = array<i32>} : memref<8x128xi32, #tpu.memory_space<vmem>>, vector<16xi32>,
      %get3A_681 = arith.constant 3 : i32
      %get3A_682 = arith.index_cast %get3A_681 : i32 to index
      %get3A_683 = arith.constant 80 : index
      %get3A_684 = tpu.vector_load %arg7[%get3A_682, %get3A_683] {strides = array<i32>} : memref<8x128xi32, #tpu.memory_space<vmem>>, vector<16xi32>,
      %shift_right_arithmetic3A_685 = arith.constant 7 : i32
      %shift_right_arithmetic3A_686 = vector.broadcast %shift_right_arithmetic3A_685 : i32 to vector<16xi32>
      %shift_right_arithmetic3A_687 = arith.shrsi %get3A_684, %shift_right_arithmetic3A_686 : vector<16xi32>
      %and3A_688 = arith.constant 127 : i32
      %and3A_689 = vector.broadcast %and3A_688 : i32 to vector<16xi32>
      %and3A_690 = arith.andi %get3A_684, %and3A_689 : vector<16xi32>
      %gather3A_691 = tpu.vector_load_idx %arg8[%shift_right_arithmetic3A_687, %and3A_690] : memref<80x128xf32, #tpu.memory_space<vmem>>[vector<16xi32>, vector<16xi32>], vector<16xf32>,
      %shift_right_arithmetic3A_692 = arith.constant 7 : i32
      %shift_right_arithmetic3A_693 = vector.broadcast %shift_right_arithmetic3A_692 : i32 to vector<16xi32>
      %shift_right_arithmetic3A_694 = arith.shrsi %get3A_680, %shift_right_arithmetic3A_693 : vector<16xi32>
      %and3A_695 = arith.constant 127 : i32
      %and3A_696 = vector.broadcast %and3A_695 : i32 to vector<16xi32>
      %and3A_697 = arith.andi %get3A_680, %and3A_696 : vector<16xi32>
      tpu.vector_store_idx %arg9[%shift_right_arithmetic3A_694, %and3A_697], %gather3A_691 {add = true} : memref<80x128xf32, #tpu.memory_space<vmem>>[vector<16xi32>, vector<16xi32>], vector<16xf32>,
      %get3A_698 = arith.constant 3 : i32
      %get3A_699 = arith.index_cast %get3A_698 : i32 to index
      %get3A_700 = arith.constant 96 : index
      %get3A_701 = tpu.vector_load %arg6[%get3A_699, %get3A_700] {strides = array<i32>} : memref<8x128xi32, #tpu.memory_space<vmem>>, vector<16xi32>,
      %get3A_702 = arith.constant 3 : i32
      %get3A_703 = arith.index_cast %get3A_702 : i32 to index
      %get3A_704 = arith.constant 96 : index
      %get3A_705 = tpu.vector_load %arg7[%get3A_703, %get3A_704] {strides = array<i32>} : memref<8x128xi32, #tpu.memory_space<vmem>>, vector<16xi32>,
      %shift_right_arithmetic3A_706 = arith.constant 7 : i32
      %shift_right_arithmetic3A_707 = vector.broadcast %shift_right_arithmetic3A_706 : i32 to vector<16xi32>
      %shift_right_arithmetic3A_708 = arith.shrsi %get3A_705, %shift_right_arithmetic3A_707 : vector<16xi32>
      %and3A_709 = arith.constant 127 : i32
      %and3A_710 = vector.broadcast %and3A_709 : i32 to vector<16xi32>
      %and3A_711 = arith.andi %get3A_705, %and3A_710 : vector<16xi32>
      %gather3A_712 = tpu.vector_load_idx %arg8[%shift_right_arithmetic3A_708, %and3A_711] : memref<80x128xf32, #tpu.memory_space<vmem>>[vector<16xi32>, vector<16xi32>], vector<16xf32>,
      %shift_right_arithmetic3A_713 = arith.constant 7 : i32
      %shift_right_arithmetic3A_714 = vector.broadcast %shift_right_arithmetic3A_713 : i32 to vector<16xi32>
      %shift_right_arithmetic3A_715 = arith.shrsi %get3A_701, %shift_right_arithmetic3A_714 : vector<16xi32>
      %and3A_716 = arith.constant 127 : i32
      %and3A_717 = vector.broadcast %and3A_716 : i32 to vector<16xi32>
      %and3A_718 = arith.andi %get3A_701, %and3A_717 : vector<16xi32>
      tpu.vector_store_idx %arg9[%shift_right_arithmetic3A_715, %and3A_718], %gather3A_712 {add = true} : memref<80x128xf32, #tpu.memory_space<vmem>>[vector<16xi32>, vector<16xi32>], vector<16xf32>,
      %get3A_719 = arith.constant 3 : i32
      %get3A_720 = arith.index_cast %get3A_719 : i32 to index
      %get3A_721 = arith.constant 112 : index
      %get3A_722 = tpu.vector_load %arg6[%get3A_720, %get3A_721] {strides = array<i32>} : memref<8x128xi32, #tpu.memory_space<vmem>>, vector<16xi32>,
      %get3A_723 = arith.constant 3 : i32
      %get3A_724 = arith.index_cast %get3A_723 : i32 to index
      %get3A_725 = arith.constant 112 : index
      %get3A_726 = tpu.vector_load %arg7[%get3A_724, %get3A_725] {strides = array<i32>} : memref<8x128xi32, #tpu.memory_space<vmem>>, vector<16xi32>,
      %shift_right_arithmetic3A_727 = arith.constant 7 : i32
      %shift_right_arithmetic3A_728 = vector.broadcast %shift_right_arithmetic3A_727 : i32 to vector<16xi32>
      %shift_right_arithmetic3A_729 = arith.shrsi %get3A_726, %shift_right_arithmetic3A_728 : vector<16xi32>
      %and3A_730 = arith.constant 127 : i32
      %and3A_731 = vector.broadcast %and3A_730 : i32 to vector<16xi32>
      %and3A_732 = arith.andi %get3A_726, %and3A_731 : vector<16xi32>
      %gather3A_733 = tpu.vector_load_idx %arg8[%shift_right_arithmetic3A_729, %and3A_732] : memref<80x128xf32, #tpu.memory_space<vmem>>[vector<16xi32>, vector<16xi32>], vector<16xf32>,
      %shift_right_arithmetic3A_734 = arith.constant 7 : i32
      %shift_right_arithmetic3A_735 = vector.broadcast %shift_right_arithmetic3A_734 : i32 to vector<16xi32>
      %shift_right_arithmetic3A_736 = arith.shrsi %get3A_722, %shift_right_arithmetic3A_735 : vector<16xi32>
      %and3A_737 = arith.constant 127 : i32
      %and3A_738 = vector.broadcast %and3A_737 : i32 to vector<16xi32>
      %and3A_739 = arith.andi %get3A_722, %and3A_738 : vector<16xi32>
      tpu.vector_store_idx %arg9[%shift_right_arithmetic3A_736, %and3A_739], %gather3A_733 {add = true} : memref<80x128xf32, #tpu.memory_space<vmem>>[vector<16xi32>, vector<16xi32>], vector<16xf32>,
      %get3A_740 = arith.constant 4 : i32
      %get3A_741 = arith.index_cast %get3A_740 : i32 to index
      %get3A_742 = arith.constant 0 : index
      %get3A_743 = tpu.vector_load %arg6[%get3A_741, %get3A_742] {strides = array<i32>} : memref<8x128xi32, #tpu.memory_space<vmem>>, vector<16xi32>,
      %get3A_744 = arith.constant 4 : i32
      %get3A_745 = arith.index_cast %get3A_744 : i32 to index
      %get3A_746 = arith.constant 0 : index
      %get3A_747 = tpu.vector_load %arg7[%get3A_745, %get3A_746] {strides = array<i32>} : memref<8x128xi32, #tpu.memory_space<vmem>>, vector<16xi32>,
      %shift_right_arithmetic3A_748 = arith.constant 7 : i32
      %shift_right_arithmetic3A_749 = vector.broadcast %shift_right_arithmetic3A_748 : i32 to vector<16xi32>
      %shift_right_arithmetic3A_750 = arith.shrsi %get3A_747, %shift_right_arithmetic3A_749 : vector<16xi32>
      %and3A_751 = arith.constant 127 : i32
      %and3A_752 = vector.broadcast %and3A_751 : i32 to vector<16xi32>
      %and3A_753 = arith.andi %get3A_747, %and3A_752 : vector<16xi32>
      %gather3A_754 = tpu.vector_load_idx %arg8[%shift_right_arithmetic3A_750, %and3A_753] : memref<80x128xf32, #tpu.memory_space<vmem>>[vector<16xi32>, vector<16xi32>], vector<16xf32>,
      %shift_right_arithmetic3A_755 = arith.constant 7 : i32
      %shift_right_arithmetic3A_756 = vector.broadcast %shift_right_arithmetic3A_755 : i32 to vector<16xi32>
      %shift_right_arithmetic3A_757 = arith.shrsi %get3A_743, %shift_right_arithmetic3A_756 : vector<16xi32>
      %and3A_758 = arith.constant 127 : i32
      %and3A_759 = vector.broadcast %and3A_758 : i32 to vector<16xi32>
      %and3A_760 = arith.andi %get3A_743, %and3A_759 : vector<16xi32>
      tpu.vector_store_idx %arg9[%shift_right_arithmetic3A_757, %and3A_760], %gather3A_754 {add = true} : memref<80x128xf32, #tpu.memory_space<vmem>>[vector<16xi32>, vector<16xi32>], vector<16xf32>,
      %get3A_761 = arith.constant 4 : i32
      %get3A_762 = arith.index_cast %get3A_761 : i32 to index
      %get3A_763 = arith.constant 16 : index
      %get3A_764 = tpu.vector_load %arg6[%get3A_762, %get3A_763] {strides = array<i32>} : memref<8x128xi32, #tpu.memory_space<vmem>>, vector<16xi32>,
      %get3A_765 = arith.constant 4 : i32
      %get3A_766 = arith.index_cast %get3A_765 : i32 to index
      %get3A_767 = arith.constant 16 : index
      %get3A_768 = tpu.vector_load %arg7[%get3A_766, %get3A_767] {strides = array<i32>} : memref<8x128xi32, #tpu.memory_space<vmem>>, vector<16xi32>,
      %shift_right_arithmetic3A_769 = arith.constant 7 : i32
      %shift_right_arithmetic3A_770 = vector.broadcast %shift_right_arithmetic3A_769 : i32 to vector<16xi32>
      %shift_right_arithmetic3A_771 = arith.shrsi %get3A_768, %shift_right_arithmetic3A_770 : vector<16xi32>
      %and3A_772 = arith.constant 127 : i32
      %and3A_773 = vector.broadcast %and3A_772 : i32 to vector<16xi32>
      %and3A_774 = arith.andi %get3A_768, %and3A_773 : vector<16xi32>
      %gather3A_775 = tpu.vector_load_idx %arg8[%shift_right_arithmetic3A_771, %and3A_774] : memref<80x128xf32, #tpu.memory_space<vmem>>[vector<16xi32>, vector<16xi32>], vector<16xf32>,
      %shift_right_arithmetic3A_776 = arith.constant 7 : i32
      %shift_right_arithmetic3A_777 = vector.broadcast %shift_right_arithmetic3A_776 : i32 to vector<16xi32>
      %shift_right_arithmetic3A_778 = arith.shrsi %get3A_764, %shift_right_arithmetic3A_777 : vector<16xi32>
      %and3A_779 = arith.constant 127 : i32
      %and3A_780 = vector.broadcast %and3A_779 : i32 to vector<16xi32>
      %and3A_781 = arith.andi %get3A_764, %and3A_780 : vector<16xi32>
      tpu.vector_store_idx %arg9[%shift_right_arithmetic3A_778, %and3A_781], %gather3A_775 {add = true} : memref<80x128xf32, #tpu.memory_space<vmem>>[vector<16xi32>, vector<16xi32>], vector<16xf32>,
      %get3A_782 = arith.constant 4 : i32
      %get3A_783 = arith.index_cast %get3A_782 : i32 to index
      %get3A_784 = arith.constant 32 : index
      %get3A_785 = tpu.vector_load %arg6[%get3A_783, %get3A_784] {strides = array<i32>} : memref<8x128xi32, #tpu.memory_space<vmem>>, vector<16xi32>,
      %get3A_786 = arith.constant 4 : i32
      %get3A_787 = arith.index_cast %get3A_786 : i32 to index
      %get3A_788 = arith.constant 32 : index
      %get3A_789 = tpu.vector_load %arg7[%get3A_787, %get3A_788] {strides = array<i32>} : memref<8x128xi32, #tpu.memory_space<vmem>>, vector<16xi32>,
      %shift_right_arithmetic3A_790 = arith.constant 7 : i32
      %shift_right_arithmetic3A_791 = vector.broadcast %shift_right_arithmetic3A_790 : i32 to vector<16xi32>
      %shift_right_arithmetic3A_792 = arith.shrsi %get3A_789, %shift_right_arithmetic3A_791 : vector<16xi32>
      %and3A_793 = arith.constant 127 : i32
      %and3A_794 = vector.broadcast %and3A_793 : i32 to vector<16xi32>
      %and3A_795 = arith.andi %get3A_789, %and3A_794 : vector<16xi32>
      %gather3A_796 = tpu.vector_load_idx %arg8[%shift_right_arithmetic3A_792, %and3A_795] : memref<80x128xf32, #tpu.memory_space<vmem>>[vector<16xi32>, vector<16xi32>], vector<16xf32>,
      %shift_right_arithmetic3A_797 = arith.constant 7 : i32
      %shift_right_arithmetic3A_798 = vector.broadcast %shift_right_arithmetic3A_797 : i32 to vector<16xi32>
      %shift_right_arithmetic3A_799 = arith.shrsi %get3A_785, %shift_right_arithmetic3A_798 : vector<16xi32>
      %and3A_800 = arith.constant 127 : i32
      %and3A_801 = vector.broadcast %and3A_800 : i32 to vector<16xi32>
      %and3A_802 = arith.andi %get3A_785, %and3A_801 : vector<16xi32>
      tpu.vector_store_idx %arg9[%shift_right_arithmetic3A_799, %and3A_802], %gather3A_796 {add = true} : memref<80x128xf32, #tpu.memory_space<vmem>>[vector<16xi32>, vector<16xi32>], vector<16xf32>,
      %get3A_803 = arith.constant 4 : i32
      %get3A_804 = arith.index_cast %get3A_803 : i32 to index
      %get3A_805 = arith.constant 48 : index
      %get3A_806 = tpu.vector_load %arg6[%get3A_804, %get3A_805] {strides = array<i32>} : memref<8x128xi32, #tpu.memory_space<vmem>>, vector<16xi32>,
      %get3A_807 = arith.constant 4 : i32
      %get3A_808 = arith.index_cast %get3A_807 : i32 to index
      %get3A_809 = arith.constant 48 : index
      %get3A_810 = tpu.vector_load %arg7[%get3A_808, %get3A_809] {strides = array<i32>} : memref<8x128xi32, #tpu.memory_space<vmem>>, vector<16xi32>,
      %shift_right_arithmetic3A_811 = arith.constant 7 : i32
      %shift_right_arithmetic3A_812 = vector.broadcast %shift_right_arithmetic3A_811 : i32 to vector<16xi32>
      %shift_right_arithmetic3A_813 = arith.shrsi %get3A_810, %shift_right_arithmetic3A_812 : vector<16xi32>
      %and3A_814 = arith.constant 127 : i32
      %and3A_815 = vector.broadcast %and3A_814 : i32 to vector<16xi32>
      %and3A_816 = arith.andi %get3A_810, %and3A_815 : vector<16xi32>
      %gather3A_817 = tpu.vector_load_idx %arg8[%shift_right_arithmetic3A_813, %and3A_816] : memref<80x128xf32, #tpu.memory_space<vmem>>[vector<16xi32>, vector<16xi32>], vector<16xf32>,
      %shift_right_arithmetic3A_818 = arith.constant 7 : i32
      %shift_right_arithmetic3A_819 = vector.broadcast %shift_right_arithmetic3A_818 : i32 to vector<16xi32>
      %shift_right_arithmetic3A_820 = arith.shrsi %get3A_806, %shift_right_arithmetic3A_819 : vector<16xi32>
      %and3A_821 = arith.constant 127 : i32
      %and3A_822 = vector.broadcast %and3A_821 : i32 to vector<16xi32>
      %and3A_823 = arith.andi %get3A_806, %and3A_822 : vector<16xi32>
      tpu.vector_store_idx %arg9[%shift_right_arithmetic3A_820, %and3A_823], %gather3A_817 {add = true} : memref<80x128xf32, #tpu.memory_space<vmem>>[vector<16xi32>, vector<16xi32>], vector<16xf32>,
      %get3A_824 = arith.constant 4 : i32
      %get3A_825 = arith.index_cast %get3A_824 : i32 to index
      %get3A_826 = arith.constant 64 : index
      %get3A_827 = tpu.vector_load %arg6[%get3A_825, %get3A_826] {strides = array<i32>} : memref<8x128xi32, #tpu.memory_space<vmem>>, vector<16xi32>,
      %get3A_828 = arith.constant 4 : i32
      %get3A_829 = arith.index_cast %get3A_828 : i32 to index
      %get3A_830 = arith.constant 64 : index
      %get3A_831 = tpu.vector_load %arg7[%get3A_829, %get3A_830] {strides = array<i32>} : memref<8x128xi32, #tpu.memory_space<vmem>>, vector<16xi32>,
      %shift_right_arithmetic3A_832 = arith.constant 7 : i32
      %shift_right_arithmetic3A_833 = vector.broadcast %shift_right_arithmetic3A_832 : i32 to vector<16xi32>
      %shift_right_arithmetic3A_834 = arith.shrsi %get3A_831, %shift_right_arithmetic3A_833 : vector<16xi32>
      %and3A_835 = arith.constant 127 : i32
      %and3A_836 = vector.broadcast %and3A_835 : i32 to vector<16xi32>
      %and3A_837 = arith.andi %get3A_831, %and3A_836 : vector<16xi32>
      %gather3A_838 = tpu.vector_load_idx %arg8[%shift_right_arithmetic3A_834, %and3A_837] : memref<80x128xf32, #tpu.memory_space<vmem>>[vector<16xi32>, vector<16xi32>], vector<16xf32>,
      %shift_right_arithmetic3A_839 = arith.constant 7 : i32
      %shift_right_arithmetic3A_840 = vector.broadcast %shift_right_arithmetic3A_839 : i32 to vector<16xi32>
      %shift_right_arithmetic3A_841 = arith.shrsi %get3A_827, %shift_right_arithmetic3A_840 : vector<16xi32>
      %and3A_842 = arith.constant 127 : i32
      %and3A_843 = vector.broadcast %and3A_842 : i32 to vector<16xi32>
      %and3A_844 = arith.andi %get3A_827, %and3A_843 : vector<16xi32>
      tpu.vector_store_idx %arg9[%shift_right_arithmetic3A_841, %and3A_844], %gather3A_838 {add = true} : memref<80x128xf32, #tpu.memory_space<vmem>>[vector<16xi32>, vector<16xi32>], vector<16xf32>,
      %get3A_845 = arith.constant 4 : i32
      %get3A_846 = arith.index_cast %get3A_845 : i32 to index
      %get3A_847 = arith.constant 80 : index
      %get3A_848 = tpu.vector_load %arg6[%get3A_846, %get3A_847] {strides = array<i32>} : memref<8x128xi32, #tpu.memory_space<vmem>>, vector<16xi32>,
      %get3A_849 = arith.constant 4 : i32
      %get3A_850 = arith.index_cast %get3A_849 : i32 to index
      %get3A_851 = arith.constant 80 : index
      %get3A_852 = tpu.vector_load %arg7[%get3A_850, %get3A_851] {strides = array<i32>} : memref<8x128xi32, #tpu.memory_space<vmem>>, vector<16xi32>,
      %shift_right_arithmetic3A_853 = arith.constant 7 : i32
      %shift_right_arithmetic3A_854 = vector.broadcast %shift_right_arithmetic3A_853 : i32 to vector<16xi32>
      %shift_right_arithmetic3A_855 = arith.shrsi %get3A_852, %shift_right_arithmetic3A_854 : vector<16xi32>
      %and3A_856 = arith.constant 127 : i32
      %and3A_857 = vector.broadcast %and3A_856 : i32 to vector<16xi32>
      %and3A_858 = arith.andi %get3A_852, %and3A_857 : vector<16xi32>
      %gather3A_859 = tpu.vector_load_idx %arg8[%shift_right_arithmetic3A_855, %and3A_858] : memref<80x128xf32, #tpu.memory_space<vmem>>[vector<16xi32>, vector<16xi32>], vector<16xf32>,
      %shift_right_arithmetic3A_860 = arith.constant 7 : i32
      %shift_right_arithmetic3A_861 = vector.broadcast %shift_right_arithmetic3A_860 : i32 to vector<16xi32>
      %shift_right_arithmetic3A_862 = arith.shrsi %get3A_848, %shift_right_arithmetic3A_861 : vector<16xi32>
      %and3A_863 = arith.constant 127 : i32
      %and3A_864 = vector.broadcast %and3A_863 : i32 to vector<16xi32>
      %and3A_865 = arith.andi %get3A_848, %and3A_864 : vector<16xi32>
      tpu.vector_store_idx %arg9[%shift_right_arithmetic3A_862, %and3A_865], %gather3A_859 {add = true} : memref<80x128xf32, #tpu.memory_space<vmem>>[vector<16xi32>, vector<16xi32>], vector<16xf32>,
      %get3A_866 = arith.constant 4 : i32
      %get3A_867 = arith.index_cast %get3A_866 : i32 to index
      %get3A_868 = arith.constant 96 : index
      %get3A_869 = tpu.vector_load %arg6[%get3A_867, %get3A_868] {strides = array<i32>} : memref<8x128xi32, #tpu.memory_space<vmem>>, vector<16xi32>,
      %get3A_870 = arith.constant 4 : i32
      %get3A_871 = arith.index_cast %get3A_870 : i32 to index
      %get3A_872 = arith.constant 96 : index
      %get3A_873 = tpu.vector_load %arg7[%get3A_871, %get3A_872] {strides = array<i32>} : memref<8x128xi32, #tpu.memory_space<vmem>>, vector<16xi32>,
      %shift_right_arithmetic3A_874 = arith.constant 7 : i32
      %shift_right_arithmetic3A_875 = vector.broadcast %shift_right_arithmetic3A_874 : i32 to vector<16xi32>
      %shift_right_arithmetic3A_876 = arith.shrsi %get3A_873, %shift_right_arithmetic3A_875 : vector<16xi32>
      %and3A_877 = arith.constant 127 : i32
      %and3A_878 = vector.broadcast %and3A_877 : i32 to vector<16xi32>
      %and3A_879 = arith.andi %get3A_873, %and3A_878 : vector<16xi32>
      %gather3A_880 = tpu.vector_load_idx %arg8[%shift_right_arithmetic3A_876, %and3A_879] : memref<80x128xf32, #tpu.memory_space<vmem>>[vector<16xi32>, vector<16xi32>], vector<16xf32>,
      %shift_right_arithmetic3A_881 = arith.constant 7 : i32
      %shift_right_arithmetic3A_882 = vector.broadcast %shift_right_arithmetic3A_881 : i32 to vector<16xi32>
      %shift_right_arithmetic3A_883 = arith.shrsi %get3A_869, %shift_right_arithmetic3A_882 : vector<16xi32>
      %and3A_884 = arith.constant 127 : i32
      %and3A_885 = vector.broadcast %and3A_884 : i32 to vector<16xi32>
      %and3A_886 = arith.andi %get3A_869, %and3A_885 : vector<16xi32>
      tpu.vector_store_idx %arg9[%shift_right_arithmetic3A_883, %and3A_886], %gather3A_880 {add = true} : memref<80x128xf32, #tpu.memory_space<vmem>>[vector<16xi32>, vector<16xi32>], vector<16xf32>,
      %get3A_887 = arith.constant 4 : i32
      %get3A_888 = arith.index_cast %get3A_887 : i32 to index
      %get3A_889 = arith.constant 112 : index
      %get3A_890 = tpu.vector_load %arg6[%get3A_888, %get3A_889] {strides = array<i32>} : memref<8x128xi32, #tpu.memory_space<vmem>>, vector<16xi32>,
      %get3A_891 = arith.constant 4 : i32
      %get3A_892 = arith.index_cast %get3A_891 : i32 to index
      %get3A_893 = arith.constant 112 : index
      %get3A_894 = tpu.vector_load %arg7[%get3A_892, %get3A_893] {strides = array<i32>} : memref<8x128xi32, #tpu.memory_space<vmem>>, vector<16xi32>,
      %shift_right_arithmetic3A_895 = arith.constant 7 : i32
      %shift_right_arithmetic3A_896 = vector.broadcast %shift_right_arithmetic3A_895 : i32 to vector<16xi32>
      %shift_right_arithmetic3A_897 = arith.shrsi %get3A_894, %shift_right_arithmetic3A_896 : vector<16xi32>
      %and3A_898 = arith.constant 127 : i32
      %and3A_899 = vector.broadcast %and3A_898 : i32 to vector<16xi32>
      %and3A_900 = arith.andi %get3A_894, %and3A_899 : vector<16xi32>
      %gather3A_901 = tpu.vector_load_idx %arg8[%shift_right_arithmetic3A_897, %and3A_900] : memref<80x128xf32, #tpu.memory_space<vmem>>[vector<16xi32>, vector<16xi32>], vector<16xf32>,
      %shift_right_arithmetic3A_902 = arith.constant 7 : i32
      %shift_right_arithmetic3A_903 = vector.broadcast %shift_right_arithmetic3A_902 : i32 to vector<16xi32>
      %shift_right_arithmetic3A_904 = arith.shrsi %get3A_890, %shift_right_arithmetic3A_903 : vector<16xi32>
      %and3A_905 = arith.constant 127 : i32
      %and3A_906 = vector.broadcast %and3A_905 : i32 to vector<16xi32>
      %and3A_907 = arith.andi %get3A_890, %and3A_906 : vector<16xi32>
      tpu.vector_store_idx %arg9[%shift_right_arithmetic3A_904, %and3A_907], %gather3A_901 {add = true} : memref<80x128xf32, #tpu.memory_space<vmem>>[vector<16xi32>, vector<16xi32>], vector<16xf32>,
      %get3A_908 = arith.constant 5 : i32
      %get3A_909 = arith.index_cast %get3A_908 : i32 to index
      %get3A_910 = arith.constant 0 : index
      %get3A_911 = tpu.vector_load %arg6[%get3A_909, %get3A_910] {strides = array<i32>} : memref<8x128xi32, #tpu.memory_space<vmem>>, vector<16xi32>,
      %get3A_912 = arith.constant 5 : i32
      %get3A_913 = arith.index_cast %get3A_912 : i32 to index
      %get3A_914 = arith.constant 0 : index
      %get3A_915 = tpu.vector_load %arg7[%get3A_913, %get3A_914] {strides = array<i32>} : memref<8x128xi32, #tpu.memory_space<vmem>>, vector<16xi32>,
      %shift_right_arithmetic3A_916 = arith.constant 7 : i32
      %shift_right_arithmetic3A_917 = vector.broadcast %shift_right_arithmetic3A_916 : i32 to vector<16xi32>
      %shift_right_arithmetic3A_918 = arith.shrsi %get3A_915, %shift_right_arithmetic3A_917 : vector<16xi32>
      %and3A_919 = arith.constant 127 : i32
      %and3A_920 = vector.broadcast %and3A_919 : i32 to vector<16xi32>
      %and3A_921 = arith.andi %get3A_915, %and3A_920 : vector<16xi32>
      %gather3A_922 = tpu.vector_load_idx %arg8[%shift_right_arithmetic3A_918, %and3A_921] : memref<80x128xf32, #tpu.memory_space<vmem>>[vector<16xi32>, vector<16xi32>], vector<16xf32>,
      %shift_right_arithmetic3A_923 = arith.constant 7 : i32
      %shift_right_arithmetic3A_924 = vector.broadcast %shift_right_arithmetic3A_923 : i32 to vector<16xi32>
      %shift_right_arithmetic3A_925 = arith.shrsi %get3A_911, %shift_right_arithmetic3A_924 : vector<16xi32>
      %and3A_926 = arith.constant 127 : i32
      %and3A_927 = vector.broadcast %and3A_926 : i32 to vector<16xi32>
      %and3A_928 = arith.andi %get3A_911, %and3A_927 : vector<16xi32>
      tpu.vector_store_idx %arg9[%shift_right_arithmetic3A_925, %and3A_928], %gather3A_922 {add = true} : memref<80x128xf32, #tpu.memory_space<vmem>>[vector<16xi32>, vector<16xi32>], vector<16xf32>,
      %get3A_929 = arith.constant 5 : i32
      %get3A_930 = arith.index_cast %get3A_929 : i32 to index
      %get3A_931 = arith.constant 16 : index
      %get3A_932 = tpu.vector_load %arg6[%get3A_930, %get3A_931] {strides = array<i32>} : memref<8x128xi32, #tpu.memory_space<vmem>>, vector<16xi32>,
      %get3A_933 = arith.constant 5 : i32
      %get3A_934 = arith.index_cast %get3A_933 : i32 to index
      %get3A_935 = arith.constant 16 : index
      %get3A_936 = tpu.vector_load %arg7[%get3A_934, %get3A_935] {strides = array<i32>} : memref<8x128xi32, #tpu.memory_space<vmem>>, vector<16xi32>,
      %shift_right_arithmetic3A_937 = arith.constant 7 : i32
      %shift_right_arithmetic3A_938 = vector.broadcast %shift_right_arithmetic3A_937 : i32 to vector<16xi32>
      %shift_right_arithmetic3A_939 = arith.shrsi %get3A_936, %shift_right_arithmetic3A_938 : vector<16xi32>
      %and3A_940 = arith.constant 127 : i32
      %and3A_941 = vector.broadcast %and3A_940 : i32 to vector<16xi32>
      %and3A_942 = arith.andi %get3A_936, %and3A_941 : vector<16xi32>
      %gather3A_943 = tpu.vector_load_idx %arg8[%shift_right_arithmetic3A_939, %and3A_942] : memref<80x128xf32, #tpu.memory_space<vmem>>[vector<16xi32>, vector<16xi32>], vector<16xf32>,
      %shift_right_arithmetic3A_944 = arith.constant 7 : i32
      %shift_right_arithmetic3A_945 = vector.broadcast %shift_right_arithmetic3A_944 : i32 to vector<16xi32>
      %shift_right_arithmetic3A_946 = arith.shrsi %get3A_932, %shift_right_arithmetic3A_945 : vector<16xi32>
      %and3A_947 = arith.constant 127 : i32
      %and3A_948 = vector.broadcast %and3A_947 : i32 to vector<16xi32>
      %and3A_949 = arith.andi %get3A_932, %and3A_948 : vector<16xi32>
      tpu.vector_store_idx %arg9[%shift_right_arithmetic3A_946, %and3A_949], %gather3A_943 {add = true} : memref<80x128xf32, #tpu.memory_space<vmem>>[vector<16xi32>, vector<16xi32>], vector<16xf32>,
      %get3A_950 = arith.constant 5 : i32
      %get3A_951 = arith.index_cast %get3A_950 : i32 to index
      %get3A_952 = arith.constant 32 : index
      %get3A_953 = tpu.vector_load %arg6[%get3A_951, %get3A_952] {strides = array<i32>} : memref<8x128xi32, #tpu.memory_space<vmem>>, vector<16xi32>,
      %get3A_954 = arith.constant 5 : i32
      %get3A_955 = arith.index_cast %get3A_954 : i32 to index
      %get3A_956 = arith.constant 32 : index
      %get3A_957 = tpu.vector_load %arg7[%get3A_955, %get3A_956] {strides = array<i32>} : memref<8x128xi32, #tpu.memory_space<vmem>>, vector<16xi32>,
      %shift_right_arithmetic3A_958 = arith.constant 7 : i32
      %shift_right_arithmetic3A_959 = vector.broadcast %shift_right_arithmetic3A_958 : i32 to vector<16xi32>
      %shift_right_arithmetic3A_960 = arith.shrsi %get3A_957, %shift_right_arithmetic3A_959 : vector<16xi32>
      %and3A_961 = arith.constant 127 : i32
      %and3A_962 = vector.broadcast %and3A_961 : i32 to vector<16xi32>
      %and3A_963 = arith.andi %get3A_957, %and3A_962 : vector<16xi32>
      %gather3A_964 = tpu.vector_load_idx %arg8[%shift_right_arithmetic3A_960, %and3A_963] : memref<80x128xf32, #tpu.memory_space<vmem>>[vector<16xi32>, vector<16xi32>], vector<16xf32>,
      %shift_right_arithmetic3A_965 = arith.constant 7 : i32
      %shift_right_arithmetic3A_966 = vector.broadcast %shift_right_arithmetic3A_965 : i32 to vector<16xi32>
      %shift_right_arithmetic3A_967 = arith.shrsi %get3A_953, %shift_right_arithmetic3A_966 : vector<16xi32>
      %and3A_968 = arith.constant 127 : i32
      %and3A_969 = vector.broadcast %and3A_968 : i32 to vector<16xi32>
      %and3A_970 = arith.andi %get3A_953, %and3A_969 : vector<16xi32>
      tpu.vector_store_idx %arg9[%shift_right_arithmetic3A_967, %and3A_970], %gather3A_964 {add = true} : memref<80x128xf32, #tpu.memory_space<vmem>>[vector<16xi32>, vector<16xi32>], vector<16xf32>,
      %get3A_971 = arith.constant 5 : i32
      %get3A_972 = arith.index_cast %get3A_971 : i32 to index
      %get3A_973 = arith.constant 48 : index
      %get3A_974 = tpu.vector_load %arg6[%get3A_972, %get3A_973] {strides = array<i32>} : memref<8x128xi32, #tpu.memory_space<vmem>>, vector<16xi32>,
      %get3A_975 = arith.constant 5 : i32
      %get3A_976 = arith.index_cast %get3A_975 : i32 to index
      %get3A_977 = arith.constant 48 : index
      %get3A_978 = tpu.vector_load %arg7[%get3A_976, %get3A_977] {strides = array<i32>} : memref<8x128xi32, #tpu.memory_space<vmem>>, vector<16xi32>,
      %shift_right_arithmetic3A_979 = arith.constant 7 : i32
      %shift_right_arithmetic3A_980 = vector.broadcast %shift_right_arithmetic3A_979 : i32 to vector<16xi32>
      %shift_right_arithmetic3A_981 = arith.shrsi %get3A_978, %shift_right_arithmetic3A_980 : vector<16xi32>
      %and3A_982 = arith.constant 127 : i32
      %and3A_983 = vector.broadcast %and3A_982 : i32 to vector<16xi32>
      %and3A_984 = arith.andi %get3A_978, %and3A_983 : vector<16xi32>
      %gather3A_985 = tpu.vector_load_idx %arg8[%shift_right_arithmetic3A_981, %and3A_984] : memref<80x128xf32, #tpu.memory_space<vmem>>[vector<16xi32>, vector<16xi32>], vector<16xf32>,
      %shift_right_arithmetic3A_986 = arith.constant 7 : i32
      %shift_right_arithmetic3A_987 = vector.broadcast %shift_right_arithmetic3A_986 : i32 to vector<16xi32>
      %shift_right_arithmetic3A_988 = arith.shrsi %get3A_974, %shift_right_arithmetic3A_987 : vector<16xi32>
      %and3A_989 = arith.constant 127 : i32
      %and3A_990 = vector.broadcast %and3A_989 : i32 to vector<16xi32>
      %and3A_991 = arith.andi %get3A_974, %and3A_990 : vector<16xi32>
      tpu.vector_store_idx %arg9[%shift_right_arithmetic3A_988, %and3A_991], %gather3A_985 {add = true} : memref<80x128xf32, #tpu.memory_space<vmem>>[vector<16xi32>, vector<16xi32>], vector<16xf32>,
      %get3A_992 = arith.constant 5 : i32
      %get3A_993 = arith.index_cast %get3A_992 : i32 to index
      %get3A_994 = arith.constant 64 : index
      %get3A_995 = tpu.vector_load %arg6[%get3A_993, %get3A_994] {strides = array<i32>} : memref<8x128xi32, #tpu.memory_space<vmem>>, vector<16xi32>,
      %get3A_996 = arith.constant 5 : i32
      %get3A_997 = arith.index_cast %get3A_996 : i32 to index
      %get3A_998 = arith.constant 64 : index
      %get3A_999 = tpu.vector_load %arg7[%get3A_997, %get3A_998] {strides = array<i32>} : memref<8x128xi32, #tpu.memory_space<vmem>>, vector<16xi32>,
      %shift_right_arithmetic3A_1000 = arith.constant 7 : i32
      %shift_right_arithmetic3A_1001 = vector.broadcast %shift_right_arithmetic3A_1000 : i32 to vector<16xi32>
      %shift_right_arithmetic3A_1002 = arith.shrsi %get3A_999, %shift_right_arithmetic3A_1001 : vector<16xi32>
      %and3A_1003 = arith.constant 127 : i32
      %and3A_1004 = vector.broadcast %and3A_1003 : i32 to vector<16xi32>
      %and3A_1005 = arith.andi %get3A_999, %and3A_1004 : vector<16xi32>
      %gather3A_1006 = tpu.vector_load_idx %arg8[%shift_right_arithmetic3A_1002, %and3A_1005] : memref<80x128xf32, #tpu.memory_space<vmem>>[vector<16xi32>, vector<16xi32>], vector<16xf32>,
      %shift_right_arithmetic3A_1007 = arith.constant 7 : i32
      %shift_right_arithmetic3A_1008 = vector.broadcast %shift_right_arithmetic3A_1007 : i32 to vector<16xi32>
      %shift_right_arithmetic3A_1009 = arith.shrsi %get3A_995, %shift_right_arithmetic3A_1008 : vector<16xi32>
      %and3A_1010 = arith.constant 127 : i32
      %and3A_1011 = vector.broadcast %and3A_1010 : i32 to vector<16xi32>
      %and3A_1012 = arith.andi %get3A_995, %and3A_1011 : vector<16xi32>
      tpu.vector_store_idx %arg9[%shift_right_arithmetic3A_1009, %and3A_1012], %gather3A_1006 {add = true} : memref<80x128xf32, #tpu.memory_space<vmem>>[vector<16xi32>, vector<16xi32>], vector<16xf32>,
      %get3A_1013 = arith.constant 5 : i32
      %get3A_1014 = arith.index_cast %get3A_1013 : i32 to index
      %get3A_1015 = arith.constant 80 : index
      %get3A_1016 = tpu.vector_load %arg6[%get3A_1014, %get3A_1015] {strides = array<i32>} : memref<8x128xi32, #tpu.memory_space<vmem>>, vector<16xi32>,
      %get3A_1017 = arith.constant 5 : i32
      %get3A_1018 = arith.index_cast %get3A_1017 : i32 to index
      %get3A_1019 = arith.constant 80 : index
      %get3A_1020 = tpu.vector_load %arg7[%get3A_1018, %get3A_1019] {strides = array<i32>} : memref<8x128xi32, #tpu.memory_space<vmem>>, vector<16xi32>,
      %shift_right_arithmetic3A_1021 = arith.constant 7 : i32
      %shift_right_arithmetic3A_1022 = vector.broadcast %shift_right_arithmetic3A_1021 : i32 to vector<16xi32>
      %shift_right_arithmetic3A_1023 = arith.shrsi %get3A_1020, %shift_right_arithmetic3A_1022 : vector<16xi32>
      %and3A_1024 = arith.constant 127 : i32
      %and3A_1025 = vector.broadcast %and3A_1024 : i32 to vector<16xi32>
      %and3A_1026 = arith.andi %get3A_1020, %and3A_1025 : vector<16xi32>
      %gather3A_1027 = tpu.vector_load_idx %arg8[%shift_right_arithmetic3A_1023, %and3A_1026] : memref<80x128xf32, #tpu.memory_space<vmem>>[vector<16xi32>, vector<16xi32>], vector<16xf32>,
      %shift_right_arithmetic3A_1028 = arith.constant 7 : i32
      %shift_right_arithmetic3A_1029 = vector.broadcast %shift_right_arithmetic3A_1028 : i32 to vector<16xi32>
      %shift_right_arithmetic3A_1030 = arith.shrsi %get3A_1016, %shift_right_arithmetic3A_1029 : vector<16xi32>
      %and3A_1031 = arith.constant 127 : i32
      %and3A_1032 = vector.broadcast %and3A_1031 : i32 to vector<16xi32>
      %and3A_1033 = arith.andi %get3A_1016, %and3A_1032 : vector<16xi32>
      tpu.vector_store_idx %arg9[%shift_right_arithmetic3A_1030, %and3A_1033], %gather3A_1027 {add = true} : memref<80x128xf32, #tpu.memory_space<vmem>>[vector<16xi32>, vector<16xi32>], vector<16xf32>,
      %get3A_1034 = arith.constant 5 : i32
      %get3A_1035 = arith.index_cast %get3A_1034 : i32 to index
      %get3A_1036 = arith.constant 96 : index
      %get3A_1037 = tpu.vector_load %arg6[%get3A_1035, %get3A_1036] {strides = array<i32>} : memref<8x128xi32, #tpu.memory_space<vmem>>, vector<16xi32>,
      %get3A_1038 = arith.constant 5 : i32
      %get3A_1039 = arith.index_cast %get3A_1038 : i32 to index
      %get3A_1040 = arith.constant 96 : index
      %get3A_1041 = tpu.vector_load %arg7[%get3A_1039, %get3A_1040] {strides = array<i32>} : memref<8x128xi32, #tpu.memory_space<vmem>>, vector<16xi32>,
      %shift_right_arithmetic3A_1042 = arith.constant 7 : i32
      %shift_right_arithmetic3A_1043 = vector.broadcast %shift_right_arithmetic3A_1042 : i32 to vector<16xi32>
      %shift_right_arithmetic3A_1044 = arith.shrsi %get3A_1041, %shift_right_arithmetic3A_1043 : vector<16xi32>
      %and3A_1045 = arith.constant 127 : i32
      %and3A_1046 = vector.broadcast %and3A_1045 : i32 to vector<16xi32>
      %and3A_1047 = arith.andi %get3A_1041, %and3A_1046 : vector<16xi32>
      %gather3A_1048 = tpu.vector_load_idx %arg8[%shift_right_arithmetic3A_1044, %and3A_1047] : memref<80x128xf32, #tpu.memory_space<vmem>>[vector<16xi32>, vector<16xi32>], vector<16xf32>,
      %shift_right_arithmetic3A_1049 = arith.constant 7 : i32
      %shift_right_arithmetic3A_1050 = vector.broadcast %shift_right_arithmetic3A_1049 : i32 to vector<16xi32>
      %shift_right_arithmetic3A_1051 = arith.shrsi %get3A_1037, %shift_right_arithmetic3A_1050 : vector<16xi32>
      %and3A_1052 = arith.constant 127 : i32
      %and3A_1053 = vector.broadcast %and3A_1052 : i32 to vector<16xi32>
      %and3A_1054 = arith.andi %get3A_1037, %and3A_1053 : vector<16xi32>
      tpu.vector_store_idx %arg9[%shift_right_arithmetic3A_1051, %and3A_1054], %gather3A_1048 {add = true} : memref<80x128xf32, #tpu.memory_space<vmem>>[vector<16xi32>, vector<16xi32>], vector<16xf32>,
      %get3A_1055 = arith.constant 5 : i32
      %get3A_1056 = arith.index_cast %get3A_1055 : i32 to index
      %get3A_1057 = arith.constant 112 : index
      %get3A_1058 = tpu.vector_load %arg6[%get3A_1056, %get3A_1057] {strides = array<i32>} : memref<8x128xi32, #tpu.memory_space<vmem>>, vector<16xi32>,
      %get3A_1059 = arith.constant 5 : i32
      %get3A_1060 = arith.index_cast %get3A_1059 : i32 to index
      %get3A_1061 = arith.constant 112 : index
      %get3A_1062 = tpu.vector_load %arg7[%get3A_1060, %get3A_1061] {strides = array<i32>} : memref<8x128xi32, #tpu.memory_space<vmem>>, vector<16xi32>,
      %shift_right_arithmetic3A_1063 = arith.constant 7 : i32
      %shift_right_arithmetic3A_1064 = vector.broadcast %shift_right_arithmetic3A_1063 : i32 to vector<16xi32>
      %shift_right_arithmetic3A_1065 = arith.shrsi %get3A_1062, %shift_right_arithmetic3A_1064 : vector<16xi32>
      %and3A_1066 = arith.constant 127 : i32
      %and3A_1067 = vector.broadcast %and3A_1066 : i32 to vector<16xi32>
      %and3A_1068 = arith.andi %get3A_1062, %and3A_1067 : vector<16xi32>
      %gather3A_1069 = tpu.vector_load_idx %arg8[%shift_right_arithmetic3A_1065, %and3A_1068] : memref<80x128xf32, #tpu.memory_space<vmem>>[vector<16xi32>, vector<16xi32>], vector<16xf32>,
      %shift_right_arithmetic3A_1070 = arith.constant 7 : i32
      %shift_right_arithmetic3A_1071 = vector.broadcast %shift_right_arithmetic3A_1070 : i32 to vector<16xi32>
      %shift_right_arithmetic3A_1072 = arith.shrsi %get3A_1058, %shift_right_arithmetic3A_1071 : vector<16xi32>
      %and3A_1073 = arith.constant 127 : i32
      %and3A_1074 = vector.broadcast %and3A_1073 : i32 to vector<16xi32>
      %and3A_1075 = arith.andi %get3A_1058, %and3A_1074 : vector<16xi32>
      tpu.vector_store_idx %arg9[%shift_right_arithmetic3A_1072, %and3A_1075], %gather3A_1069 {add = true} : memref<80x128xf32, #tpu.memory_space<vmem>>[vector<16xi32>, vector<16xi32>], vector<16xf32>,
      %get3A_1076 = arith.constant 6 : i32
      %get3A_1077 = arith.index_cast %get3A_1076 : i32 to index
      %get3A_1078 = arith.constant 0 : index
      %get3A_1079 = tpu.vector_load %arg6[%get3A_1077, %get3A_1078] {strides = array<i32>} : memref<8x128xi32, #tpu.memory_space<vmem>>, vector<16xi32>,
      %get3A_1080 = arith.constant 6 : i32
      %get3A_1081 = arith.index_cast %get3A_1080 : i32 to index
      %get3A_1082 = arith.constant 0 : index
      %get3A_1083 = tpu.vector_load %arg7[%get3A_1081, %get3A_1082] {strides = array<i32>} : memref<8x128xi32, #tpu.memory_space<vmem>>, vector<16xi32>,
      %shift_right_arithmetic3A_1084 = arith.constant 7 : i32
      %shift_right_arithmetic3A_1085 = vector.broadcast %shift_right_arithmetic3A_1084 : i32 to vector<16xi32>
      %shift_right_arithmetic3A_1086 = arith.shrsi %get3A_1083, %shift_right_arithmetic3A_1085 : vector<16xi32>
      %and3A_1087 = arith.constant 127 : i32
      %and3A_1088 = vector.broadcast %and3A_1087 : i32 to vector<16xi32>
      %and3A_1089 = arith.andi %get3A_1083, %and3A_1088 : vector<16xi32>
      %gather3A_1090 = tpu.vector_load_idx %arg8[%shift_right_arithmetic3A_1086, %and3A_1089] : memref<80x128xf32, #tpu.memory_space<vmem>>[vector<16xi32>, vector<16xi32>], vector<16xf32>,
      %shift_right_arithmetic3A_1091 = arith.constant 7 : i32
      %shift_right_arithmetic3A_1092 = vector.broadcast %shift_right_arithmetic3A_1091 : i32 to vector<16xi32>
      %shift_right_arithmetic3A_1093 = arith.shrsi %get3A_1079, %shift_right_arithmetic3A_1092 : vector<16xi32>
      %and3A_1094 = arith.constant 127 : i32
      %and3A_1095 = vector.broadcast %and3A_1094 : i32 to vector<16xi32>
      %and3A_1096 = arith.andi %get3A_1079, %and3A_1095 : vector<16xi32>
      tpu.vector_store_idx %arg9[%shift_right_arithmetic3A_1093, %and3A_1096], %gather3A_1090 {add = true} : memref<80x128xf32, #tpu.memory_space<vmem>>[vector<16xi32>, vector<16xi32>], vector<16xf32>,
      %get3A_1097 = arith.constant 6 : i32
      %get3A_1098 = arith.index_cast %get3A_1097 : i32 to index
      %get3A_1099 = arith.constant 16 : index
      %get3A_1100 = tpu.vector_load %arg6[%get3A_1098, %get3A_1099] {strides = array<i32>} : memref<8x128xi32, #tpu.memory_space<vmem>>, vector<16xi32>,
      %get3A_1101 = arith.constant 6 : i32
      %get3A_1102 = arith.index_cast %get3A_1101 : i32 to index
      %get3A_1103 = arith.constant 16 : index
      %get3A_1104 = tpu.vector_load %arg7[%get3A_1102, %get3A_1103] {strides = array<i32>} : memref<8x128xi32, #tpu.memory_space<vmem>>, vector<16xi32>,
      %shift_right_arithmetic3A_1105 = arith.constant 7 : i32
      %shift_right_arithmetic3A_1106 = vector.broadcast %shift_right_arithmetic3A_1105 : i32 to vector<16xi32>
      %shift_right_arithmetic3A_1107 = arith.shrsi %get3A_1104, %shift_right_arithmetic3A_1106 : vector<16xi32>
      %and3A_1108 = arith.constant 127 : i32
      %and3A_1109 = vector.broadcast %and3A_1108 : i32 to vector<16xi32>
      %and3A_1110 = arith.andi %get3A_1104, %and3A_1109 : vector<16xi32>
      %gather3A_1111 = tpu.vector_load_idx %arg8[%shift_right_arithmetic3A_1107, %and3A_1110] : memref<80x128xf32, #tpu.memory_space<vmem>>[vector<16xi32>, vector<16xi32>], vector<16xf32>,
      %shift_right_arithmetic3A_1112 = arith.constant 7 : i32
      %shift_right_arithmetic3A_1113 = vector.broadcast %shift_right_arithmetic3A_1112 : i32 to vector<16xi32>
      %shift_right_arithmetic3A_1114 = arith.shrsi %get3A_1100, %shift_right_arithmetic3A_1113 : vector<16xi32>
      %and3A_1115 = arith.constant 127 : i32
      %and3A_1116 = vector.broadcast %and3A_1115 : i32 to vector<16xi32>
      %and3A_1117 = arith.andi %get3A_1100, %and3A_1116 : vector<16xi32>
      tpu.vector_store_idx %arg9[%shift_right_arithmetic3A_1114, %and3A_1117], %gather3A_1111 {add = true} : memref<80x128xf32, #tpu.memory_space<vmem>>[vector<16xi32>, vector<16xi32>], vector<16xf32>,
      %get3A_1118 = arith.constant 6 : i32
      %get3A_1119 = arith.index_cast %get3A_1118 : i32 to index
      %get3A_1120 = arith.constant 32 : index
      %get3A_1121 = tpu.vector_load %arg6[%get3A_1119, %get3A_1120] {strides = array<i32>} : memref<8x128xi32, #tpu.memory_space<vmem>>, vector<16xi32>,
      %get3A_1122 = arith.constant 6 : i32
      %get3A_1123 = arith.index_cast %get3A_1122 : i32 to index
      %get3A_1124 = arith.constant 32 : index
      %get3A_1125 = tpu.vector_load %arg7[%get3A_1123, %get3A_1124] {strides = array<i32>} : memref<8x128xi32, #tpu.memory_space<vmem>>, vector<16xi32>,
      %shift_right_arithmetic3A_1126 = arith.constant 7 : i32
      %shift_right_arithmetic3A_1127 = vector.broadcast %shift_right_arithmetic3A_1126 : i32 to vector<16xi32>
      %shift_right_arithmetic3A_1128 = arith.shrsi %get3A_1125, %shift_right_arithmetic3A_1127 : vector<16xi32>
      %and3A_1129 = arith.constant 127 : i32
      %and3A_1130 = vector.broadcast %and3A_1129 : i32 to vector<16xi32>
      %and3A_1131 = arith.andi %get3A_1125, %and3A_1130 : vector<16xi32>
      %gather3A_1132 = tpu.vector_load_idx %arg8[%shift_right_arithmetic3A_1128, %and3A_1131] : memref<80x128xf32, #tpu.memory_space<vmem>>[vector<16xi32>, vector<16xi32>], vector<16xf32>,
      %shift_right_arithmetic3A_1133 = arith.constant 7 : i32
      %shift_right_arithmetic3A_1134 = vector.broadcast %shift_right_arithmetic3A_1133 : i32 to vector<16xi32>
      %shift_right_arithmetic3A_1135 = arith.shrsi %get3A_1121, %shift_right_arithmetic3A_1134 : vector<16xi32>
      %and3A_1136 = arith.constant 127 : i32
      %and3A_1137 = vector.broadcast %and3A_1136 : i32 to vector<16xi32>
      %and3A_1138 = arith.andi %get3A_1121, %and3A_1137 : vector<16xi32>
      tpu.vector_store_idx %arg9[%shift_right_arithmetic3A_1135, %and3A_1138], %gather3A_1132 {add = true} : memref<80x128xf32, #tpu.memory_space<vmem>>[vector<16xi32>, vector<16xi32>], vector<16xf32>,
      %get3A_1139 = arith.constant 6 : i32
      %get3A_1140 = arith.index_cast %get3A_1139 : i32 to index
      %get3A_1141 = arith.constant 48 : index
      %get3A_1142 = tpu.vector_load %arg6[%get3A_1140, %get3A_1141] {strides = array<i32>} : memref<8x128xi32, #tpu.memory_space<vmem>>, vector<16xi32>,
      %get3A_1143 = arith.constant 6 : i32
      %get3A_1144 = arith.index_cast %get3A_1143 : i32 to index
      %get3A_1145 = arith.constant 48 : index
      %get3A_1146 = tpu.vector_load %arg7[%get3A_1144, %get3A_1145] {strides = array<i32>} : memref<8x128xi32, #tpu.memory_space<vmem>>, vector<16xi32>,
      %shift_right_arithmetic3A_1147 = arith.constant 7 : i32
      %shift_right_arithmetic3A_1148 = vector.broadcast %shift_right_arithmetic3A_1147 : i32 to vector<16xi32>
      %shift_right_arithmetic3A_1149 = arith.shrsi %get3A_1146, %shift_right_arithmetic3A_1148 : vector<16xi32>
      %and3A_1150 = arith.constant 127 : i32
      %and3A_1151 = vector.broadcast %and3A_1150 : i32 to vector<16xi32>
      %and3A_1152 = arith.andi %get3A_1146, %and3A_1151 : vector<16xi32>
      %gather3A_1153 = tpu.vector_load_idx %arg8[%shift_right_arithmetic3A_1149, %and3A_1152] : memref<80x128xf32, #tpu.memory_space<vmem>>[vector<16xi32>, vector<16xi32>], vector<16xf32>,
      %shift_right_arithmetic3A_1154 = arith.constant 7 : i32
      %shift_right_arithmetic3A_1155 = vector.broadcast %shift_right_arithmetic3A_1154 : i32 to vector<16xi32>
      %shift_right_arithmetic3A_1156 = arith.shrsi %get3A_1142, %shift_right_arithmetic3A_1155 : vector<16xi32>
      %and3A_1157 = arith.constant 127 : i32
      %and3A_1158 = vector.broadcast %and3A_1157 : i32 to vector<16xi32>
      %and3A_1159 = arith.andi %get3A_1142, %and3A_1158 : vector<16xi32>
      tpu.vector_store_idx %arg9[%shift_right_arithmetic3A_1156, %and3A_1159], %gather3A_1153 {add = true} : memref<80x128xf32, #tpu.memory_space<vmem>>[vector<16xi32>, vector<16xi32>], vector<16xf32>,
      %get3A_1160 = arith.constant 6 : i32
      %get3A_1161 = arith.index_cast %get3A_1160 : i32 to index
      %get3A_1162 = arith.constant 64 : index
      %get3A_1163 = tpu.vector_load %arg6[%get3A_1161, %get3A_1162] {strides = array<i32>} : memref<8x128xi32, #tpu.memory_space<vmem>>, vector<16xi32>,
      %get3A_1164 = arith.constant 6 : i32
      %get3A_1165 = arith.index_cast %get3A_1164 : i32 to index
      %get3A_1166 = arith.constant 64 : index
      %get3A_1167 = tpu.vector_load %arg7[%get3A_1165, %get3A_1166] {strides = array<i32>} : memref<8x128xi32, #tpu.memory_space<vmem>>, vector<16xi32>,
      %shift_right_arithmetic3A_1168 = arith.constant 7 : i32
      %shift_right_arithmetic3A_1169 = vector.broadcast %shift_right_arithmetic3A_1168 : i32 to vector<16xi32>
      %shift_right_arithmetic3A_1170 = arith.shrsi %get3A_1167, %shift_right_arithmetic3A_1169 : vector<16xi32>
      %and3A_1171 = arith.constant 127 : i32
      %and3A_1172 = vector.broadcast %and3A_1171 : i32 to vector<16xi32>
      %and3A_1173 = arith.andi %get3A_1167, %and3A_1172 : vector<16xi32>
      %gather3A_1174 = tpu.vector_load_idx %arg8[%shift_right_arithmetic3A_1170, %and3A_1173] : memref<80x128xf32, #tpu.memory_space<vmem>>[vector<16xi32>, vector<16xi32>], vector<16xf32>,
      %shift_right_arithmetic3A_1175 = arith.constant 7 : i32
      %shift_right_arithmetic3A_1176 = vector.broadcast %shift_right_arithmetic3A_1175 : i32 to vector<16xi32>
      %shift_right_arithmetic3A_1177 = arith.shrsi %get3A_1163, %shift_right_arithmetic3A_1176 : vector<16xi32>
      %and3A_1178 = arith.constant 127 : i32
      %and3A_1179 = vector.broadcast %and3A_1178 : i32 to vector<16xi32>
      %and3A_1180 = arith.andi %get3A_1163, %and3A_1179 : vector<16xi32>
      tpu.vector_store_idx %arg9[%shift_right_arithmetic3A_1177, %and3A_1180], %gather3A_1174 {add = true} : memref<80x128xf32, #tpu.memory_space<vmem>>[vector<16xi32>, vector<16xi32>], vector<16xf32>,
      %get3A_1181 = arith.constant 6 : i32
      %get3A_1182 = arith.index_cast %get3A_1181 : i32 to index
      %get3A_1183 = arith.constant 80 : index
      %get3A_1184 = tpu.vector_load %arg6[%get3A_1182, %get3A_1183] {strides = array<i32>} : memref<8x128xi32, #tpu.memory_space<vmem>>, vector<16xi32>,
      %get3A_1185 = arith.constant 6 : i32
      %get3A_1186 = arith.index_cast %get3A_1185 : i32 to index
      %get3A_1187 = arith.constant 80 : index
      %get3A_1188 = tpu.vector_load %arg7[%get3A_1186, %get3A_1187] {strides = array<i32>} : memref<8x128xi32, #tpu.memory_space<vmem>>, vector<16xi32>,
      %shift_right_arithmetic3A_1189 = arith.constant 7 : i32
      %shift_right_arithmetic3A_1190 = vector.broadcast %shift_right_arithmetic3A_1189 : i32 to vector<16xi32>
      %shift_right_arithmetic3A_1191 = arith.shrsi %get3A_1188, %shift_right_arithmetic3A_1190 : vector<16xi32>
      %and3A_1192 = arith.constant 127 : i32
      %and3A_1193 = vector.broadcast %and3A_1192 : i32 to vector<16xi32>
      %and3A_1194 = arith.andi %get3A_1188, %and3A_1193 : vector<16xi32>
      %gather3A_1195 = tpu.vector_load_idx %arg8[%shift_right_arithmetic3A_1191, %and3A_1194] : memref<80x128xf32, #tpu.memory_space<vmem>>[vector<16xi32>, vector<16xi32>], vector<16xf32>,
      %shift_right_arithmetic3A_1196 = arith.constant 7 : i32
      %shift_right_arithmetic3A_1197 = vector.broadcast %shift_right_arithmetic3A_1196 : i32 to vector<16xi32>
      %shift_right_arithmetic3A_1198 = arith.shrsi %get3A_1184, %shift_right_arithmetic3A_1197 : vector<16xi32>
      %and3A_1199 = arith.constant 127 : i32
      %and3A_1200 = vector.broadcast %and3A_1199 : i32 to vector<16xi32>
      %and3A_1201 = arith.andi %get3A_1184, %and3A_1200 : vector<16xi32>
      tpu.vector_store_idx %arg9[%shift_right_arithmetic3A_1198, %and3A_1201], %gather3A_1195 {add = true} : memref<80x128xf32, #tpu.memory_space<vmem>>[vector<16xi32>, vector<16xi32>], vector<16xf32>,
      %get3A_1202 = arith.constant 6 : i32
      %get3A_1203 = arith.index_cast %get3A_1202 : i32 to index
      %get3A_1204 = arith.constant 96 : index
      %get3A_1205 = tpu.vector_load %arg6[%get3A_1203, %get3A_1204] {strides = array<i32>} : memref<8x128xi32, #tpu.memory_space<vmem>>, vector<16xi32>,
      %get3A_1206 = arith.constant 6 : i32
      %get3A_1207 = arith.index_cast %get3A_1206 : i32 to index
      %get3A_1208 = arith.constant 96 : index
      %get3A_1209 = tpu.vector_load %arg7[%get3A_1207, %get3A_1208] {strides = array<i32>} : memref<8x128xi32, #tpu.memory_space<vmem>>, vector<16xi32>,
      %shift_right_arithmetic3A_1210 = arith.constant 7 : i32
      %shift_right_arithmetic3A_1211 = vector.broadcast %shift_right_arithmetic3A_1210 : i32 to vector<16xi32>
      %shift_right_arithmetic3A_1212 = arith.shrsi %get3A_1209, %shift_right_arithmetic3A_1211 : vector<16xi32>
      %and3A_1213 = arith.constant 127 : i32
      %and3A_1214 = vector.broadcast %and3A_1213 : i32 to vector<16xi32>
      %and3A_1215 = arith.andi %get3A_1209, %and3A_1214 : vector<16xi32>
      %gather3A_1216 = tpu.vector_load_idx %arg8[%shift_right_arithmetic3A_1212, %and3A_1215] : memref<80x128xf32, #tpu.memory_space<vmem>>[vector<16xi32>, vector<16xi32>], vector<16xf32>,
      %shift_right_arithmetic3A_1217 = arith.constant 7 : i32
      %shift_right_arithmetic3A_1218 = vector.broadcast %shift_right_arithmetic3A_1217 : i32 to vector<16xi32>
      %shift_right_arithmetic3A_1219 = arith.shrsi %get3A_1205, %shift_right_arithmetic3A_1218 : vector<16xi32>
      %and3A_1220 = arith.constant 127 : i32
      %and3A_1221 = vector.broadcast %and3A_1220 : i32 to vector<16xi32>
      %and3A_1222 = arith.andi %get3A_1205, %and3A_1221 : vector<16xi32>
      tpu.vector_store_idx %arg9[%shift_right_arithmetic3A_1219, %and3A_1222], %gather3A_1216 {add = true} : memref<80x128xf32, #tpu.memory_space<vmem>>[vector<16xi32>, vector<16xi32>], vector<16xf32>,
      %get3A_1223 = arith.constant 6 : i32
      %get3A_1224 = arith.index_cast %get3A_1223 : i32 to index
      %get3A_1225 = arith.constant 112 : index
      %get3A_1226 = tpu.vector_load %arg6[%get3A_1224, %get3A_1225] {strides = array<i32>} : memref<8x128xi32, #tpu.memory_space<vmem>>, vector<16xi32>,
      %get3A_1227 = arith.constant 6 : i32
      %get3A_1228 = arith.index_cast %get3A_1227 : i32 to index
      %get3A_1229 = arith.constant 112 : index
      %get3A_1230 = tpu.vector_load %arg7[%get3A_1228, %get3A_1229] {strides = array<i32>} : memref<8x128xi32, #tpu.memory_space<vmem>>, vector<16xi32>,
      %shift_right_arithmetic3A_1231 = arith.constant 7 : i32
      %shift_right_arithmetic3A_1232 = vector.broadcast %shift_right_arithmetic3A_1231 : i32 to vector<16xi32>
      %shift_right_arithmetic3A_1233 = arith.shrsi %get3A_1230, %shift_right_arithmetic3A_1232 : vector<16xi32>
      %and3A_1234 = arith.constant 127 : i32
      %and3A_1235 = vector.broadcast %and3A_1234 : i32 to vector<16xi32>
      %and3A_1236 = arith.andi %get3A_1230, %and3A_1235 : vector<16xi32>
      %gather3A_1237 = tpu.vector_load_idx %arg8[%shift_right_arithmetic3A_1233, %and3A_1236] : memref<80x128xf32, #tpu.memory_space<vmem>>[vector<16xi32>, vector<16xi32>], vector<16xf32>,
      %shift_right_arithmetic3A_1238 = arith.constant 7 : i32
      %shift_right_arithmetic3A_1239 = vector.broadcast %shift_right_arithmetic3A_1238 : i32 to vector<16xi32>
      %shift_right_arithmetic3A_1240 = arith.shrsi %get3A_1226, %shift_right_arithmetic3A_1239 : vector<16xi32>
      %and3A_1241 = arith.constant 127 : i32
      %and3A_1242 = vector.broadcast %and3A_1241 : i32 to vector<16xi32>
      %and3A_1243 = arith.andi %get3A_1226, %and3A_1242 : vector<16xi32>
      tpu.vector_store_idx %arg9[%shift_right_arithmetic3A_1240, %and3A_1243], %gather3A_1237 {add = true} : memref<80x128xf32, #tpu.memory_space<vmem>>[vector<16xi32>, vector<16xi32>], vector<16xf32>,
      %get3A_1244 = arith.constant 7 : i32
      %get3A_1245 = arith.index_cast %get3A_1244 : i32 to index
      %get3A_1246 = arith.constant 0 : index
      %get3A_1247 = tpu.vector_load %arg6[%get3A_1245, %get3A_1246] {strides = array<i32>} : memref<8x128xi32, #tpu.memory_space<vmem>>, vector<16xi32>,
      %get3A_1248 = arith.constant 7 : i32
      %get3A_1249 = arith.index_cast %get3A_1248 : i32 to index
      %get3A_1250 = arith.constant 0 : index
      %get3A_1251 = tpu.vector_load %arg7[%get3A_1249, %get3A_1250] {strides = array<i32>} : memref<8x128xi32, #tpu.memory_space<vmem>>, vector<16xi32>,
      %shift_right_arithmetic3A_1252 = arith.constant 7 : i32
      %shift_right_arithmetic3A_1253 = vector.broadcast %shift_right_arithmetic3A_1252 : i32 to vector<16xi32>
      %shift_right_arithmetic3A_1254 = arith.shrsi %get3A_1251, %shift_right_arithmetic3A_1253 : vector<16xi32>
      %and3A_1255 = arith.constant 127 : i32
      %and3A_1256 = vector.broadcast %and3A_1255 : i32 to vector<16xi32>
      %and3A_1257 = arith.andi %get3A_1251, %and3A_1256 : vector<16xi32>
      %gather3A_1258 = tpu.vector_load_idx %arg8[%shift_right_arithmetic3A_1254, %and3A_1257] : memref<80x128xf32, #tpu.memory_space<vmem>>[vector<16xi32>, vector<16xi32>], vector<16xf32>,
      %shift_right_arithmetic3A_1259 = arith.constant 7 : i32
      %shift_right_arithmetic3A_1260 = vector.broadcast %shift_right_arithmetic3A_1259 : i32 to vector<16xi32>
      %shift_right_arithmetic3A_1261 = arith.shrsi %get3A_1247, %shift_right_arithmetic3A_1260 : vector<16xi32>
      %and3A_1262 = arith.constant 127 : i32
      %and3A_1263 = vector.broadcast %and3A_1262 : i32 to vector<16xi32>
      %and3A_1264 = arith.andi %get3A_1247, %and3A_1263 : vector<16xi32>
      tpu.vector_store_idx %arg9[%shift_right_arithmetic3A_1261, %and3A_1264], %gather3A_1258 {add = true} : memref<80x128xf32, #tpu.memory_space<vmem>>[vector<16xi32>, vector<16xi32>], vector<16xf32>,
      %get3A_1265 = arith.constant 7 : i32
      %get3A_1266 = arith.index_cast %get3A_1265 : i32 to index
      %get3A_1267 = arith.constant 16 : index
      %get3A_1268 = tpu.vector_load %arg6[%get3A_1266, %get3A_1267] {strides = array<i32>} : memref<8x128xi32, #tpu.memory_space<vmem>>, vector<16xi32>,
      %get3A_1269 = arith.constant 7 : i32
      %get3A_1270 = arith.index_cast %get3A_1269 : i32 to index
      %get3A_1271 = arith.constant 16 : index
      %get3A_1272 = tpu.vector_load %arg7[%get3A_1270, %get3A_1271] {strides = array<i32>} : memref<8x128xi32, #tpu.memory_space<vmem>>, vector<16xi32>,
      %shift_right_arithmetic3A_1273 = arith.constant 7 : i32
      %shift_right_arithmetic3A_1274 = vector.broadcast %shift_right_arithmetic3A_1273 : i32 to vector<16xi32>
      %shift_right_arithmetic3A_1275 = arith.shrsi %get3A_1272, %shift_right_arithmetic3A_1274 : vector<16xi32>
      %and3A_1276 = arith.constant 127 : i32
      %and3A_1277 = vector.broadcast %and3A_1276 : i32 to vector<16xi32>
      %and3A_1278 = arith.andi %get3A_1272, %and3A_1277 : vector<16xi32>
      %gather3A_1279 = tpu.vector_load_idx %arg8[%shift_right_arithmetic3A_1275, %and3A_1278] : memref<80x128xf32, #tpu.memory_space<vmem>>[vector<16xi32>, vector<16xi32>], vector<16xf32>,
      %shift_right_arithmetic3A_1280 = arith.constant 7 : i32
      %shift_right_arithmetic3A_1281 = vector.broadcast %shift_right_arithmetic3A_1280 : i32 to vector<16xi32>
      %shift_right_arithmetic3A_1282 = arith.shrsi %get3A_1268, %shift_right_arithmetic3A_1281 : vector<16xi32>
      %and3A_1283 = arith.constant 127 : i32
      %and3A_1284 = vector.broadcast %and3A_1283 : i32 to vector<16xi32>
      %and3A_1285 = arith.andi %get3A_1268, %and3A_1284 : vector<16xi32>
      tpu.vector_store_idx %arg9[%shift_right_arithmetic3A_1282, %and3A_1285], %gather3A_1279 {add = true} : memref<80x128xf32, #tpu.memory_space<vmem>>[vector<16xi32>, vector<16xi32>], vector<16xf32>,
      %get3A_1286 = arith.constant 7 : i32
      %get3A_1287 = arith.index_cast %get3A_1286 : i32 to index
      %get3A_1288 = arith.constant 32 : index
      %get3A_1289 = tpu.vector_load %arg6[%get3A_1287, %get3A_1288] {strides = array<i32>} : memref<8x128xi32, #tpu.memory_space<vmem>>, vector<16xi32>,
      %get3A_1290 = arith.constant 7 : i32
      %get3A_1291 = arith.index_cast %get3A_1290 : i32 to index
      %get3A_1292 = arith.constant 32 : index
      %get3A_1293 = tpu.vector_load %arg7[%get3A_1291, %get3A_1292] {strides = array<i32>} : memref<8x128xi32, #tpu.memory_space<vmem>>, vector<16xi32>,
      %shift_right_arithmetic3A_1294 = arith.constant 7 : i32
      %shift_right_arithmetic3A_1295 = vector.broadcast %shift_right_arithmetic3A_1294 : i32 to vector<16xi32>
      %shift_right_arithmetic3A_1296 = arith.shrsi %get3A_1293, %shift_right_arithmetic3A_1295 : vector<16xi32>
      %and3A_1297 = arith.constant 127 : i32
      %and3A_1298 = vector.broadcast %and3A_1297 : i32 to vector<16xi32>
      %and3A_1299 = arith.andi %get3A_1293, %and3A_1298 : vector<16xi32>
      %gather3A_1300 = tpu.vector_load_idx %arg8[%shift_right_arithmetic3A_1296, %and3A_1299] : memref<80x128xf32, #tpu.memory_space<vmem>>[vector<16xi32>, vector<16xi32>], vector<16xf32>,
      %shift_right_arithmetic3A_1301 = arith.constant 7 : i32
      %shift_right_arithmetic3A_1302 = vector.broadcast %shift_right_arithmetic3A_1301 : i32 to vector<16xi32>
      %shift_right_arithmetic3A_1303 = arith.shrsi %get3A_1289, %shift_right_arithmetic3A_1302 : vector<16xi32>
      %and3A_1304 = arith.constant 127 : i32
      %and3A_1305 = vector.broadcast %and3A_1304 : i32 to vector<16xi32>
      %and3A_1306 = arith.andi %get3A_1289, %and3A_1305 : vector<16xi32>
      tpu.vector_store_idx %arg9[%shift_right_arithmetic3A_1303, %and3A_1306], %gather3A_1300 {add = true} : memref<80x128xf32, #tpu.memory_space<vmem>>[vector<16xi32>, vector<16xi32>], vector<16xf32>,
      %get3A_1307 = arith.constant 7 : i32
      %get3A_1308 = arith.index_cast %get3A_1307 : i32 to index
      %get3A_1309 = arith.constant 48 : index
      %get3A_1310 = tpu.vector_load %arg6[%get3A_1308, %get3A_1309] {strides = array<i32>} : memref<8x128xi32, #tpu.memory_space<vmem>>, vector<16xi32>,
      %get3A_1311 = arith.constant 7 : i32
      %get3A_1312 = arith.index_cast %get3A_1311 : i32 to index
      %get3A_1313 = arith.constant 48 : index
      %get3A_1314 = tpu.vector_load %arg7[%get3A_1312, %get3A_1313] {strides = array<i32>} : memref<8x128xi32, #tpu.memory_space<vmem>>, vector<16xi32>,
      %shift_right_arithmetic3A_1315 = arith.constant 7 : i32
      %shift_right_arithmetic3A_1316 = vector.broadcast %shift_right_arithmetic3A_1315 : i32 to vector<16xi32>
      %shift_right_arithmetic3A_1317 = arith.shrsi %get3A_1314, %shift_right_arithmetic3A_1316 : vector<16xi32>
      %and3A_1318 = arith.constant 127 : i32
      %and3A_1319 = vector.broadcast %and3A_1318 : i32 to vector<16xi32>
      %and3A_1320 = arith.andi %get3A_1314, %and3A_1319 : vector<16xi32>
      %gather3A_1321 = tpu.vector_load_idx %arg8[%shift_right_arithmetic3A_1317, %and3A_1320] : memref<80x128xf32, #tpu.memory_space<vmem>>[vector<16xi32>, vector<16xi32>], vector<16xf32>,
      %shift_right_arithmetic3A_1322 = arith.constant 7 : i32
      %shift_right_arithmetic3A_1323 = vector.broadcast %shift_right_arithmetic3A_1322 : i32 to vector<16xi32>
      %shift_right_arithmetic3A_1324 = arith.shrsi %get3A_1310, %shift_right_arithmetic3A_1323 : vector<16xi32>
      %and3A_1325 = arith.constant 127 : i32
      %and3A_1326 = vector.broadcast %and3A_1325 : i32 to vector<16xi32>
      %and3A_1327 = arith.andi %get3A_1310, %and3A_1326 : vector<16xi32>
      tpu.vector_store_idx %arg9[%shift_right_arithmetic3A_1324, %and3A_1327], %gather3A_1321 {add = true} : memref<80x128xf32, #tpu.memory_space<vmem>>[vector<16xi32>, vector<16xi32>], vector<16xf32>,
      %get3A_1328 = arith.constant 7 : i32
      %get3A_1329 = arith.index_cast %get3A_1328 : i32 to index
      %get3A_1330 = arith.constant 64 : index
      %get3A_1331 = tpu.vector_load %arg6[%get3A_1329, %get3A_1330] {strides = array<i32>} : memref<8x128xi32, #tpu.memory_space<vmem>>, vector<16xi32>,
      %get3A_1332 = arith.constant 7 : i32
      %get3A_1333 = arith.index_cast %get3A_1332 : i32 to index
      %get3A_1334 = arith.constant 64 : index
      %get3A_1335 = tpu.vector_load %arg7[%get3A_1333, %get3A_1334] {strides = array<i32>} : memref<8x128xi32, #tpu.memory_space<vmem>>, vector<16xi32>,
      %shift_right_arithmetic3A_1336 = arith.constant 7 : i32
      %shift_right_arithmetic3A_1337 = vector.broadcast %shift_right_arithmetic3A_1336 : i32 to vector<16xi32>
      %shift_right_arithmetic3A_1338 = arith.shrsi %get3A_1335, %shift_right_arithmetic3A_1337 : vector<16xi32>
      %and3A_1339 = arith.constant 127 : i32
      %and3A_1340 = vector.broadcast %and3A_1339 : i32 to vector<16xi32>
      %and3A_1341 = arith.andi %get3A_1335, %and3A_1340 : vector<16xi32>
      %gather3A_1342 = tpu.vector_load_idx %arg8[%shift_right_arithmetic3A_1338, %and3A_1341] : memref<80x128xf32, #tpu.memory_space<vmem>>[vector<16xi32>, vector<16xi32>], vector<16xf32>,
      %shift_right_arithmetic3A_1343 = arith.constant 7 : i32
      %shift_right_arithmetic3A_1344 = vector.broadcast %shift_right_arithmetic3A_1343 : i32 to vector<16xi32>
      %shift_right_arithmetic3A_1345 = arith.shrsi %get3A_1331, %shift_right_arithmetic3A_1344 : vector<16xi32>
      %and3A_1346 = arith.constant 127 : i32
      %and3A_1347 = vector.broadcast %and3A_1346 : i32 to vector<16xi32>
      %and3A_1348 = arith.andi %get3A_1331, %and3A_1347 : vector<16xi32>
      tpu.vector_store_idx %arg9[%shift_right_arithmetic3A_1345, %and3A_1348], %gather3A_1342 {add = true} : memref<80x128xf32, #tpu.memory_space<vmem>>[vector<16xi32>, vector<16xi32>], vector<16xf32>,
      %get3A_1349 = arith.constant 7 : i32
      %get3A_1350 = arith.index_cast %get3A_1349 : i32 to index
      %get3A_1351 = arith.constant 80 : index
      %get3A_1352 = tpu.vector_load %arg6[%get3A_1350, %get3A_1351] {strides = array<i32>} : memref<8x128xi32, #tpu.memory_space<vmem>>, vector<16xi32>,
      %get3A_1353 = arith.constant 7 : i32
      %get3A_1354 = arith.index_cast %get3A_1353 : i32 to index
      %get3A_1355 = arith.constant 80 : index
      %get3A_1356 = tpu.vector_load %arg7[%get3A_1354, %get3A_1355] {strides = array<i32>} : memref<8x128xi32, #tpu.memory_space<vmem>>, vector<16xi32>,
      %shift_right_arithmetic3A_1357 = arith.constant 7 : i32
      %shift_right_arithmetic3A_1358 = vector.broadcast %shift_right_arithmetic3A_1357 : i32 to vector<16xi32>
      %shift_right_arithmetic3A_1359 = arith.shrsi %get3A_1356, %shift_right_arithmetic3A_1358 : vector<16xi32>
      %and3A_1360 = arith.constant 127 : i32
      %and3A_1361 = vector.broadcast %and3A_1360 : i32 to vector<16xi32>
      %and3A_1362 = arith.andi %get3A_1356, %and3A_1361 : vector<16xi32>
      %gather3A_1363 = tpu.vector_load_idx %arg8[%shift_right_arithmetic3A_1359, %and3A_1362] : memref<80x128xf32, #tpu.memory_space<vmem>>[vector<16xi32>, vector<16xi32>], vector<16xf32>,
      %shift_right_arithmetic3A_1364 = arith.constant 7 : i32
      %shift_right_arithmetic3A_1365 = vector.broadcast %shift_right_arithmetic3A_1364 : i32 to vector<16xi32>
      %shift_right_arithmetic3A_1366 = arith.shrsi %get3A_1352, %shift_right_arithmetic3A_1365 : vector<16xi32>
      %and3A_1367 = arith.constant 127 : i32
      %and3A_1368 = vector.broadcast %and3A_1367 : i32 to vector<16xi32>
      %and3A_1369 = arith.andi %get3A_1352, %and3A_1368 : vector<16xi32>
      tpu.vector_store_idx %arg9[%shift_right_arithmetic3A_1366, %and3A_1369], %gather3A_1363 {add = true} : memref<80x128xf32, #tpu.memory_space<vmem>>[vector<16xi32>, vector<16xi32>], vector<16xf32>,
      %get3A_1370 = arith.constant 7 : i32
      %get3A_1371 = arith.index_cast %get3A_1370 : i32 to index
      %get3A_1372 = arith.constant 96 : index
      %get3A_1373 = tpu.vector_load %arg6[%get3A_1371, %get3A_1372] {strides = array<i32>} : memref<8x128xi32, #tpu.memory_space<vmem>>, vector<16xi32>,
      %get3A_1374 = arith.constant 7 : i32
      %get3A_1375 = arith.index_cast %get3A_1374 : i32 to index
      %get3A_1376 = arith.constant 96 : index
      %get3A_1377 = tpu.vector_load %arg7[%get3A_1375, %get3A_1376] {strides = array<i32>} : memref<8x128xi32, #tpu.memory_space<vmem>>, vector<16xi32>,
      %shift_right_arithmetic3A_1378 = arith.constant 7 : i32
      %shift_right_arithmetic3A_1379 = vector.broadcast %shift_right_arithmetic3A_1378 : i32 to vector<16xi32>
      %shift_right_arithmetic3A_1380 = arith.shrsi %get3A_1377, %shift_right_arithmetic3A_1379 : vector<16xi32>
      %and3A_1381 = arith.constant 127 : i32
      %and3A_1382 = vector.broadcast %and3A_1381 : i32 to vector<16xi32>
      %and3A_1383 = arith.andi %get3A_1377, %and3A_1382 : vector<16xi32>
      %gather3A_1384 = tpu.vector_load_idx %arg8[%shift_right_arithmetic3A_1380, %and3A_1383] : memref<80x128xf32, #tpu.memory_space<vmem>>[vector<16xi32>, vector<16xi32>], vector<16xf32>,
      %shift_right_arithmetic3A_1385 = arith.constant 7 : i32
      %shift_right_arithmetic3A_1386 = vector.broadcast %shift_right_arithmetic3A_1385 : i32 to vector<16xi32>
      %shift_right_arithmetic3A_1387 = arith.shrsi %get3A_1373, %shift_right_arithmetic3A_1386 : vector<16xi32>
      %and3A_1388 = arith.constant 127 : i32
      %and3A_1389 = vector.broadcast %and3A_1388 : i32 to vector<16xi32>
      %and3A_1390 = arith.andi %get3A_1373, %and3A_1389 : vector<16xi32>
      tpu.vector_store_idx %arg9[%shift_right_arithmetic3A_1387, %and3A_1390], %gather3A_1384 {add = true} : memref<80x128xf32, #tpu.memory_space<vmem>>[vector<16xi32>, vector<16xi32>], vector<16xf32>,
      %get3A_1391 = arith.constant 7 : i32
      %get3A_1392 = arith.index_cast %get3A_1391 : i32 to index
      %get3A_1393 = arith.constant 112 : index
      %get3A_1394 = tpu.vector_load %arg6[%get3A_1392, %get3A_1393] {strides = array<i32>} : memref<8x128xi32, #tpu.memory_space<vmem>>, vector<16xi32>,
      %get3A_1395 = arith.constant 7 : i32
      %get3A_1396 = arith.index_cast %get3A_1395 : i32 to index
      %get3A_1397 = arith.constant 112 : index
      %get3A_1398 = tpu.vector_load %arg7[%get3A_1396, %get3A_1397] {strides = array<i32>} : memref<8x128xi32, #tpu.memory_space<vmem>>, vector<16xi32>,
      %shift_right_arithmetic3A_1399 = arith.constant 7 : i32
      %shift_right_arithmetic3A_1400 = vector.broadcast %shift_right_arithmetic3A_1399 : i32 to vector<16xi32>
      %shift_right_arithmetic3A_1401 = arith.shrsi %get3A_1398, %shift_right_arithmetic3A_1400 : vector<16xi32>
      %and3A_1402 = arith.constant 127 : i32
      %and3A_1403 = vector.broadcast %and3A_1402 : i32 to vector<16xi32>
      %and3A_1404 = arith.andi %get3A_1398, %and3A_1403 : vector<16xi32>
      %gather3A_1405 = tpu.vector_load_idx %arg8[%shift_right_arithmetic3A_1401, %and3A_1404] : memref<80x128xf32, #tpu.memory_space<vmem>>[vector<16xi32>, vector<16xi32>], vector<16xf32>,
      %shift_right_arithmetic3A_1406 = arith.constant 7 : i32
      %shift_right_arithmetic3A_1407 = vector.broadcast %shift_right_arithmetic3A_1406 : i32 to vector<16xi32>
      %shift_right_arithmetic3A_1408 = arith.shrsi %get3A_1394, %shift_right_arithmetic3A_1407 : vector<16xi32>
      %and3A_1409 = arith.constant 127 : i32
      %and3A_1410 = vector.broadcast %and3A_1409 : i32 to vector<16xi32>
      %and3A_1411 = arith.andi %get3A_1394, %and3A_1410 : vector<16xi32>
      tpu.vector_store_idx %arg9[%shift_right_arithmetic3A_1408, %and3A_1411], %gather3A_1405 {add = true} : memref<80x128xf32, #tpu.memory_space<vmem>>[vector<16xi32>, vector<16xi32>], vector<16xf32>,
    }
    %scan3A_64 = arith.constant 10 : i32
    "tpu.region"() ({
      %run_scoped3A = tpu.sem_alloc : memref<!tpu.dma_semaphore, #tpu.memory_space<semaphore_mem>>
      %dma_start3A = arith.constant 0 : i32
      %dma_start3A_65 = arith.constant 0 : i32
      %dma_start3A_66 = tpu.memref_slice %arg5[%add3A, %dma_start3A, %dma_start3A_65] : memref<32x80x128xf32, #tpu.memory_space<hbm>> -> memref<1x80x128xf32, #tpu.memory_space<hbm>>
      %dma_start3A_67 = tpu.memref_squeeze %dma_start3A_66 : memref<1x80x128xf32, #tpu.memory_space<hbm>> -> memref<80x128xf32, #tpu.memory_space<hbm>>
      %dma_start3A_68 = arith.constant 0 : i32
      %dma_start3A_69 = arith.constant 0 : i32
      %dma_start3A_70 = tpu.memref_slice %arg5[%add3A, %dma_start3A_68, %dma_start3A_69] : memref<32x80x128xf32, #tpu.memory_space<hbm>> -> memref<1x80x128xf32, #tpu.memory_space<hbm>>
      %dma_start3A_71 = tpu.memref_squeeze %dma_start3A_70 : memref<1x80x128xf32, #tpu.memory_space<hbm>> -> memref<80x128xf32, #tpu.memory_space<hbm>>
      tpu.enqueue_dma source(%arg9 : memref<80x128xf32, #tpu.memory_space<vmem>>) target(%dma_start3A_71 : memref<80x128xf32, #tpu.memory_space<hbm>>) target_semaphore(%run_scoped3A : memref<!tpu.dma_semaphore, #tpu.memory_space<semaphore_mem>>)
      %dma_wait3A = arith.constant 0 : i32
      %dma_wait3A_72 = arith.constant 0 : i32
      %dma_wait3A_73 = tpu.memref_slice %arg5[%add3A, %dma_wait3A, %dma_wait3A_72] : memref<32x80x128xf32, #tpu.memory_space<hbm>> -> memref<1x80x128xf32, #tpu.memory_space<hbm>>
      %dma_wait3A_74 = tpu.memref_squeeze %dma_wait3A_73 : memref<1x80x128xf32, #tpu.memory_space<hbm>> -> memref<80x128xf32, #tpu.memory_space<hbm>>
      %dma_wait3A_75 = arith.constant 0 : i32
      %dma_wait3A_76 = arith.constant 0 : i32
      %dma_wait3A_77 = tpu.memref_slice %arg5[%add3A, %dma_wait3A_75, %dma_wait3A_76] : memref<32x80x128xf32, #tpu.memory_space<hbm>> -> memref<1x80x128xf32, #tpu.memory_space<hbm>>
      %dma_wait3A_78 = tpu.memref_squeeze %dma_wait3A_77 : memref<1x80x128xf32, #tpu.memory_space<hbm>> -> memref<80x128xf32, #tpu.memory_space<hbm>>
      tpu.wait_dma2 semaphore(%run_scoped3A : memref<!tpu.dma_semaphore, #tpu.memory_space<semaphore_mem>>) src(%arg9 : memref<80x128xf32, #tpu.memory_space<vmem>>) dst(%dma_wait3A_78 : memref<80x128xf32, #tpu.memory_space<hbm>>)
      tpu.yield
    }) : () -> ()
    return
  }
}

module attributes {stable_mosaic.version = 14 : i64} {
  func.func @_tc_dense_body(%arg0: memref<2x10240x128xf32, #tpu.memory_space<vmem>>, %arg1: memref<10240x128xf32, #tpu.memory_space<vmem>>, %arg2: memref<80x128xf32, #tpu.memory_space<vmem>>, %arg3: memref<32x80x128xf32, #tpu.memory_space<vmem>>, %arg4: memref<128x128xf32, #tpu.memory_space<vmem>>, %arg5: memref<1x128xf32, #tpu.memory_space<vmem>>, %arg6: memref<128x128xf32, #tpu.memory_space<vmem>>, %arg7: memref<1x128xf32, #tpu.memory_space<vmem>>, %arg8: memref<1x128xf32, #tpu.memory_space<vmem>>) attributes {dimension_semantics = [], scalar_prefetch = 0 : i64, scratch_operands = 0 : i64, tpu.core_type = #tpu.core_type<tc>} {
    %get3A = arith.constant 0 : index
    %get3A_0 = arith.constant 0 : index
    %get3A_1 = arith.constant 0 : index
    %get3A_2 = vector.load %arg0[%get3A, %get3A_0, %get3A_1] : memref<2x10240x128xf32, #tpu.memory_space<vmem>>, vector<1x10240x128xf32>
    %get3A_3 = vector.shape_cast %get3A_2 : vector<1x10240x128xf32> to vector<10240x128xf32>
    %get3A_4 = arith.constant 1 : index
    %get3A_5 = arith.constant 0 : index
    %get3A_6 = arith.constant 0 : index
    %get3A_7 = vector.load %arg0[%get3A_4, %get3A_5, %get3A_6] : memref<2x10240x128xf32, #tpu.memory_space<vmem>>, vector<1x10240x128xf32>
    %get3A_8 = vector.shape_cast %get3A_7 : vector<1x10240x128xf32> to vector<10240x128xf32>
    %add3A = arith.addf %get3A_3, %get3A_8 : vector<10240x128xf32>
    %get3A_9 = arith.constant 0 : index
    %get3A_10 = arith.constant 0 : index
    %get3A_11 = vector.load %arg1[%get3A_9, %get3A_10] : memref<10240x128xf32, #tpu.memory_space<vmem>>, vector<10240x128xf32>
    %add3A_12 = arith.addf %add3A, %get3A_11 : vector<10240x128xf32>
    %get3A_13 = arith.constant 0 : index
    %get3A_14 = arith.constant 0 : index
    %get3A_15 = vector.load %arg2[%get3A_13, %get3A_14] : memref<80x128xf32, #tpu.memory_space<vmem>>, vector<80x128xf32>
    %broadcast_in_dim3A = vector.shape_cast %get3A_15 : vector<80x128xf32> to vector<80x128x1xf32>
    %reshape3A = vector.shape_cast %add3A_12 : vector<10240x128xf32> to vector<80x128x128xf32>
    %mul3A = vector.broadcast %broadcast_in_dim3A : vector<80x128x1xf32> to vector<80x128x128xf32>
    %mul3A_16 = arith.mulf %reshape3A, %mul3A : vector<80x128x128xf32>
    %reshape3A_17 = vector.shape_cast %mul3A_16 : vector<80x128x128xf32> to vector<10240x128xf32>
    %get3A_18 = arith.constant 0 : index
    %get3A_19 = arith.constant 0 : index
    %get3A_20 = vector.load %arg4[%get3A_18, %get3A_19] : memref<128x128xf32, #tpu.memory_space<vmem>>, vector<128x128xf32>
    %dot_general3A = arith.constant dense<0.000000e+00> : vector<10240x128xf32>
    %dot_general3A_21 = tpu.matmul %reshape3A_17, %get3A_20, %dot_general3A {dimension_numbers = #tpu.dot_dimension_numbers<[1], [0], [0], [1], [0, 0, 1, 1], [], []>, transpose_lhs_hint = false} : vector<10240x128xf32>, vector<128x128xf32>, vector<10240x128xf32> -> vector<10240x128xf32>
    %get3A_22 = arith.constant 0 : index
    %get3A_23 = arith.constant 0 : index
    %get3A_24 = vector.load %arg5[%get3A_22, %get3A_23] : memref<1x128xf32, #tpu.memory_space<vmem>>, vector<1x128xf32>
    %add3A_25 = vector.broadcast %get3A_24 : vector<1x128xf32> to vector<10240x128xf32>
    %add3A_26 = arith.addf %dot_general3A_21, %add3A_25 : vector<10240x128xf32>
    %max3A = arith.constant 0.000000e+00 : f32
    %max3A_27 = vector.broadcast %max3A : f32 to vector<10240x128xf32>
    %max3A_28 = arith.maximumf %add3A_26, %max3A_27 : vector<10240x128xf32>
    %mul3A_29 = arith.mulf %max3A_28, %max3A_28 : vector<10240x128xf32>
    %reduce_sum3A = arith.constant dense<0.000000e+00> : vector<10240xf32>
    %reduce_sum3A_30 = vector.multi_reduction <add>, %mul3A_29, %reduce_sum3A [1] : vector<10240x128xf32> to vector<10240xf32>
    %broadcast_in_dim3A_31 = vector.shape_cast %reduce_sum3A_30 : vector<10240xf32> to vector<10240x1xf32>
    %sqrt3A = math.sqrt %broadcast_in_dim3A_31 : vector<10240x1xf32>
    %max3A_32 = arith.constant 9.99999996E-13 : f32
    %max3A_33 = vector.broadcast %max3A_32 : f32 to vector<10240x1xf32>
    %max3A_34 = arith.maximumf %sqrt3A, %max3A_33 : vector<10240x1xf32>
    %div3A = vector.broadcast %max3A_34 : vector<10240x1xf32> to vector<10240x128xf32>
    %div3A_35 = arith.divf %max3A_28, %div3A : vector<10240x128xf32>
    %get3A_36 = arith.constant 0 : index
    %get3A_37 = arith.constant 0 : index
    %get3A_38 = arith.constant 0 : index
    %get3A_39 = vector.load %arg3[%get3A_36, %get3A_37, %get3A_38] : memref<32x80x128xf32, #tpu.memory_space<vmem>>, vector<32x80x128xf32>
    %reduce_sum3A_40 = arith.constant dense<0.000000e+00> : vector<80x128xf32>
    %reduce_sum3A_41 = vector.multi_reduction <add>, %get3A_39, %reduce_sum3A_40 [0] : vector<32x80x128xf32> to vector<80x128xf32>
    %add3A_42 = arith.addf %reduce_sum3A_41, %get3A_15 : vector<80x128xf32>
    %reshape3A_43 = vector.shape_cast %div3A_35 : vector<10240x128xf32> to vector<80x128x128xf32>
    %gt3A = arith.constant 0.000000e+00 : f32
    %gt3A_44 = vector.broadcast %gt3A : f32 to vector<80x128xf32>
    %gt3A_45 = arith.cmpf ogt, %get3A_15, %gt3A_44 : vector<80x128xf32>
    %jit3A = arith.constant 1.000000e+00 : f32
    %jit3A_46 = arith.constant 0.000000e+00 : f32
    %broadcast_in_dim3A_47 = vector.broadcast %jit3A : f32 to vector<80x128xf32>
    %broadcast_in_dim3A_48 = vector.broadcast %jit3A_46 : f32 to vector<80x128xf32>
    %select_n3A = arith.select %gt3A_45, %broadcast_in_dim3A_47, %broadcast_in_dim3A_48 : vector<80x128xi1>, vector<80x128xf32>
    %mul3A_49 = arith.mulf %add3A_42, %select_n3A : vector<80x128xf32>
    %broadcast_in_dim3A_50 = vector.shape_cast %mul3A_49 : vector<80x128xf32> to vector<80x128x1xf32>
    %mul3A_51 = vector.broadcast %broadcast_in_dim3A_50 : vector<80x128x1xf32> to vector<80x128x128xf32>
    %mul3A_52 = arith.mulf %reshape3A_43, %mul3A_51 : vector<80x128x128xf32>
    %reduce_sum3A_53 = arith.constant dense<0.000000e+00> : vector<128x128xf32>
    %reduce_sum3A_54 = vector.multi_reduction <add>, %mul3A_52, %reduce_sum3A_53 [0] : vector<80x128x128xf32> to vector<128x128xf32>
    %reduce_sum3A_55 = arith.constant dense<0.000000e+00> : vector<128xf32>
    %reduce_sum3A_56 = vector.multi_reduction <add>, %reduce_sum3A_54, %reduce_sum3A_55 [0] : vector<128x128xf32> to vector<128xf32>
    %broadcast_in_dim3A_57 = vector.shape_cast %reduce_sum3A_56 : vector<128xf32> to vector<1x128xf32>
    %mul3A_58 = arith.constant 9.99999974E-5 : f32
    %mul3A_59 = vector.broadcast %mul3A_58 : f32 to vector<1x128xf32>
    %mul3A_60 = arith.mulf %broadcast_in_dim3A_57, %mul3A_59 : vector<1x128xf32>
    %get3A_61 = arith.constant 0 : index
    %get3A_62 = arith.constant 0 : index
    %get3A_63 = vector.load %arg6[%get3A_61, %get3A_62] : memref<128x128xf32, #tpu.memory_space<vmem>>, vector<128x128xf32>
    %dot_general3A_64 = arith.constant dense<0.000000e+00> : vector<1x128xf32>
    %dot_general3A_65 = tpu.matmul %mul3A_60, %get3A_63, %dot_general3A_64 {dimension_numbers = #tpu.dot_dimension_numbers<[1], [0], [0], [1], [0, 0, 1, 1], [], []>, transpose_lhs_hint = false} : vector<1x128xf32>, vector<128x128xf32>, vector<1x128xf32> -> vector<1x128xf32>
    %get3A_66 = arith.constant 0 : index
    %get3A_67 = arith.constant 0 : index
    %get3A_68 = vector.load %arg7[%get3A_66, %get3A_67] : memref<1x128xf32, #tpu.memory_space<vmem>>, vector<1x128xf32>
    %add3A_69 = arith.addf %dot_general3A_65, %get3A_68 : vector<1x128xf32>
    %swap3A = arith.constant 0 : index
    %swap3A_70 = arith.constant 0 : index
    %swap3A_71 = vector.load %arg8[%swap3A, %swap3A_70] : memref<1x128xf32, #tpu.memory_space<vmem>>, vector<1x128xf32>
    tpu.vector_store %arg8[%swap3A, %swap3A_70], %add3A_69 {strides = array<i32>} : memref<1x128xf32, #tpu.memory_space<vmem>>, vector<1x128xf32>,
    return
  }
}

</mosaic_0001>

<sc_bundles>
// kernel: kernel.5.cloned.1.call-start
scs
__scs_entry_jumppad:
0x0: {  	(pc) =	sbr.rel $0x88, $3  }
0x1: {  	(tag) =	ssettag $0x0;
	lr =	simm.s32 $0x1  }
0x2: {  	[smem:$0x3F9B] =	sst lr;
	_ =	strace $0xD0000000  }
0x3: {  	_ = 	snop  }
0x4: {  	_ = 	snop  }
0x5: {  	_ = 	snop  }
0x6: {  	_ = 	snop  }
0x7: {  	_ = 	snop  }
__scs_overlays_trampoline_lowered:
0x8: {  	[smem:$0x3FAA] =	sst s0  }
0x9: {  	[smem:$0x3FAB] =	sst s1  }
0xa: {  	[smem:$0x3FAC] =	sst s2  }
0xb: {  	[smem:$0x3FAD] =	sst s3  }
0xc: {  	[smem:$0x3FAE] =	sst s4  }
0xd: {  	[smem:$0x3FAF] =	sst s5  }
0xe: {  	[smem:$0x3FB0] =	sst s6  }
0xf: {  	[smem:$0x3FB1] =	sst s7  }
0x10: {  	[smem:$0x3FB2] =	sst s8  }
0x11: {  	[smem:$0x3FB3] =	sst s9;
	s0 =	simm.s32 @!p0 $0x0  }
0x12: {  	s1 =	sld [smem:$0x3F99];
	s0 =	simm.s32 @p0 $0x1  }
0x13: {  	[smem:$0x3FB4] =	sst s0;
	s0 =	simm.s32 @!p1 $0x0  }
0x14: {  	s2 =	sld [smem:$0x3F98];
	s0 =	simm.s32 @p1 $0x1  }
0x15: {  	[smem:$0x3FB5] =	sst s0;
	s0 =	simm.s32 @!p2 $0x0  }
0x16: {  	s3 =	sld [smem:$0x3FDB];
	s0 =	simm.s32 @p2 $0x1  }
0x17: {  	s4 =	simm.s32 $0x1BF5;
	[smem:$0x3FB7] =	sst s0  }
0x18: {  	s0 =	sld [smem:$0x3F9A];
	_ =	swait.ge [sflag:s4], $0x0  }
0x19: {  	s7 =	sld [smem:$0x3F9B]  }
0x1a: {  	s8 =	sadd.s32 $0xFFFFE003, lr  }
0x1b: {  	s9 =	sadd.s32 $0xFFFFFEF7, lr;
	s5 =	simm.s32 $0xFFFFFFFF;
	p2 =	slt.u32 s8, $0xFFFFF086  }
0x1c: {  	p1 =	slt.u32 s9, $0xF7A;
	s5 =	simm.s32 @!p2 $0x0  }
0x1d: {  	s5 =	simm.s32 @p1 $0x1;
	p0 =	seq.s32 s7, s2  }
0x1e: {  	s7 =	smul.u32 @!p0 $0xF7A, s2;
	p2 =	seq.s32 @!p0 s5, $0x0  }
0x1f: {  	s9 =	smul.u32 $0xF7A, s1;
	s8 =	simm.s32 @!p0 $0x1BF5;
	p2 =	por !p2, p0  }
0x20: {  	[sflag:s8] =	ssyncset.s32 @!p0 $0xFFFFF086;
	s6 =	sadd.s32 @!p0 s3, s7;
	s7 =	simm.s32 @!p0 $0x108  }
0x21: {  	s3 =	sadd.s32 s3, s9;
	s6 =	sadd.s32 @!p0 $0x88, s6;
	s7 =	simm.s32 @p2 $0x1082  }
0x22: {  	[simem:s7], [sflag:s8] =	dma.local @!p0 [hbm:s6], $0xF7A  }
0x23: {  	s9 =	sor.u32 $0xD0000000, s2;
	s6 =	simm.s32 $0x108;
	_ =	swait.ge @!p0 [sflag:s8], $0x0  }
0x24: {  	s3 =	sadd.s32 $0x88, s3;
	s6 =	simm.s32 @!p1 $0x1082;
	[sflag:s4] =	ssyncset.s32 $0xFFFFF086  }
0x25: {  	[simem:s6], [sflag:s4] =	dma.local [hbm:s3], $0xF7A  }
0x26: {  	[smem:$0x3F9B] =	sst s1;
	(tag) =	ssettag s2;
	_ =	strace s9  }
0x27: {  	s1 =	sld [smem:$0x3FAB]  }
0x28: {  	s2 =	sld [smem:$0x3FAC]  }
0x29: {  	s4 =	sld [smem:$0x3FAE]  }
0x2a: {  	p0 =	seq.s32 s5, $0x0;
	s5 =	sld [smem:$0x3FAF]  }
0x2b: {  	s6 =	sld [smem:$0x3FB0]  }
0x2c: {  	s7 =	sld [smem:$0x3FB1]  }
0x2d: {  	s3 =	simm.s32 $0x108;
	s8 =	sld [smem:$0x3FB2]  }
0x2e: {  	s3 =	simm.s32 @!p0 $0x1082;
	s9 =	sld [smem:$0x3FB3]  }
0x2f: {  	lr =	sadd.s32 s0, s3;
	s0 =	sld [smem:$0x3FAA]  }
0x30: {  	s3 =	sld [smem:$0x3FAD]  }
0x31: {  	[smem:$0x3FB6] =	sst s10  }
0x32: {  	s10 =	sld [smem:$0x3FB4];
	_ =	sdelay $0x3  }
0x33: {  	p0 =	seq.s32 s10, $0x1;
	s10 =	sld [smem:$0x3FB6];
	_ =	sdelay $0x3  }
0x34: {  	[smem:$0x3FB6] =	sst s10  }
0x35: {  	s10 =	sld [smem:$0x3FB5];
	_ =	sdelay $0x3  }
0x36: {  	p1 =	seq.s32 s10, $0x1;
	s10 =	sld [smem:$0x3FB6];
	_ =	sdelay $0x3  }
0x37: {  	[smem:$0x3FB6] =	sst s10  }
0x38: {  	s10 =	sld [smem:$0x3FB7]  }
0x39: {  	_ = 	snop;
	(pc) =	sbr.ind lr, $3  }
0x3a: {  	_ = 	snop  }
0x3b: {  	_ = 	snop  }
0x3c: {  	p2 =	seq.s32 s10, $0x1;
	s10 =	sld [smem:$0x3FB6]  }
0x3d: {  	_ =	shalt  }
0x3e: {  	_ =	shalt  }
0x3f: {  	_ =	shalt  }
0x40: {  	_ =	shalt  }
0x41: {  	_ =	shalt  }
0x42: {  	_ =	shalt  }
0x43: {  	_ =	shalt  }
0x44: {  	_ =	shalt  }
0x45: {  	_ =	shalt  }
0x46: {  	_ =	shalt  }
0x47: {  	_ =	shalt  }
0x48: {  	_ =	shalt  }
0x49: {  	_ =	shalt  }
0x4a: {  	_ =	shalt  }
0x4b: {  	_ =	shalt  }
0x4c: {  	_ =	shalt  }
0x4d: {  	_ =	shalt  }
0x4e: {  	_ =	shalt  }
0x4f: {  	_ =	shalt  }
0x50: {  	_ =	shalt  }
0x51: {  	_ =	shalt  }
0x52: {  	_ =	shalt  }
0x53: {  	_ =	shalt  }
0x54: {  	_ =	shalt  }
0x55: {  	_ =	shalt  }
0x56: {  	_ =	shalt  }
0x57: {  	_ =	shalt  }
0x58: {  	_ =	shalt  }
0x59: {  	_ =	shalt  }
0x5a: {  	_ =	shalt  }
0x5b: {  	_ =	shalt  }
0x5c: {  	_ =	shalt  }
0x5d: {  	_ =	shalt  }
0x5e: {  	_ =	shalt  }
0x5f: {  	_ =	shalt  }
0x60: {  	_ =	shalt  }
0x61: {  	_ =	shalt  }
0x62: {  	_ =	shalt  }
0x63: {  	_ =	shalt  }
0x64: {  	_ =	shalt  }
0x65: {  	_ =	shalt  }
0x66: {  	_ =	shalt  }
0x67: {  	_ =	shalt  }
0x68: {  	_ =	shalt  }
0x69: {  	_ =	shalt  }
0x6a: {  	_ =	shalt  }
0x6b: {  	_ =	shalt  }
0x6c: {  	_ =	shalt  }
0x6d: {  	_ =	shalt  }
0x6e: {  	_ =	shalt  }
0x6f: {  	_ =	shalt  }
0x70: {  	_ =	shalt  }
0x71: {  	_ =	shalt  }
0x72: {  	_ =	shalt  }
0x73: {  	_ =	shalt  }
0x74: {  	_ =	shalt  }
0x75: {  	_ =	shalt  }
0x76: {  	_ =	shalt  }
0x77: {  	_ =	shalt  }
0x78: {  	_ =	shalt  }
0x79: {  	_ =	shalt  }
0x7a: {  	_ =	shalt  }
0x7b: {  	_ =	shalt  }
0x7c: {  	_ =	shalt  }
0x7d: {  	_ =	shalt  }
0x7e: {  	_ =	shalt  }
0x7f: {  	_ =	shalt  }
0x80: {  	_ =	shalt  }
0x81: {  	_ =	shalt  }
0x82: {  	_ =	shalt  }
0x83: {  	_ =	shalt  }
0x84: {  	_ =	shalt  }
0x85: {  	_ =	shalt  }
0x86: {  	_ =	shalt  }
0x87: {  	_ =	shalt  }
.Lfunc_end0:
.L_simem_size_0:
called_computation_lowered:
.L_overlay_start_0:
0x88: {  	s2 =	sld [smem:$0x3FD9]  }
0x89: {  	s3 =	sld [smem:$0x3FFE];
	_ =	sdelay $0x1  }
0x8a: {  	s1 =	srdreg.scid  }
0x8b: {  	s0 =	sand.u32 $0x1, s1  }
0x8c: {  	s16 =	sshll.u32 s0, $0xA;
	s2 =	sadd.s32 s3, s2  }
0x8d: {  	s2 =	sadd.s32 s2, s16  }
0x8e: {  	[smem:$0x3FC2] =	sst s2  }
0x8f: {  	_ = 	snop  }
0x90: {  	(tm) =	ssettm $0x1  }
0x91: {  	s17 =	sld [smem:$0x3FFB];
	_ =	sdelay $0x3  }
0x92: {  	_ =	strace s17  }
0x93: {  	s2 =	sld [smem:$0x3FFC];
	_ =	sdelay $0x3  }
0x94: {  	_ =	strace s2  }
0x95: {  	s2 =	sld [smem:$0x3FFD];
	_ =	sdelay $0x3  }
0x96: {  	_ =	strace s2  }
0x97: {  	_ =	strace $0x8FFFFFFF  }
0x98: {  	s18 =	sld [smem:$0x3FDB];
	_ =	sdelay $0x1  }
0x99: {  	s19 =	simm.s32 $_scs_section_size  }
0x9a: {  	s4 =	simm.s32 $_size__tile_overlayer_lowered;
	s5 =	simm.s32 $_tile_overlayer_lowered  }
0x9b: {  	s22 =	simm.s32 $0x1BFF;
	s21 =	sshll.u32 s5, $0x1;
	s2 =	sadd.s32 s19, s18  }
0x9c: {  	s6 =	simm.s32 $0x0;
	s20 =	sshll.u32 s4, $0x1;
	s4 =	sadd.s32 s21, s2  }
0x9d: {  	[timem:s6], [sflag:s22] =	dma.local [hbm:s4], s20  }
0x9e: {  	_ =	swait.ge [sflag:s22], s20  }
0x9f: {  	s3 =	ssub.s32 $0x0, s20;
	[sflag:s22] =	ssyncset.done $0x0  }
0xa0: {  	[sflag:s22] =	ssyncadd.s32 s3;
	_ =	sdelay $0x1  }
0xa1: {  	s23 =	simm.s32 $0x1B8B  }
0xa2: {  	_ =	swait.ge [sflag:s23], $0x1  }
0xa3: {  	[sflag:s23] =	ssyncset.done $0x0  }
0xa4: {  	s25 =	simm.s32 $0x1B8E;
	s24 =	sld [smem:$0x3FFE];
	[sflag:s23] =	ssyncadd.s32 $0xFFFFFFFF  }
0xa5: {  	s26 =	simm.s32 $execute0_lowered;
	[smem:$0x3FD2] =	sst s25  }
0xa6: {  	s4 =	sshll.u32 s26, $0x1;
	_ =	strace $0x80000046;
	[dreg:$0x1] =	wrdreg $0xFFFFFFFF  }
0xa7: {  	s28 =	simm.s32 $_size_execute0_lowered;
	s2 =	sadd.s32 s2, s4;
	[dreg:$0x0] =	wrdreg $0x0  }
0xa8: {  	s4 =	sshll.u32 s28, $0x1;
	[dreg:$0x2] =	wrdreg s2  }
0xa9: {  	[dreg:$0x3] =	wrdreg s4  }
0xaa: {  	[dreg:$0x4] =	wrdreg $0xC0  }
0xab: {  	_ =	task [dreg:s6], $0x5FFFF  }
0xac: {  	[dreg:$0x1] =	wrdreg $0xFFFFFFFF  }
0xad: {  	[dreg:$0x0] =	wrdreg $0x60  }
0xae: {  	[dreg:$0x2] =	wrdreg s24  }
0xaf: {  	[dreg:$0x3] =	wrdreg $0x58800  }
0xb0: {  	[dreg:$0x4] =	wrdreg $0x9  }
0xb1: {  	_ =	task.clear_ibuf [dreg:s6], $0x5FFFF;
	_ =	strace $0x90000046  }
0xb2: {  	s29 =	simm.s32 $0x9;
	_ =	strace $0x80000048  }
0xb3: {  	_ =	swait.ge [sflag:s29], $0x1  }
0xb4: {  	[sflag:s29] =	ssyncadd.s32 $0xFFFFFFFF  }
0xb5: {  	_ =	strace $0x90000048  }
0xb6: {  	_ =	sfence  }
0xb7: {  	s30 =	sld [smem:$0x0];
	_ =	sdelay $0x2  }
0xb8: {  	s31 =	sshll.u32 s1, $0xD;
	s1 =	sshrl.u32 s1, $0x2  }
0xb9: {  	s3 =	sand.u32 $0x4000, s31;
	s1 =	sadd.s32 s1, s30  }
0xba: {  	s0 =	sor.u32 s3, s0;
	s1 =	sshll.u32 s1, $0x11  }
0xbb: {  	s0 =	sor.u32 s1, s0  }
0xbc: {  	s0 =	sadd.s32 $0x8F2B, s0  }
0xbd: {  	[sflag:s0] =	ssyncadd.remote.s32 $0x1  }
0xbe: {  	_ =	sfence.sel $0xFFFF  }
0xbf: {  	[dreg:$0x0] =	wrdreg $0xFFFFFFFF;
	(pc) =	sbr.abs _section_cstart, $3  }
0xc0: {  	[dreg:$0x1] =	wrdreg $0xFFFFFFFF  }
0xc1: {  	_ =	task.clear_ibuf [dreg:s6], $0x2FFFF;
	_ =	strace $0x9FFFFFFF  }
0xc2: {  	(tm) =	ssettm $0x7FFFFFFF  }
0xc3: {  	_ =	shalt  }
tec
execute0_lowered:
.L_overlay_start_1:
0x0: {  	(tag) =	ssettag $0x1  }
0x1: {  	s4 =	rddreg [dreg:$0x0]  }
0x2: {  	s1 =	rddreg [dreg:$0x1]  }
0x3: {  	s0 =	rddreg [dreg:$0x2]  }
0x4: {  	s2 =	simm.s32 $0x0;
	s9 =	stileid.u32;
	s3 =	srdreg.scid  }
0x5: {  	s12 =	simm.s32 $0x50;
	s13 =	simm.s32 $0x5800;
	s15 =	simm.s32 $0x0  }
0x6: {  	[smem:$0x7FF] =	sst s2;
	s5 =	smul.u32 $0xA00, s9;
	s6 =	sand.u32 $0x1, s3  }
0x7: {  	s29 =	sshll.u32 s9, $0x1;
	p0 =	sne.s32 s9, $0x0;
	_ =	strace $0x80000047  }
0x8: {  	s3 =	sor.u32 s6, s29;
	s8 =	ssub.s32 $0x2, s6;
	s11 =	smul.u32 $0x500, s6  }
0x9: {  	s14 =	sor.u32 s9, s6;
	s9 =	simm.s32 $0x400;
	s7 =	sadd.s32 s5, s4  }
0xa: {  	s30 =	smul.u32 $0x500, s3;
	s3 =	sadd.s32 $0x20400, s4;
	s10 =	sshrl.u32 s8, $0x1  }
0xb: {  	p1 =	sne.s32 s14, $0x0;
	s14 =	simm.s32 $0x3000;
	s8 =	ssub.s32 s8, s10  }
0xc: {  	v0 =	vlaneseq.u32;
	s5 =	sadd.s32 $0x2400, s7;
	s31 =	sadd.s32 s11, s7;
	s10 =	simm.s32 $0x1  }
0xd: {  	v1 =	vimm.f32 $0.0e+00;
	v6 =	vimm.f32 $1.000000000e+00;
	v2 =	vor.u32 $0x10, v0;
	s4 =	sadd.s32 s30, s4;
	s6 =	smax.u32 s8, $0x1;
	s7 =	sadd.s32 s11, s5  }
0xe: {  	v3 =	vor.u32 $0x20, v0;
	v4 =	vor.u32 $0x30, v0;
	v5 =	vor.u32 $0x40, v0;
	s8 =	sadd.s32 $0xC400, s31;
	s11 =	simm.s32 $0x800;
	s4 =	sadd.s32 $0x16400, s4  }
.LBB2_1:
0xf: {  	s16 =	simm.s32 $0x0;
	s17 =	simm.s32 $0x200  }
.LBB2_2:
0x10: {  	p2 =	sne.s32 s17, $0x9E00;
	[tilespmem:s16+$0x3070] =	vst v1  }
0x11: {  	[tilespmem:s16+$0x800] =	vst v1  }
0x12: {  	[tilespmem:s16+$0x3000] =	vst v1  }
0x13: {  	[tilespmem:s16+$0x810] =	vst v1  }
0x14: {  	[tilespmem:s16+$0x3010] =	vst v1  }
0x15: {  	[tilespmem:s16+$0x820] =	vst v1  }
0x16: {  	[tilespmem:s16+$0x3020] =	vst v1  }
0x17: {  	[tilespmem:s16+$0x830] =	vst v1  }
0x18: {  	[tilespmem:s16+$0x3030] =	vst v1  }
0x19: {  	[tilespmem:s16+$0x840] =	vst v1  }
0x1a: {  	[tilespmem:s16+$0x3040] =	vst v1  }
.Ltmp0:
0x1b: {  	[tilespmem:s16+$0x850] =	vst v1;
	(pc) =	sbr.rel @p2 .LBB2_2-.Ltmp0, $4  }
0x1c: {  	[tilespmem:s16+$0x3050] =	vst v1  }
0x1d: {  	[tilespmem:s16+$0x860] =	vst v1  }
0x1e: {  	[tilespmem:s16+$0x3060] =	vst v1  }
0x1f: {  	[tilespmem:s16+$0x870] =	vst v1;
	s16 =	sshra.s32 s17, $0x2;
	s17 =	sadd.s32 $0x200, s17  }
0x20: {  	[tilespmem:s16+$0x3070] =	vst v1  }
0x21: {  	[tilespmem:s16+$0x800] =	vst v1  }
0x22: {  	[tilespmem:s16+$0x3000] =	vst v1  }
0x23: {  	[tilespmem:s16+$0x810] =	vst v1  }
0x24: {  	[tilespmem:s16+$0x3010] =	vst v1  }
0x25: {  	[tilespmem:s16+$0x820] =	vst v1  }
0x26: {  	[tilespmem:s16+$0x3020] =	vst v1  }
0x27: {  	[tilespmem:s16+$0x830] =	vst v1  }
0x28: {  	[tilespmem:s16+$0x3030] =	vst v1  }
0x29: {  	[tilespmem:s16+$0x840] =	vst v1  }
0x2a: {  	[tilespmem:s16+$0x3040] =	vst v1  }
0x2b: {  	[tilespmem:s16+$0x850] =	vst v1  }
0x2c: {  	[tilespmem:s16+$0x3050] =	vst v1  }
0x2d: {  	[tilespmem:s16+$0x860] =	vst v1  }
0x2e: {  	[tilespmem:s16+$0x3060] =	vst v1  }
0x2f: {  	[tilespmem:s16+$0x870] =	vst v1  }
0x30: {  	[tilespmem:$0x5800] =	vst v0  }
0x31: {  	[tilespmem:$0x5810] =	vst v2  }
0x32: {  	[tilespmem:$0x5820] =	vst v3  }
0x33: {  	[tilespmem:$0x5830] =	vst v4  }
0x34: {  	s16 =	simm.s32 @!p0 $0x3000;
	[tilespmem:$0x5840] =	vst v5  }
0x35: {  	[spmem:s1] =	stream.linear.scatter @!p0 [tilespmem:s16], [sflag:$0x1], $0x2800, $0x38;
	[tilespmem:$0x5B00] =	vst v63  }
0x36: {  	s16 =	simm.s32 @!p0 $0x1  }
0x37: {  	_ =	swait.ge @!p0 [sflag:s16], $0x2800  }
0x38: {  	[sflag:s16] =	ssyncset.done @!p0 $0x0  }
0x39: {  	[sflag:s16] =	ssyncadd.s32 @!p0 $0xFFFFD800  }
0x3a: {  	s16 =	simm.s32 $0x0;
	[bflag:$0x0] =	sbarrier.arrive $0xFFFF  }
.LBB2_4:
0x3b: {  	s17 =	sadd.s32 s16, s5  }
0x3c: {  	[tilespmem:s9], [sflag:$0x1] =	stream.linear.gather [hbm4b:s17+s2], $0x400, $0x38;
	[tilespmem:$0x5B00] =	vst v63  }
0x3d: {  	_ =	swait.ge [sflag:s10], $0x400  }
0x3e: {  	[sflag:s10] =	ssyncset.done $0x0  }
0x3f: {  	[sflag:s10] =	ssyncadd.s32 $0xFFFFFC00  }
0x40: {  	v7 =	vld [tilespmem:$0x400];
	_ =	sdelay $0x7  }
0x41: {  	[tilespmem:v7+s11+$0x0] =	vst.idx.add.f32.msk $0xffff, v6  }
0x42: {  	v7 =	vld [tilespmem:$0x410];
	_ =	sdelay $0x7  }
0x43: {  	[tilespmem:v7+s11+$0x0] =	vst.idx.add.f32.msk $0xffff, v6  }
0x44: {  	v7 =	vld [tilespmem:$0x420];
	_ =	sdelay $0x7  }
0x45: {  	[tilespmem:v7+s11+$0x0] =	vst.idx.add.f32.msk $0xffff, v6  }
0x46: {  	v7 =	vld [tilespmem:$0x430];
	_ =	sdelay $0x7  }
0x47: {  	[tilespmem:v7+s11+$0x0] =	vst.idx.add.f32.msk $0xffff, v6  }
0x48: {  	v7 =	vld [tilespmem:$0x440];
	_ =	sdelay $0x7  }
0x49: {  	[tilespmem:v7+s11+$0x0] =	vst.idx.add.f32.msk $0xffff, v6  }
0x4a: {  	v7 =	vld [tilespmem:$0x450];
	_ =	sdelay $0x7  }
0x4b: {  	[tilespmem:v7+s11+$0x0] =	vst.idx.add.f32.msk $0xffff, v6  }
0x4c: {  	v7 =	vld [tilespmem:$0x460];
	_ =	sdelay $0x7  }
0x4d: {  	[tilespmem:v7+s11+$0x0] =	vst.idx.add.f32.msk $0xffff, v6  }
0x4e: {  	v7 =	vld [tilespmem:$0x470];
	_ =	sdelay $0x7  }
0x4f: {  	[tilespmem:v7+s11+$0x0] =	vst.idx.add.f32.msk $0xffff, v6  }
0x50: {  	v7 =	vld [tilespmem:$0x480];
	_ =	sdelay $0x7  }
0x51: {  	[tilespmem:v7+s11+$0x0] =	vst.idx.add.f32.msk $0xffff, v6  }
0x52: {  	v7 =	vld [tilespmem:$0x490];
	_ =	sdelay $0x7  }
0x53: {  	[tilespmem:v7+s11+$0x0] =	vst.idx.add.f32.msk $0xffff, v6  }
0x54: {  	v7 =	vld [tilespmem:$0x4A0];
	_ =	sdelay $0x7  }
0x55: {  	[tilespmem:v7+s11+$0x0] =	vst.idx.add.f32.msk $0xffff, v6  }
0x56: {  	v7 =	vld [tilespmem:$0x4B0];
	_ =	sdelay $0x7  }
0x57: {  	[tilespmem:v7+s11+$0x0] =	vst.idx.add.f32.msk $0xffff, v6  }
0x58: {  	v7 =	vld [tilespmem:$0x4C0];
	_ =	sdelay $0x7  }
0x59: {  	[tilespmem:v7+s11+$0x0] =	vst.idx.add.f32.msk $0xffff, v6  }
0x5a: {  	v7 =	vld [tilespmem:$0x4D0];
	_ =	sdelay $0x7  }
0x5b: {  	[tilespmem:v7+s11+$0x0] =	vst.idx.add.f32.msk $0xffff, v6  }
0x5c: {  	v7 =	vld [tilespmem:$0x4E0];
	_ =	sdelay $0x7  }
0x5d: {  	[tilespmem:v7+s11+$0x0] =	vst.idx.add.f32.msk $0xffff, v6  }
0x5e: {  	v7 =	vld [tilespmem:$0x4F0];
	_ =	sdelay $0x7  }
0x5f: {  	[tilespmem:v7+s11+$0x0] =	vst.idx.add.f32.msk $0xffff, v6  }
0x60: {  	v7 =	vld [tilespmem:$0x500];
	_ =	sdelay $0x7  }
0x61: {  	[tilespmem:v7+s11+$0x0] =	vst.idx.add.f32.msk $0xffff, v6  }
0x62: {  	v7 =	vld [tilespmem:$0x510];
	_ =	sdelay $0x7  }
0x63: {  	[tilespmem:v7+s11+$0x0] =	vst.idx.add.f32.msk $0xffff, v6  }
0x64: {  	v7 =	vld [tilespmem:$0x520];
	_ =	sdelay $0x7  }
0x65: {  	[tilespmem:v7+s11+$0x0] =	vst.idx.add.f32.msk $0xffff, v6  }
0x66: {  	v7 =	vld [tilespmem:$0x530];
	_ =	sdelay $0x7  }
0x67: {  	[tilespmem:v7+s11+$0x0] =	vst.idx.add.f32.msk $0xffff, v6  }
0x68: {  	v7 =	vld [tilespmem:$0x540];
	_ =	sdelay $0x7  }
0x69: {  	[tilespmem:v7+s11+$0x0] =	vst.idx.add.f32.msk $0xffff, v6  }
0x6a: {  	v7 =	vld [tilespmem:$0x550];
	_ =	sdelay $0x7  }
0x6b: {  	[tilespmem:v7+s11+$0x0] =	vst.idx.add.f32.msk $0xffff, v6  }
0x6c: {  	v7 =	vld [tilespmem:$0x560];
	_ =	sdelay $0x7  }
0x6d: {  	[tilespmem:v7+s11+$0x0] =	vst.idx.add.f32.msk $0xffff, v6  }
0x6e: {  	v7 =	vld [tilespmem:$0x570];
	_ =	sdelay $0x7  }
0x6f: {  	[tilespmem:v7+s11+$0x0] =	vst.idx.add.f32.msk $0xffff, v6  }
0x70: {  	v7 =	vld [tilespmem:$0x580];
	_ =	sdelay $0x7  }
0x71: {  	[tilespmem:v7+s11+$0x0] =	vst.idx.add.f32.msk $0xffff, v6  }
0x72: {  	v7 =	vld [tilespmem:$0x590];
	_ =	sdelay $0x7  }
0x73: {  	[tilespmem:v7+s11+$0x0] =	vst.idx.add.f32.msk $0xffff, v6  }
0x74: {  	v7 =	vld [tilespmem:$0x5A0];
	_ =	sdelay $0x7  }
0x75: {  	[tilespmem:v7+s11+$0x0] =	vst.idx.add.f32.msk $0xffff, v6  }
0x76: {  	v7 =	vld [tilespmem:$0x5B0];
	_ =	sdelay $0x7  }
0x77: {  	[tilespmem:v7+s11+$0x0] =	vst.idx.add.f32.msk $0xffff, v6  }
0x78: {  	v7 =	vld [tilespmem:$0x5C0];
	_ =	sdelay $0x7  }
0x79: {  	[tilespmem:v7+s11+$0x0] =	vst.idx.add.f32.msk $0xffff, v6  }
0x7a: {  	v7 =	vld [tilespmem:$0x5D0];
	_ =	sdelay $0x7  }
0x7b: {  	[tilespmem:v7+s11+$0x0] =	vst.idx.add.f32.msk $0xffff, v6  }
0x7c: {  	v7 =	vld [tilespmem:$0x5E0];
	_ =	sdelay $0x7  }
0x7d: {  	[tilespmem:v7+s11+$0x0] =	vst.idx.add.f32.msk $0xffff, v6  }
0x7e: {  	v7 =	vld [tilespmem:$0x5F0];
	_ =	sdelay $0x7  }
0x7f: {  	[tilespmem:v7+s11+$0x0] =	vst.idx.add.f32.msk $0xffff, v6  }
0x80: {  	v7 =	vld [tilespmem:$0x600];
	_ =	sdelay $0x7  }
0x81: {  	[tilespmem:v7+s11+$0x0] =	vst.idx.add.f32.msk $0xffff, v6  }
0x82: {  	v7 =	vld [tilespmem:$0x610];
	_ =	sdelay $0x7  }
0x83: {  	[tilespmem:v7+s11+$0x0] =	vst.idx.add.f32.msk $0xffff, v6  }
0x84: {  	v7 =	vld [tilespmem:$0x620];
	_ =	sdelay $0x7  }
0x85: {  	[tilespmem:v7+s11+$0x0] =	vst.idx.add.f32.msk $0xffff, v6  }
0x86: {  	v7 =	vld [tilespmem:$0x630];
	_ =	sdelay $0x7  }
0x87: {  	[tilespmem:v7+s11+$0x0] =	vst.idx.add.f32.msk $0xffff, v6  }
0x88: {  	v7 =	vld [tilespmem:$0x640];
	_ =	sdelay $0x7  }
0x89: {  	[tilespmem:v7+s11+$0x0] =	vst.idx.add.f32.msk $0xffff, v6  }
0x8a: {  	v7 =	vld [tilespmem:$0x650];
	_ =	sdelay $0x7  }
0x8b: {  	[tilespmem:v7+s11+$0x0] =	vst.idx.add.f32.msk $0xffff, v6  }
0x8c: {  	v7 =	vld [tilespmem:$0x660];
	_ =	sdelay $0x7  }
0x8d: {  	[tilespmem:v7+s11+$0x0] =	vst.idx.add.f32.msk $0xffff, v6  }
0x8e: {  	v7 =	vld [tilespmem:$0x670];
	_ =	sdelay $0x7  }
0x8f: {  	[tilespmem:v7+s11+$0x0] =	vst.idx.add.f32.msk $0xffff, v6  }
0x90: {  	v7 =	vld [tilespmem:$0x680];
	_ =	sdelay $0x7  }
0x91: {  	[tilespmem:v7+s11+$0x0] =	vst.idx.add.f32.msk $0xffff, v6  }
0x92: {  	v7 =	vld [tilespmem:$0x690];
	_ =	sdelay $0x7  }
0x93: {  	[tilespmem:v7+s11+$0x0] =	vst.idx.add.f32.msk $0xffff, v6  }
0x94: {  	v7 =	vld [tilespmem:$0x6A0];
	_ =	sdelay $0x7  }
0x95: {  	[tilespmem:v7+s11+$0x0] =	vst.idx.add.f32.msk $0xffff, v6  }
0x96: {  	v7 =	vld [tilespmem:$0x6B0];
	_ =	sdelay $0x7  }
0x97: {  	[tilespmem:v7+s11+$0x0] =	vst.idx.add.f32.msk $0xffff, v6  }
0x98: {  	v7 =	vld [tilespmem:$0x6C0];
	_ =	sdelay $0x7  }
0x99: {  	[tilespmem:v7+s11+$0x0] =	vst.idx.add.f32.msk $0xffff, v6  }
0x9a: {  	v7 =	vld [tilespmem:$0x6D0];
	_ =	sdelay $0x7  }
0x9b: {  	[tilespmem:v7+s11+$0x0] =	vst.idx.add.f32.msk $0xffff, v6  }
0x9c: {  	v7 =	vld [tilespmem:$0x6E0];
	_ =	sdelay $0x7  }
0x9d: {  	[tilespmem:v7+s11+$0x0] =	vst.idx.add.f32.msk $0xffff, v6  }
0x9e: {  	v7 =	vld [tilespmem:$0x6F0];
	_ =	sdelay $0x7  }
0x9f: {  	[tilespmem:v7+s11+$0x0] =	vst.idx.add.f32.msk $0xffff, v6  }
0xa0: {  	v7 =	vld [tilespmem:$0x700];
	_ =	sdelay $0x7  }
0xa1: {  	[tilespmem:v7+s11+$0x0] =	vst.idx.add.f32.msk $0xffff, v6  }
0xa2: {  	v7 =	vld [tilespmem:$0x710];
	_ =	sdelay $0x7  }
0xa3: {  	[tilespmem:v7+s11+$0x0] =	vst.idx.add.f32.msk $0xffff, v6  }
0xa4: {  	v7 =	vld [tilespmem:$0x720];
	_ =	sdelay $0x7  }
0xa5: {  	[tilespmem:v7+s11+$0x0] =	vst.idx.add.f32.msk $0xffff, v6  }
0xa6: {  	v7 =	vld [tilespmem:$0x730];
	_ =	sdelay $0x7  }
0xa7: {  	[tilespmem:v7+s11+$0x0] =	vst.idx.add.f32.msk $0xffff, v6  }
0xa8: {  	v7 =	vld [tilespmem:$0x740];
	_ =	sdelay $0x7  }
0xa9: {  	[tilespmem:v7+s11+$0x0] =	vst.idx.add.f32.msk $0xffff, v6  }
0xaa: {  	v7 =	vld [tilespmem:$0x750];
	_ =	sdelay $0x7  }
0xab: {  	[tilespmem:v7+s11+$0x0] =	vst.idx.add.f32.msk $0xffff, v6  }
0xac: {  	v7 =	vld [tilespmem:$0x760];
	_ =	sdelay $0x7  }
0xad: {  	[tilespmem:v7+s11+$0x0] =	vst.idx.add.f32.msk $0xffff, v6  }
0xae: {  	v7 =	vld [tilespmem:$0x770];
	_ =	sdelay $0x7  }
0xaf: {  	[tilespmem:v7+s11+$0x0] =	vst.idx.add.f32.msk $0xffff, v6  }
0xb0: {  	v7 =	vld [tilespmem:$0x780];
	_ =	sdelay $0x7  }
0xb1: {  	[tilespmem:v7+s11+$0x0] =	vst.idx.add.f32.msk $0xffff, v6  }
0xb2: {  	v7 =	vld [tilespmem:$0x790];
	_ =	sdelay $0x7  }
0xb3: {  	[tilespmem:v7+s11+$0x0] =	vst.idx.add.f32.msk $0xffff, v6  }
0xb4: {  	v7 =	vld [tilespmem:$0x7A0];
	_ =	sdelay $0x7  }
0xb5: {  	[tilespmem:v7+s11+$0x0] =	vst.idx.add.f32.msk $0xffff, v6  }
0xb6: {  	v7 =	vld [tilespmem:$0x7B0];
	_ =	sdelay $0x7  }
0xb7: {  	[tilespmem:v7+s11+$0x0] =	vst.idx.add.f32.msk $0xffff, v6  }
0xb8: {  	v7 =	vld [tilespmem:$0x7C0];
	_ =	sdelay $0x7  }
0xb9: {  	[tilespmem:v7+s11+$0x0] =	vst.idx.add.f32.msk $0xffff, v6  }
0xba: {  	v7 =	vld [tilespmem:$0x7D0];
	_ =	sdelay $0x7  }
0xbb: {  	[tilespmem:v7+s11+$0x0] =	vst.idx.add.f32.msk $0xffff, v6  }
0xbc: {  	v7 =	vld [tilespmem:$0x7E0];
	_ =	sdelay $0x7  }
0xbd: {  	[tilespmem:v7+s11+$0x0] =	vst.idx.add.f32.msk $0xffff, v6  }
0xbe: {  	v7 =	vld [tilespmem:$0x7F0];
	_ =	sdelay $0x2  }
0xbf: {  	p2 =	sne.s32 s16, $0x980  }
.Ltmp1:
0xc0: {  	_ = 	snop;
	(pc) =	sbr.rel @p2 .LBB2_4-.Ltmp1, $2  }
0xc1: {  	_ =	sdelay $0x2  }
0xc2: {  	s16 =	sadd.s32 $0x80, s16;
	[tilespmem:v7+s11+$0x0] =	vst.idx.add.f32.msk $0xffff, v6  }
0xc3: {  	[spmem:s1] =	stream.indirect.scatter.add.f32 [tilespmem:s11], [sflag:$0x1], $0x80, s13, s12, $0xb8;
	[tilespmem:$0x5B00] =	vst v63  }
0xc4: {  	_ =	swait.ge [sflag:s10], $0x2800  }
0xc5: {  	[sflag:s10] =	ssyncset.done $0x0  }
0xc6: {  	[sflag:s10] =	ssyncadd.s32 $0xFFFFD800  }
0xc7: {  	[bflag:$0x0] =	sbarrier.arrive $0xFFFF  }
0xc8: {  	[tilespmem:s11], [sflag:$0x1] =	stream.linear.gather [spmem:s1], $0x2800, $0x38;
	[tilespmem:$0x5B00] =	vst v63  }
0xc9: {  	_ =	swait.ge [sflag:s10], $0x2800  }
0xca: {  	[sflag:s10] =	ssyncset.done $0x0  }
0xcb: {  	s18 =	simm.s32 $0x840;
	[sflag:s10] =	ssyncadd.s32 $0xFFFFD800  }
0xcc: {  	v11 =	vld [tilespmem:s18+$0xFFFFFFC0]  }
0xcd: {  	v13 =	vld [tilespmem:s18+$0xFFFFFFD0]  }
0xce: {  	v7 =	vld [tilespmem:s18+$0xFFFFFFE0]  }
0xcf: {  	v8 =	vld [tilespmem:s18+$0x0]  }
0xd0: {  	v9 =	vld [tilespmem:s18+$0x10]  }
0xd1: {  	v10 =	vld [tilespmem:s18+$0x20];
	v12 =	vadd.f32 $1.000000000e+00, v11  }
0xd2: {  	s17 =	simm.s32 $0x70;
	s19 =	simm.s32 $0xF0;
	s16 =	simm.s32 $0x840;
	v13 =	vadd.f32 $1.000000000e+00, v13;
	v11 =	vld [tilespmem:s18+$0x30]  }
.LBB2_6:
0xd3: {  	p2 =	sne.s32 s19, $0x27F0;
	v7 =	vadd.f32 $1.000000000e+00, v7;
	v14 =	vld [tilespmem:s18+$0xFFFFFFF0];
	(erf) = vrcp.f32 v12  }
0xd4: {  	v8 =	vadd.f32 $1.000000000e+00, v8;
	(erf) = vrcp.f32 v13  }
0xd5: {  	v9 =	vadd.f32 $1.000000000e+00, v9;
	(erf) = vrcp.f32 v7  }
0xd6: {  	v7 =	vadd.f32 $1.000000000e+00, v10;
	(erf) = vrcp.f32 v8  }
0xd7: {  	v8 =	vadd.f32 $1.000000000e+00, v11;
	(erf) = vrcp.f32 v9  }
0xd8: {  	v9 =	vadd.f32 $1.000000000e+00, v14;
	(erf) = vrcp.f32 v7  }
0xd9: {  	(erf) = vrcp.f32 v8  }
0xda: {  	(erf) = vrcp.f32 v9  }
0xdb: {  	s20 =	sadd.s32 $0xFFFFFF90, s17  }
0xdc: {  	p3 =	slt.u32 s20, $0x2710;
	s20 =	sadd.s32 $0xFFFFFFA0, s17;
	v7 =	vpop (erf)  }
0xdd: {  	v7 =	vpsel !p3, $0x0, v7;
	p3 =	slt.u32 s20, $0x2710;
	s20 =	sadd.s32 $0xFFFFFFB0, s17;
	v8 =	vpop (erf)  }
0xde: {  	s18 =	sadd.s32 $0x80, s18;
	[tilespmem:s16+$0xFFFFFFC0] =	vst v7;
	v7 =	vpsel !p3, $0x0, v8;
	p3 =	slt.u32 s20, $0x2710;
	s20 =	sadd.s32 $0xFFFFFFD0, s17;
	v8 =	vpop (erf)  }
0xdf: {  	v10 =	vld [tilespmem:s18+$0xFFFFFFC0];
	[tilespmem:s16+$0xFFFFFFD0] =	vst v7;
	v7 =	vpsel !p3, $0x0, v8;
	p3 =	slt.u32 s20, $0x2710;
	s20 =	sadd.s32 $0xFFFFFFE0, s17;
	v8 =	vpop (erf)  }
0xe0: {  	v11 =	vld [tilespmem:s18+$0xFFFFFFD0];
	[tilespmem:s16+$0xFFFFFFE0] =	vst v7;
	v8 =	vpsel !p3, $0x0, v8;
	p3 =	slt.u32 s20, $0x2710;
	s20 =	sadd.s32 $0xFFFFFFF0, s17;
	v9 =	vpop (erf)  }
.Ltmp2:
0xe1: {  	v7 =	vld [tilespmem:s18+$0xFFFFFFE0];
	[tilespmem:s16+$0x0] =	vst v8;
	v9 =	vpsel !p3, $0x0, v9;
	p3 =	slt.u32 s20, $0x2710;
	v12 =	vpop (erf);
	(pc) =	sbr.rel @p2 .LBB2_6-.Ltmp2, $4  }
0xe2: {  	s20 =	sadd.s32 $0xFFFFFFC0, s17;
	v8 =	vld [tilespmem:s18+$0x0];
	[tilespmem:s16+$0x10] =	vst v9;
	v12 =	vpsel !p3, $0x0, v12;
	p3 =	slt.u32 s17, $0x2710;
	v13 =	vpop (erf);
	s17 =	smov.u32 s19  }
0xe3: {  	p4 =	slt.u32 s20, $0x2710;
	v9 =	vld [tilespmem:s18+$0x10];
	[tilespmem:s16+$0x20] =	vst v12;
	v13 =	vpsel !p3, $0x0, v13;
	v14 =	vpop (erf)  }
0xe4: {  	v12 =	vadd.f32 $1.000000000e+00, v10;
	v10 =	vld [tilespmem:s18+$0x20];
	v14 =	vpsel !p4, $0x0, v14;
	[tilespmem:s16+$0x30] =	vst v13  }
0xe5: {  	s19 =	sadd.s32 $0x80, s19;
	v13 =	vadd.f32 $1.000000000e+00, v11;
	v11 =	vld [tilespmem:s18+$0x30];
	[tilespmem:s16+$0xFFFFFFF0] =	vst v14;
	s16 =	smov.u32 s18  }
0xe6: {  	v7 =	vadd.f32 $1.000000000e+00, v7;
	v14 =	vld [tilespmem:s18+$0xFFFFFFF0];
	(erf) = vrcp.f32 v12  }
0xe7: {  	v8 =	vadd.f32 $1.000000000e+00, v8;
	(erf) = vrcp.f32 v13  }
0xe8: {  	v9 =	vadd.f32 $1.000000000e+00, v9;
	(erf) = vrcp.f32 v7  }
0xe9: {  	v7 =	vadd.f32 $1.000000000e+00, v10;
	(erf) = vrcp.f32 v8  }
0xea: {  	v8 =	vadd.f32 $1.000000000e+00, v11;
	(erf) = vrcp.f32 v9  }
0xeb: {  	v63 =	vadd.f32 $1.000000000e+00, v14;
	(erf) = vrcp.f32 v7  }
0xec: {  	(erf) = vrcp.f32 v8  }
0xed: {  	(erf) = vrcp.f32 v63  }
0xee: {  	s24 =	sadd.s32 $0xFFFFFF90, s17  }
0xef: {  	s25 =	sadd.s32 $0xFFFFFFA0, s17;
	p2 =	slt.u32 s24, $0x2710;
	v7 =	vpop (erf)  }
0xf0: {  	s26 =	sadd.s32 $0xFFFFFFB0, s17;
	p5 =	slt.u32 s25, $0x2710;
	v7 =	vpsel !p2, $0x0, v7;
	v8 =	vpop (erf)  }
0xf1: {  	s28 =	sadd.s32 $0xFFFFFFD0, s17;
	p6 =	slt.u32 s26, $0x2710;
	[tilespmem:s16+$0xFFFFFFC0] =	vst v7;
	v7 =	vpsel !p5, $0x0, v8;
	v8 =	vpop (erf)  }
0xf2: {  	s29 =	sadd.s32 $0xFFFFFFE0, s17;
	p3 =	slt.u32 s28, $0x2710;
	[tilespmem:s16+$0xFFFFFFD0] =	vst v7;
	v7 =	vpsel !p6, $0x0, v8;
	v8 =	vpop (erf)  }
0xf3: {  	s30 =	sadd.s32 $0xFFFFFFF0, s17;
	p4 =	slt.u32 s29, $0x2710;
	[tilespmem:s16+$0xFFFFFFE0] =	vst v7;
	v7 =	vpsel !p3, $0x0, v8;
	v8 =	vpop (erf)  }
0xf4: {  	p5 =	slt.u32 s30, $0x2710;
	[tilespmem:s16+$0x0] =	vst v7;
	v7 =	vpsel !p4, $0x0, v8;
	v8 =	vpop (erf)  }
0xf5: {  	s31 =	sadd.s32 $0xFFFFFFC0, s17;
	p6 =	slt.u32 s17, $0x2710;
	[tilespmem:s16+$0x10] =	vst v7;
	v7 =	vpsel !p5, $0x0, v8;
	v8 =	vpop (erf)  }
0xf6: {  	p3 =	slt.u32 s31, $0x2710;
	[tilespmem:s16+$0x20] =	vst v7;
	v7 =	vpsel !p6, $0x0, v8;
	v8 =	vpop (erf)  }
0xf7: {  	v8 =	vpsel !p3, $0x0, v8;
	[tilespmem:s16+$0x30] =	vst v7  }
0xf8: {  	s17 =	simm.s32 @!p1 $0x800;
	[tilespmem:s16+$0xFFFFFFF0] =	vst v8;
	s16 =	simm.s32 @!p1 $0x0  }
0xf9: {  	[hbm4b:s3+s16] =	stream.linear.scatter @!p1 [tilespmem:s17], [sflag:$0x1], $0x2800, $0x38;
	[tilespmem:$0x5B00] =	vst v63  }
0xfa: {  	s16 =	simm.s32 @!p1 $0x1  }
0xfb: {  	_ =	swait.ge @!p1 [sflag:s16], $0x2800  }
0xfc: {  	[sflag:s16] =	ssyncset.done @!p1 $0x0  }
0xfd: {  	[sflag:s16] =	ssyncadd.s32 @!p1 $0xFFFFD800;
	s16 =	simm.s32 $0x0  }
.LBB2_8:
0xfe: {  	s17 =	sadd.s32 s16, s8  }
0xff: {  	[tilespmem:s2], [sflag:$0x1] =	stream.linear.gather [hbm4b:s17+s2], $0x400, $0x38;
	[tilespmem:$0x5B00] =	vst v63  }
0x100: {  	_ =	swait.ge [sflag:s10], $0x400  }
0x101: {  	[sflag:s10] =	ssyncset.done $0x0  }
0x102: {  	s31 =	sadd.s32 s16, s7;
	[sflag:s10] =	ssyncadd.s32 $0xFFFFFC00  }
0x103: {  	[tilespmem:s9], [sflag:$0x1] =	stream.linear.gather [hbm4b:s31+s2], $0x400, $0x38;
	[tilespmem:$0x5B00] =	vst v63  }
0x104: {  	_ =	swait.ge [sflag:s10], $0x400  }
0x105: {  	[sflag:s10] =	ssyncset.done $0x0  }
0x106: {  	[sflag:s10] =	ssyncadd.s32 $0xFFFFFC00  }
0x107: {  	v7 =	vld [tilespmem:$0x400];
	_ =	sdelay $0x4  }
0x108: {  	v8 =	vld [tilespmem:$0x0];
	_ =	sdelay $0x2  }
0x109: {  	v7 =	vld.idx.msk [tilespmem:v7+s11+$0x0], $0xffff;
	_ =	sdelay $0x4  }
0x10a: {  	[tilespmem:v8+s14+$0x0] =	vst.idx.add.f32.msk $0xffff, v7  }
0x10b: {  	v7 =	vld [tilespmem:$0x410];
	_ =	sdelay $0x4  }
0x10c: {  	v8 =	vld [tilespmem:$0x10];
	_ =	sdelay $0x2  }
0x10d: {  	v7 =	vld.idx.msk [tilespmem:v7+s11+$0x0], $0xffff;
	_ =	sdelay $0x4  }
0x10e: {  	[tilespmem:v8+s14+$0x0] =	vst.idx.add.f32.msk $0xffff, v7  }
0x10f: {  	v7 =	vld [tilespmem:$0x420];
	_ =	sdelay $0x4  }
0x110: {  	v8 =	vld [tilespmem:$0x20];
	_ =	sdelay $0x2  }
0x111: {  	v7 =	vld.idx.msk [tilespmem:v7+s11+$0x0], $0xffff;
	_ =	sdelay $0x4  }
0x112: {  	[tilespmem:v8+s14+$0x0] =	vst.idx.add.f32.msk $0xffff, v7  }
0x113: {  	v7 =	vld [tilespmem:$0x430];
	_ =	sdelay $0x4  }
0x114: {  	v8 =	vld [tilespmem:$0x30];
	_ =	sdelay $0x2  }
0x115: {  	v7 =	vld.idx.msk [tilespmem:v7+s11+$0x0], $0xffff;
	_ =	sdelay $0x4  }
0x116: {  	[tilespmem:v8+s14+$0x0] =	vst.idx.add.f32.msk $0xffff, v7  }
0x117: {  	v7 =	vld [tilespmem:$0x440];
	_ =	sdelay $0x4  }
0x118: {  	v8 =	vld [tilespmem:$0x40];
	_ =	sdelay $0x2  }
0x119: {  	v7 =	vld.idx.msk [tilespmem:v7+s11+$0x0], $0xffff;
	_ =	sdelay $0x4  }
0x11a: {  	[tilespmem:v8+s14+$0x0] =	vst.idx.add.f32.msk $0xffff, v7  }
0x11b: {  	v7 =	vld [tilespmem:$0x450];
	_ =	sdelay $0x4  }
0x11c: {  	v8 =	vld [tilespmem:$0x50];
	_ =	sdelay $0x2  }
0x11d: {  	v7 =	vld.idx.msk [tilespmem:v7+s11+$0x0], $0xffff;
	_ =	sdelay $0x4  }
0x11e: {  	[tilespmem:v8+s14+$0x0] =	vst.idx.add.f32.msk $0xffff, v7  }
0x11f: {  	v7 =	vld [tilespmem:$0x460];
	_ =	sdelay $0x4  }
0x120: {  	v8 =	vld [tilespmem:$0x60];
	_ =	sdelay $0x2  }
0x121: {  	v7 =	vld.idx.msk [tilespmem:v7+s11+$0x0], $0xffff;
	_ =	sdelay $0x4  }
0x122: {  	[tilespmem:v8+s14+$0x0] =	vst.idx.add.f32.msk $0xffff, v7  }
0x123: {  	v7 =	vld [tilespmem:$0x470];
	_ =	sdelay $0x4  }
0x124: {  	v8 =	vld [tilespmem:$0x70];
	_ =	sdelay $0x2  }
0x125: {  	v7 =	vld.idx.msk [tilespmem:v7+s11+$0x0], $0xffff;
	_ =	sdelay $0x4  }
0x126: {  	[tilespmem:v8+s14+$0x0] =	vst.idx.add.f32.msk $0xffff, v7  }
0x127: {  	v7 =	vld [tilespmem:$0x480];
	_ =	sdelay $0x4  }
0x128: {  	v8 =	vld [tilespmem:$0x80];
	_ =	sdelay $0x2  }
0x129: {  	v7 =	vld.idx.msk [tilespmem:v7+s11+$0x0], $0xffff;
	_ =	sdelay $0x4  }
0x12a: {  	[tilespmem:v8+s14+$0x0] =	vst.idx.add.f32.msk $0xffff, v7  }
0x12b: {  	v7 =	vld [tilespmem:$0x490];
	_ =	sdelay $0x4  }
0x12c: {  	v8 =	vld [tilespmem:$0x90];
	_ =	sdelay $0x2  }
0x12d: {  	v7 =	vld.idx.msk [tilespmem:v7+s11+$0x0], $0xffff;
	_ =	sdelay $0x4  }
0x12e: {  	[tilespmem:v8+s14+$0x0] =	vst.idx.add.f32.msk $0xffff, v7  }
0x12f: {  	v7 =	vld [tilespmem:$0x4A0];
	_ =	sdelay $0x4  }
0x130: {  	v8 =	vld [tilespmem:$0xA0];
	_ =	sdelay $0x2  }
0x131: {  	v7 =	vld.idx.msk [tilespmem:v7+s11+$0x0], $0xffff;
	_ =	sdelay $0x4  }
0x132: {  	[tilespmem:v8+s14+$0x0] =	vst.idx.add.f32.msk $0xffff, v7  }
0x133: {  	v7 =	vld [tilespmem:$0x4B0];
	_ =	sdelay $0x4  }
0x134: {  	v8 =	vld [tilespmem:$0xB0];
	_ =	sdelay $0x2  }
0x135: {  	v7 =	vld.idx.msk [tilespmem:v7+s11+$0x0], $0xffff;
	_ =	sdelay $0x4  }
0x136: {  	[tilespmem:v8+s14+$0x0] =	vst.idx.add.f32.msk $0xffff, v7  }
0x137: {  	v7 =	vld [tilespmem:$0x4C0];
	_ =	sdelay $0x4  }
0x138: {  	v8 =	vld [tilespmem:$0xC0];
	_ =	sdelay $0x2  }
0x139: {  	v7 =	vld.idx.msk [tilespmem:v7+s11+$0x0], $0xffff;
	_ =	sdelay $0x4  }
0x13a: {  	[tilespmem:v8+s14+$0x0] =	vst.idx.add.f32.msk $0xffff, v7  }
0x13b: {  	v7 =	vld [tilespmem:$0x4D0];
	_ =	sdelay $0x4  }
0x13c: {  	v8 =	vld [tilespmem:$0xD0];
	_ =	sdelay $0x2  }
0x13d: {  	v7 =	vld.idx.msk [tilespmem:v7+s11+$0x0], $0xffff;
	_ =	sdelay $0x4  }
0x13e: {  	[tilespmem:v8+s14+$0x0] =	vst.idx.add.f32.msk $0xffff, v7  }
0x13f: {  	v7 =	vld [tilespmem:$0x4E0];
	_ =	sdelay $0x4  }
0x140: {  	v8 =	vld [tilespmem:$0xE0];
	_ =	sdelay $0x2  }
0x141: {  	v7 =	vld.idx.msk [tilespmem:v7+s11+$0x0], $0xffff;
	_ =	sdelay $0x4  }
0x142: {  	[tilespmem:v8+s14+$0x0] =	vst.idx.add.f32.msk $0xffff, v7  }
0x143: {  	v7 =	vld [tilespmem:$0x4F0];
	_ =	sdelay $0x4  }
0x144: {  	v8 =	vld [tilespmem:$0xF0];
	_ =	sdelay $0x2  }
0x145: {  	v7 =	vld.idx.msk [tilespmem:v7+s11+$0x0], $0xffff;
	_ =	sdelay $0x4  }
0x146: {  	[tilespmem:v8+s14+$0x0] =	vst.idx.add.f32.msk $0xffff, v7  }
0x147: {  	v7 =	vld [tilespmem:$0x500];
	_ =	sdelay $0x4  }
0x148: {  	v8 =	vld [tilespmem:$0x100];
	_ =	sdelay $0x2  }
0x149: {  	v7 =	vld.idx.msk [tilespmem:v7+s11+$0x0], $0xffff;
	_ =	sdelay $0x4  }
0x14a: {  	[tilespmem:v8+s14+$0x0] =	vst.idx.add.f32.msk $0xffff, v7  }
0x14b: {  	v7 =	vld [tilespmem:$0x510];
	_ =	sdelay $0x4  }
0x14c: {  	v8 =	vld [tilespmem:$0x110];
	_ =	sdelay $0x2  }
0x14d: {  	v7 =	vld.idx.msk [tilespmem:v7+s11+$0x0], $0xffff;
	_ =	sdelay $0x4  }
0x14e: {  	[tilespmem:v8+s14+$0x0] =	vst.idx.add.f32.msk $0xffff, v7  }
0x14f: {  	v7 =	vld [tilespmem:$0x520];
	_ =	sdelay $0x4  }
0x150: {  	v8 =	vld [tilespmem:$0x120];
	_ =	sdelay $0x2  }
0x151: {  	v7 =	vld.idx.msk [tilespmem:v7+s11+$0x0], $0xffff;
	_ =	sdelay $0x4  }
0x152: {  	[tilespmem:v8+s14+$0x0] =	vst.idx.add.f32.msk $0xffff, v7  }
0x153: {  	v7 =	vld [tilespmem:$0x530];
	_ =	sdelay $0x4  }
0x154: {  	v8 =	vld [tilespmem:$0x130];
	_ =	sdelay $0x2  }
0x155: {  	v7 =	vld.idx.msk [tilespmem:v7+s11+$0x0], $0xffff;
	_ =	sdelay $0x4  }
0x156: {  	[tilespmem:v8+s14+$0x0] =	vst.idx.add.f32.msk $0xffff, v7  }
0x157: {  	v7 =	vld [tilespmem:$0x540];
	_ =	sdelay $0x4  }
0x158: {  	v8 =	vld [tilespmem:$0x140];
	_ =	sdelay $0x2  }
0x159: {  	v7 =	vld.idx.msk [tilespmem:v7+s11+$0x0], $0xffff;
	_ =	sdelay $0x4  }
0x15a: {  	[tilespmem:v8+s14+$0x0] =	vst.idx.add.f32.msk $0xffff, v7  }
0x15b: {  	v7 =	vld [tilespmem:$0x550];
	_ =	sdelay $0x4  }
0x15c: {  	v8 =	vld [tilespmem:$0x150];
	_ =	sdelay $0x2  }
0x15d: {  	v7 =	vld.idx.msk [tilespmem:v7+s11+$0x0], $0xffff;
	_ =	sdelay $0x4  }
0x15e: {  	[tilespmem:v8+s14+$0x0] =	vst.idx.add.f32.msk $0xffff, v7  }
0x15f: {  	v7 =	vld [tilespmem:$0x560];
	_ =	sdelay $0x4  }
0x160: {  	v8 =	vld [tilespmem:$0x160];
	_ =	sdelay $0x2  }
0x161: {  	v7 =	vld.idx.msk [tilespmem:v7+s11+$0x0], $0xffff;
	_ =	sdelay $0x4  }
0x162: {  	[tilespmem:v8+s14+$0x0] =	vst.idx.add.f32.msk $0xffff, v7  }
0x163: {  	v7 =	vld [tilespmem:$0x570];
	_ =	sdelay $0x4  }
0x164: {  	v8 =	vld [tilespmem:$0x170];
	_ =	sdelay $0x2  }
0x165: {  	v7 =	vld.idx.msk [tilespmem:v7+s11+$0x0], $0xffff;
	_ =	sdelay $0x4  }
0x166: {  	[tilespmem:v8+s14+$0x0] =	vst.idx.add.f32.msk $0xffff, v7  }
0x167: {  	v7 =	vld [tilespmem:$0x580];
	_ =	sdelay $0x4  }
0x168: {  	v8 =	vld [tilespmem:$0x180];
	_ =	sdelay $0x2  }
0x169: {  	v7 =	vld.idx.msk [tilespmem:v7+s11+$0x0], $0xffff;
	_ =	sdelay $0x4  }
0x16a: {  	[tilespmem:v8+s14+$0x0] =	vst.idx.add.f32.msk $0xffff, v7  }
0x16b: {  	v7 =	vld [tilespmem:$0x590];
	_ =	sdelay $0x4  }
0x16c: {  	v8 =	vld [tilespmem:$0x190];
	_ =	sdelay $0x2  }
0x16d: {  	v7 =	vld.idx.msk [tilespmem:v7+s11+$0x0], $0xffff;
	_ =	sdelay $0x4  }
0x16e: {  	[tilespmem:v8+s14+$0x0] =	vst.idx.add.f32.msk $0xffff, v7  }
0x16f: {  	v7 =	vld [tilespmem:$0x5A0];
	_ =	sdelay $0x4  }
0x170: {  	v8 =	vld [tilespmem:$0x1A0];
	_ =	sdelay $0x2  }
0x171: {  	v7 =	vld.idx.msk [tilespmem:v7+s11+$0x0], $0xffff;
	_ =	sdelay $0x4  }
0x172: {  	[tilespmem:v8+s14+$0x0] =	vst.idx.add.f32.msk $0xffff, v7  }
0x173: {  	v7 =	vld [tilespmem:$0x5B0];
	_ =	sdelay $0x4  }
0x174: {  	v8 =	vld [tilespmem:$0x1B0];
	_ =	sdelay $0x2  }
0x175: {  	v7 =	vld.idx.msk [tilespmem:v7+s11+$0x0], $0xffff;
	_ =	sdelay $0x4  }
0x176: {  	[tilespmem:v8+s14+$0x0] =	vst.idx.add.f32.msk $0xffff, v7  }
0x177: {  	v7 =	vld [tilespmem:$0x5C0];
	_ =	sdelay $0x4  }
0x178: {  	v8 =	vld [tilespmem:$0x1C0];
	_ =	sdelay $0x2  }
0x179: {  	v7 =	vld.idx.msk [tilespmem:v7+s11+$0x0], $0xffff;
	_ =	sdelay $0x4  }
0x17a: {  	[tilespmem:v8+s14+$0x0] =	vst.idx.add.f32.msk $0xffff, v7  }
0x17b: {  	v7 =	vld [tilespmem:$0x5D0];
	_ =	sdelay $0x4  }
0x17c: {  	v8 =	vld [tilespmem:$0x1D0];
	_ =	sdelay $0x2  }
0x17d: {  	v7 =	vld.idx.msk [tilespmem:v7+s11+$0x0], $0xffff;
	_ =	sdelay $0x4  }
0x17e: {  	[tilespmem:v8+s14+$0x0] =	vst.idx.add.f32.msk $0xffff, v7  }
0x17f: {  	v7 =	vld [tilespmem:$0x5E0];
	_ =	sdelay $0x4  }
0x180: {  	v8 =	vld [tilespmem:$0x1E0];
	_ =	sdelay $0x2  }
0x181: {  	v7 =	vld.idx.msk [tilespmem:v7+s11+$0x0], $0xffff;
	_ =	sdelay $0x4  }
0x182: {  	[tilespmem:v8+s14+$0x0] =	vst.idx.add.f32.msk $0xffff, v7  }
0x183: {  	v7 =	vld [tilespmem:$0x5F0];
	_ =	sdelay $0x4  }
0x184: {  	v8 =	vld [tilespmem:$0x1F0];
	_ =	sdelay $0x2  }
0x185: {  	v7 =	vld.idx.msk [tilespmem:v7+s11+$0x0], $0xffff;
	_ =	sdelay $0x4  }
0x186: {  	[tilespmem:v8+s14+$0x0] =	vst.idx.add.f32.msk $0xffff, v7  }
0x187: {  	v7 =	vld [tilespmem:$0x600];
	_ =	sdelay $0x4  }
0x188: {  	v8 =	vld [tilespmem:$0x200];
	_ =	sdelay $0x2  }
0x189: {  	v7 =	vld.idx.msk [tilespmem:v7+s11+$0x0], $0xffff;
	_ =	sdelay $0x4  }
0x18a: {  	[tilespmem:v8+s14+$0x0] =	vst.idx.add.f32.msk $0xffff, v7  }
0x18b: {  	v7 =	vld [tilespmem:$0x610];
	_ =	sdelay $0x4  }
0x18c: {  	v8 =	vld [tilespmem:$0x210];
	_ =	sdelay $0x2  }
0x18d: {  	v7 =	vld.idx.msk [tilespmem:v7+s11+$0x0], $0xffff;
	_ =	sdelay $0x4  }
0x18e: {  	[tilespmem:v8+s14+$0x0] =	vst.idx.add.f32.msk $0xffff, v7  }
0x18f: {  	v7 =	vld [tilespmem:$0x620];
	_ =	sdelay $0x4  }
0x190: {  	v8 =	vld [tilespmem:$0x220];
	_ =	sdelay $0x2  }
0x191: {  	v7 =	vld.idx.msk [tilespmem:v7+s11+$0x0], $0xffff;
	_ =	sdelay $0x4  }
0x192: {  	[tilespmem:v8+s14+$0x0] =	vst.idx.add.f32.msk $0xffff, v7  }
0x193: {  	v7 =	vld [tilespmem:$0x630];
	_ =	sdelay $0x4  }
0x194: {  	v8 =	vld [tilespmem:$0x230];
	_ =	sdelay $0x2  }
0x195: {  	v7 =	vld.idx.msk [tilespmem:v7+s11+$0x0], $0xffff;
	_ =	sdelay $0x4  }
0x196: {  	[tilespmem:v8+s14+$0x0] =	vst.idx.add.f32.msk $0xffff, v7  }
0x197: {  	v7 =	vld [tilespmem:$0x640];
	_ =	sdelay $0x4  }
0x198: {  	v8 =	vld [tilespmem:$0x240];
	_ =	sdelay $0x2  }
0x199: {  	v7 =	vld.idx.msk [tilespmem:v7+s11+$0x0], $0xffff;
	_ =	sdelay $0x4  }
0x19a: {  	[tilespmem:v8+s14+$0x0] =	vst.idx.add.f32.msk $0xffff, v7  }
0x19b: {  	v7 =	vld [tilespmem:$0x650];
	_ =	sdelay $0x4  }
0x19c: {  	v8 =	vld [tilespmem:$0x250];
	_ =	sdelay $0x2  }
0x19d: {  	v7 =	vld.idx.msk [tilespmem:v7+s11+$0x0], $0xffff;
	_ =	sdelay $0x4  }
0x19e: {  	[tilespmem:v8+s14+$0x0] =	vst.idx.add.f32.msk $0xffff, v7  }
0x19f: {  	v7 =	vld [tilespmem:$0x660];
	_ =	sdelay $0x4  }
0x1a0: {  	v8 =	vld [tilespmem:$0x260];
	_ =	sdelay $0x2  }
0x1a1: {  	v7 =	vld.idx.msk [tilespmem:v7+s11+$0x0], $0xffff;
	_ =	sdelay $0x4  }
0x1a2: {  	[tilespmem:v8+s14+$0x0] =	vst.idx.add.f32.msk $0xffff, v7  }
0x1a3: {  	v7 =	vld [tilespmem:$0x670];
	_ =	sdelay $0x4  }
0x1a4: {  	v8 =	vld [tilespmem:$0x270];
	_ =	sdelay $0x2  }
0x1a5: {  	v7 =	vld.idx.msk [tilespmem:v7+s11+$0x0], $0xffff;
	_ =	sdelay $0x4  }
0x1a6: {  	[tilespmem:v8+s14+$0x0] =	vst.idx.add.f32.msk $0xffff, v7  }
0x1a7: {  	v7 =	vld [tilespmem:$0x680];
	_ =	sdelay $0x4  }
0x1a8: {  	v8 =	vld [tilespmem:$0x280];
	_ =	sdelay $0x2  }
0x1a9: {  	v7 =	vld.idx.msk [tilespmem:v7+s11+$0x0], $0xffff;
	_ =	sdelay $0x4  }
0x1aa: {  	[tilespmem:v8+s14+$0x0] =	vst.idx.add.f32.msk $0xffff, v7  }
0x1ab: {  	v7 =	vld [tilespmem:$0x690];
	_ =	sdelay $0x4  }
0x1ac: {  	v8 =	vld [tilespmem:$0x290];
	_ =	sdelay $0x2  }
0x1ad: {  	v7 =	vld.idx.msk [tilespmem:v7+s11+$0x0], $0xffff;
	_ =	sdelay $0x4  }
0x1ae: {  	[tilespmem:v8+s14+$0x0] =	vst.idx.add.f32.msk $0xffff, v7  }
0x1af: {  	v7 =	vld [tilespmem:$0x6A0];
	_ =	sdelay $0x4  }
0x1b0: {  	v8 =	vld [tilespmem:$0x2A0];
	_ =	sdelay $0x2  }
0x1b1: {  	v7 =	vld.idx.msk [tilespmem:v7+s11+$0x0], $0xffff;
	_ =	sdelay $0x4  }
0x1b2: {  	[tilespmem:v8+s14+$0x0] =	vst.idx.add.f32.msk $0xffff, v7  }
0x1b3: {  	v7 =	vld [tilespmem:$0x6B0];
	_ =	sdelay $0x4  }
0x1b4: {  	v8 =	vld [tilespmem:$0x2B0];
	_ =	sdelay $0x2  }
0x1b5: {  	v7 =	vld.idx.msk [tilespmem:v7+s11+$0x0], $0xffff;
	_ =	sdelay $0x4  }
0x1b6: {  	[tilespmem:v8+s14+$0x0] =	vst.idx.add.f32.msk $0xffff, v7  }
0x1b7: {  	v7 =	vld [tilespmem:$0x6C0];
	_ =	sdelay $0x4  }
0x1b8: {  	v8 =	vld [tilespmem:$0x2C0];
	_ =	sdelay $0x2  }
0x1b9: {  	v7 =	vld.idx.msk [tilespmem:v7+s11+$0x0], $0xffff;
	_ =	sdelay $0x4  }
0x1ba: {  	[tilespmem:v8+s14+$0x0] =	vst.idx.add.f32.msk $0xffff, v7  }
0x1bb: {  	v7 =	vld [tilespmem:$0x6D0];
	_ =	sdelay $0x4  }
0x1bc: {  	v8 =	vld [tilespmem:$0x2D0];
	_ =	sdelay $0x2  }
0x1bd: {  	v7 =	vld.idx.msk [tilespmem:v7+s11+$0x0], $0xffff;
	_ =	sdelay $0x4  }
0x1be: {  	[tilespmem:v8+s14+$0x0] =	vst.idx.add.f32.msk $0xffff, v7  }
0x1bf: {  	v7 =	vld [tilespmem:$0x6E0];
	_ =	sdelay $0x4  }
0x1c0: {  	v8 =	vld [tilespmem:$0x2E0];
	_ =	sdelay $0x2  }
0x1c1: {  	v7 =	vld.idx.msk [tilespmem:v7+s11+$0x0], $0xffff;
	_ =	sdelay $0x4  }
0x1c2: {  	[tilespmem:v8+s14+$0x0] =	vst.idx.add.f32.msk $0xffff, v7  }
0x1c3: {  	v7 =	vld [tilespmem:$0x6F0];
	_ =	sdelay $0x4  }
0x1c4: {  	v8 =	vld [tilespmem:$0x2F0];
	_ =	sdelay $0x2  }
0x1c5: {  	v7 =	vld.idx.msk [tilespmem:v7+s11+$0x0], $0xffff;
	_ =	sdelay $0x4  }
0x1c6: {  	[tilespmem:v8+s14+$0x0] =	vst.idx.add.f32.msk $0xffff, v7  }
0x1c7: {  	v7 =	vld [tilespmem:$0x700];
	_ =	sdelay $0x4  }
0x1c8: {  	v8 =	vld [tilespmem:$0x300];
	_ =	sdelay $0x2  }
0x1c9: {  	v7 =	vld.idx.msk [tilespmem:v7+s11+$0x0], $0xffff;
	_ =	sdelay $0x4  }
0x1ca: {  	[tilespmem:v8+s14+$0x0] =	vst.idx.add.f32.msk $0xffff, v7  }
0x1cb: {  	v7 =	vld [tilespmem:$0x710];
	_ =	sdelay $0x4  }
0x1cc: {  	v8 =	vld [tilespmem:$0x310];
	_ =	sdelay $0x2  }
0x1cd: {  	v7 =	vld.idx.msk [tilespmem:v7+s11+$0x0], $0xffff;
	_ =	sdelay $0x4  }
0x1ce: {  	[tilespmem:v8+s14+$0x0] =	vst.idx.add.f32.msk $0xffff, v7  }
0x1cf: {  	v7 =	vld [tilespmem:$0x720];
	_ =	sdelay $0x4  }
0x1d0: {  	v8 =	vld [tilespmem:$0x320];
	_ =	sdelay $0x2  }
0x1d1: {  	v7 =	vld.idx.msk [tilespmem:v7+s11+$0x0], $0xffff;
	_ =	sdelay $0x4  }
0x1d2: {  	[tilespmem:v8+s14+$0x0] =	vst.idx.add.f32.msk $0xffff, v7  }
0x1d3: {  	v7 =	vld [tilespmem:$0x730];
	_ =	sdelay $0x4  }
0x1d4: {  	v8 =	vld [tilespmem:$0x330];
	_ =	sdelay $0x2  }
0x1d5: {  	v7 =	vld.idx.msk [tilespmem:v7+s11+$0x0], $0xffff;
	_ =	sdelay $0x4  }
0x1d6: {  	[tilespmem:v8+s14+$0x0] =	vst.idx.add.f32.msk $0xffff, v7  }
0x1d7: {  	v7 =	vld [tilespmem:$0x740];
	_ =	sdelay $0x4  }
0x1d8: {  	v8 =	vld [tilespmem:$0x340];
	_ =	sdelay $0x2  }
0x1d9: {  	v7 =	vld.idx.msk [tilespmem:v7+s11+$0x0], $0xffff;
	_ =	sdelay $0x4  }
0x1da: {  	[tilespmem:v8+s14+$0x0] =	vst.idx.add.f32.msk $0xffff, v7  }
0x1db: {  	v7 =	vld [tilespmem:$0x750];
	_ =	sdelay $0x4  }
0x1dc: {  	v8 =	vld [tilespmem:$0x350];
	_ =	sdelay $0x2  }
0x1dd: {  	v7 =	vld.idx.msk [tilespmem:v7+s11+$0x0], $0xffff;
	_ =	sdelay $0x4  }
0x1de: {  	[tilespmem:v8+s14+$0x0] =	vst.idx.add.f32.msk $0xffff, v7  }
0x1df: {  	v7 =	vld [tilespmem:$0x760];
	_ =	sdelay $0x4  }
0x1e0: {  	v8 =	vld [tilespmem:$0x360];
	_ =	sdelay $0x2  }
0x1e1: {  	v7 =	vld.idx.msk [tilespmem:v7+s11+$0x0], $0xffff;
	_ =	sdelay $0x4  }
0x1e2: {  	[tilespmem:v8+s14+$0x0] =	vst.idx.add.f32.msk $0xffff, v7  }
0x1e3: {  	v7 =	vld [tilespmem:$0x770];
	_ =	sdelay $0x4  }
0x1e4: {  	v8 =	vld [tilespmem:$0x370];
	_ =	sdelay $0x2  }
0x1e5: {  	v7 =	vld.idx.msk [tilespmem:v7+s11+$0x0], $0xffff;
	_ =	sdelay $0x4  }
0x1e6: {  	[tilespmem:v8+s14+$0x0] =	vst.idx.add.f32.msk $0xffff, v7  }
0x1e7: {  	v7 =	vld [tilespmem:$0x780];
	_ =	sdelay $0x4  }
0x1e8: {  	v8 =	vld [tilespmem:$0x380];
	_ =	sdelay $0x2  }
0x1e9: {  	v7 =	vld.idx.msk [tilespmem:v7+s11+$0x0], $0xffff;
	_ =	sdelay $0x4  }
0x1ea: {  	[tilespmem:v8+s14+$0x0] =	vst.idx.add.f32.msk $0xffff, v7  }
0x1eb: {  	v7 =	vld [tilespmem:$0x790];
	_ =	sdelay $0x4  }
0x1ec: {  	v8 =	vld [tilespmem:$0x390];
	_ =	sdelay $0x2  }
0x1ed: {  	v7 =	vld.idx.msk [tilespmem:v7+s11+$0x0], $0xffff;
	_ =	sdelay $0x4  }
0x1ee: {  	[tilespmem:v8+s14+$0x0] =	vst.idx.add.f32.msk $0xffff, v7  }
0x1ef: {  	v7 =	vld [tilespmem:$0x7A0];
	_ =	sdelay $0x4  }
0x1f0: {  	v8 =	vld [tilespmem:$0x3A0];
	_ =	sdelay $0x2  }
0x1f1: {  	v7 =	vld.idx.msk [tilespmem:v7+s11+$0x0], $0xffff;
	_ =	sdelay $0x4  }
0x1f2: {  	[tilespmem:v8+s14+$0x0] =	vst.idx.add.f32.msk $0xffff, v7  }
0x1f3: {  	v7 =	vld [tilespmem:$0x7B0];
	_ =	sdelay $0x4  }
0x1f4: {  	v8 =	vld [tilespmem:$0x3B0];
	_ =	sdelay $0x2  }
0x1f5: {  	v7 =	vld.idx.msk [tilespmem:v7+s11+$0x0], $0xffff;
	_ =	sdelay $0x4  }
0x1f6: {  	[tilespmem:v8+s14+$0x0] =	vst.idx.add.f32.msk $0xffff, v7  }
0x1f7: {  	v7 =	vld [tilespmem:$0x7C0];
	_ =	sdelay $0x4  }
0x1f8: {  	v8 =	vld [tilespmem:$0x3C0];
	_ =	sdelay $0x2  }
0x1f9: {  	v7 =	vld.idx.msk [tilespmem:v7+s11+$0x0], $0xffff;
	_ =	sdelay $0x4  }
0x1fa: {  	[tilespmem:v8+s14+$0x0] =	vst.idx.add.f32.msk $0xffff, v7  }
0x1fb: {  	v7 =	vld [tilespmem:$0x7D0];
	_ =	sdelay $0x4  }
0x1fc: {  	v8 =	vld [tilespmem:$0x3D0];
	_ =	sdelay $0x2  }
0x1fd: {  	v7 =	vld.idx.msk [tilespmem:v7+s11+$0x0], $0xffff;
	_ =	sdelay $0x4  }
0x1fe: {  	[tilespmem:v8+s14+$0x0] =	vst.idx.add.f32.msk $0xffff, v7  }
0x1ff: {  	v7 =	vld [tilespmem:$0x7E0];
	_ =	sdelay $0x4  }
0x200: {  	v8 =	vld [tilespmem:$0x3E0];
	_ =	sdelay $0x2  }
0x201: {  	v7 =	vld.idx.msk [tilespmem:v7+s11+$0x0], $0xffff;
	_ =	sdelay $0x4  }
0x202: {  	[tilespmem:v8+s14+$0x0] =	vst.idx.add.f32.msk $0xffff, v7  }
0x203: {  	v7 =	vld [tilespmem:$0x7F0];
	_ =	sdelay $0x4  }
0x204: {  	v8 =	vld [tilespmem:$0x3F0];
	_ =	sdelay $0x2  }
0x205: {  	p2 =	sne.s32 s16, $0x480;
	v7 =	vld.idx.msk [tilespmem:v7+s11+$0x0], $0xffff  }
.Ltmp3:
0x206: {  	_ = 	snop;
	(pc) =	sbr.rel @p2 .LBB2_8-.Ltmp3, $2  }
0x207: {  	_ =	sdelay $0x2  }
0x208: {  	s16 =	sadd.s32 $0x80, s16;
	[tilespmem:v8+s14+$0x0] =	vst.idx.add.f32.msk $0xffff, v7  }
0x209: {  	s15 =	sadd.s32 $0x1, s15  }
0x20a: {  	p2 =	sne.s32 s15, s6  }
.Ltmp4:
0x20b: {  	_ = 	snop;
	(pc) =	sbr.rel @p2 .LBB2_1-.Ltmp4, $4  }
0x20c: {  	[hbm4b:s4+s2] =	stream.linear.scatter [tilespmem:s14], [sflag:$0x1], $0x2800, $0x38;
	[tilespmem:$0x5B00] =	vst v63  }
0x20d: {  	_ =	swait.ge [sflag:s10], $0x2800  }
0x20e: {  	[sflag:s10] =	ssyncset.done $0x0  }
0x20f: {  	[sflag:s10] =	ssyncadd.s32 $0xFFFFD800  }
0x210: {  	_ =	sfence.sel $0x180000  }
0x211: {  	[bflag:$0x0] =	sbarrier.arrive $0xFFFF  }
0x212: {  	_ =	strace $0x90000047  }
0x213: {  	s0 =	sadd.s32 @!p0 $0x100000, s0;
	[bflag:$0x2] =	sbarrier.arrive $0xFFFF  }
0x214: {  	[sflag:s0] =	ssyncadd.tile.s32 @!p0 $0x1;
	_ =	shalt  }
.Lfunc_end2:
_tile_overlayer_lowered:
.L_overlay_start_2:
0x215: {  	(tag) =	ssettag $0x2  }
0x216: {  	s0 =	rddreg [dreg:$0x0];
	s2 =	stileid.u32  }
0x217: {  	s1 =	rddreg [dreg:$0x1];
	p0 =	sne.s32 s2, $0x0  }
0x218: {  	s3 =	rddreg [dreg:$0x2];
	[bflag:$0x3] =	sbarrier.arrive $0xFFFF;
	s2 =	simm.s32 @!p0 $0x1C01  }
0x219: {  	[timem:s3], [sflag:s2] =	dma.local @!p0 [hbm:s0], s1  }
0x21a: {  	s0 =	simm.s32 @!p0 $0x1  }
0x21b: {  	_ =	swait.ge @!p0 [sflag:s0], s1  }
0x21c: {  	s1 =	ssub.s32 @!p0 $0x0, s1;
	[sflag:s0] =	ssyncset.done @!p0 $0x0  }
0x21d: {  	[sflag:s0] =	ssyncadd.s32 @!p0 s1  }
0x21e: {  	[bflag:$0x3] =	sbarrier.arrive $0xFFFF  }
0x21f: {  	_ =	shalt  }

// kernel: kernel.8.cloned.1.call-start
scs
__scs_entry_jumppad:
0x0: {  	(pc) =	sbr.rel $0x88, $3  }
0x1: {  	(tag) =	ssettag $0x0;
	lr =	simm.s32 $0x1  }
0x2: {  	[smem:$0x3F9B] =	sst lr;
	_ =	strace $0xD0000000  }
0x3: {  	_ = 	snop  }
0x4: {  	_ = 	snop  }
0x5: {  	_ = 	snop  }
0x6: {  	_ = 	snop  }
0x7: {  	_ = 	snop  }
__scs_overlays_trampoline_lowered:
0x8: {  	[smem:$0x3FAA] =	sst s0  }
0x9: {  	[smem:$0x3FAB] =	sst s1  }
0xa: {  	[smem:$0x3FAC] =	sst s2  }
0xb: {  	[smem:$0x3FAD] =	sst s3  }
0xc: {  	[smem:$0x3FAE] =	sst s4  }
0xd: {  	[smem:$0x3FAF] =	sst s5  }
0xe: {  	[smem:$0x3FB0] =	sst s6  }
0xf: {  	[smem:$0x3FB1] =	sst s7  }
0x10: {  	[smem:$0x3FB2] =	sst s8  }
0x11: {  	[smem:$0x3FB3] =	sst s9;
	s0 =	simm.s32 @!p0 $0x0  }
0x12: {  	s1 =	sld [smem:$0x3F99];
	s0 =	simm.s32 @p0 $0x1  }
0x13: {  	[smem:$0x3FB4] =	sst s0;
	s0 =	simm.s32 @!p1 $0x0  }
0x14: {  	s2 =	sld [smem:$0x3F98];
	s0 =	simm.s32 @p1 $0x1  }
0x15: {  	[smem:$0x3FB5] =	sst s0;
	s0 =	simm.s32 @!p2 $0x0  }
0x16: {  	s3 =	sld [smem:$0x3FDB];
	s0 =	simm.s32 @p2 $0x1  }
0x17: {  	s4 =	simm.s32 $0x1BF5;
	[smem:$0x3FB7] =	sst s0  }
0x18: {  	s0 =	sld [smem:$0x3F9A];
	_ =	swait.ge [sflag:s4], $0x0  }
0x19: {  	s7 =	sld [smem:$0x3F9B]  }
0x1a: {  	s8 =	sadd.s32 $0xFFFFE003, lr  }
0x1b: {  	s9 =	sadd.s32 $0xFFFFFEF7, lr;
	s5 =	simm.s32 $0xFFFFFFFF;
	p2 =	slt.u32 s8, $0xFFFFF086  }
0x1c: {  	p1 =	slt.u32 s9, $0xF7A;
	s5 =	simm.s32 @!p2 $0x0  }
0x1d: {  	s5 =	simm.s32 @p1 $0x1;
	p0 =	seq.s32 s7, s2  }
0x1e: {  	s7 =	smul.u32 @!p0 $0xF7A, s2;
	p2 =	seq.s32 @!p0 s5, $0x0  }
0x1f: {  	s9 =	smul.u32 $0xF7A, s1;
	s8 =	simm.s32 @!p0 $0x1BF5;
	p2 =	por !p2, p0  }
0x20: {  	[sflag:s8] =	ssyncset.s32 @!p0 $0xFFFFF086;
	s6 =	sadd.s32 @!p0 s3, s7;
	s7 =	simm.s32 @!p0 $0x108  }
0x21: {  	s3 =	sadd.s32 s3, s9;
	s6 =	sadd.s32 @!p0 $0x88, s6;
	s7 =	simm.s32 @p2 $0x1082  }
0x22: {  	[simem:s7], [sflag:s8] =	dma.local @!p0 [hbm:s6], $0xF7A  }
0x23: {  	s9 =	sor.u32 $0xD0000000, s2;
	s6 =	simm.s32 $0x108;
	_ =	swait.ge @!p0 [sflag:s8], $0x0  }
0x24: {  	s3 =	sadd.s32 $0x88, s3;
	s6 =	simm.s32 @!p1 $0x1082;
	[sflag:s4] =	ssyncset.s32 $0xFFFFF086  }
0x25: {  	[simem:s6], [sflag:s4] =	dma.local [hbm:s3], $0xF7A  }
0x26: {  	[smem:$0x3F9B] =	sst s1;
	(tag) =	ssettag s2;
	_ =	strace s9  }
0x27: {  	s1 =	sld [smem:$0x3FAB]  }
0x28: {  	s2 =	sld [smem:$0x3FAC]  }
0x29: {  	s4 =	sld [smem:$0x3FAE]  }
0x2a: {  	p0 =	seq.s32 s5, $0x0;
	s5 =	sld [smem:$0x3FAF]  }
0x2b: {  	s6 =	sld [smem:$0x3FB0]  }
0x2c: {  	s7 =	sld [smem:$0x3FB1]  }
0x2d: {  	s3 =	simm.s32 $0x108;
	s8 =	sld [smem:$0x3FB2]  }
0x2e: {  	s3 =	simm.s32 @!p0 $0x1082;
	s9 =	sld [smem:$0x3FB3]  }
0x2f: {  	lr =	sadd.s32 s0, s3;
	s0 =	sld [smem:$0x3FAA]  }
0x30: {  	s3 =	sld [smem:$0x3FAD]  }
0x31: {  	[smem:$0x3FB6] =	sst s10  }
0x32: {  	s10 =	sld [smem:$0x3FB4];
	_ =	sdelay $0x3  }
0x33: {  	p0 =	seq.s32 s10, $0x1;
	s10 =	sld [smem:$0x3FB6];
	_ =	sdelay $0x3  }
0x34: {  	[smem:$0x3FB6] =	sst s10  }
0x35: {  	s10 =	sld [smem:$0x3FB5];
	_ =	sdelay $0x3  }
0x36: {  	p1 =	seq.s32 s10, $0x1;
	s10 =	sld [smem:$0x3FB6];
	_ =	sdelay $0x3  }
0x37: {  	[smem:$0x3FB6] =	sst s10  }
0x38: {  	s10 =	sld [smem:$0x3FB7]  }
0x39: {  	_ = 	snop;
	(pc) =	sbr.ind lr, $3  }
0x3a: {  	_ = 	snop  }
0x3b: {  	_ = 	snop  }
0x3c: {  	p2 =	seq.s32 s10, $0x1;
	s10 =	sld [smem:$0x3FB6]  }
0x3d: {  	_ =	shalt  }
0x3e: {  	_ =	shalt  }
0x3f: {  	_ =	shalt  }
0x40: {  	_ =	shalt  }
0x41: {  	_ =	shalt  }
0x42: {  	_ =	shalt  }
0x43: {  	_ =	shalt  }
0x44: {  	_ =	shalt  }
0x45: {  	_ =	shalt  }
0x46: {  	_ =	shalt  }
0x47: {  	_ =	shalt  }
0x48: {  	_ =	shalt  }
0x49: {  	_ =	shalt  }
0x4a: {  	_ =	shalt  }
0x4b: {  	_ =	shalt  }
0x4c: {  	_ =	shalt  }
0x4d: {  	_ =	shalt  }
0x4e: {  	_ =	shalt  }
0x4f: {  	_ =	shalt  }
0x50: {  	_ =	shalt  }
0x51: {  	_ =	shalt  }
0x52: {  	_ =	shalt  }
0x53: {  	_ =	shalt  }
0x54: {  	_ =	shalt  }
0x55: {  	_ =	shalt  }
0x56: {  	_ =	shalt  }
0x57: {  	_ =	shalt  }
0x58: {  	_ =	shalt  }
0x59: {  	_ =	shalt  }
0x5a: {  	_ =	shalt  }
0x5b: {  	_ =	shalt  }
0x5c: {  	_ =	shalt  }
0x5d: {  	_ =	shalt  }
0x5e: {  	_ =	shalt  }
0x5f: {  	_ =	shalt  }
0x60: {  	_ =	shalt  }
0x61: {  	_ =	shalt  }
0x62: {  	_ =	shalt  }
0x63: {  	_ =	shalt  }
0x64: {  	_ =	shalt  }
0x65: {  	_ =	shalt  }
0x66: {  	_ =	shalt  }
0x67: {  	_ =	shalt  }
0x68: {  	_ =	shalt  }
0x69: {  	_ =	shalt  }
0x6a: {  	_ =	shalt  }
0x6b: {  	_ =	shalt  }
0x6c: {  	_ =	shalt  }
0x6d: {  	_ =	shalt  }
0x6e: {  	_ =	shalt  }
0x6f: {  	_ =	shalt  }
0x70: {  	_ =	shalt  }
0x71: {  	_ =	shalt  }
0x72: {  	_ =	shalt  }
0x73: {  	_ =	shalt  }
0x74: {  	_ =	shalt  }
0x75: {  	_ =	shalt  }
0x76: {  	_ =	shalt  }
0x77: {  	_ =	shalt  }
0x78: {  	_ =	shalt  }
0x79: {  	_ =	shalt  }
0x7a: {  	_ =	shalt  }
0x7b: {  	_ =	shalt  }
0x7c: {  	_ =	shalt  }
0x7d: {  	_ =	shalt  }
0x7e: {  	_ =	shalt  }
0x7f: {  	_ =	shalt  }
0x80: {  	_ =	shalt  }
0x81: {  	_ =	shalt  }
0x82: {  	_ =	shalt  }
0x83: {  	_ =	shalt  }
0x84: {  	_ =	shalt  }
0x85: {  	_ =	shalt  }
0x86: {  	_ =	shalt  }
0x87: {  	_ =	shalt  }
.Lfunc_end0:
.L_simem_size_0:
called_computation.1_lowered:
.L_overlay_start_0:
0x88: {  	s2 =	sld [smem:$0x3FD9]  }
0x89: {  	s3 =	sld [smem:$0x3FFE];
	_ =	sdelay $0x1  }
0x8a: {  	s1 =	srdreg.scid  }
0x8b: {  	s0 =	sand.u32 $0x1, s1  }
0x8c: {  	s17 =	sshll.u32 s0, $0xA;
	s2 =	sadd.s32 s3, s2  }
0x8d: {  	s2 =	sadd.s32 s2, s17  }
0x8e: {  	[smem:$0x3FC2] =	sst s2  }
0x8f: {  	_ = 	snop  }
0x90: {  	(tm) =	ssettm $0x1  }
0x91: {  	s18 =	sld [smem:$0x3FFB];
	_ =	sdelay $0x3  }
0x92: {  	_ =	strace s18  }
0x93: {  	s2 =	sld [smem:$0x3FFC];
	_ =	sdelay $0x3  }
0x94: {  	_ =	strace s2  }
0x95: {  	s2 =	sld [smem:$0x3FFD];
	_ =	sdelay $0x3  }
0x96: {  	_ =	strace s2  }
0x97: {  	_ =	strace $0x8FFFFFFF  }
0x98: {  	s19 =	sld [smem:$0x3FDB];
	_ =	sdelay $0x1  }
0x99: {  	s20 =	simm.s32 $_scs_section_size  }
0x9a: {  	s4 =	simm.s32 $_size__tile_overlayer_lowered;
	s5 =	simm.s32 $_tile_overlayer_lowered  }
0x9b: {  	s6 =	simm.s32 $0x1BFF;
	s21 =	sshll.u32 s5, $0x1;
	s3 =	sadd.s32 s20, s19  }
0x9c: {  	s22 =	simm.s32 $0x0;
	s4 =	sshll.u32 s4, $0x1;
	s5 =	sadd.s32 s21, s3  }
0x9d: {  	[timem:s22], [sflag:s6] =	dma.local [hbm:s5], s4  }
0x9e: {  	_ =	swait.ge [sflag:s6], s4  }
0x9f: {  	s4 =	ssub.s32 $0x0, s4;
	[sflag:s6] =	ssyncset.done $0x0  }
0xa0: {  	[sflag:s6] =	ssyncadd.s32 s4;
	_ =	sdelay $0x1  }
0xa1: {  	s23 =	simm.s32 $0x1B8B  }
0xa2: {  	_ =	swait.ge [sflag:s23], $0x1  }
0xa3: {  	[sflag:s23] =	ssyncset.done $0x0  }
0xa4: {  	[sflag:s23] =	ssyncadd.s32 $0xFFFFFFFF  }
0xa5: {  	s4 =	sld [smem:$0x0]  }
0xa6: {  	s5 =	sand.u32 $0xFFFFFFFE, s1  }
0xa7: {  	p0 =	sne.s32 s1, s5  }
0xa8: {  	s5 =	sshll.u32 @p0 s5, $0xE  }
0xa9: {  	s5 =	sadd.s32 @p0 $0x11B8D, s5;
	s6 =	sshll.u32 @p0 s4, $0x11  }
0xaa: {  	s5 =	sor.u32 @p0 s6, s5  }
0xab: {  	[sflag:s5] =	ssyncadd.remote.s32 @p0 $0x1;
	_ =	sdelay $0x1  }
0xac: {  	s5 =	simm.s32 @p0 $0x1B8D  }
0xad: {  	_ =	swait.eq @p0 [sflag:s5], $0x1  }
0xae: {  	[sflag:s5] =	ssyncadd.s32 @p0 $0xFFFFFFFF  }
0xaf: {  	s6 =	sshll.u32 @!p0 s1, $0xE  }
0xb0: {  	s6 =	sor.u32 @!p0 $0x4000, s6;
	s5 =	simm.s32 @!p0 $0x1B8D  }
0xb1: {  	s4 =	sshll.u32 @!p0 s4, $0x11;
	s6 =	sadd.s32 @!p0 $0x11B8D, s6;
	_ =	swait.eq @!p0 [sflag:s5], $0x1  }
0xb2: {  	s4 =	sor.u32 @!p0 s4, s6;
	[sflag:s5] =	ssyncadd.s32 @!p0 $0xFFFFFFFF  }
0xb3: {  	s25 =	simm.s32 $0x1B8E;
	s24 =	sld [smem:$0x3FFE];
	[sflag:s4] =	ssyncadd.remote.s32 @!p0 $0x1  }
0xb4: {  	s26 =	simm.s32 $execute0_lowered;
	[smem:$0x3FD2] =	sst s25  }
0xb5: {  	s5 =	sshll.u32 s26, $0x1;
	_ =	strace $0x80000049;
	[dreg:$0x1] =	wrdreg $0xFFFFFFFF  }
0xb6: {  	s28 =	simm.s32 $_size_execute0_lowered;
	s3 =	sadd.s32 s3, s5;
	[dreg:$0x0] =	wrdreg $0x0  }
0xb7: {  	s5 =	sshll.u32 s28, $0x1;
	[dreg:$0x2] =	wrdreg s3  }
0xb8: {  	[dreg:$0x3] =	wrdreg s5  }
0xb9: {  	[dreg:$0x4] =	wrdreg $0xC0  }
0xba: {  	_ =	task [dreg:s22], $0x5FFFF  }
0xbb: {  	[dreg:$0x1] =	wrdreg $0xFFFFFFFF  }
0xbc: {  	[dreg:$0x0] =	wrdreg $0x60  }
0xbd: {  	[dreg:$0x2] =	wrdreg s24  }
0xbe: {  	[dreg:$0x3] =	wrdreg $0x88000  }
0xbf: {  	[dreg:$0x4] =	wrdreg $0xA  }
0xc0: {  	_ =	task.clear_ibuf [dreg:s22], $0x5FFFF;
	_ =	strace $0x90000049  }
0xc1: {  	s29 =	simm.s32 $0xA;
	_ =	strace $0x8000004B  }
0xc2: {  	_ =	swait.ge [sflag:s29], $0x1  }
0xc3: {  	[sflag:s29] =	ssyncadd.s32 $0xFFFFFFFF  }
0xc4: {  	_ =	strace $0x9000004B  }
0xc5: {  	_ =	sfence  }
0xc6: {  	s30 =	sld [smem:$0x0];
	_ =	sdelay $0x2  }
0xc7: {  	s31 =	sshll.u32 s1, $0xD;
	s1 =	sshrl.u32 s1, $0x2  }
0xc8: {  	s4 =	sand.u32 $0x4000, s31;
	s1 =	sadd.s32 s1, s30  }
0xc9: {  	s0 =	sor.u32 s4, s0;
	s1 =	sshll.u32 s1, $0x11  }
0xca: {  	s0 =	sor.u32 s1, s0  }
0xcb: {  	s0 =	sadd.s32 $0x8F2B, s0  }
0xcc: {  	[sflag:s0] =	ssyncadd.remote.s32 $0x1  }
0xcd: {  	_ =	sfence.sel $0xFFFF  }
0xce: {  	[dreg:$0x0] =	wrdreg $0xFFFFFFFF;
	(pc) =	sbr.abs _section_cstart, $3  }
0xcf: {  	[dreg:$0x1] =	wrdreg $0xFFFFFFFF  }
0xd0: {  	_ =	task.clear_ibuf [dreg:s22], $0x2FFFF;
	_ =	strace $0x9FFFFFFF  }
0xd1: {  	(tm) =	ssettm $0x7FFFFFFF  }
tec
execute0_lowered:
.L_overlay_start_1:
0x0: {  	(tag) =	ssettag $0x1  }
0x1: {  	s0 =	rddreg [dreg:$0x0]  }
0x2: {  	s1 =	rddreg [dreg:$0x1];
	s2 =	srdreg.scid  }
0x3: {  	s3 =	simm.s32 $0x0;
	s8 =	stileid.u32;
	s14 =	simm.s32 $0x800  }
0x4: {  	s15 =	simm.s32 $0x3;
	s16 =	simm.s32 $0x400;
	s17 =	simm.s32 $0x80  }
0x5: {  	s28 =	simm.s32 $0x280;
	s29 =	simm.s32 $0x600;
	s6 =	smul.u32 $0x14000, s8  }
0x6: {  	s30 =	simm.s32 $0x300;
	s31 =	simm.s32 $0x680;
	s7 =	smul.u32 $0xA00, s8  }
0x7: {  	s2 =	sand.u32 $0x1, s2;
	[smem:$0x7FF] =	sst s3;
	s18 =	smul.u32 $0x50000, s8  }
0x8: {  	s4 =	sadd.s32 $0x20A00, s0;
	s5 =	smul.u32 $0x140000, s2;
	_ =	strace $0x8000004A  }
0x9: {  	s19 =	ssub.s32 $0x2, s2;
	s2 =	smul.u32 $0x500, s2;
	s7 =	sadd.s32 s7, s0  }
0xa: {  	s20 =	sshrl.u32 s19, $0x1;
	s5 =	sadd.s32 s6, s5;
	s6 =	sshrl.u32 s18, $0x2  }
0xb: {  	s8 =	ssub.s32 s19, s20;
	s25 =	sadd.s32 s2, s7;
	s18 =	simm.s32 $0x4800  }
0xc: {  	s19 =	simm.s32 $0x1;
	s20 =	simm.s32 $0x100;
	s2 =	simm.s32 $0x700  }
0xd: {  	s7 =	simm.s32 $0x0;
	s5 =	sshrl.u32 s5, $0x3;
	s26 =	smax.u32 s8, $0x1  }
0xe: {  	s10 =	sadd.s32 s6, s1;
	s12 =	sadd.s32 $0x2400, s25;
	[dreg:$0x9] =	wrdreg s26  }
0xf: {  	s13 =	sadd.s32 $0xC400, s25;
	s21 =	sadd.s32 $0x4000, s10;
	[dreg:$0x3] =	wrdreg s10  }
0x10: {  	s25 =	simm.s32 $0x200;
	s22 =	sadd.s32 $0x8000, s10;
	[dreg:$0x4] =	wrdreg s21  }
0x11: {  	s6 =	simm.s32 $0x780;
	s23 =	sadd.s32 $0xC000, s10;
	[dreg:$0x5] =	wrdreg s22  }
0x12: {  	s0 =	sadd.s32 s5, s0;
	s24 =	sadd.s32 $0x10000, s10;
	[dreg:$0x6] =	wrdreg s23  }
0x13: {  	s26 =	simm.s32 $0x580;
	[dreg:$0x7] =	wrdreg s24;
	s0 =	sadd.s32 $0x48A00, s0  }
0x14: {  	s21 =	simm.s32 $0x2;
	s22 =	simm.s32 $0x480;
	s23 =	simm.s32 $0x180  }
0x15: {  	v0 =	vimm.f32 $0.0e+00;
	s24 =	simm.s32 $0x500;
	[dreg:$0x8] =	wrdreg s0;
	s0 =	simm.s32 $0x380  }
.LBB2_1:
0x16: {  	s8 =	simm.s32 $0x0;
	s9 =	simm.s32 $0x200  }
.LBB2_2:
0x17: {  	p0 =	sne.s32 s9, $0xFE00;
	[tilespmem:s8+$0x4870] =	vst v0  }
0x18: {  	[tilespmem:s8+$0x800] =	vst v0  }
0x19: {  	[tilespmem:s8+$0x4800] =	vst v0  }
0x1a: {  	[tilespmem:s8+$0x810] =	vst v0  }
0x1b: {  	[tilespmem:s8+$0x4810] =	vst v0  }
0x1c: {  	[tilespmem:s8+$0x820] =	vst v0  }
0x1d: {  	[tilespmem:s8+$0x4820] =	vst v0  }
0x1e: {  	[tilespmem:s8+$0x830] =	vst v0  }
0x1f: {  	[tilespmem:s8+$0x4830] =	vst v0  }
0x20: {  	[tilespmem:s8+$0x840] =	vst v0  }
0x21: {  	[tilespmem:s8+$0x4840] =	vst v0  }
.Ltmp0:
0x22: {  	[tilespmem:s8+$0x850] =	vst v0;
	(pc) =	sbr.rel @p0 .LBB2_2-.Ltmp0, $4  }
0x23: {  	[tilespmem:s8+$0x4850] =	vst v0  }
0x24: {  	[tilespmem:s8+$0x860] =	vst v0  }
0x25: {  	[tilespmem:s8+$0x4860] =	vst v0  }
0x26: {  	[tilespmem:s8+$0x870] =	vst v0;
	s8 =	sshra.s32 s9, $0x2;
	s9 =	sadd.s32 $0x200, s9  }
0x27: {  	[tilespmem:s8+$0x4870] =	vst v0  }
0x28: {  	[tilespmem:s8+$0x800] =	vst v0  }
0x29: {  	[tilespmem:s8+$0x4800] =	vst v0  }
0x2a: {  	[tilespmem:s8+$0x810] =	vst v0  }
0x2b: {  	[tilespmem:s8+$0x4810] =	vst v0  }
0x2c: {  	[tilespmem:s8+$0x820] =	vst v0  }
0x2d: {  	[tilespmem:s8+$0x4820] =	vst v0  }
0x2e: {  	[tilespmem:s8+$0x830] =	vst v0  }
0x2f: {  	[tilespmem:s8+$0x4830] =	vst v0  }
0x30: {  	[tilespmem:s8+$0x840] =	vst v0  }
0x31: {  	[tilespmem:s8+$0x4840] =	vst v0  }
0x32: {  	[tilespmem:s8+$0x850] =	vst v0  }
0x33: {  	[tilespmem:s8+$0x4850] =	vst v0  }
0x34: {  	[tilespmem:s8+$0x860] =	vst v0  }
0x35: {  	[tilespmem:s8+$0x4860] =	vst v0  }
0x36: {  	[tilespmem:s8+$0x870] =	vst v0  }
0x37: {  	[spmem:s10] =	stream.linear.scatter [tilespmem:s14], [sflag:$0x3], $0x4000, $0x38;
	[tilespmem:$0x1C800] =	vst v63  }
0x38: {  	_ =	swait.ge [sflag:s15], $0x4000  }
0x39: {  	[sflag:s15] =	ssyncset.done $0x0  }
0x3a: {  	s5 =	rddreg [dreg:$0x4];
	[sflag:s15] =	ssyncadd.s32 $0xFFFFC000  }
0x3b: {  	[spmem:s5] =	stream.linear.scatter [tilespmem:s14], [sflag:$0x3], $0x4000, $0x38;
	[tilespmem:$0x1C800] =	vst v63  }
0x3c: {  	_ =	swait.ge [sflag:s15], $0x4000  }
0x3d: {  	[sflag:s15] =	ssyncset.done $0x0  }
0x3e: {  	s11 =	rddreg [dreg:$0x5];
	[sflag:s15] =	ssyncadd.s32 $0xFFFFC000  }
0x3f: {  	[spmem:s11] =	stream.linear.scatter [tilespmem:s14], [sflag:$0x3], $0x4000, $0x38;
	[tilespmem:$0x1C800] =	vst v63  }
0x40: {  	_ =	swait.ge [sflag:s15], $0x4000  }
0x41: {  	[sflag:s15] =	ssyncset.done $0x0  }
0x42: {  	s8 =	rddreg [dreg:$0x6];
	[sflag:s15] =	ssyncadd.s32 $0xFFFFC000  }
0x43: {  	[spmem:s8] =	stream.linear.scatter [tilespmem:s14], [sflag:$0x3], $0x4000, $0x38;
	[tilespmem:$0x1C800] =	vst v63  }
0x44: {  	_ =	swait.ge [sflag:s15], $0x4000  }
0x45: {  	[sflag:s15] =	ssyncset.done $0x0  }
0x46: {  	s9 =	rddreg [dreg:$0x7];
	[sflag:s15] =	ssyncadd.s32 $0xFFFFC000  }
0x47: {  	[spmem:s9] =	stream.linear.scatter [tilespmem:s14], [sflag:$0x3], $0x4000, $0x38;
	[tilespmem:$0x1C800] =	vst v63  }
0x48: {  	_ =	swait.ge [sflag:s15], $0x4000  }
0x49: {  	[sflag:s15] =	ssyncset.done $0x0  }
0x4a: {  	[sflag:s15] =	ssyncadd.s32 $0xFFFFC000  }
0x4b: {  	s10 =	sadd.s32 $0x0, s13;
	[bflag:$0x0] =	sbarrier.arrive $0xFFFF  }
0x4c: {  	[tilespmem:s3], [sflag:$0x3] =	stream.linear.gather [hbm4b:s10+s3], $0x400, $0x38;
	[tilespmem:$0x1C800] =	vst v63  }
0x4d: {  	_ =	swait.ge [sflag:s15], $0x400  }
0x4e: {  	[sflag:s15] =	ssyncset.done $0x0  }
0x4f: {  	s11 =	sadd.s32 $0x0, s12;
	[sflag:s15] =	ssyncadd.s32 $0xFFFFFC00  }
0x50: {  	[tilespmem:s16], [sflag:$0x3] =	stream.linear.gather [hbm4b:s11+s3], $0x400, $0x38;
	[tilespmem:$0x1C800] =	vst v63  }
0x51: {  	_ =	swait.ge [sflag:s15], $0x400  }
0x52: {  	[sflag:s15] =	ssyncset.done $0x0  }
0x53: {  	[sflag:s15] =	ssyncadd.s32 $0xFFFFFC00  }
0x54: {  	[tilespmem:s14], [sflag:$0x1] =	stream.indirect.gather [hbm4b:s4+s17], $0x80, s3, s17, $0xb8;
	[tilespmem:$0x1C800] =	vst v63  }
0x55: {  	_ = 	snop  }
0x56: {  	[tilespmem:s18], [sflag:$0x2] =	stream.indirect.gather [hbm4b:s4+s17], $0x80, s17, s17, $0xb8;
	[tilespmem:$0x1C800] =	vst v63  }
0x57: {  	_ =	swait.ge [sflag:s19], $0x4000  }
0x58: {  	[sflag:s19] =	ssyncset.done $0x0  }
0x59: {  	[sflag:s19] =	ssyncadd.s32 $0xFFFFC000  }
0x5a: {  	[spmem:s1] =	stream.indirect.scatter.add.f32 [tilespmem:s14], [sflag:$0x3], $0x80, s16, s17, $0xb8;
	[tilespmem:$0x1C800] =	vst v63  }
0x5b: {  	_ =	swait.ge [sflag:s15], $0x4000  }
0x5c: {  	[sflag:s15] =	ssyncset.done $0x0  }
0x5d: {  	[sflag:s15] =	ssyncadd.s32 $0xFFFFC000  }
0x5e: {  	[tilespmem:s14], [sflag:$0x1] =	stream.indirect.gather [hbm4b:s4+s17], $0x80, s20, s17, $0xb8;
	[tilespmem:$0x1C800] =	vst v63  }
0x5f: {  	_ =	swait.ge [sflag:s21], $0x4000  }
0x60: {  	[sflag:s21] =	ssyncset.done $0x0  }
0x61: {  	[sflag:s21] =	ssyncadd.s32 $0xFFFFC000  }
0x62: {  	[spmem:s1] =	stream.indirect.scatter.add.f32 [tilespmem:s18], [sflag:$0x3], $0x80, s22, s17, $0xb8;
	[tilespmem:$0x1C800] =	vst v63  }
0x63: {  	_ =	swait.ge [sflag:s15], $0x4000  }
0x64: {  	[sflag:s15] =	ssyncset.done $0x0  }
0x65: {  	[sflag:s15] =	ssyncadd.s32 $0xFFFFC000  }
0x66: {  	[tilespmem:s18], [sflag:$0x2] =	stream.indirect.gather [hbm4b:s4+s17], $0x80, s23, s17, $0xb8;
	[tilespmem:$0x1C800] =	vst v63  }
0x67: {  	_ =	swait.ge [sflag:s19], $0x4000  }
0x68: {  	[sflag:s19] =	ssyncset.done $0x0  }
0x69: {  	[sflag:s19] =	ssyncadd.s32 $0xFFFFC000  }
0x6a: {  	[spmem:s1] =	stream.indirect.scatter.add.f32 [tilespmem:s14], [sflag:$0x3], $0x80, s24, s17, $0xb8;
	[tilespmem:$0x1C800] =	vst v63  }
0x6b: {  	_ =	swait.ge [sflag:s15], $0x4000  }
0x6c: {  	[sflag:s15] =	ssyncset.done $0x0  }
0x6d: {  	[sflag:s15] =	ssyncadd.s32 $0xFFFFC000  }
0x6e: {  	[tilespmem:s14], [sflag:$0x1] =	stream.indirect.gather [hbm4b:s4+s17], $0x80, s25, s17, $0xb8;
	[tilespmem:$0x1C800] =	vst v63  }
0x6f: {  	_ =	swait.ge [sflag:s21], $0x4000  }
0x70: {  	[sflag:s21] =	ssyncset.done $0x0  }
0x71: {  	[sflag:s21] =	ssyncadd.s32 $0xFFFFC000  }
0x72: {  	[spmem:s1] =	stream.indirect.scatter.add.f32 [tilespmem:s18], [sflag:$0x3], $0x80, s26, s17, $0xb8;
	[tilespmem:$0x1C800] =	vst v63  }
0x73: {  	_ =	swait.ge [sflag:s15], $0x4000  }
0x74: {  	[sflag:s15] =	ssyncset.done $0x0  }
0x75: {  	[sflag:s15] =	ssyncadd.s32 $0xFFFFC000  }
0x76: {  	[tilespmem:s18], [sflag:$0x2] =	stream.indirect.gather [hbm4b:s4+s17], $0x80, s28, s17, $0xb8;
	[tilespmem:$0x1C800] =	vst v63  }
0x77: {  	_ =	swait.ge [sflag:s19], $0x4000  }
0x78: {  	[sflag:s19] =	ssyncset.done $0x0  }
0x79: {  	[sflag:s19] =	ssyncadd.s32 $0xFFFFC000  }
0x7a: {  	[spmem:s1] =	stream.indirect.scatter.add.f32 [tilespmem:s14], [sflag:$0x3], $0x80, s29, s17, $0xb8;
	[tilespmem:$0x1C800] =	vst v63  }
0x7b: {  	_ =	swait.ge [sflag:s15], $0x4000  }
0x7c: {  	[sflag:s15] =	ssyncset.done $0x0  }
0x7d: {  	[sflag:s15] =	ssyncadd.s32 $0xFFFFC000  }
0x7e: {  	[tilespmem:s14], [sflag:$0x1] =	stream.indirect.gather [hbm4b:s4+s17], $0x80, s30, s17, $0xb8;
	[tilespmem:$0x1C800] =	vst v63  }
0x7f: {  	_ =	swait.ge [sflag:s21], $0x4000  }
0x80: {  	[sflag:s21] =	ssyncset.done $0x0  }
0x81: {  	[sflag:s21] =	ssyncadd.s32 $0xFFFFC000  }
0x82: {  	[spmem:s1] =	stream.indirect.scatter.add.f32 [tilespmem:s18], [sflag:$0x3], $0x80, s31, s17, $0xb8;
	[tilespmem:$0x1C800] =	vst v63  }
0x83: {  	_ =	swait.ge [sflag:s15], $0x4000  }
0x84: {  	[sflag:s15] =	ssyncset.done $0x0  }
0x85: {  	[sflag:s15] =	ssyncadd.s32 $0xFFFFC000  }
0x86: {  	[tilespmem:s18], [sflag:$0x2] =	stream.indirect.gather [hbm4b:s4+s17], $0x80, s0, s17, $0xb8;
	[tilespmem:$0x1C800] =	vst v63  }
0x87: {  	_ =	swait.ge [sflag:s19], $0x4000  }
0x88: {  	[sflag:s19] =	ssyncset.done $0x0  }
0x89: {  	[sflag:s19] =	ssyncadd.s32 $0xFFFFC000  }
0x8a: {  	[spmem:s1] =	stream.indirect.scatter.add.f32 [tilespmem:s14], [sflag:$0x3], $0x80, s2, s17, $0xb8;
	[tilespmem:$0x1C800] =	vst v63  }
0x8b: {  	_ =	swait.ge [sflag:s15], $0x4000  }
0x8c: {  	[sflag:s15] =	ssyncset.done $0x0  }
0x8d: {  	[sflag:s15] =	ssyncadd.s32 $0xFFFFC000  }
0x8e: {  	_ =	swait.ge [sflag:s21], $0x4000  }
0x8f: {  	[sflag:s21] =	ssyncset.done $0x0  }
0x90: {  	[sflag:s21] =	ssyncadd.s32 $0xFFFFC000  }
0x91: {  	[spmem:s1] =	stream.indirect.scatter.add.f32 [tilespmem:s18], [sflag:$0x3], $0x80, s6, s17, $0xb8;
	[tilespmem:$0x1C800] =	vst v63  }
0x92: {  	_ =	swait.ge [sflag:s15], $0x4000  }
0x93: {  	s8 =	simm.s32 $0x80;
	s9 =	simm.s32 $0x100;
	[sflag:s15] =	ssyncset.done $0x0  }
.LBB2_4:
0x94: {  	s11 =	sadd.s32 s8, s13  }
0x95: {  	[sflag:s15] =	ssyncadd.s32 $0xFFFFC000;
	s5 =	smov.u32 s9;
	s10 =	sadd.s32 $0x80, s9  }
0x96: {  	[tilespmem:s3], [sflag:$0x3] =	stream.linear.gather [hbm4b:s11+s3], $0x400, $0x38;
	[tilespmem:$0x1C800] =	vst v63  }
0x97: {  	p0 =	sne.s32 s9, $0x480;
	_ =	swait.ge [sflag:s15], $0x400  }
0x98: {  	[sflag:s15] =	ssyncset.done $0x0  }
0x99: {  	s9 =	sadd.s32 s8, s12;
	s8 =	smov.u32 s5;
	[sflag:s15] =	ssyncadd.s32 $0xFFFFFC00  }
0x9a: {  	[tilespmem:s16], [sflag:$0x3] =	stream.linear.gather [hbm4b:s9+s3], $0x400, $0x38;
	[tilespmem:$0x1C800] =	vst v63  }
0x9b: {  	_ =	swait.ge [sflag:s15], $0x400  }
0x9c: {  	[sflag:s15] =	ssyncset.done $0x0  }
0x9d: {  	[sflag:s15] =	ssyncadd.s32 $0xFFFFFC00  }
0x9e: {  	[tilespmem:s14], [sflag:$0x1] =	stream.indirect.gather [hbm4b:s4+s17], $0x80, s3, s17, $0xb8;
	[tilespmem:$0x1C800] =	vst v63  }
0x9f: {  	_ = 	snop  }
0xa0: {  	[tilespmem:s18], [sflag:$0x2] =	stream.indirect.gather [hbm4b:s4+s17], $0x80, s17, s17, $0xb8;
	[tilespmem:$0x1C800] =	vst v63  }
0xa1: {  	_ =	swait.ge [sflag:s19], $0x4000  }
0xa2: {  	[sflag:s19] =	ssyncset.done $0x0  }
0xa3: {  	[sflag:s19] =	ssyncadd.s32 $0xFFFFC000  }
0xa4: {  	[spmem:s1] =	stream.indirect.scatter.add.f32 [tilespmem:s14], [sflag:$0x3], $0x80, s16, s17, $0xb8;
	[tilespmem:$0x1C800] =	vst v63  }
0xa5: {  	_ =	swait.ge [sflag:s15], $0x4000  }
0xa6: {  	[sflag:s15] =	ssyncset.done $0x0  }
0xa7: {  	[sflag:s15] =	ssyncadd.s32 $0xFFFFC000  }
0xa8: {  	[tilespmem:s14], [sflag:$0x1] =	stream.indirect.gather [hbm4b:s4+s17], $0x80, s20, s17, $0xb8;
	[tilespmem:$0x1C800] =	vst v63  }
0xa9: {  	_ =	swait.ge [sflag:s21], $0x4000  }
0xaa: {  	[sflag:s21] =	ssyncset.done $0x0  }
0xab: {  	[sflag:s21] =	ssyncadd.s32 $0xFFFFC000  }
0xac: {  	[spmem:s1] =	stream.indirect.scatter.add.f32 [tilespmem:s18], [sflag:$0x3], $0x80, s22, s17, $0xb8;
	[tilespmem:$0x1C800] =	vst v63  }
0xad: {  	_ =	swait.ge [sflag:s15], $0x4000  }
0xae: {  	[sflag:s15] =	ssyncset.done $0x0  }
0xaf: {  	[sflag:s15] =	ssyncadd.s32 $0xFFFFC000  }
0xb0: {  	[tilespmem:s18], [sflag:$0x2] =	stream.indirect.gather [hbm4b:s4+s17], $0x80, s23, s17, $0xb8;
	[tilespmem:$0x1C800] =	vst v63  }
0xb1: {  	_ =	swait.ge [sflag:s19], $0x4000  }
0xb2: {  	[sflag:s19] =	ssyncset.done $0x0  }
0xb3: {  	[sflag:s19] =	ssyncadd.s32 $0xFFFFC000  }
0xb4: {  	[spmem:s1] =	stream.indirect.scatter.add.f32 [tilespmem:s14], [sflag:$0x3], $0x80, s24, s17, $0xb8;
	[tilespmem:$0x1C800] =	vst v63  }
0xb5: {  	_ =	swait.ge [sflag:s15], $0x4000  }
0xb6: {  	[sflag:s15] =	ssyncset.done $0x0  }
0xb7: {  	[sflag:s15] =	ssyncadd.s32 $0xFFFFC000  }
0xb8: {  	[tilespmem:s14], [sflag:$0x1] =	stream.indirect.gather [hbm4b:s4+s17], $0x80, s25, s17, $0xb8;
	[tilespmem:$0x1C800] =	vst v63  }
0xb9: {  	_ =	swait.ge [sflag:s21], $0x4000  }
0xba: {  	[sflag:s21] =	ssyncset.done $0x0  }
0xbb: {  	[sflag:s21] =	ssyncadd.s32 $0xFFFFC000  }
0xbc: {  	[spmem:s1] =	stream.indirect.scatter.add.f32 [tilespmem:s18], [sflag:$0x3], $0x80, s26, s17, $0xb8;
	[tilespmem:$0x1C800] =	vst v63  }
0xbd: {  	_ =	swait.ge [sflag:s15], $0x4000  }
0xbe: {  	[sflag:s15] =	ssyncset.done $0x0  }
0xbf: {  	[sflag:s15] =	ssyncadd.s32 $0xFFFFC000  }
0xc0: {  	[tilespmem:s18], [sflag:$0x2] =	stream.indirect.gather [hbm4b:s4+s17], $0x80, s28, s17, $0xb8;
	[tilespmem:$0x1C800] =	vst v63  }
0xc1: {  	_ =	swait.ge [sflag:s19], $0x4000  }
0xc2: {  	[sflag:s19] =	ssyncset.done $0x0  }
0xc3: {  	[sflag:s19] =	ssyncadd.s32 $0xFFFFC000  }
0xc4: {  	[spmem:s1] =	stream.indirect.scatter.add.f32 [tilespmem:s14], [sflag:$0x3], $0x80, s29, s17, $0xb8;
	[tilespmem:$0x1C800] =	vst v63  }
0xc5: {  	_ =	swait.ge [sflag:s15], $0x4000  }
0xc6: {  	[sflag:s15] =	ssyncset.done $0x0  }
0xc7: {  	[sflag:s15] =	ssyncadd.s32 $0xFFFFC000  }
0xc8: {  	[tilespmem:s14], [sflag:$0x1] =	stream.indirect.gather [hbm4b:s4+s17], $0x80, s30, s17, $0xb8;
	[tilespmem:$0x1C800] =	vst v63  }
0xc9: {  	_ =	swait.ge [sflag:s21], $0x4000  }
0xca: {  	[sflag:s21] =	ssyncset.done $0x0  }
0xcb: {  	[sflag:s21] =	ssyncadd.s32 $0xFFFFC000  }
0xcc: {  	[spmem:s1] =	stream.indirect.scatter.add.f32 [tilespmem:s18], [sflag:$0x3], $0x80, s31, s17, $0xb8;
	[tilespmem:$0x1C800] =	vst v63  }
0xcd: {  	_ =	swait.ge [sflag:s15], $0x4000  }
0xce: {  	[sflag:s15] =	ssyncset.done $0x0  }
0xcf: {  	[sflag:s15] =	ssyncadd.s32 $0xFFFFC000  }
0xd0: {  	[tilespmem:s18], [sflag:$0x2] =	stream.indirect.gather [hbm4b:s4+s17], $0x80, s0, s17, $0xb8;
	[tilespmem:$0x1C800] =	vst v63  }
0xd1: {  	_ =	swait.ge [sflag:s19], $0x4000  }
0xd2: {  	[sflag:s19] =	ssyncset.done $0x0  }
0xd3: {  	[sflag:s19] =	ssyncadd.s32 $0xFFFFC000  }
0xd4: {  	[spmem:s1] =	stream.indirect.scatter.add.f32 [tilespmem:s14], [sflag:$0x3], $0x80, s2, s17, $0xb8;
	[tilespmem:$0x1C800] =	vst v63  }
0xd5: {  	_ =	swait.ge [sflag:s15], $0x4000  }
0xd6: {  	[sflag:s15] =	ssyncset.done $0x0  }
0xd7: {  	[sflag:s15] =	ssyncadd.s32 $0xFFFFC000  }
0xd8: {  	_ =	swait.ge [sflag:s21], $0x4000  }
.Ltmp1:
0xd9: {  	[sflag:s21] =	ssyncset.done $0x0;
	(pc) =	sbr.rel @p0 .LBB2_4-.Ltmp1, $4  }
0xda: {  	[sflag:s21] =	ssyncadd.s32 $0xFFFFC000  }
0xdb: {  	[spmem:s1] =	stream.indirect.scatter.add.f32 [tilespmem:s18], [sflag:$0x3], $0x80, s6, s17, $0xb8;
	[tilespmem:$0x1C800] =	vst v63  }
0xdc: {  	_ =	swait.ge [sflag:s15], $0x4000  }
0xdd: {  	s9 =	smov.u32 s10;
	[sflag:s15] =	ssyncset.done $0x0  }
0xde: {  	s5 =	sadd.s32 s8, s13;
	[sflag:s15] =	ssyncadd.s32 $0xFFFFC000  }
0xdf: {  	[tilespmem:s3], [sflag:$0x3] =	stream.linear.gather [hbm4b:s5+s3], $0x400, $0x38;
	[tilespmem:$0x1C800] =	vst v63  }
0xe0: {  	_ =	swait.ge [sflag:s15], $0x400  }
0xe1: {  	[sflag:s15] =	ssyncset.done $0x0  }
0xe2: {  	s9 =	sadd.s32 s8, s12;
	[sflag:s15] =	ssyncadd.s32 $0xFFFFFC00  }
0xe3: {  	[tilespmem:s16], [sflag:$0x3] =	stream.linear.gather [hbm4b:s9+s3], $0x400, $0x38;
	[tilespmem:$0x1C800] =	vst v63  }
0xe4: {  	_ =	swait.ge [sflag:s15], $0x400  }
0xe5: {  	[sflag:s15] =	ssyncset.done $0x0  }
0xe6: {  	[sflag:s15] =	ssyncadd.s32 $0xFFFFFC00  }
0xe7: {  	[tilespmem:s14], [sflag:$0x1] =	stream.indirect.gather [hbm4b:s4+s17], $0x80, s3, s17, $0xb8;
	[tilespmem:$0x1C800] =	vst v63  }
0xe8: {  	_ = 	snop  }
0xe9: {  	[tilespmem:s18], [sflag:$0x2] =	stream.indirect.gather [hbm4b:s4+s17], $0x80, s17, s17, $0xb8;
	[tilespmem:$0x1C800] =	vst v63  }
0xea: {  	_ =	swait.ge [sflag:s19], $0x4000  }
0xeb: {  	[sflag:s19] =	ssyncset.done $0x0  }
0xec: {  	[sflag:s19] =	ssyncadd.s32 $0xFFFFC000  }
0xed: {  	[spmem:s1] =	stream.indirect.scatter.add.f32 [tilespmem:s14], [sflag:$0x3], $0x80, s16, s17, $0xb8;
	[tilespmem:$0x1C800] =	vst v63  }
0xee: {  	_ =	swait.ge [sflag:s15], $0x4000  }
0xef: {  	[sflag:s15] =	ssyncset.done $0x0  }
0xf0: {  	[sflag:s15] =	ssyncadd.s32 $0xFFFFC000  }
0xf1: {  	[tilespmem:s14], [sflag:$0x1] =	stream.indirect.gather [hbm4b:s4+s17], $0x80, s20, s17, $0xb8;
	[tilespmem:$0x1C800] =	vst v63  }
0xf2: {  	_ =	swait.ge [sflag:s21], $0x4000  }
0xf3: {  	[sflag:s21] =	ssyncset.done $0x0  }
0xf4: {  	[sflag:s21] =	ssyncadd.s32 $0xFFFFC000  }
0xf5: {  	[spmem:s1] =	stream.indirect.scatter.add.f32 [tilespmem:s18], [sflag:$0x3], $0x80, s22, s17, $0xb8;
	[tilespmem:$0x1C800] =	vst v63  }
0xf6: {  	_ =	swait.ge [sflag:s15], $0x4000  }
0xf7: {  	[sflag:s15] =	ssyncset.done $0x0  }
0xf8: {  	[sflag:s15] =	ssyncadd.s32 $0xFFFFC000  }
0xf9: {  	[tilespmem:s18], [sflag:$0x2] =	stream.indirect.gather [hbm4b:s4+s17], $0x80, s23, s17, $0xb8;
	[tilespmem:$0x1C800] =	vst v63  }
0xfa: {  	_ =	swait.ge [sflag:s19], $0x4000  }
0xfb: {  	[sflag:s19] =	ssyncset.done $0x0  }
0xfc: {  	[sflag:s19] =	ssyncadd.s32 $0xFFFFC000  }
0xfd: {  	[spmem:s1] =	stream.indirect.scatter.add.f32 [tilespmem:s14], [sflag:$0x3], $0x80, s24, s17, $0xb8;
	[tilespmem:$0x1C800] =	vst v63  }
0xfe: {  	_ =	swait.ge [sflag:s15], $0x4000  }
0xff: {  	[sflag:s15] =	ssyncset.done $0x0  }
0x100: {  	[sflag:s15] =	ssyncadd.s32 $0xFFFFC000  }
0x101: {  	[tilespmem:s14], [sflag:$0x1] =	stream.indirect.gather [hbm4b:s4+s17], $0x80, s25, s17, $0xb8;
	[tilespmem:$0x1C800] =	vst v63  }
0x102: {  	_ =	swait.ge [sflag:s21], $0x4000  }
0x103: {  	[sflag:s21] =	ssyncset.done $0x0  }
0x104: {  	[sflag:s21] =	ssyncadd.s32 $0xFFFFC000  }
0x105: {  	[spmem:s1] =	stream.indirect.scatter.add.f32 [tilespmem:s18], [sflag:$0x3], $0x80, s26, s17, $0xb8;
	[tilespmem:$0x1C800] =	vst v63  }
0x106: {  	_ =	swait.ge [sflag:s15], $0x4000  }
0x107: {  	[sflag:s15] =	ssyncset.done $0x0  }
0x108: {  	[sflag:s15] =	ssyncadd.s32 $0xFFFFC000  }
0x109: {  	[tilespmem:s18], [sflag:$0x2] =	stream.indirect.gather [hbm4b:s4+s17], $0x80, s28, s17, $0xb8;
	[tilespmem:$0x1C800] =	vst v63  }
0x10a: {  	_ =	swait.ge [sflag:s19], $0x4000  }
0x10b: {  	[sflag:s19] =	ssyncset.done $0x0  }
0x10c: {  	[sflag:s19] =	ssyncadd.s32 $0xFFFFC000  }
0x10d: {  	[spmem:s1] =	stream.indirect.scatter.add.f32 [tilespmem:s14], [sflag:$0x3], $0x80, s29, s17, $0xb8;
	[tilespmem:$0x1C800] =	vst v63  }
0x10e: {  	_ =	swait.ge [sflag:s15], $0x4000  }
0x10f: {  	[sflag:s15] =	ssyncset.done $0x0  }
0x110: {  	[sflag:s15] =	ssyncadd.s32 $0xFFFFC000  }
0x111: {  	[tilespmem:s14], [sflag:$0x1] =	stream.indirect.gather [hbm4b:s4+s17], $0x80, s30, s17, $0xb8;
	[tilespmem:$0x1C800] =	vst v63  }
0x112: {  	_ =	swait.ge [sflag:s21], $0x4000  }
0x113: {  	[sflag:s21] =	ssyncset.done $0x0  }
0x114: {  	[sflag:s21] =	ssyncadd.s32 $0xFFFFC000  }
0x115: {  	[spmem:s1] =	stream.indirect.scatter.add.f32 [tilespmem:s18], [sflag:$0x3], $0x80, s31, s17, $0xb8;
	[tilespmem:$0x1C800] =	vst v63  }
0x116: {  	_ =	swait.ge [sflag:s15], $0x4000  }
0x117: {  	[sflag:s15] =	ssyncset.done $0x0  }
0x118: {  	[sflag:s15] =	ssyncadd.s32 $0xFFFFC000  }
0x119: {  	[tilespmem:s18], [sflag:$0x2] =	stream.indirect.gather [hbm4b:s4+s17], $0x80, s0, s17, $0xb8;
	[tilespmem:$0x1C800] =	vst v63  }
0x11a: {  	_ =	swait.ge [sflag:s19], $0x4000  }
0x11b: {  	[sflag:s19] =	ssyncset.done $0x0  }
0x11c: {  	[sflag:s19] =	ssyncadd.s32 $0xFFFFC000  }
0x11d: {  	[spmem:s1] =	stream.indirect.scatter.add.f32 [tilespmem:s14], [sflag:$0x3], $0x80, s2, s17, $0xb8;
	[tilespmem:$0x1C800] =	vst v63  }
0x11e: {  	_ =	swait.ge [sflag:s15], $0x4000  }
0x11f: {  	[sflag:s15] =	ssyncset.done $0x0  }
0x120: {  	[sflag:s15] =	ssyncadd.s32 $0xFFFFC000  }
0x121: {  	_ =	swait.ge [sflag:s21], $0x4000  }
0x122: {  	[sflag:s21] =	ssyncset.done $0x0  }
0x123: {  	[sflag:s21] =	ssyncadd.s32 $0xFFFFC000  }
0x124: {  	[spmem:s1] =	stream.indirect.scatter.add.f32 [tilespmem:s18], [sflag:$0x3], $0x80, s6, s17, $0xb8;
	[tilespmem:$0x1C800] =	vst v63  }
0x125: {  	_ =	swait.ge [sflag:s15], $0x4000  }
0x126: {  	[sflag:s15] =	ssyncset.done $0x0  }
0x127: {  	[sflag:s15] =	ssyncadd.s32 $0xFFFFC000  }
0x128: {  	s10 =	stileid.u32;
	[bflag:$0x0] =	sbarrier.arrive $0xFFFF  }
0x129: {  	s5 =	sshll.u32 s10, $0x6;
	s10 =	rddreg [dreg:$0x3]  }
0x12a: {  	s5 =	sor.u32 $0x1C03, s5;
	s9 =	rddreg [dreg:$0x8];
	s11 =	sshrl.u32 s10, $0x3  }
0x12b: {  	[hbm:s9], [sflag:s5] =	dma.local [spmem:s11], $0x2800  }
0x12c: {  	_ =	swait.ge [sflag:s15], $0x2800  }
0x12d: {  	s7 =	sadd.s32 $0x1, s7;
	s11 =	rddreg [dreg:$0x9]  }
0x12e: {  	p0 =	sne.s32 s7, s11  }
.Ltmp2:
0x12f: {  	_ = 	snop;
	(pc) =	sbr.rel @p0 .LBB2_1-.Ltmp2, $3  }
0x130: {  	_ =	sdelay $0x1  }
0x131: {  	[sflag:s15] =	ssyncset.done $0x0  }
0x132: {  	[sflag:s15] =	ssyncadd.s32 $0xFFFFD800  }
0x133: {  	_ =	sfence.sel $0x180000  }
0x134: {  	[bflag:$0x0] =	sbarrier.arrive $0xFFFF  }
0x135: {  	_ =	strace $0x9000004A  }
0x136: {  	s0 =	stileid.u32;
	[bflag:$0x2] =	sbarrier.arrive $0xFFFF  }
0x137: {  	p0 =	sne.s32 s0, $0x0;
	s0 =	rddreg [dreg:$0x2]  }
0x138: {  	s0 =	sadd.s32 @!p0 $0x100000, s0  }
0x139: {  	[sflag:s0] =	ssyncadd.tile.s32 @!p0 $0x1;
	_ =	shalt  }
.Lfunc_end2:
_tile_overlayer_lowered:
.L_overlay_start_2:
0x13a: {  	(tag) =	ssettag $0x2  }
0x13b: {  	s0 =	rddreg [dreg:$0x0];
	s2 =	stileid.u32  }
0x13c: {  	s1 =	rddreg [dreg:$0x1];
	p0 =	sne.s32 s2, $0x0  }
0x13d: {  	s3 =	rddreg [dreg:$0x2];
	[bflag:$0x3] =	sbarrier.arrive $0xFFFF;
	s2 =	simm.s32 @!p0 $0x1C03  }
0x13e: {  	[timem:s3], [sflag:s2] =	dma.local @!p0 [hbm:s0], s1  }
0x13f: {  	s0 =	simm.s32 @!p0 $0x3  }
0x140: {  	_ =	swait.ge @!p0 [sflag:s0], s1  }
0x141: {  	s1 =	ssub.s32 @!p0 $0x0, s1;
	[sflag:s0] =	ssyncset.done @!p0 $0x0  }
0x142: {  	[sflag:s0] =	ssyncadd.s32 @!p0 s1  }
0x143: {  	[bflag:$0x3] =	sbarrier.arrive $0xFFFF  }
0x144: {  	_ =	shalt  }

</sc_bundles>
